<compile_context>
chip_gen: v7x
topology: tpu7x:2x2x1
jax: 0.10.2.dev20260603
libtpu: 0.0.44.dev20260713+nightly
codegen_flags: <defaults>
</compile_context>

<pallas_src>
import functools

import jax
import jax.numpy as jnp
from jax import lax
from jax.experimental import pallas as pl
from jax.experimental.pallas import tpu as pltpu
from jax.experimental.pallas import tpu_sc as plsc

N = 10000
NP = 10112
F = 16
NC, NS = 2, 16
NW = NC * NS
B = 128
E = 320000
NBT = 2560
EP = NBT * B
SLOWC = 0
NB_S, NB_F = 56, 104
RPS = NP // NS
RING = 8
LAG = 4
BURST = 8

_sc_mesh = plsc.VectorSubcoreMesh(core_axis_name="c", subcore_axis_name="s")



@functools.partial(
    pl.kernel,
    out_type=jax.ShapeDtypeStruct((NC, NP, F), jnp.float32),
    mesh=_sc_mesh,
    compiler_params=pltpu.CompilerParams(use_tc_tiling_on_sc=False),
    scratch_types=[
        pltpu.VMEM((NB_F, B), jnp.int32),
        pltpu.VMEM((B, F), jnp.float32),
        pltpu.VMEM_SHARED((NP, F), jnp.float32),
        pltpu.SemaphoreType.DMA,
    ],
)
def _sc_deg(dst_hbm, ones_hbm, zeros_hbm, out_hbm, dstv, ones_v, acc, ssem):
    c = lax.axis_index("c")
    s = lax.axis_index("s")
    slow = c == SLOWC
    base = jnp.where(slow, s * NB_S, 16 * NB_S + s * NB_F)
    trips = jnp.where(slow, NB_S // BURST, NB_F // BURST)
    pltpu.sync_copy(dst_hbm.at[pl.ds(base, NB_F)], dstv)
    pltpu.sync_copy(ones_hbm, ones_v)
    pltpu.sync_copy(zeros_hbm.at[pl.ds(s * RPS, RPS)],
                    acc.at[pl.ds(s * RPS, RPS)])
    plsc.subcore_barrier()

    def step(i, carry):
        descs = [
            pltpu.async_copy(ones_v, acc.at[dstv.at[i * BURST + b]], ssem,
                             add=True)
            for b in range(BURST)
        ]
        for d in descs:
            d.wait()
        return carry

    lax.fori_loop(0, trips, step, 0)
    plsc.subcore_barrier()
    pltpu.sync_copy(acc.at[pl.ds(s * RPS, RPS)],
                    out_hbm.at[c, pl.ds(s * RPS, RPS)])



@functools.partial(
    pl.kernel,
    out_type=jax.ShapeDtypeStruct((NC, NP, F), jnp.float32),
    mesh=_sc_mesh,
    compiler_params=pltpu.CompilerParams(use_tc_tiling_on_sc=False),
    scratch_types=[
        pltpu.VMEM((NB_F, B), jnp.int32),
        pltpu.VMEM((NB_F, B), jnp.int32),
        [pltpu.VMEM((B, F), jnp.float32) for _ in range(RING)],
        pltpu.VMEM_SHARED((NP, F), jnp.float32),
        [pltpu.SemaphoreType.DMA for _ in range(RING)],
        [pltpu.SemaphoreType.DMA for _ in range(RING)],
    ],
)
def _sc_scatter(src_hbm, dst_hbm, table_hbm, zeros_hbm, out_hbm,
                srcv, dstv, rows, acc, gsems, ssems):
    c = lax.axis_index("c")
    s = lax.axis_index("s")
    slow = c == SLOWC
    base = jnp.where(slow, s * NB_S, 16 * NB_S + s * NB_F)
    nbw = jnp.where(slow, NB_S, NB_F)
    trips = jnp.where(slow, NB_S // RING, NB_F // RING)
    pltpu.sync_copy(src_hbm.at[pl.ds(base, NB_F)], srcv)
    pltpu.sync_copy(dst_hbm.at[pl.ds(base, NB_F)], dstv)
    pltpu.sync_copy(zeros_hbm.at[pl.ds(s * RPS, RPS)],
                    acc.at[pl.ds(s * RPS, RPS)])
    plsc.subcore_barrier()

    for b in range(RING):
        pltpu.async_copy(table_hbm.at[srcv.at[b]], rows[b], gsems[b])

    def step(i, carry):
        for b in range(RING):
            j = i * RING + b
            pltpu.make_async_copy(table_hbm.at[srcv.at[j]], rows[b],
                                  gsems[b]).wait()
            pltpu.async_copy(rows[b], acc.at[dstv.at[j]], ssems[b], add=True)
            b2 = (b - LAG) % RING
            jd = j - LAG

            @pl.when(jnp.logical_and(jd >= 0, jd + RING < nbw))
            def _():
                pltpu.make_async_copy(rows[b2], acc.at[dstv.at[jd]],
                                      ssems[b2]).wait()
                pltpu.async_copy(table_hbm.at[srcv.at[jd + RING]], rows[b2],
                                 gsems[b2])
        return carry

    lax.fori_loop(0, trips, step, 0)
    for t in range(RING):
        jj = nbw - RING + t
        pltpu.make_async_copy(rows[t], acc.at[dstv.at[jj]],
                              ssems[t]).wait()
    plsc.subcore_barrier()
    pltpu.sync_copy(acc.at[pl.ds(s * RPS, RPS)],
                    out_hbm.at[c, pl.ds(s * RPS, RPS)])



def _tc_xw1_body(x_ref, w1_ref, xw1_ref):
    xw = jnp.dot(x_ref[...], w1_ref[...], preferred_element_type=jnp.float32)
    xw1_ref[...] = jnp.concatenate(
        [xw, jnp.zeros((NP - N, F), jnp.float32)], axis=0)


_tc_xw1 = pl.pallas_call(
    _tc_xw1_body,
    out_shape=jax.ShapeDtypeStruct((NP, F), jnp.float32),
)


def _tc_scale_body(xw1_ref, degp_ref, y1_ref, dinv_ref):
    deg = degp_ref[0, :, 0:1] + degp_ref[1, :, 0:1] + 1.0
    dinv = jnp.broadcast_to(lax.rsqrt(deg), (NP, F))
    y1_ref[...] = xw1_ref[...] * dinv
    dinv_ref[...] = dinv


_tc_scale = pl.pallas_call(
    _tc_scale_body,
    out_shape=(jax.ShapeDtypeStruct((NP, F), jnp.float32),
               jax.ShapeDtypeStruct((NP, F), jnp.float32)),
)


def _tc_mid_body(aggp_ref, y1_ref, dinv_ref, w2p_ref, b1_ref, y2t_ref):
    dinv = dinv_ref[...]
    agg = aggp_ref[0] + aggp_ref[1] + y1_ref[...]
    h1 = jnp.maximum(dinv * agg + b1_ref[...], 0.0)
    rows = lax.broadcasted_iota(jnp.int32, (NP, F), 0)
    h1 = jnp.where(rows < N, h1, 0.0)
    xw2 = jnp.dot(h1, w2p_ref[...], preferred_element_type=jnp.float32)
    y2t_ref[...] = xw2 * dinv


_tc_mid = pl.pallas_call(
    _tc_mid_body,
    out_shape=jax.ShapeDtypeStruct((NP, F), jnp.float32),
)


def _tc_head_body(aggp_ref, y2t_ref, dinv_ref, b2p_ref, wf1p_ref, bf1p_ref,
                  wf2p_ref, bf2_ref, out_ref):
    dinv = dinv_ref[...]
    agg = aggp_ref[0] + aggp_ref[1] + y2t_ref[...]
    h2 = jnp.maximum(dinv * agg + b2p_ref[...], 0.0)
    rows = lax.broadcasted_iota(jnp.int32, (NP, F), 0)
    h2 = jnp.where(rows < N, h2, 0.0)
    h3 = jnp.maximum(
        jnp.dot(h2, wf1p_ref[...], preferred_element_type=jnp.float32)
        + bf1p_ref[...], 0.0)
    h3 = jnp.where(rows < N, h3, 0.0)
    h4 = jnp.dot(h3, wf2p_ref[...], preferred_element_type=jnp.float32)
    total = jnp.sum(h4[:, 0:1]) * (1.0 / N) + bf2_ref[0, 0]
    out_ref[...] = jnp.broadcast_to(total, (1, 1))


_tc_head = pl.pallas_call(
    _tc_head_body,
    out_shape=jax.ShapeDtypeStruct((1, 1), jnp.float32),
)



@jax.jit
def kernel(x, edge_index, W1, b1, W2, b2, Wf1, bf1, Wf2, bf2):
    ei = edge_index.astype(jnp.int32)
    pad = jnp.full((EP - E,), N, jnp.int32)
    src = jnp.concatenate([ei[0], pad]).reshape(NBT, B)
    dst = jnp.concatenate([ei[1], pad]).reshape(NBT, B)
    zeros = jnp.zeros((NP, F), jnp.float32)
    ones = jnp.ones((B, F), jnp.float32)

    w2p = jnp.pad(W2, ((0, 0), (0, F - 8)))
    b1p = b1.reshape(1, F)
    b2p = jnp.pad(b2, (0, F - 8)).reshape(1, F)
    wf1p = jnp.pad(Wf1, ((0, F - 8), (0, F - 4)))
    bf1p = jnp.pad(bf1, (0, F - 4)).reshape(1, F)
    wf2p = jnp.pad(Wf2, ((0, F - 4), (0, F - 1)))
    bf2p = bf2.reshape(1, 1)

    xw1 = _tc_xw1(x, W1)
    deg_parts = _sc_deg(dst, ones, zeros)
    y1, dinv16 = _tc_scale(xw1, deg_parts)
    agg1 = _sc_scatter(src, dst, y1, zeros)
    y2t = _tc_mid(agg1, y1, dinv16, w2p, b1p)
    agg2 = _sc_scatter(src, dst, y2t, zeros)
    out = _tc_head(agg2, y2t, dinv16, b2p, wf1p, bf1p, wf2p, bf2p)
    return out[0, 0]

# --- scband reference (transcript-rebuilt; emitter-appended) ---
"""Pipeline reference for scband-gnnpredictor-12876311954220 (READ-ONLY COPY).

The authoritative reference and input builder live on the scoring server;
editing this copy changes nothing except your own understanding.
"""

import jax, jax.numpy as jnp
import numpy as np

N_NODES = 10000
N_EDGES = 320000
D_IN = 128


def glorot(key, shape):
    fan_in, fan_out = shape[0], shape[1]
    limit = (6.0 / (fan_in + fan_out)) ** 0.5
    return jax.random.uniform(key, shape, minval=-limit, maxval=limit, dtype=jnp.float32)


def setup_inputs(seed: int = 0) -> dict:
    key = jax.random.key(seed)
    ks = jax.random.split(key, 10)
    x = jax.random.normal(ks[0], (N_NODES, D_IN), dtype=jnp.float32)
    edge_index = jax.random.randint(ks[1], (2, N_EDGES), 0, N_NODES, dtype=jnp.int64)
    W1 = glorot(ks[2], (D_IN, 16))
    b1 = jnp.zeros((16,), dtype=jnp.float32)
    W2 = glorot(ks[3], (16, 8))
    b2 = jnp.zeros((8,), dtype=jnp.float32)
    Wf1 = glorot(ks[4], (8, 4))
    bf1 = jnp.zeros((4,), dtype=jnp.float32)
    Wf2 = glorot(ks[5], (4, 1))
    bf2 = jnp.zeros((1,), dtype=jnp.float32)
    return {"x": x, "edge_index": edge_index, "W1": W1, "b1": b1, "W2": W2, "b2": b2,
            "Wf1": Wf1, "bf1": bf1, "Wf2": Wf2, "bf2": bf2}


def gcn_conv(x, edge_index, W, b):
    # GCNConv: add self-loops, symmetric normalization, linear transform, scatter-add aggregate
    num_nodes = x.shape[0]
    xw = x @ W
    loop = jnp.arange(num_nodes, dtype=edge_index.dtype)
    src = jnp.concatenate([edge_index[0], loop])
    dst = jnp.concatenate([edge_index[1], loop])
    deg = jnp.zeros((num_nodes,), dtype=xw.dtype).at[dst].add(1.0)
    dinv = jnp.where(deg > 0, deg ** -0.5, 0.0)
    norm = dinv[src] * dinv[dst]
    msg = xw[src] * norm[:, None]
    out = jnp.zeros((num_nodes, xw.shape[1]), dtype=xw.dtype).at[dst].add(msg)
    return out + b


def reference(x, edge_index, W1, b1, W2, b2, Wf1, bf1, Wf2, bf2):
    h = jax.nn.relu(gcn_conv(x, edge_index, W1, b1))
    h = jax.nn.relu(gcn_conv(h, edge_index, W2, b2))
    h = jax.nn.relu(h @ Wf1 + bf1)
    h = h @ Wf2 + bf2
    return jnp.mean(h)

if __name__ == "__main__":
    import jax
    _d = setup_inputs()
    print(jax.jit(kernel)(*tuple(_d.values())))

</pallas_src>

<mosaic_0001>
#map = affine_map<(d0, d1) -> (0, 0)>
#map1 = affine_map<(d0, d1) -> (0, 0, 0)>
module attributes {stable_mosaic.version = 14 : i64} {
  func.func @_sc_scatter(%arg0: i32, %arg1: i32, %arg2: memref<2560x128xi32, #tpu.memory_space<hbm>>, %arg3: memref<2560x128xi32, #tpu.memory_space<hbm>>, %arg4: memref<10112x16xf32, #tpu.memory_space<hbm>>, %arg5: memref<10112x16xf32, #tpu.memory_space<hbm>>, %arg6: memref<2x10112x16xf32, #tpu.memory_space<hbm>>, %arg7: memref<104x128xi32, #tpu.memory_space<vmem>>, %arg8: memref<104x128xi32, #tpu.memory_space<vmem>>, %arg9: memref<128x16xf32, #tpu.memory_space<vmem>>, %arg10: memref<128x16xf32, #tpu.memory_space<vmem>>, %arg11: memref<128x16xf32, #tpu.memory_space<vmem>>, %arg12: memref<128x16xf32, #tpu.memory_space<vmem>>, %arg13: memref<128x16xf32, #tpu.memory_space<vmem>>, %arg14: memref<128x16xf32, #tpu.memory_space<vmem>>, %arg15: memref<128x16xf32, #tpu.memory_space<vmem>>, %arg16: memref<128x16xf32, #tpu.memory_space<vmem>>, %arg17: memref<10112x16xf32, #tpu.memory_space<vmem_shared>>, %arg18: memref<!tpu.dma_semaphore, #tpu.memory_space<semaphore_mem>>, %arg19: memref<!tpu.dma_semaphore, #tpu.memory_space<semaphore_mem>>, %arg20: memref<!tpu.dma_semaphore, #tpu.memory_space<semaphore_mem>>, %arg21: memref<!tpu.dma_semaphore, #tpu.memory_space<semaphore_mem>>, %arg22: memref<!tpu.dma_semaphore, #tpu.memory_space<semaphore_mem>>, %arg23: memref<!tpu.dma_semaphore, #tpu.memory_space<semaphore_mem>>, %arg24: memref<!tpu.dma_semaphore, #tpu.memory_space<semaphore_mem>>, %arg25: memref<!tpu.dma_semaphore, #tpu.memory_space<semaphore_mem>>, %arg26: memref<!tpu.dma_semaphore, #tpu.memory_space<semaphore_mem>>, %arg27: memref<!tpu.dma_semaphore, #tpu.memory_space<semaphore_mem>>, %arg28: memref<!tpu.dma_semaphore, #tpu.memory_space<semaphore_mem>>, %arg29: memref<!tpu.dma_semaphore, #tpu.memory_space<semaphore_mem>>, %arg30: memref<!tpu.dma_semaphore, #tpu.memory_space<semaphore_mem>>, %arg31: memref<!tpu.dma_semaphore, #tpu.memory_space<semaphore_mem>>, %arg32: memref<!tpu.dma_semaphore, #tpu.memory_space<semaphore_mem>>, %arg33: memref<!tpu.dma_semaphore, #tpu.memory_space<semaphore_mem>>) attributes {dimension_semantics = [#tpu.dimension_semantics<core_parallel>, #tpu.dimension_semantics<subcore_parallel>], iteration_bounds = array<i64: 2, 16>, scalar_prefetch = 0 : i64, scratch_operands = 27 : i64, tpu.core_type = #tpu.core_type<sc_vector_subcore>, window_params = [{transform_indices = #map}, {transform_indices = #map}, {transform_indices = #map}, {transform_indices = #map}, {transform_indices = #map1}]} {
    %eq3A = arith.constant 0 : i32
    %eq3A_0 = arith.cmpi eq, %arg0, %eq3A : i32
    %mul3A = arith.constant 56 : i32
    %mul3A_1 = arith.muli %arg1, %mul3A : i32
    %mul3A_2 = arith.constant 104 : i32
    %mul3A_3 = arith.muli %arg1, %mul3A_2 : i32
    %add3A = arith.constant 896 : i32
    %add3A_4 = arith.addi %add3A, %mul3A_3 : i32
    %select_n3A = arith.select %eq3A_0, %mul3A_1, %add3A_4 : i32
    %jit3A = arith.constant 56 : i32
    %jit3A_5 = arith.constant 104 : i32
    %select_n3A_6 = arith.select %eq3A_0, %jit3A, %jit3A_5 : i32
    %jit3A_7 = arith.constant 7 : i32
    %jit3A_8 = arith.constant 13 : i32
    %select_n3A_9 = arith.select %eq3A_0, %jit3A_7, %jit3A_8 : i32
    "tpu.region"() ({
      %run_scoped3A = tpu.sem_alloc : memref<!tpu.dma_semaphore, #tpu.memory_space<semaphore_mem>>
      %dma_start3A_161 = arith.constant 0 : i32
      %dma_start3A_162 = tpu.memref_slice %arg2[%select_n3A, %dma_start3A_161] : memref<2560x128xi32, #tpu.memory_space<hbm>> -> memref<104x128xi32, #tpu.memory_space<hbm>>
      %dma_start3A_163 = arith.constant 0 : i32
      %dma_start3A_164 = tpu.memref_slice %arg2[%select_n3A, %dma_start3A_163] : memref<2560x128xi32, #tpu.memory_space<hbm>> -> memref<104x128xi32, #tpu.memory_space<hbm>>
      tpu.enqueue_dma source(%dma_start3A_164 : memref<104x128xi32, #tpu.memory_space<hbm>>) target(%arg7 : memref<104x128xi32, #tpu.memory_space<vmem>>) target_semaphore(%run_scoped3A : memref<!tpu.dma_semaphore, #tpu.memory_space<semaphore_mem>>)
      %dma_wait3A_165 = arith.constant 0 : i32
      %dma_wait3A_166 = tpu.memref_slice %arg2[%select_n3A, %dma_wait3A_165] : memref<2560x128xi32, #tpu.memory_space<hbm>> -> memref<104x128xi32, #tpu.memory_space<hbm>>
      %dma_wait3A_167 = arith.constant 0 : i32
      %dma_wait3A_168 = tpu.memref_slice %arg2[%select_n3A, %dma_wait3A_167] : memref<2560x128xi32, #tpu.memory_space<hbm>> -> memref<104x128xi32, #tpu.memory_space<hbm>>
      tpu.wait_dma2 semaphore(%run_scoped3A : memref<!tpu.dma_semaphore, #tpu.memory_space<semaphore_mem>>) src(%dma_wait3A_168 : memref<104x128xi32, #tpu.memory_space<hbm>>) dst(%arg7 : memref<104x128xi32, #tpu.memory_space<vmem>>)
      tpu.yield
    }) : () -> ()
    "tpu.region"() ({
      %run_scoped3A = tpu.sem_alloc : memref<!tpu.dma_semaphore, #tpu.memory_space<semaphore_mem>>
      %dma_start3A_161 = arith.constant 0 : i32
      %dma_start3A_162 = tpu.memref_slice %arg3[%select_n3A, %dma_start3A_161] : memref<2560x128xi32, #tpu.memory_space<hbm>> -> memref<104x128xi32, #tpu.memory_space<hbm>>
      %dma_start3A_163 = arith.constant 0 : i32
      %dma_start3A_164 = tpu.memref_slice %arg3[%select_n3A, %dma_start3A_163] : memref<2560x128xi32, #tpu.memory_space<hbm>> -> memref<104x128xi32, #tpu.memory_space<hbm>>
      tpu.enqueue_dma source(%dma_start3A_164 : memref<104x128xi32, #tpu.memory_space<hbm>>) target(%arg8 : memref<104x128xi32, #tpu.memory_space<vmem>>) target_semaphore(%run_scoped3A : memref<!tpu.dma_semaphore, #tpu.memory_space<semaphore_mem>>)
      %dma_wait3A_165 = arith.constant 0 : i32
      %dma_wait3A_166 = tpu.memref_slice %arg3[%select_n3A, %dma_wait3A_165] : memref<2560x128xi32, #tpu.memory_space<hbm>> -> memref<104x128xi32, #tpu.memory_space<hbm>>
      %dma_wait3A_167 = arith.constant 0 : i32
      %dma_wait3A_168 = tpu.memref_slice %arg3[%select_n3A, %dma_wait3A_167] : memref<2560x128xi32, #tpu.memory_space<hbm>> -> memref<104x128xi32, #tpu.memory_space<hbm>>
      tpu.wait_dma2 semaphore(%run_scoped3A : memref<!tpu.dma_semaphore, #tpu.memory_space<semaphore_mem>>) src(%dma_wait3A_168 : memref<104x128xi32, #tpu.memory_space<hbm>>) dst(%arg8 : memref<104x128xi32, #tpu.memory_space<vmem>>)
      tpu.yield
    }) : () -> ()
    %mul3A_10 = arith.constant 632 : i32
    %mul3A_11 = arith.muli %arg1, %mul3A_10 : i32
    %mul3A_12 = arith.constant 632 : i32
    %mul3A_13 = arith.muli %arg1, %mul3A_12 : i32
    "tpu.region"() ({
      %run_scoped3A = tpu.sem_alloc : memref<!tpu.dma_semaphore, #tpu.memory_space<semaphore_mem>>
      %dma_start3A_161 = arith.constant 0 : i32
      %dma_start3A_162 = tpu.memref_slice %arg17[%mul3A_13, %dma_start3A_161] : memref<10112x16xf32, #tpu.memory_space<vmem_shared>> -> memref<632x16xf32, #tpu.memory_space<vmem_shared>>
      %dma_start3A_163 = arith.constant 0 : i32
      %dma_start3A_164 = tpu.memref_slice %arg5[%mul3A_11, %dma_start3A_163] : memref<10112x16xf32, #tpu.memory_space<hbm>> -> memref<632x16xf32, #tpu.memory_space<hbm>>
      tpu.enqueue_dma source(%dma_start3A_164 : memref<632x16xf32, #tpu.memory_space<hbm>>) target(%dma_start3A_162 : memref<632x16xf32, #tpu.memory_space<vmem_shared>>) target_semaphore(%run_scoped3A : memref<!tpu.dma_semaphore, #tpu.memory_space<semaphore_mem>>)
      %dma_wait3A_165 = arith.constant 0 : i32
      %dma_wait3A_166 = tpu.memref_slice %arg17[%mul3A_13, %dma_wait3A_165] : memref<10112x16xf32, #tpu.memory_space<vmem_shared>> -> memref<632x16xf32, #tpu.memory_space<vmem_shared>>
      %dma_wait3A_167 = arith.constant 0 : i32
      %dma_wait3A_168 = tpu.memref_slice %arg5[%mul3A_11, %dma_wait3A_167] : memref<10112x16xf32, #tpu.memory_space<hbm>> -> memref<632x16xf32, #tpu.memory_space<hbm>>
      tpu.wait_dma2 semaphore(%run_scoped3A : memref<!tpu.dma_semaphore, #tpu.memory_space<semaphore_mem>>) src(%dma_wait3A_168 : memref<632x16xf32, #tpu.memory_space<hbm>>) dst(%dma_wait3A_166 : memref<632x16xf32, #tpu.memory_space<vmem_shared>>)
      tpu.yield
    }) : () -> ()
    %barrier3A = arith.constant 0 : index
    tpu.barrier barrier_id(%barrier3A)
    %dma_start3A = arith.constant 0 : i32
    %dma_start3A_14 = arith.constant 0 : i32
    %dma_start3A_15 = tpu.memref_slice %arg7[%dma_start3A, %dma_start3A_14] : memref<104x128xi32, #tpu.memory_space<vmem>> -> memref<1x128xi32, #tpu.memory_space<vmem>>
    %dma_start3A_16 = tpu.memref_squeeze %dma_start3A_15 : memref<1x128xi32, #tpu.memory_space<vmem>> -> memref<128xi32, #tpu.memory_space<vmem>>
    %dma_start3A_17 = arith.constant 0 : i32
    %dma_start3A_18 = arith.constant 0 : i32
    %dma_start3A_19 = tpu.memref_slice %arg4[%dma_start3A_17, %dma_start3A_18] : memref<10112x16xf32, #tpu.memory_space<hbm>> -> memref<10112x16xf32, #tpu.memory_space<hbm>>
    tpu.enqueue_indirect_dma source(%dma_start3A_19 : memref<10112x16xf32, #tpu.memory_space<hbm>>) target(%arg9 : memref<128x16xf32, #tpu.memory_space<vmem>>) offsets(%dma_start3A_16 : memref<128xi32, #tpu.memory_space<vmem>>) semaphore(%arg18 : memref<!tpu.dma_semaphore, #tpu.memory_space<semaphore_mem>>)
    %dma_start3A_20 = arith.constant 1 : i32
    %dma_start3A_21 = arith.constant 0 : i32
    %dma_start3A_22 = tpu.memref_slice %arg7[%dma_start3A_20, %dma_start3A_21] : memref<104x128xi32, #tpu.memory_space<vmem>> -> memref<1x128xi32, #tpu.memory_space<vmem>>
    %dma_start3A_23 = tpu.memref_squeeze %dma_start3A_22 : memref<1x128xi32, #tpu.memory_space<vmem>> -> memref<128xi32, #tpu.memory_space<vmem>>
    %dma_start3A_24 = arith.constant 0 : i32
    %dma_start3A_25 = arith.constant 0 : i32
    %dma_start3A_26 = tpu.memref_slice %arg4[%dma_start3A_24, %dma_start3A_25] : memref<10112x16xf32, #tpu.memory_space<hbm>> -> memref<10112x16xf32, #tpu.memory_space<hbm>>
    tpu.enqueue_indirect_dma source(%dma_start3A_26 : memref<10112x16xf32, #tpu.memory_space<hbm>>) target(%arg10 : memref<128x16xf32, #tpu.memory_space<vmem>>) offsets(%dma_start3A_23 : memref<128xi32, #tpu.memory_space<vmem>>) semaphore(%arg19 : memref<!tpu.dma_semaphore, #tpu.memory_space<semaphore_mem>>)
    %dma_start3A_27 = arith.constant 2 : i32
    %dma_start3A_28 = arith.constant 0 : i32
    %dma_start3A_29 = tpu.memref_slice %arg7[%dma_start3A_27, %dma_start3A_28] : memref<104x128xi32, #tpu.memory_space<vmem>> -> memref<1x128xi32, #tpu.memory_space<vmem>>
    %dma_start3A_30 = tpu.memref_squeeze %dma_start3A_29 : memref<1x128xi32, #tpu.memory_space<vmem>> -> memref<128xi32, #tpu.memory_space<vmem>>
    %dma_start3A_31 = arith.constant 0 : i32
    %dma_start3A_32 = arith.constant 0 : i32
    %dma_start3A_33 = tpu.memref_slice %arg4[%dma_start3A_31, %dma_start3A_32] : memref<10112x16xf32, #tpu.memory_space<hbm>> -> memref<10112x16xf32, #tpu.memory_space<hbm>>
    tpu.enqueue_indirect_dma source(%dma_start3A_33 : memref<10112x16xf32, #tpu.memory_space<hbm>>) target(%arg11 : memref<128x16xf32, #tpu.memory_space<vmem>>) offsets(%dma_start3A_30 : memref<128xi32, #tpu.memory_space<vmem>>) semaphore(%arg20 : memref<!tpu.dma_semaphore, #tpu.memory_space<semaphore_mem>>)
    %dma_start3A_34 = arith.constant 3 : i32
    %dma_start3A_35 = arith.constant 0 : i32
    %dma_start3A_36 = tpu.memref_slice %arg7[%dma_start3A_34, %dma_start3A_35] : memref<104x128xi32, #tpu.memory_space<vmem>> -> memref<1x128xi32, #tpu.memory_space<vmem>>
    %dma_start3A_37 = tpu.memref_squeeze %dma_start3A_36 : memref<1x128xi32, #tpu.memory_space<vmem>> -> memref<128xi32, #tpu.memory_space<vmem>>
    %dma_start3A_38 = arith.constant 0 : i32
    %dma_start3A_39 = arith.constant 0 : i32
    %dma_start3A_40 = tpu.memref_slice %arg4[%dma_start3A_38, %dma_start3A_39] : memref<10112x16xf32, #tpu.memory_space<hbm>> -> memref<10112x16xf32, #tpu.memory_space<hbm>>
    tpu.enqueue_indirect_dma source(%dma_start3A_40 : memref<10112x16xf32, #tpu.memory_space<hbm>>) target(%arg12 : memref<128x16xf32, #tpu.memory_space<vmem>>) offsets(%dma_start3A_37 : memref<128xi32, #tpu.memory_space<vmem>>) semaphore(%arg21 : memref<!tpu.dma_semaphore, #tpu.memory_space<semaphore_mem>>)
    %dma_start3A_41 = arith.constant 4 : i32
    %dma_start3A_42 = arith.constant 0 : i32
    %dma_start3A_43 = tpu.memref_slice %arg7[%dma_start3A_41, %dma_start3A_42] : memref<104x128xi32, #tpu.memory_space<vmem>> -> memref<1x128xi32, #tpu.memory_space<vmem>>
    %dma_start3A_44 = tpu.memref_squeeze %dma_start3A_43 : memref<1x128xi32, #tpu.memory_space<vmem>> -> memref<128xi32, #tpu.memory_space<vmem>>
    %dma_start3A_45 = arith.constant 0 : i32
    %dma_start3A_46 = arith.constant 0 : i32
    %dma_start3A_47 = tpu.memref_slice %arg4[%dma_start3A_45, %dma_start3A_46] : memref<10112x16xf32, #tpu.memory_space<hbm>> -> memref<10112x16xf32, #tpu.memory_space<hbm>>
    tpu.enqueue_indirect_dma source(%dma_start3A_47 : memref<10112x16xf32, #tpu.memory_space<hbm>>) target(%arg13 : memref<128x16xf32, #tpu.memory_space<vmem>>) offsets(%dma_start3A_44 : memref<128xi32, #tpu.memory_space<vmem>>) semaphore(%arg22 : memref<!tpu.dma_semaphore, #tpu.memory_space<semaphore_mem>>)
    %dma_start3A_48 = arith.constant 5 : i32
    %dma_start3A_49 = arith.constant 0 : i32
    %dma_start3A_50 = tpu.memref_slice %arg7[%dma_start3A_48, %dma_start3A_49] : memref<104x128xi32, #tpu.memory_space<vmem>> -> memref<1x128xi32, #tpu.memory_space<vmem>>
    %dma_start3A_51 = tpu.memref_squeeze %dma_start3A_50 : memref<1x128xi32, #tpu.memory_space<vmem>> -> memref<128xi32, #tpu.memory_space<vmem>>
    %dma_start3A_52 = arith.constant 0 : i32
    %dma_start3A_53 = arith.constant 0 : i32
    %dma_start3A_54 = tpu.memref_slice %arg4[%dma_start3A_52, %dma_start3A_53] : memref<10112x16xf32, #tpu.memory_space<hbm>> -> memref<10112x16xf32, #tpu.memory_space<hbm>>
    tpu.enqueue_indirect_dma source(%dma_start3A_54 : memref<10112x16xf32, #tpu.memory_space<hbm>>) target(%arg14 : memref<128x16xf32, #tpu.memory_space<vmem>>) offsets(%dma_start3A_51 : memref<128xi32, #tpu.memory_space<vmem>>) semaphore(%arg23 : memref<!tpu.dma_semaphore, #tpu.memory_space<semaphore_mem>>)
    %dma_start3A_55 = arith.constant 6 : i32
    %dma_start3A_56 = arith.constant 0 : i32
    %dma_start3A_57 = tpu.memref_slice %arg7[%dma_start3A_55, %dma_start3A_56] : memref<104x128xi32, #tpu.memory_space<vmem>> -> memref<1x128xi32, #tpu.memory_space<vmem>>
    %dma_start3A_58 = tpu.memref_squeeze %dma_start3A_57 : memref<1x128xi32, #tpu.memory_space<vmem>> -> memref<128xi32, #tpu.memory_space<vmem>>
    %dma_start3A_59 = arith.constant 0 : i32
    %dma_start3A_60 = arith.constant 0 : i32
    %dma_start3A_61 = tpu.memref_slice %arg4[%dma_start3A_59, %dma_start3A_60] : memref<10112x16xf32, #tpu.memory_space<hbm>> -> memref<10112x16xf32, #tpu.memory_space<hbm>>
    tpu.enqueue_indirect_dma source(%dma_start3A_61 : memref<10112x16xf32, #tpu.memory_space<hbm>>) target(%arg15 : memref<128x16xf32, #tpu.memory_space<vmem>>) offsets(%dma_start3A_58 : memref<128xi32, #tpu.memory_space<vmem>>) semaphore(%arg24 : memref<!tpu.dma_semaphore, #tpu.memory_space<semaphore_mem>>)
    %dma_start3A_62 = arith.constant 7 : i32
    %dma_start3A_63 = arith.constant 0 : i32
    %dma_start3A_64 = tpu.memref_slice %arg7[%dma_start3A_62, %dma_start3A_63] : memref<104x128xi32, #tpu.memory_space<vmem>> -> memref<1x128xi32, #tpu.memory_space<vmem>>
    %dma_start3A_65 = tpu.memref_squeeze %dma_start3A_64 : memref<1x128xi32, #tpu.memory_space<vmem>> -> memref<128xi32, #tpu.memory_space<vmem>>
    %dma_start3A_66 = arith.constant 0 : i32
    %dma_start3A_67 = arith.constant 0 : i32
    %dma_start3A_68 = tpu.memref_slice %arg4[%dma_start3A_66, %dma_start3A_67] : memref<10112x16xf32, #tpu.memory_space<hbm>> -> memref<10112x16xf32, #tpu.memory_space<hbm>>
    tpu.enqueue_indirect_dma source(%dma_start3A_68 : memref<10112x16xf32, #tpu.memory_space<hbm>>) target(%arg16 : memref<128x16xf32, #tpu.memory_space<vmem>>) offsets(%dma_start3A_65 : memref<128xi32, #tpu.memory_space<vmem>>) semaphore(%arg25 : memref<!tpu.dma_semaphore, #tpu.memory_space<semaphore_mem>>)
    %while3A = arith.constant 0 : i32
    %while3A_69 = arith.constant 0 : i32
    %while3A_70 = arith.subi %select_n3A_9, %while3A_69 : i32
    %while3A_71 = arith.addi %while3A_69, %while3A_70 : i32
    %while3A_72 = arith.constant 1 : i32
    %while3A_73 = arith.divsi %while3A_70, %while3A_72 : i32
    %while3A_74 = arith.muli %while3A_73, %while3A_72 : i32
    %while3A_75 = arith.addi %while3A_69, %while3A_74 : i32
    %while3A_76 = arith.constant 1 : i32
    scf.for %while3A_161 = %while3A_69 to %while3A_75 step %while3A_76  : i32 {
      %mul3A_162 = arith.constant 8 : i32
      %mul3A_163 = arith.muli %while3A_161, %mul3A_162 : i32
      %add3A_164 = arith.constant 0 : i32
      %add3A_165 = arith.addi %mul3A_163, %add3A_164 : i32
      %dma_wait3A_166 = arith.constant 0 : i32
      %dma_wait3A_167 = tpu.memref_slice %arg7[%add3A_165, %dma_wait3A_166] : memref<104x128xi32, #tpu.memory_space<vmem>> -> memref<1x128xi32, #tpu.memory_space<vmem>>
      %dma_wait3A_168 = tpu.memref_squeeze %dma_wait3A_167 : memref<1x128xi32, #tpu.memory_space<vmem>> -> memref<128xi32, #tpu.memory_space<vmem>>
      %dma_wait3A_169 = arith.constant 0 : i32
      %dma_wait3A_170 = arith.constant 0 : i32
      %dma_wait3A_171 = tpu.memref_slice %arg4[%dma_wait3A_169, %dma_wait3A_170] : memref<10112x16xf32, #tpu.memory_space<hbm>> -> memref<10112x16xf32, #tpu.memory_space<hbm>>
      tpu.wait_indirect_dma semaphore(%arg18 : memref<!tpu.dma_semaphore, #tpu.memory_space<semaphore_mem>>) src(%dma_wait3A_171 : memref<10112x16xf32, #tpu.memory_space<hbm>>) dst(%arg9 : memref<128x16xf32, #tpu.memory_space<vmem>>)
      %dma_start3A_172 = arith.constant 0 : i32
      %dma_start3A_173 = tpu.memref_slice %arg8[%add3A_165, %dma_start3A_172] : memref<104x128xi32, #tpu.memory_space<vmem>> -> memref<1x128xi32, #tpu.memory_space<vmem>>
      %dma_start3A_174 = tpu.memref_squeeze %dma_start3A_173 : memref<1x128xi32, #tpu.memory_space<vmem>> -> memref<128xi32, #tpu.memory_space<vmem>>
      %dma_start3A_175 = arith.constant 0 : i32
      %dma_start3A_176 = arith.constant 0 : i32
      %dma_start3A_177 = tpu.memref_slice %arg17[%dma_start3A_175, %dma_start3A_176] : memref<10112x16xf32, #tpu.memory_space<vmem_shared>> -> memref<10112x16xf32, #tpu.memory_space<vmem_shared>>
      tpu.enqueue_indirect_dma source(%arg9 : memref<128x16xf32, #tpu.memory_space<vmem>>) target(%dma_start3A_177 : memref<10112x16xf32, #tpu.memory_space<vmem_shared>>) offsets(%dma_start3A_174 : memref<128xi32, #tpu.memory_space<vmem>>) semaphore(%arg26 : memref<!tpu.dma_semaphore, #tpu.memory_space<semaphore_mem>>) {add = true}
      %sub3A_178 = arith.constant 4 : i32
      %sub3A_179 = arith.subi %add3A_165, %sub3A_178 : i32
      %ge3A = arith.constant 0 : i32
      %ge3A_180 = arith.cmpi sge, %sub3A_179, %ge3A : i32
      %add3A_181 = arith.constant 8 : i32
      %add3A_182 = arith.addi %sub3A_179, %add3A_181 : i32
      %lt3A = arith.cmpi slt, %add3A_182, %select_n3A_6 : i32
      %and3A = arith.andi %ge3A_180, %lt3A : i1
      %convert_element_type3A = arith.extui %and3A : i1 to i32
      %cond3A = arith.constant 0 : i32
      %cond3A_183 = arith.cmpi ne, %convert_element_type3A, %cond3A : i32
      scf.if %cond3A_183 {
        %dma_wait3A_373 = arith.constant 0 : i32
        %dma_wait3A_374 = tpu.memref_slice %arg8[%sub3A_179, %dma_wait3A_373] : memref<104x128xi32, #tpu.memory_space<vmem>> -> memref<1x128xi32, #tpu.memory_space<vmem>>
        %dma_wait3A_375 = tpu.memref_squeeze %dma_wait3A_374 : memref<1x128xi32, #tpu.memory_space<vmem>> -> memref<128xi32, #tpu.memory_space<vmem>>
        %dma_wait3A_376 = arith.constant 0 : i32
        %dma_wait3A_377 = arith.constant 0 : i32
        %dma_wait3A_378 = tpu.memref_slice %arg17[%dma_wait3A_376, %dma_wait3A_377] : memref<10112x16xf32, #tpu.memory_space<vmem_shared>> -> memref<10112x16xf32, #tpu.memory_space<vmem_shared>>
        tpu.wait_indirect_dma semaphore(%arg30 : memref<!tpu.dma_semaphore, #tpu.memory_space<semaphore_mem>>) src(%arg13 : memref<128x16xf32, #tpu.memory_space<vmem>>) dst(%dma_wait3A_378 : memref<10112x16xf32, #tpu.memory_space<vmem_shared>>)
        %add3A_379 = arith.constant 8 : i32
        %add3A_380 = arith.addi %sub3A_179, %add3A_379 : i32
        %dma_start3A_381 = arith.constant 0 : i32
        %dma_start3A_382 = tpu.memref_slice %arg7[%add3A_380, %dma_start3A_381] : memref<104x128xi32, #tpu.memory_space<vmem>> -> memref<1x128xi32, #tpu.memory_space<vmem>>
        %dma_start3A_383 = tpu.memref_squeeze %dma_start3A_382 : memref<1x128xi32, #tpu.memory_space<vmem>> -> memref<128xi32, #tpu.memory_space<vmem>>
        %dma_start3A_384 = arith.constant 0 : i32
        %dma_start3A_385 = arith.constant 0 : i32
        %dma_start3A_386 = tpu.memref_slice %arg4[%dma_start3A_384, %dma_start3A_385] : memref<10112x16xf32, #tpu.memory_space<hbm>> -> memref<10112x16xf32, #tpu.memory_space<hbm>>
        tpu.enqueue_indirect_dma source(%dma_start3A_386 : memref<10112x16xf32, #tpu.memory_space<hbm>>) target(%arg13 : memref<128x16xf32, #tpu.memory_space<vmem>>) offsets(%dma_start3A_383 : memref<128xi32, #tpu.memory_space<vmem>>) semaphore(%arg22 : memref<!tpu.dma_semaphore, #tpu.memory_space<semaphore_mem>>)
      } else {
      }
      %mul3A_184 = arith.constant 8 : i32
      %mul3A_185 = arith.muli %while3A_161, %mul3A_184 : i32
      %add3A_186 = arith.constant 1 : i32
      %add3A_187 = arith.addi %mul3A_185, %add3A_186 : i32
      %dma_wait3A_188 = arith.constant 0 : i32
      %dma_wait3A_189 = tpu.memref_slice %arg7[%add3A_187, %dma_wait3A_188] : memref<104x128xi32, #tpu.memory_space<vmem>> -> memref<1x128xi32, #tpu.memory_space<vmem>>
      %dma_wait3A_190 = tpu.memref_squeeze %dma_wait3A_189 : memref<1x128xi32, #tpu.memory_space<vmem>> -> memref<128xi32, #tpu.memory_space<vmem>>
      %dma_wait3A_191 = arith.constant 0 : i32
      %dma_wait3A_192 = arith.constant 0 : i32
      %dma_wait3A_193 = tpu.memref_slice %arg4[%dma_wait3A_191, %dma_wait3A_192] : memref<10112x16xf32, #tpu.memory_space<hbm>> -> memref<10112x16xf32, #tpu.memory_space<hbm>>
      tpu.wait_indirect_dma semaphore(%arg19 : memref<!tpu.dma_semaphore, #tpu.memory_space<semaphore_mem>>) src(%dma_wait3A_193 : memref<10112x16xf32, #tpu.memory_space<hbm>>) dst(%arg10 : memref<128x16xf32, #tpu.memory_space<vmem>>)
      %dma_start3A_194 = arith.constant 0 : i32
      %dma_start3A_195 = tpu.memref_slice %arg8[%add3A_187, %dma_start3A_194] : memref<104x128xi32, #tpu.memory_space<vmem>> -> memref<1x128xi32, #tpu.memory_space<vmem>>
      %dma_start3A_196 = tpu.memref_squeeze %dma_start3A_195 : memref<1x128xi32, #tpu.memory_space<vmem>> -> memref<128xi32, #tpu.memory_space<vmem>>
      %dma_start3A_197 = arith.constant 0 : i32
      %dma_start3A_198 = arith.constant 0 : i32
      %dma_start3A_199 = tpu.memref_slice %arg17[%dma_start3A_197, %dma_start3A_198] : memref<10112x16xf32, #tpu.memory_space<vmem_shared>> -> memref<10112x16xf32, #tpu.memory_space<vmem_shared>>
      tpu.enqueue_indirect_dma source(%arg10 : memref<128x16xf32, #tpu.memory_space<vmem>>) target(%dma_start3A_199 : memref<10112x16xf32, #tpu.memory_space<vmem_shared>>) offsets(%dma_start3A_196 : memref<128xi32, #tpu.memory_space<vmem>>) semaphore(%arg27 : memref<!tpu.dma_semaphore, #tpu.memory_space<semaphore_mem>>) {add = true}
      %sub3A_200 = arith.constant 4 : i32
      %sub3A_201 = arith.subi %add3A_187, %sub3A_200 : i32
      %ge3A_202 = arith.constant 0 : i32
      %ge3A_203 = arith.cmpi sge, %sub3A_201, %ge3A_202 : i32
      %add3A_204 = arith.constant 8 : i32
      %add3A_205 = arith.addi %sub3A_201, %add3A_204 : i32
      %lt3A_206 = arith.cmpi slt, %add3A_205, %select_n3A_6 : i32
      %and3A_207 = arith.andi %ge3A_203, %lt3A_206 : i1
      %convert_element_type3A_208 = arith.extui %and3A_207 : i1 to i32
      %cond3A_209 = arith.constant 0 : i32
      %cond3A_210 = arith.cmpi ne, %convert_element_type3A_208, %cond3A_209 : i32
      scf.if %cond3A_210 {
        %dma_wait3A_373 = arith.constant 0 : i32
        %dma_wait3A_374 = tpu.memref_slice %arg8[%sub3A_201, %dma_wait3A_373] : memref<104x128xi32, #tpu.memory_space<vmem>> -> memref<1x128xi32, #tpu.memory_space<vmem>>
        %dma_wait3A_375 = tpu.memref_squeeze %dma_wait3A_374 : memref<1x128xi32, #tpu.memory_space<vmem>> -> memref<128xi32, #tpu.memory_space<vmem>>
        %dma_wait3A_376 = arith.constant 0 : i32
        %dma_wait3A_377 = arith.constant 0 : i32
        %dma_wait3A_378 = tpu.memref_slice %arg17[%dma_wait3A_376, %dma_wait3A_377] : memref<10112x16xf32, #tpu.memory_space<vmem_shared>> -> memref<10112x16xf32, #tpu.memory_space<vmem_shared>>
        tpu.wait_indirect_dma semaphore(%arg31 : memref<!tpu.dma_semaphore, #tpu.memory_space<semaphore_mem>>) src(%arg14 : memref<128x16xf32, #tpu.memory_space<vmem>>) dst(%dma_wait3A_378 : memref<10112x16xf32, #tpu.memory_space<vmem_shared>>)
        %add3A_379 = arith.constant 8 : i32
        %add3A_380 = arith.addi %sub3A_201, %add3A_379 : i32
        %dma_start3A_381 = arith.constant 0 : i32
        %dma_start3A_382 = tpu.memref_slice %arg7[%add3A_380, %dma_start3A_381] : memref<104x128xi32, #tpu.memory_space<vmem>> -> memref<1x128xi32, #tpu.memory_space<vmem>>
        %dma_start3A_383 = tpu.memref_squeeze %dma_start3A_382 : memref<1x128xi32, #tpu.memory_space<vmem>> -> memref<128xi32, #tpu.memory_space<vmem>>
        %dma_start3A_384 = arith.constant 0 : i32
        %dma_start3A_385 = arith.constant 0 : i32
        %dma_start3A_386 = tpu.memref_slice %arg4[%dma_start3A_384, %dma_start3A_385] : memref<10112x16xf32, #tpu.memory_space<hbm>> -> memref<10112x16xf32, #tpu.memory_space<hbm>>
        tpu.enqueue_indirect_dma source(%dma_start3A_386 : memref<10112x16xf32, #tpu.memory_space<hbm>>) target(%arg14 : memref<128x16xf32, #tpu.memory_space<vmem>>) offsets(%dma_start3A_383 : memref<128xi32, #tpu.memory_space<vmem>>) semaphore(%arg23 : memref<!tpu.dma_semaphore, #tpu.memory_space<semaphore_mem>>)
      } else {
      }
      %mul3A_211 = arith.constant 8 : i32
      %mul3A_212 = arith.muli %while3A_161, %mul3A_211 : i32
      %add3A_213 = arith.constant 2 : i32
      %add3A_214 = arith.addi %mul3A_212, %add3A_213 : i32
      %dma_wait3A_215 = arith.constant 0 : i32
      %dma_wait3A_216 = tpu.memref_slice %arg7[%add3A_214, %dma_wait3A_215] : memref<104x128xi32, #tpu.memory_space<vmem>> -> memref<1x128xi32, #tpu.memory_space<vmem>>
      %dma_wait3A_217 = tpu.memref_squeeze %dma_wait3A_216 : memref<1x128xi32, #tpu.memory_space<vmem>> -> memref<128xi32, #tpu.memory_space<vmem>>
      %dma_wait3A_218 = arith.constant 0 : i32
      %dma_wait3A_219 = arith.constant 0 : i32
      %dma_wait3A_220 = tpu.memref_slice %arg4[%dma_wait3A_218, %dma_wait3A_219] : memref<10112x16xf32, #tpu.memory_space<hbm>> -> memref<10112x16xf32, #tpu.memory_space<hbm>>
      tpu.wait_indirect_dma semaphore(%arg20 : memref<!tpu.dma_semaphore, #tpu.memory_space<semaphore_mem>>) src(%dma_wait3A_220 : memref<10112x16xf32, #tpu.memory_space<hbm>>) dst(%arg11 : memref<128x16xf32, #tpu.memory_space<vmem>>)
      %dma_start3A_221 = arith.constant 0 : i32
      %dma_start3A_222 = tpu.memref_slice %arg8[%add3A_214, %dma_start3A_221] : memref<104x128xi32, #tpu.memory_space<vmem>> -> memref<1x128xi32, #tpu.memory_space<vmem>>
      %dma_start3A_223 = tpu.memref_squeeze %dma_start3A_222 : memref<1x128xi32, #tpu.memory_space<vmem>> -> memref<128xi32, #tpu.memory_space<vmem>>
      %dma_start3A_224 = arith.constant 0 : i32
      %dma_start3A_225 = arith.constant 0 : i32
      %dma_start3A_226 = tpu.memref_slice %arg17[%dma_start3A_224, %dma_start3A_225] : memref<10112x16xf32, #tpu.memory_space<vmem_shared>> -> memref<10112x16xf32, #tpu.memory_space<vmem_shared>>
      tpu.enqueue_indirect_dma source(%arg11 : memref<128x16xf32, #tpu.memory_space<vmem>>) target(%dma_start3A_226 : memref<10112x16xf32, #tpu.memory_space<vmem_shared>>) offsets(%dma_start3A_223 : memref<128xi32, #tpu.memory_space<vmem>>) semaphore(%arg28 : memref<!tpu.dma_semaphore, #tpu.memory_space<semaphore_mem>>) {add = true}
      %sub3A_227 = arith.constant 4 : i32
      %sub3A_228 = arith.subi %add3A_214, %sub3A_227 : i32
      %ge3A_229 = arith.constant 0 : i32
      %ge3A_230 = arith.cmpi sge, %sub3A_228, %ge3A_229 : i32
      %add3A_231 = arith.constant 8 : i32
      %add3A_232 = arith.addi %sub3A_228, %add3A_231 : i32
      %lt3A_233 = arith.cmpi slt, %add3A_232, %select_n3A_6 : i32
      %and3A_234 = arith.andi %ge3A_230, %lt3A_233 : i1
      %convert_element_type3A_235 = arith.extui %and3A_234 : i1 to i32
      %cond3A_236 = arith.constant 0 : i32
      %cond3A_237 = arith.cmpi ne, %convert_element_type3A_235, %cond3A_236 : i32
      scf.if %cond3A_237 {
        %dma_wait3A_373 = arith.constant 0 : i32
        %dma_wait3A_374 = tpu.memref_slice %arg8[%sub3A_228, %dma_wait3A_373] : memref<104x128xi32, #tpu.memory_space<vmem>> -> memref<1x128xi32, #tpu.memory_space<vmem>>
        %dma_wait3A_375 = tpu.memref_squeeze %dma_wait3A_374 : memref<1x128xi32, #tpu.memory_space<vmem>> -> memref<128xi32, #tpu.memory_space<vmem>>
        %dma_wait3A_376 = arith.constant 0 : i32
        %dma_wait3A_377 = arith.constant 0 : i32
        %dma_wait3A_378 = tpu.memref_slice %arg17[%dma_wait3A_376, %dma_wait3A_377] : memref<10112x16xf32, #tpu.memory_space<vmem_shared>> -> memref<10112x16xf32, #tpu.memory_space<vmem_shared>>
        tpu.wait_indirect_dma semaphore(%arg32 : memref<!tpu.dma_semaphore, #tpu.memory_space<semaphore_mem>>) src(%arg15 : memref<128x16xf32, #tpu.memory_space<vmem>>) dst(%dma_wait3A_378 : memref<10112x16xf32, #tpu.memory_space<vmem_shared>>)
        %add3A_379 = arith.constant 8 : i32
        %add3A_380 = arith.addi %sub3A_228, %add3A_379 : i32
        %dma_start3A_381 = arith.constant 0 : i32
        %dma_start3A_382 = tpu.memref_slice %arg7[%add3A_380, %dma_start3A_381] : memref<104x128xi32, #tpu.memory_space<vmem>> -> memref<1x128xi32, #tpu.memory_space<vmem>>
        %dma_start3A_383 = tpu.memref_squeeze %dma_start3A_382 : memref<1x128xi32, #tpu.memory_space<vmem>> -> memref<128xi32, #tpu.memory_space<vmem>>
        %dma_start3A_384 = arith.constant 0 : i32
        %dma_start3A_385 = arith.constant 0 : i32
        %dma_start3A_386 = tpu.memref_slice %arg4[%dma_start3A_384, %dma_start3A_385] : memref<10112x16xf32, #tpu.memory_space<hbm>> -> memref<10112x16xf32, #tpu.memory_space<hbm>>
        tpu.enqueue_indirect_dma source(%dma_start3A_386 : memref<10112x16xf32, #tpu.memory_space<hbm>>) target(%arg15 : memref<128x16xf32, #tpu.memory_space<vmem>>) offsets(%dma_start3A_383 : memref<128xi32, #tpu.memory_space<vmem>>) semaphore(%arg24 : memref<!tpu.dma_semaphore, #tpu.memory_space<semaphore_mem>>)
      } else {
      }
      %mul3A_238 = arith.constant 8 : i32
      %mul3A_239 = arith.muli %while3A_161, %mul3A_238 : i32
      %add3A_240 = arith.constant 3 : i32
      %add3A_241 = arith.addi %mul3A_239, %add3A_240 : i32
      %dma_wait3A_242 = arith.constant 0 : i32
      %dma_wait3A_243 = tpu.memref_slice %arg7[%add3A_241, %dma_wait3A_242] : memref<104x128xi32, #tpu.memory_space<vmem>> -> memref<1x128xi32, #tpu.memory_space<vmem>>
      %dma_wait3A_244 = tpu.memref_squeeze %dma_wait3A_243 : memref<1x128xi32, #tpu.memory_space<vmem>> -> memref<128xi32, #tpu.memory_space<vmem>>
      %dma_wait3A_245 = arith.constant 0 : i32
      %dma_wait3A_246 = arith.constant 0 : i32
      %dma_wait3A_247 = tpu.memref_slice %arg4[%dma_wait3A_245, %dma_wait3A_246] : memref<10112x16xf32, #tpu.memory_space<hbm>> -> memref<10112x16xf32, #tpu.memory_space<hbm>>
      tpu.wait_indirect_dma semaphore(%arg21 : memref<!tpu.dma_semaphore, #tpu.memory_space<semaphore_mem>>) src(%dma_wait3A_247 : memref<10112x16xf32, #tpu.memory_space<hbm>>) dst(%arg12 : memref<128x16xf32, #tpu.memory_space<vmem>>)
      %dma_start3A_248 = arith.constant 0 : i32
      %dma_start3A_249 = tpu.memref_slice %arg8[%add3A_241, %dma_start3A_248] : memref<104x128xi32, #tpu.memory_space<vmem>> -> memref<1x128xi32, #tpu.memory_space<vmem>>
      %dma_start3A_250 = tpu.memref_squeeze %dma_start3A_249 : memref<1x128xi32, #tpu.memory_space<vmem>> -> memref<128xi32, #tpu.memory_space<vmem>>
      %dma_start3A_251 = arith.constant 0 : i32
      %dma_start3A_252 = arith.constant 0 : i32
      %dma_start3A_253 = tpu.memref_slice %arg17[%dma_start3A_251, %dma_start3A_252] : memref<10112x16xf32, #tpu.memory_space<vmem_shared>> -> memref<10112x16xf32, #tpu.memory_space<vmem_shared>>
      tpu.enqueue_indirect_dma source(%arg12 : memref<128x16xf32, #tpu.memory_space<vmem>>) target(%dma_start3A_253 : memref<10112x16xf32, #tpu.memory_space<vmem_shared>>) offsets(%dma_start3A_250 : memref<128xi32, #tpu.memory_space<vmem>>) semaphore(%arg29 : memref<!tpu.dma_semaphore, #tpu.memory_space<semaphore_mem>>) {add = true}
      %sub3A_254 = arith.constant 4 : i32
      %sub3A_255 = arith.subi %add3A_241, %sub3A_254 : i32
      %ge3A_256 = arith.constant 0 : i32
      %ge3A_257 = arith.cmpi sge, %sub3A_255, %ge3A_256 : i32
      %add3A_258 = arith.constant 8 : i32
      %add3A_259 = arith.addi %sub3A_255, %add3A_258 : i32
      %lt3A_260 = arith.cmpi slt, %add3A_259, %select_n3A_6 : i32
      %and3A_261 = arith.andi %ge3A_257, %lt3A_260 : i1
      %convert_element_type3A_262 = arith.extui %and3A_261 : i1 to i32
      %cond3A_263 = arith.constant 0 : i32
      %cond3A_264 = arith.cmpi ne, %convert_element_type3A_262, %cond3A_263 : i32
      scf.if %cond3A_264 {
        %dma_wait3A_373 = arith.constant 0 : i32
        %dma_wait3A_374 = tpu.memref_slice %arg8[%sub3A_255, %dma_wait3A_373] : memref<104x128xi32, #tpu.memory_space<vmem>> -> memref<1x128xi32, #tpu.memory_space<vmem>>
        %dma_wait3A_375 = tpu.memref_squeeze %dma_wait3A_374 : memref<1x128xi32, #tpu.memory_space<vmem>> -> memref<128xi32, #tpu.memory_space<vmem>>
        %dma_wait3A_376 = arith.constant 0 : i32
        %dma_wait3A_377 = arith.constant 0 : i32
        %dma_wait3A_378 = tpu.memref_slice %arg17[%dma_wait3A_376, %dma_wait3A_377] : memref<10112x16xf32, #tpu.memory_space<vmem_shared>> -> memref<10112x16xf32, #tpu.memory_space<vmem_shared>>
        tpu.wait_indirect_dma semaphore(%arg33 : memref<!tpu.dma_semaphore, #tpu.memory_space<semaphore_mem>>) src(%arg16 : memref<128x16xf32, #tpu.memory_space<vmem>>) dst(%dma_wait3A_378 : memref<10112x16xf32, #tpu.memory_space<vmem_shared>>)
        %add3A_379 = arith.constant 8 : i32
        %add3A_380 = arith.addi %sub3A_255, %add3A_379 : i32
        %dma_start3A_381 = arith.constant 0 : i32
        %dma_start3A_382 = tpu.memref_slice %arg7[%add3A_380, %dma_start3A_381] : memref<104x128xi32, #tpu.memory_space<vmem>> -> memref<1x128xi32, #tpu.memory_space<vmem>>
        %dma_start3A_383 = tpu.memref_squeeze %dma_start3A_382 : memref<1x128xi32, #tpu.memory_space<vmem>> -> memref<128xi32, #tpu.memory_space<vmem>>
        %dma_start3A_384 = arith.constant 0 : i32
        %dma_start3A_385 = arith.constant 0 : i32
        %dma_start3A_386 = tpu.memref_slice %arg4[%dma_start3A_384, %dma_start3A_385] : memref<10112x16xf32, #tpu.memory_space<hbm>> -> memref<10112x16xf32, #tpu.memory_space<hbm>>
        tpu.enqueue_indirect_dma source(%dma_start3A_386 : memref<10112x16xf32, #tpu.memory_space<hbm>>) target(%arg16 : memref<128x16xf32, #tpu.memory_space<vmem>>) offsets(%dma_start3A_383 : memref<128xi32, #tpu.memory_space<vmem>>) semaphore(%arg25 : memref<!tpu.dma_semaphore, #tpu.memory_space<semaphore_mem>>)
      } else {
      }
      %mul3A_265 = arith.constant 8 : i32
      %mul3A_266 = arith.muli %while3A_161, %mul3A_265 : i32
      %add3A_267 = arith.constant 4 : i32
      %add3A_268 = arith.addi %mul3A_266, %add3A_267 : i32
      %dma_wait3A_269 = arith.constant 0 : i32
      %dma_wait3A_270 = tpu.memref_slice %arg7[%add3A_268, %dma_wait3A_269] : memref<104x128xi32, #tpu.memory_space<vmem>> -> memref<1x128xi32, #tpu.memory_space<vmem>>
      %dma_wait3A_271 = tpu.memref_squeeze %dma_wait3A_270 : memref<1x128xi32, #tpu.memory_space<vmem>> -> memref<128xi32, #tpu.memory_space<vmem>>
      %dma_wait3A_272 = arith.constant 0 : i32
      %dma_wait3A_273 = arith.constant 0 : i32
      %dma_wait3A_274 = tpu.memref_slice %arg4[%dma_wait3A_272, %dma_wait3A_273] : memref<10112x16xf32, #tpu.memory_space<hbm>> -> memref<10112x16xf32, #tpu.memory_space<hbm>>
      tpu.wait_indirect_dma semaphore(%arg22 : memref<!tpu.dma_semaphore, #tpu.memory_space<semaphore_mem>>) src(%dma_wait3A_274 : memref<10112x16xf32, #tpu.memory_space<hbm>>) dst(%arg13 : memref<128x16xf32, #tpu.memory_space<vmem>>)
      %dma_start3A_275 = arith.constant 0 : i32
      %dma_start3A_276 = tpu.memref_slice %arg8[%add3A_268, %dma_start3A_275] : memref<104x128xi32, #tpu.memory_space<vmem>> -> memref<1x128xi32, #tpu.memory_space<vmem>>
      %dma_start3A_277 = tpu.memref_squeeze %dma_start3A_276 : memref<1x128xi32, #tpu.memory_space<vmem>> -> memref<128xi32, #tpu.memory_space<vmem>>
      %dma_start3A_278 = arith.constant 0 : i32
      %dma_start3A_279 = arith.constant 0 : i32
      %dma_start3A_280 = tpu.memref_slice %arg17[%dma_start3A_278, %dma_start3A_279] : memref<10112x16xf32, #tpu.memory_space<vmem_shared>> -> memref<10112x16xf32, #tpu.memory_space<vmem_shared>>
      tpu.enqueue_indirect_dma source(%arg13 : memref<128x16xf32, #tpu.memory_space<vmem>>) target(%dma_start3A_280 : memref<10112x16xf32, #tpu.memory_space<vmem_shared>>) offsets(%dma_start3A_277 : memref<128xi32, #tpu.memory_space<vmem>>) semaphore(%arg30 : memref<!tpu.dma_semaphore, #tpu.memory_space<semaphore_mem>>) {add = true}
      %sub3A_281 = arith.constant 4 : i32
      %sub3A_282 = arith.subi %add3A_268, %sub3A_281 : i32
      %ge3A_283 = arith.constant 0 : i32
      %ge3A_284 = arith.cmpi sge, %sub3A_282, %ge3A_283 : i32
      %add3A_285 = arith.constant 8 : i32
      %add3A_286 = arith.addi %sub3A_282, %add3A_285 : i32
      %lt3A_287 = arith.cmpi slt, %add3A_286, %select_n3A_6 : i32
      %and3A_288 = arith.andi %ge3A_284, %lt3A_287 : i1
      %convert_element_type3A_289 = arith.extui %and3A_288 : i1 to i32
      %cond3A_290 = arith.constant 0 : i32
      %cond3A_291 = arith.cmpi ne, %convert_element_type3A_289, %cond3A_290 : i32
      scf.if %cond3A_291 {
        %dma_wait3A_373 = arith.constant 0 : i32
        %dma_wait3A_374 = tpu.memref_slice %arg8[%sub3A_282, %dma_wait3A_373] : memref<104x128xi32, #tpu.memory_space<vmem>> -> memref<1x128xi32, #tpu.memory_space<vmem>>
        %dma_wait3A_375 = tpu.memref_squeeze %dma_wait3A_374 : memref<1x128xi32, #tpu.memory_space<vmem>> -> memref<128xi32, #tpu.memory_space<vmem>>
        %dma_wait3A_376 = arith.constant 0 : i32
        %dma_wait3A_377 = arith.constant 0 : i32
        %dma_wait3A_378 = tpu.memref_slice %arg17[%dma_wait3A_376, %dma_wait3A_377] : memref<10112x16xf32, #tpu.memory_space<vmem_shared>> -> memref<10112x16xf32, #tpu.memory_space<vmem_shared>>
        tpu.wait_indirect_dma semaphore(%arg26 : memref<!tpu.dma_semaphore, #tpu.memory_space<semaphore_mem>>) src(%arg9 : memref<128x16xf32, #tpu.memory_space<vmem>>) dst(%dma_wait3A_378 : memref<10112x16xf32, #tpu.memory_space<vmem_shared>>)
        %add3A_379 = arith.constant 8 : i32
        %add3A_380 = arith.addi %sub3A_282, %add3A_379 : i32
        %dma_start3A_381 = arith.constant 0 : i32
        %dma_start3A_382 = tpu.memref_slice %arg7[%add3A_380, %dma_start3A_381] : memref<104x128xi32, #tpu.memory_space<vmem>> -> memref<1x128xi32, #tpu.memory_space<vmem>>
        %dma_start3A_383 = tpu.memref_squeeze %dma_start3A_382 : memref<1x128xi32, #tpu.memory_space<vmem>> -> memref<128xi32, #tpu.memory_space<vmem>>
        %dma_start3A_384 = arith.constant 0 : i32
        %dma_start3A_385 = arith.constant 0 : i32
        %dma_start3A_386 = tpu.memref_slice %arg4[%dma_start3A_384, %dma_start3A_385] : memref<10112x16xf32, #tpu.memory_space<hbm>> -> memref<10112x16xf32, #tpu.memory_space<hbm>>
        tpu.enqueue_indirect_dma source(%dma_start3A_386 : memref<10112x16xf32, #tpu.memory_space<hbm>>) target(%arg9 : memref<128x16xf32, #tpu.memory_space<vmem>>) offsets(%dma_start3A_383 : memref<128xi32, #tpu.memory_space<vmem>>) semaphore(%arg18 : memref<!tpu.dma_semaphore, #tpu.memory_space<semaphore_mem>>)
      } else {
      }
      %mul3A_292 = arith.constant 8 : i32
      %mul3A_293 = arith.muli %while3A_161, %mul3A_292 : i32
      %add3A_294 = arith.constant 5 : i32
      %add3A_295 = arith.addi %mul3A_293, %add3A_294 : i32
      %dma_wait3A_296 = arith.constant 0 : i32
      %dma_wait3A_297 = tpu.memref_slice %arg7[%add3A_295, %dma_wait3A_296] : memref<104x128xi32, #tpu.memory_space<vmem>> -> memref<1x128xi32, #tpu.memory_space<vmem>>
      %dma_wait3A_298 = tpu.memref_squeeze %dma_wait3A_297 : memref<1x128xi32, #tpu.memory_space<vmem>> -> memref<128xi32, #tpu.memory_space<vmem>>
      %dma_wait3A_299 = arith.constant 0 : i32
      %dma_wait3A_300 = arith.constant 0 : i32
      %dma_wait3A_301 = tpu.memref_slice %arg4[%dma_wait3A_299, %dma_wait3A_300] : memref<10112x16xf32, #tpu.memory_space<hbm>> -> memref<10112x16xf32, #tpu.memory_space<hbm>>
      tpu.wait_indirect_dma semaphore(%arg23 : memref<!tpu.dma_semaphore, #tpu.memory_space<semaphore_mem>>) src(%dma_wait3A_301 : memref<10112x16xf32, #tpu.memory_space<hbm>>) dst(%arg14 : memref<128x16xf32, #tpu.memory_space<vmem>>)
      %dma_start3A_302 = arith.constant 0 : i32
      %dma_start3A_303 = tpu.memref_slice %arg8[%add3A_295, %dma_start3A_302] : memref<104x128xi32, #tpu.memory_space<vmem>> -> memref<1x128xi32, #tpu.memory_space<vmem>>
      %dma_start3A_304 = tpu.memref_squeeze %dma_start3A_303 : memref<1x128xi32, #tpu.memory_space<vmem>> -> memref<128xi32, #tpu.memory_space<vmem>>
      %dma_start3A_305 = arith.constant 0 : i32
      %dma_start3A_306 = arith.constant 0 : i32
      %dma_start3A_307 = tpu.memref_slice %arg17[%dma_start3A_305, %dma_start3A_306] : memref<10112x16xf32, #tpu.memory_space<vmem_shared>> -> memref<10112x16xf32, #tpu.memory_space<vmem_shared>>
      tpu.enqueue_indirect_dma source(%arg14 : memref<128x16xf32, #tpu.memory_space<vmem>>) target(%dma_start3A_307 : memref<10112x16xf32, #tpu.memory_space<vmem_shared>>) offsets(%dma_start3A_304 : memref<128xi32, #tpu.memory_space<vmem>>) semaphore(%arg31 : memref<!tpu.dma_semaphore, #tpu.memory_space<semaphore_mem>>) {add = true}
      %sub3A_308 = arith.constant 4 : i32
      %sub3A_309 = arith.subi %add3A_295, %sub3A_308 : i32
      %ge3A_310 = arith.constant 0 : i32
      %ge3A_311 = arith.cmpi sge, %sub3A_309, %ge3A_310 : i32
      %add3A_312 = arith.constant 8 : i32
      %add3A_313 = arith.addi %sub3A_309, %add3A_312 : i32
      %lt3A_314 = arith.cmpi slt, %add3A_313, %select_n3A_6 : i32
      %and3A_315 = arith.andi %ge3A_311, %lt3A_314 : i1
      %convert_element_type3A_316 = arith.extui %and3A_315 : i1 to i32
      %cond3A_317 = arith.constant 0 : i32
      %cond3A_318 = arith.cmpi ne, %convert_element_type3A_316, %cond3A_317 : i32
      scf.if %cond3A_318 {
        %dma_wait3A_373 = arith.constant 0 : i32
        %dma_wait3A_374 = tpu.memref_slice %arg8[%sub3A_309, %dma_wait3A_373] : memref<104x128xi32, #tpu.memory_space<vmem>> -> memref<1x128xi32, #tpu.memory_space<vmem>>
        %dma_wait3A_375 = tpu.memref_squeeze %dma_wait3A_374 : memref<1x128xi32, #tpu.memory_space<vmem>> -> memref<128xi32, #tpu.memory_space<vmem>>
        %dma_wait3A_376 = arith.constant 0 : i32
        %dma_wait3A_377 = arith.constant 0 : i32
        %dma_wait3A_378 = tpu.memref_slice %arg17[%dma_wait3A_376, %dma_wait3A_377] : memref<10112x16xf32, #tpu.memory_space<vmem_shared>> -> memref<10112x16xf32, #tpu.memory_space<vmem_shared>>
        tpu.wait_indirect_dma semaphore(%arg27 : memref<!tpu.dma_semaphore, #tpu.memory_space<semaphore_mem>>) src(%arg10 : memref<128x16xf32, #tpu.memory_space<vmem>>) dst(%dma_wait3A_378 : memref<10112x16xf32, #tpu.memory_space<vmem_shared>>)
        %add3A_379 = arith.constant 8 : i32
        %add3A_380 = arith.addi %sub3A_309, %add3A_379 : i32
        %dma_start3A_381 = arith.constant 0 : i32
        %dma_start3A_382 = tpu.memref_slice %arg7[%add3A_380, %dma_start3A_381] : memref<104x128xi32, #tpu.memory_space<vmem>> -> memref<1x128xi32, #tpu.memory_space<vmem>>
        %dma_start3A_383 = tpu.memref_squeeze %dma_start3A_382 : memref<1x128xi32, #tpu.memory_space<vmem>> -> memref<128xi32, #tpu.memory_space<vmem>>
        %dma_start3A_384 = arith.constant 0 : i32
        %dma_start3A_385 = arith.constant 0 : i32
        %dma_start3A_386 = tpu.memref_slice %arg4[%dma_start3A_384, %dma_start3A_385] : memref<10112x16xf32, #tpu.memory_space<hbm>> -> memref<10112x16xf32, #tpu.memory_space<hbm>>
        tpu.enqueue_indirect_dma source(%dma_start3A_386 : memref<10112x16xf32, #tpu.memory_space<hbm>>) target(%arg10 : memref<128x16xf32, #tpu.memory_space<vmem>>) offsets(%dma_start3A_383 : memref<128xi32, #tpu.memory_space<vmem>>) semaphore(%arg19 : memref<!tpu.dma_semaphore, #tpu.memory_space<semaphore_mem>>)
      } else {
      }
      %mul3A_319 = arith.constant 8 : i32
      %mul3A_320 = arith.muli %while3A_161, %mul3A_319 : i32
      %add3A_321 = arith.constant 6 : i32
      %add3A_322 = arith.addi %mul3A_320, %add3A_321 : i32
      %dma_wait3A_323 = arith.constant 0 : i32
      %dma_wait3A_324 = tpu.memref_slice %arg7[%add3A_322, %dma_wait3A_323] : memref<104x128xi32, #tpu.memory_space<vmem>> -> memref<1x128xi32, #tpu.memory_space<vmem>>
      %dma_wait3A_325 = tpu.memref_squeeze %dma_wait3A_324 : memref<1x128xi32, #tpu.memory_space<vmem>> -> memref<128xi32, #tpu.memory_space<vmem>>
      %dma_wait3A_326 = arith.constant 0 : i32
      %dma_wait3A_327 = arith.constant 0 : i32
      %dma_wait3A_328 = tpu.memref_slice %arg4[%dma_wait3A_326, %dma_wait3A_327] : memref<10112x16xf32, #tpu.memory_space<hbm>> -> memref<10112x16xf32, #tpu.memory_space<hbm>>
      tpu.wait_indirect_dma semaphore(%arg24 : memref<!tpu.dma_semaphore, #tpu.memory_space<semaphore_mem>>) src(%dma_wait3A_328 : memref<10112x16xf32, #tpu.memory_space<hbm>>) dst(%arg15 : memref<128x16xf32, #tpu.memory_space<vmem>>)
      %dma_start3A_329 = arith.constant 0 : i32
      %dma_start3A_330 = tpu.memref_slice %arg8[%add3A_322, %dma_start3A_329] : memref<104x128xi32, #tpu.memory_space<vmem>> -> memref<1x128xi32, #tpu.memory_space<vmem>>
      %dma_start3A_331 = tpu.memref_squeeze %dma_start3A_330 : memref<1x128xi32, #tpu.memory_space<vmem>> -> memref<128xi32, #tpu.memory_space<vmem>>
      %dma_start3A_332 = arith.constant 0 : i32
      %dma_start3A_333 = arith.constant 0 : i32
      %dma_start3A_334 = tpu.memref_slice %arg17[%dma_start3A_332, %dma_start3A_333] : memref<10112x16xf32, #tpu.memory_space<vmem_shared>> -> memref<10112x16xf32, #tpu.memory_space<vmem_shared>>
      tpu.enqueue_indirect_dma source(%arg15 : memref<128x16xf32, #tpu.memory_space<vmem>>) target(%dma_start3A_334 : memref<10112x16xf32, #tpu.memory_space<vmem_shared>>) offsets(%dma_start3A_331 : memref<128xi32, #tpu.memory_space<vmem>>) semaphore(%arg32 : memref<!tpu.dma_semaphore, #tpu.memory_space<semaphore_mem>>) {add = true}
      %sub3A_335 = arith.constant 4 : i32
      %sub3A_336 = arith.subi %add3A_322, %sub3A_335 : i32
      %ge3A_337 = arith.constant 0 : i32
      %ge3A_338 = arith.cmpi sge, %sub3A_336, %ge3A_337 : i32
      %add3A_339 = arith.constant 8 : i32
      %add3A_340 = arith.addi %sub3A_336, %add3A_339 : i32
      %lt3A_341 = arith.cmpi slt, %add3A_340, %select_n3A_6 : i32
      %and3A_342 = arith.andi %ge3A_338, %lt3A_341 : i1
      %convert_element_type3A_343 = arith.extui %and3A_342 : i1 to i32
      %cond3A_344 = arith.constant 0 : i32
      %cond3A_345 = arith.cmpi ne, %convert_element_type3A_343, %cond3A_344 : i32
      scf.if %cond3A_345 {
        %dma_wait3A_373 = arith.constant 0 : i32
        %dma_wait3A_374 = tpu.memref_slice %arg8[%sub3A_336, %dma_wait3A_373] : memref<104x128xi32, #tpu.memory_space<vmem>> -> memref<1x128xi32, #tpu.memory_space<vmem>>
        %dma_wait3A_375 = tpu.memref_squeeze %dma_wait3A_374 : memref<1x128xi32, #tpu.memory_space<vmem>> -> memref<128xi32, #tpu.memory_space<vmem>>
        %dma_wait3A_376 = arith.constant 0 : i32
        %dma_wait3A_377 = arith.constant 0 : i32
        %dma_wait3A_378 = tpu.memref_slice %arg17[%dma_wait3A_376, %dma_wait3A_377] : memref<10112x16xf32, #tpu.memory_space<vmem_shared>> -> memref<10112x16xf32, #tpu.memory_space<vmem_shared>>
        tpu.wait_indirect_dma semaphore(%arg28 : memref<!tpu.dma_semaphore, #tpu.memory_space<semaphore_mem>>) src(%arg11 : memref<128x16xf32, #tpu.memory_space<vmem>>) dst(%dma_wait3A_378 : memref<10112x16xf32, #tpu.memory_space<vmem_shared>>)
        %add3A_379 = arith.constant 8 : i32
        %add3A_380 = arith.addi %sub3A_336, %add3A_379 : i32
        %dma_start3A_381 = arith.constant 0 : i32
        %dma_start3A_382 = tpu.memref_slice %arg7[%add3A_380, %dma_start3A_381] : memref<104x128xi32, #tpu.memory_space<vmem>> -> memref<1x128xi32, #tpu.memory_space<vmem>>
        %dma_start3A_383 = tpu.memref_squeeze %dma_start3A_382 : memref<1x128xi32, #tpu.memory_space<vmem>> -> memref<128xi32, #tpu.memory_space<vmem>>
        %dma_start3A_384 = arith.constant 0 : i32
        %dma_start3A_385 = arith.constant 0 : i32
        %dma_start3A_386 = tpu.memref_slice %arg4[%dma_start3A_384, %dma_start3A_385] : memref<10112x16xf32, #tpu.memory_space<hbm>> -> memref<10112x16xf32, #tpu.memory_space<hbm>>
        tpu.enqueue_indirect_dma source(%dma_start3A_386 : memref<10112x16xf32, #tpu.memory_space<hbm>>) target(%arg11 : memref<128x16xf32, #tpu.memory_space<vmem>>) offsets(%dma_start3A_383 : memref<128xi32, #tpu.memory_space<vmem>>) semaphore(%arg20 : memref<!tpu.dma_semaphore, #tpu.memory_space<semaphore_mem>>)
      } else {
      }
      %mul3A_346 = arith.constant 8 : i32
      %mul3A_347 = arith.muli %while3A_161, %mul3A_346 : i32
      %add3A_348 = arith.constant 7 : i32
      %add3A_349 = arith.addi %mul3A_347, %add3A_348 : i32
      %dma_wait3A_350 = arith.constant 0 : i32
      %dma_wait3A_351 = tpu.memref_slice %arg7[%add3A_349, %dma_wait3A_350] : memref<104x128xi32, #tpu.memory_space<vmem>> -> memref<1x128xi32, #tpu.memory_space<vmem>>
      %dma_wait3A_352 = tpu.memref_squeeze %dma_wait3A_351 : memref<1x128xi32, #tpu.memory_space<vmem>> -> memref<128xi32, #tpu.memory_space<vmem>>
      %dma_wait3A_353 = arith.constant 0 : i32
      %dma_wait3A_354 = arith.constant 0 : i32
      %dma_wait3A_355 = tpu.memref_slice %arg4[%dma_wait3A_353, %dma_wait3A_354] : memref<10112x16xf32, #tpu.memory_space<hbm>> -> memref<10112x16xf32, #tpu.memory_space<hbm>>
      tpu.wait_indirect_dma semaphore(%arg25 : memref<!tpu.dma_semaphore, #tpu.memory_space<semaphore_mem>>) src(%dma_wait3A_355 : memref<10112x16xf32, #tpu.memory_space<hbm>>) dst(%arg16 : memref<128x16xf32, #tpu.memory_space<vmem>>)
      %dma_start3A_356 = arith.constant 0 : i32
      %dma_start3A_357 = tpu.memref_slice %arg8[%add3A_349, %dma_start3A_356] : memref<104x128xi32, #tpu.memory_space<vmem>> -> memref<1x128xi32, #tpu.memory_space<vmem>>
      %dma_start3A_358 = tpu.memref_squeeze %dma_start3A_357 : memref<1x128xi32, #tpu.memory_space<vmem>> -> memref<128xi32, #tpu.memory_space<vmem>>
      %dma_start3A_359 = arith.constant 0 : i32
      %dma_start3A_360 = arith.constant 0 : i32
      %dma_start3A_361 = tpu.memref_slice %arg17[%dma_start3A_359, %dma_start3A_360] : memref<10112x16xf32, #tpu.memory_space<vmem_shared>> -> memref<10112x16xf32, #tpu.memory_space<vmem_shared>>
      tpu.enqueue_indirect_dma source(%arg16 : memref<128x16xf32, #tpu.memory_space<vmem>>) target(%dma_start3A_361 : memref<10112x16xf32, #tpu.memory_space<vmem_shared>>) offsets(%dma_start3A_358 : memref<128xi32, #tpu.memory_space<vmem>>) semaphore(%arg33 : memref<!tpu.dma_semaphore, #tpu.memory_space<semaphore_mem>>) {add = true}
      %sub3A_362 = arith.constant 4 : i32
      %sub3A_363 = arith.subi %add3A_349, %sub3A_362 : i32
      %ge3A_364 = arith.constant 0 : i32
      %ge3A_365 = arith.cmpi sge, %sub3A_363, %ge3A_364 : i32
      %add3A_366 = arith.constant 8 : i32
      %add3A_367 = arith.addi %sub3A_363, %add3A_366 : i32
      %lt3A_368 = arith.cmpi slt, %add3A_367, %select_n3A_6 : i32
      %and3A_369 = arith.andi %ge3A_365, %lt3A_368 : i1
      %convert_element_type3A_370 = arith.extui %and3A_369 : i1 to i32
      %cond3A_371 = arith.constant 0 : i32
      %cond3A_372 = arith.cmpi ne, %convert_element_type3A_370, %cond3A_371 : i32
      scf.if %cond3A_372 {
        %dma_wait3A_373 = arith.constant 0 : i32
        %dma_wait3A_374 = tpu.memref_slice %arg8[%sub3A_363, %dma_wait3A_373] : memref<104x128xi32, #tpu.memory_space<vmem>> -> memref<1x128xi32, #tpu.memory_space<vmem>>
        %dma_wait3A_375 = tpu.memref_squeeze %dma_wait3A_374 : memref<1x128xi32, #tpu.memory_space<vmem>> -> memref<128xi32, #tpu.memory_space<vmem>>
        %dma_wait3A_376 = arith.constant 0 : i32
        %dma_wait3A_377 = arith.constant 0 : i32
        %dma_wait3A_378 = tpu.memref_slice %arg17[%dma_wait3A_376, %dma_wait3A_377] : memref<10112x16xf32, #tpu.memory_space<vmem_shared>> -> memref<10112x16xf32, #tpu.memory_space<vmem_shared>>
        tpu.wait_indirect_dma semaphore(%arg29 : memref<!tpu.dma_semaphore, #tpu.memory_space<semaphore_mem>>) src(%arg12 : memref<128x16xf32, #tpu.memory_space<vmem>>) dst(%dma_wait3A_378 : memref<10112x16xf32, #tpu.memory_space<vmem_shared>>)
        %add3A_379 = arith.constant 8 : i32
        %add3A_380 = arith.addi %sub3A_363, %add3A_379 : i32
        %dma_start3A_381 = arith.constant 0 : i32
        %dma_start3A_382 = tpu.memref_slice %arg7[%add3A_380, %dma_start3A_381] : memref<104x128xi32, #tpu.memory_space<vmem>> -> memref<1x128xi32, #tpu.memory_space<vmem>>
        %dma_start3A_383 = tpu.memref_squeeze %dma_start3A_382 : memref<1x128xi32, #tpu.memory_space<vmem>> -> memref<128xi32, #tpu.memory_space<vmem>>
        %dma_start3A_384 = arith.constant 0 : i32
        %dma_start3A_385 = arith.constant 0 : i32
        %dma_start3A_386 = tpu.memref_slice %arg4[%dma_start3A_384, %dma_start3A_385] : memref<10112x16xf32, #tpu.memory_space<hbm>> -> memref<10112x16xf32, #tpu.memory_space<hbm>>
        tpu.enqueue_indirect_dma source(%dma_start3A_386 : memref<10112x16xf32, #tpu.memory_space<hbm>>) target(%arg12 : memref<128x16xf32, #tpu.memory_space<vmem>>) offsets(%dma_start3A_383 : memref<128xi32, #tpu.memory_space<vmem>>) semaphore(%arg21 : memref<!tpu.dma_semaphore, #tpu.memory_space<semaphore_mem>>)
      } else {
      }
    }
    %while3A_77 = arith.constant 1 : i32
    scf.for %while3A_161 = %while3A_75 to %while3A_71 step %while3A_77  : i32 {
      %mul3A_162 = arith.constant 8 : i32
      %mul3A_163 = arith.muli %while3A_161, %mul3A_162 : i32
      %add3A_164 = arith.constant 0 : i32
      %add3A_165 = arith.addi %mul3A_163, %add3A_164 : i32
      %dma_wait3A_166 = arith.constant 0 : i32
      %dma_wait3A_167 = tpu.memref_slice %arg7[%add3A_165, %dma_wait3A_166] : memref<104x128xi32, #tpu.memory_space<vmem>> -> memref<1x128xi32, #tpu.memory_space<vmem>>
      %dma_wait3A_168 = tpu.memref_squeeze %dma_wait3A_167 : memref<1x128xi32, #tpu.memory_space<vmem>> -> memref<128xi32, #tpu.memory_space<vmem>>
      %dma_wait3A_169 = arith.constant 0 : i32
      %dma_wait3A_170 = arith.constant 0 : i32
      %dma_wait3A_171 = tpu.memref_slice %arg4[%dma_wait3A_169, %dma_wait3A_170] : memref<10112x16xf32, #tpu.memory_space<hbm>> -> memref<10112x16xf32, #tpu.memory_space<hbm>>
      tpu.wait_indirect_dma semaphore(%arg18 : memref<!tpu.dma_semaphore, #tpu.memory_space<semaphore_mem>>) src(%dma_wait3A_171 : memref<10112x16xf32, #tpu.memory_space<hbm>>) dst(%arg9 : memref<128x16xf32, #tpu.memory_space<vmem>>)
      %dma_start3A_172 = arith.constant 0 : i32
      %dma_start3A_173 = tpu.memref_slice %arg8[%add3A_165, %dma_start3A_172] : memref<104x128xi32, #tpu.memory_space<vmem>> -> memref<1x128xi32, #tpu.memory_space<vmem>>
      %dma_start3A_174 = tpu.memref_squeeze %dma_start3A_173 : memref<1x128xi32, #tpu.memory_space<vmem>> -> memref<128xi32, #tpu.memory_space<vmem>>
      %dma_start3A_175 = arith.constant 0 : i32
      %dma_start3A_176 = arith.constant 0 : i32
      %dma_start3A_177 = tpu.memref_slice %arg17[%dma_start3A_175, %dma_start3A_176] : memref<10112x16xf32, #tpu.memory_space<vmem_shared>> -> memref<10112x16xf32, #tpu.memory_space<vmem_shared>>
      tpu.enqueue_indirect_dma source(%arg9 : memref<128x16xf32, #tpu.memory_space<vmem>>) target(%dma_start3A_177 : memref<10112x16xf32, #tpu.memory_space<vmem_shared>>) offsets(%dma_start3A_174 : memref<128xi32, #tpu.memory_space<vmem>>) semaphore(%arg26 : memref<!tpu.dma_semaphore, #tpu.memory_space<semaphore_mem>>) {add = true}
      %sub3A_178 = arith.constant 4 : i32
      %sub3A_179 = arith.subi %add3A_165, %sub3A_178 : i32
      %ge3A = arith.constant 0 : i32
      %ge3A_180 = arith.cmpi sge, %sub3A_179, %ge3A : i32
      %add3A_181 = arith.constant 8 : i32
      %add3A_182 = arith.addi %sub3A_179, %add3A_181 : i32
      %lt3A = arith.cmpi slt, %add3A_182, %select_n3A_6 : i32
      %and3A = arith.andi %ge3A_180, %lt3A : i1
      %convert_element_type3A = arith.extui %and3A : i1 to i32
      %cond3A = arith.constant 0 : i32
      %cond3A_183 = arith.cmpi ne, %convert_element_type3A, %cond3A : i32
      scf.if %cond3A_183 {
        %dma_wait3A_373 = arith.constant 0 : i32
        %dma_wait3A_374 = tpu.memref_slice %arg8[%sub3A_179, %dma_wait3A_373] : memref<104x128xi32, #tpu.memory_space<vmem>> -> memref<1x128xi32, #tpu.memory_space<vmem>>
        %dma_wait3A_375 = tpu.memref_squeeze %dma_wait3A_374 : memref<1x128xi32, #tpu.memory_space<vmem>> -> memref<128xi32, #tpu.memory_space<vmem>>
        %dma_wait3A_376 = arith.constant 0 : i32
        %dma_wait3A_377 = arith.constant 0 : i32
        %dma_wait3A_378 = tpu.memref_slice %arg17[%dma_wait3A_376, %dma_wait3A_377] : memref<10112x16xf32, #tpu.memory_space<vmem_shared>> -> memref<10112x16xf32, #tpu.memory_space<vmem_shared>>
        tpu.wait_indirect_dma semaphore(%arg30 : memref<!tpu.dma_semaphore, #tpu.memory_space<semaphore_mem>>) src(%arg13 : memref<128x16xf32, #tpu.memory_space<vmem>>) dst(%dma_wait3A_378 : memref<10112x16xf32, #tpu.memory_space<vmem_shared>>)
        %add3A_379 = arith.constant 8 : i32
        %add3A_380 = arith.addi %sub3A_179, %add3A_379 : i32
        %dma_start3A_381 = arith.constant 0 : i32
        %dma_start3A_382 = tpu.memref_slice %arg7[%add3A_380, %dma_start3A_381] : memref<104x128xi32, #tpu.memory_space<vmem>> -> memref<1x128xi32, #tpu.memory_space<vmem>>
        %dma_start3A_383 = tpu.memref_squeeze %dma_start3A_382 : memref<1x128xi32, #tpu.memory_space<vmem>> -> memref<128xi32, #tpu.memory_space<vmem>>
        %dma_start3A_384 = arith.constant 0 : i32
        %dma_start3A_385 = arith.constant 0 : i32
        %dma_start3A_386 = tpu.memref_slice %arg4[%dma_start3A_384, %dma_start3A_385] : memref<10112x16xf32, #tpu.memory_space<hbm>> -> memref<10112x16xf32, #tpu.memory_space<hbm>>
        tpu.enqueue_indirect_dma source(%dma_start3A_386 : memref<10112x16xf32, #tpu.memory_space<hbm>>) target(%arg13 : memref<128x16xf32, #tpu.memory_space<vmem>>) offsets(%dma_start3A_383 : memref<128xi32, #tpu.memory_space<vmem>>) semaphore(%arg22 : memref<!tpu.dma_semaphore, #tpu.memory_space<semaphore_mem>>)
      } else {
      }
      %mul3A_184 = arith.constant 8 : i32
      %mul3A_185 = arith.muli %while3A_161, %mul3A_184 : i32
      %add3A_186 = arith.constant 1 : i32
      %add3A_187 = arith.addi %mul3A_185, %add3A_186 : i32
      %dma_wait3A_188 = arith.constant 0 : i32
      %dma_wait3A_189 = tpu.memref_slice %arg7[%add3A_187, %dma_wait3A_188] : memref<104x128xi32, #tpu.memory_space<vmem>> -> memref<1x128xi32, #tpu.memory_space<vmem>>
      %dma_wait3A_190 = tpu.memref_squeeze %dma_wait3A_189 : memref<1x128xi32, #tpu.memory_space<vmem>> -> memref<128xi32, #tpu.memory_space<vmem>>
      %dma_wait3A_191 = arith.constant 0 : i32
      %dma_wait3A_192 = arith.constant 0 : i32
      %dma_wait3A_193 = tpu.memref_slice %arg4[%dma_wait3A_191, %dma_wait3A_192] : memref<10112x16xf32, #tpu.memory_space<hbm>> -> memref<10112x16xf32, #tpu.memory_space<hbm>>
      tpu.wait_indirect_dma semaphore(%arg19 : memref<!tpu.dma_semaphore, #tpu.memory_space<semaphore_mem>>) src(%dma_wait3A_193 : memref<10112x16xf32, #tpu.memory_space<hbm>>) dst(%arg10 : memref<128x16xf32, #tpu.memory_space<vmem>>)
      %dma_start3A_194 = arith.constant 0 : i32
      %dma_start3A_195 = tpu.memref_slice %arg8[%add3A_187, %dma_start3A_194] : memref<104x128xi32, #tpu.memory_space<vmem>> -> memref<1x128xi32, #tpu.memory_space<vmem>>
      %dma_start3A_196 = tpu.memref_squeeze %dma_start3A_195 : memref<1x128xi32, #tpu.memory_space<vmem>> -> memref<128xi32, #tpu.memory_space<vmem>>
      %dma_start3A_197 = arith.constant 0 : i32
      %dma_start3A_198 = arith.constant 0 : i32
      %dma_start3A_199 = tpu.memref_slice %arg17[%dma_start3A_197, %dma_start3A_198] : memref<10112x16xf32, #tpu.memory_space<vmem_shared>> -> memref<10112x16xf32, #tpu.memory_space<vmem_shared>>
      tpu.enqueue_indirect_dma source(%arg10 : memref<128x16xf32, #tpu.memory_space<vmem>>) target(%dma_start3A_199 : memref<10112x16xf32, #tpu.memory_space<vmem_shared>>) offsets(%dma_start3A_196 : memref<128xi32, #tpu.memory_space<vmem>>) semaphore(%arg27 : memref<!tpu.dma_semaphore, #tpu.memory_space<semaphore_mem>>) {add = true}
      %sub3A_200 = arith.constant 4 : i32
      %sub3A_201 = arith.subi %add3A_187, %sub3A_200 : i32
      %ge3A_202 = arith.constant 0 : i32
      %ge3A_203 = arith.cmpi sge, %sub3A_201, %ge3A_202 : i32
      %add3A_204 = arith.constant 8 : i32
      %add3A_205 = arith.addi %sub3A_201, %add3A_204 : i32
      %lt3A_206 = arith.cmpi slt, %add3A_205, %select_n3A_6 : i32
      %and3A_207 = arith.andi %ge3A_203, %lt3A_206 : i1
      %convert_element_type3A_208 = arith.extui %and3A_207 : i1 to i32
      %cond3A_209 = arith.constant 0 : i32
      %cond3A_210 = arith.cmpi ne, %convert_element_type3A_208, %cond3A_209 : i32
      scf.if %cond3A_210 {
        %dma_wait3A_373 = arith.constant 0 : i32
        %dma_wait3A_374 = tpu.memref_slice %arg8[%sub3A_201, %dma_wait3A_373] : memref<104x128xi32, #tpu.memory_space<vmem>> -> memref<1x128xi32, #tpu.memory_space<vmem>>
        %dma_wait3A_375 = tpu.memref_squeeze %dma_wait3A_374 : memref<1x128xi32, #tpu.memory_space<vmem>> -> memref<128xi32, #tpu.memory_space<vmem>>
        %dma_wait3A_376 = arith.constant 0 : i32
        %dma_wait3A_377 = arith.constant 0 : i32
        %dma_wait3A_378 = tpu.memref_slice %arg17[%dma_wait3A_376, %dma_wait3A_377] : memref<10112x16xf32, #tpu.memory_space<vmem_shared>> -> memref<10112x16xf32, #tpu.memory_space<vmem_shared>>
        tpu.wait_indirect_dma semaphore(%arg31 : memref<!tpu.dma_semaphore, #tpu.memory_space<semaphore_mem>>) src(%arg14 : memref<128x16xf32, #tpu.memory_space<vmem>>) dst(%dma_wait3A_378 : memref<10112x16xf32, #tpu.memory_space<vmem_shared>>)
        %add3A_379 = arith.constant 8 : i32
        %add3A_380 = arith.addi %sub3A_201, %add3A_379 : i32
        %dma_start3A_381 = arith.constant 0 : i32
        %dma_start3A_382 = tpu.memref_slice %arg7[%add3A_380, %dma_start3A_381] : memref<104x128xi32, #tpu.memory_space<vmem>> -> memref<1x128xi32, #tpu.memory_space<vmem>>
        %dma_start3A_383 = tpu.memref_squeeze %dma_start3A_382 : memref<1x128xi32, #tpu.memory_space<vmem>> -> memref<128xi32, #tpu.memory_space<vmem>>
        %dma_start3A_384 = arith.constant 0 : i32
        %dma_start3A_385 = arith.constant 0 : i32
        %dma_start3A_386 = tpu.memref_slice %arg4[%dma_start3A_384, %dma_start3A_385] : memref<10112x16xf32, #tpu.memory_space<hbm>> -> memref<10112x16xf32, #tpu.memory_space<hbm>>
        tpu.enqueue_indirect_dma source(%dma_start3A_386 : memref<10112x16xf32, #tpu.memory_space<hbm>>) target(%arg14 : memref<128x16xf32, #tpu.memory_space<vmem>>) offsets(%dma_start3A_383 : memref<128xi32, #tpu.memory_space<vmem>>) semaphore(%arg23 : memref<!tpu.dma_semaphore, #tpu.memory_space<semaphore_mem>>)
      } else {
      }
      %mul3A_211 = arith.constant 8 : i32
      %mul3A_212 = arith.muli %while3A_161, %mul3A_211 : i32
      %add3A_213 = arith.constant 2 : i32
      %add3A_214 = arith.addi %mul3A_212, %add3A_213 : i32
      %dma_wait3A_215 = arith.constant 0 : i32
      %dma_wait3A_216 = tpu.memref_slice %arg7[%add3A_214, %dma_wait3A_215] : memref<104x128xi32, #tpu.memory_space<vmem>> -> memref<1x128xi32, #tpu.memory_space<vmem>>
      %dma_wait3A_217 = tpu.memref_squeeze %dma_wait3A_216 : memref<1x128xi32, #tpu.memory_space<vmem>> -> memref<128xi32, #tpu.memory_space<vmem>>
      %dma_wait3A_218 = arith.constant 0 : i32
      %dma_wait3A_219 = arith.constant 0 : i32
      %dma_wait3A_220 = tpu.memref_slice %arg4[%dma_wait3A_218, %dma_wait3A_219] : memref<10112x16xf32, #tpu.memory_space<hbm>> -> memref<10112x16xf32, #tpu.memory_space<hbm>>
      tpu.wait_indirect_dma semaphore(%arg20 : memref<!tpu.dma_semaphore, #tpu.memory_space<semaphore_mem>>) src(%dma_wait3A_220 : memref<10112x16xf32, #tpu.memory_space<hbm>>) dst(%arg11 : memref<128x16xf32, #tpu.memory_space<vmem>>)
      %dma_start3A_221 = arith.constant 0 : i32
      %dma_start3A_222 = tpu.memref_slice %arg8[%add3A_214, %dma_start3A_221] : memref<104x128xi32, #tpu.memory_space<vmem>> -> memref<1x128xi32, #tpu.memory_space<vmem>>
      %dma_start3A_223 = tpu.memref_squeeze %dma_start3A_222 : memref<1x128xi32, #tpu.memory_space<vmem>> -> memref<128xi32, #tpu.memory_space<vmem>>
      %dma_start3A_224 = arith.constant 0 : i32
      %dma_start3A_225 = arith.constant 0 : i32
      %dma_start3A_226 = tpu.memref_slice %arg17[%dma_start3A_224, %dma_start3A_225] : memref<10112x16xf32, #tpu.memory_space<vmem_shared>> -> memref<10112x16xf32, #tpu.memory_space<vmem_shared>>
      tpu.enqueue_indirect_dma source(%arg11 : memref<128x16xf32, #tpu.memory_space<vmem>>) target(%dma_start3A_226 : memref<10112x16xf32, #tpu.memory_space<vmem_shared>>) offsets(%dma_start3A_223 : memref<128xi32, #tpu.memory_space<vmem>>) semaphore(%arg28 : memref<!tpu.dma_semaphore, #tpu.memory_space<semaphore_mem>>) {add = true}
      %sub3A_227 = arith.constant 4 : i32
      %sub3A_228 = arith.subi %add3A_214, %sub3A_227 : i32
      %ge3A_229 = arith.constant 0 : i32
      %ge3A_230 = arith.cmpi sge, %sub3A_228, %ge3A_229 : i32
      %add3A_231 = arith.constant 8 : i32
      %add3A_232 = arith.addi %sub3A_228, %add3A_231 : i32
      %lt3A_233 = arith.cmpi slt, %add3A_232, %select_n3A_6 : i32
      %and3A_234 = arith.andi %ge3A_230, %lt3A_233 : i1
      %convert_element_type3A_235 = arith.extui %and3A_234 : i1 to i32
      %cond3A_236 = arith.constant 0 : i32
      %cond3A_237 = arith.cmpi ne, %convert_element_type3A_235, %cond3A_236 : i32
      scf.if %cond3A_237 {
        %dma_wait3A_373 = arith.constant 0 : i32
        %dma_wait3A_374 = tpu.memref_slice %arg8[%sub3A_228, %dma_wait3A_373] : memref<104x128xi32, #tpu.memory_space<vmem>> -> memref<1x128xi32, #tpu.memory_space<vmem>>
        %dma_wait3A_375 = tpu.memref_squeeze %dma_wait3A_374 : memref<1x128xi32, #tpu.memory_space<vmem>> -> memref<128xi32, #tpu.memory_space<vmem>>
        %dma_wait3A_376 = arith.constant 0 : i32
        %dma_wait3A_377 = arith.constant 0 : i32
        %dma_wait3A_378 = tpu.memref_slice %arg17[%dma_wait3A_376, %dma_wait3A_377] : memref<10112x16xf32, #tpu.memory_space<vmem_shared>> -> memref<10112x16xf32, #tpu.memory_space<vmem_shared>>
        tpu.wait_indirect_dma semaphore(%arg32 : memref<!tpu.dma_semaphore, #tpu.memory_space<semaphore_mem>>) src(%arg15 : memref<128x16xf32, #tpu.memory_space<vmem>>) dst(%dma_wait3A_378 : memref<10112x16xf32, #tpu.memory_space<vmem_shared>>)
        %add3A_379 = arith.constant 8 : i32
        %add3A_380 = arith.addi %sub3A_228, %add3A_379 : i32
        %dma_start3A_381 = arith.constant 0 : i32
        %dma_start3A_382 = tpu.memref_slice %arg7[%add3A_380, %dma_start3A_381] : memref<104x128xi32, #tpu.memory_space<vmem>> -> memref<1x128xi32, #tpu.memory_space<vmem>>
        %dma_start3A_383 = tpu.memref_squeeze %dma_start3A_382 : memref<1x128xi32, #tpu.memory_space<vmem>> -> memref<128xi32, #tpu.memory_space<vmem>>
        %dma_start3A_384 = arith.constant 0 : i32
        %dma_start3A_385 = arith.constant 0 : i32
        %dma_start3A_386 = tpu.memref_slice %arg4[%dma_start3A_384, %dma_start3A_385] : memref<10112x16xf32, #tpu.memory_space<hbm>> -> memref<10112x16xf32, #tpu.memory_space<hbm>>
        tpu.enqueue_indirect_dma source(%dma_start3A_386 : memref<10112x16xf32, #tpu.memory_space<hbm>>) target(%arg15 : memref<128x16xf32, #tpu.memory_space<vmem>>) offsets(%dma_start3A_383 : memref<128xi32, #tpu.memory_space<vmem>>) semaphore(%arg24 : memref<!tpu.dma_semaphore, #tpu.memory_space<semaphore_mem>>)
      } else {
      }
      %mul3A_238 = arith.constant 8 : i32
      %mul3A_239 = arith.muli %while3A_161, %mul3A_238 : i32
      %add3A_240 = arith.constant 3 : i32
      %add3A_241 = arith.addi %mul3A_239, %add3A_240 : i32
      %dma_wait3A_242 = arith.constant 0 : i32
      %dma_wait3A_243 = tpu.memref_slice %arg7[%add3A_241, %dma_wait3A_242] : memref<104x128xi32, #tpu.memory_space<vmem>> -> memref<1x128xi32, #tpu.memory_space<vmem>>
      %dma_wait3A_244 = tpu.memref_squeeze %dma_wait3A_243 : memref<1x128xi32, #tpu.memory_space<vmem>> -> memref<128xi32, #tpu.memory_space<vmem>>
      %dma_wait3A_245 = arith.constant 0 : i32
      %dma_wait3A_246 = arith.constant 0 : i32
      %dma_wait3A_247 = tpu.memref_slice %arg4[%dma_wait3A_245, %dma_wait3A_246] : memref<10112x16xf32, #tpu.memory_space<hbm>> -> memref<10112x16xf32, #tpu.memory_space<hbm>>
      tpu.wait_indirect_dma semaphore(%arg21 : memref<!tpu.dma_semaphore, #tpu.memory_space<semaphore_mem>>) src(%dma_wait3A_247 : memref<10112x16xf32, #tpu.memory_space<hbm>>) dst(%arg12 : memref<128x16xf32, #tpu.memory_space<vmem>>)
      %dma_start3A_248 = arith.constant 0 : i32
      %dma_start3A_249 = tpu.memref_slice %arg8[%add3A_241, %dma_start3A_248] : memref<104x128xi32, #tpu.memory_space<vmem>> -> memref<1x128xi32, #tpu.memory_space<vmem>>
      %dma_start3A_250 = tpu.memref_squeeze %dma_start3A_249 : memref<1x128xi32, #tpu.memory_space<vmem>> -> memref<128xi32, #tpu.memory_space<vmem>>
      %dma_start3A_251 = arith.constant 0 : i32
      %dma_start3A_252 = arith.constant 0 : i32
      %dma_start3A_253 = tpu.memref_slice %arg17[%dma_start3A_251, %dma_start3A_252] : memref<10112x16xf32, #tpu.memory_space<vmem_shared>> -> memref<10112x16xf32, #tpu.memory_space<vmem_shared>>
      tpu.enqueue_indirect_dma source(%arg12 : memref<128x16xf32, #tpu.memory_space<vmem>>) target(%dma_start3A_253 : memref<10112x16xf32, #tpu.memory_space<vmem_shared>>) offsets(%dma_start3A_250 : memref<128xi32, #tpu.memory_space<vmem>>) semaphore(%arg29 : memref<!tpu.dma_semaphore, #tpu.memory_space<semaphore_mem>>) {add = true}
      %sub3A_254 = arith.constant 4 : i32
      %sub3A_255 = arith.subi %add3A_241, %sub3A_254 : i32
      %ge3A_256 = arith.constant 0 : i32
      %ge3A_257 = arith.cmpi sge, %sub3A_255, %ge3A_256 : i32
      %add3A_258 = arith.constant 8 : i32
      %add3A_259 = arith.addi %sub3A_255, %add3A_258 : i32
      %lt3A_260 = arith.cmpi slt, %add3A_259, %select_n3A_6 : i32
      %and3A_261 = arith.andi %ge3A_257, %lt3A_260 : i1
      %convert_element_type3A_262 = arith.extui %and3A_261 : i1 to i32
      %cond3A_263 = arith.constant 0 : i32
      %cond3A_264 = arith.cmpi ne, %convert_element_type3A_262, %cond3A_263 : i32
      scf.if %cond3A_264 {
        %dma_wait3A_373 = arith.constant 0 : i32
        %dma_wait3A_374 = tpu.memref_slice %arg8[%sub3A_255, %dma_wait3A_373] : memref<104x128xi32, #tpu.memory_space<vmem>> -> memref<1x128xi32, #tpu.memory_space<vmem>>
        %dma_wait3A_375 = tpu.memref_squeeze %dma_wait3A_374 : memref<1x128xi32, #tpu.memory_space<vmem>> -> memref<128xi32, #tpu.memory_space<vmem>>
        %dma_wait3A_376 = arith.constant 0 : i32
        %dma_wait3A_377 = arith.constant 0 : i32
        %dma_wait3A_378 = tpu.memref_slice %arg17[%dma_wait3A_376, %dma_wait3A_377] : memref<10112x16xf32, #tpu.memory_space<vmem_shared>> -> memref<10112x16xf32, #tpu.memory_space<vmem_shared>>
        tpu.wait_indirect_dma semaphore(%arg33 : memref<!tpu.dma_semaphore, #tpu.memory_space<semaphore_mem>>) src(%arg16 : memref<128x16xf32, #tpu.memory_space<vmem>>) dst(%dma_wait3A_378 : memref<10112x16xf32, #tpu.memory_space<vmem_shared>>)
        %add3A_379 = arith.constant 8 : i32
        %add3A_380 = arith.addi %sub3A_255, %add3A_379 : i32
        %dma_start3A_381 = arith.constant 0 : i32
        %dma_start3A_382 = tpu.memref_slice %arg7[%add3A_380, %dma_start3A_381] : memref<104x128xi32, #tpu.memory_space<vmem>> -> memref<1x128xi32, #tpu.memory_space<vmem>>
        %dma_start3A_383 = tpu.memref_squeeze %dma_start3A_382 : memref<1x128xi32, #tpu.memory_space<vmem>> -> memref<128xi32, #tpu.memory_space<vmem>>
        %dma_start3A_384 = arith.constant 0 : i32
        %dma_start3A_385 = arith.constant 0 : i32
        %dma_start3A_386 = tpu.memref_slice %arg4[%dma_start3A_384, %dma_start3A_385] : memref<10112x16xf32, #tpu.memory_space<hbm>> -> memref<10112x16xf32, #tpu.memory_space<hbm>>
        tpu.enqueue_indirect_dma source(%dma_start3A_386 : memref<10112x16xf32, #tpu.memory_space<hbm>>) target(%arg16 : memref<128x16xf32, #tpu.memory_space<vmem>>) offsets(%dma_start3A_383 : memref<128xi32, #tpu.memory_space<vmem>>) semaphore(%arg25 : memref<!tpu.dma_semaphore, #tpu.memory_space<semaphore_mem>>)
      } else {
      }
      %mul3A_265 = arith.constant 8 : i32
      %mul3A_266 = arith.muli %while3A_161, %mul3A_265 : i32
      %add3A_267 = arith.constant 4 : i32
      %add3A_268 = arith.addi %mul3A_266, %add3A_267 : i32
      %dma_wait3A_269 = arith.constant 0 : i32
      %dma_wait3A_270 = tpu.memref_slice %arg7[%add3A_268, %dma_wait3A_269] : memref<104x128xi32, #tpu.memory_space<vmem>> -> memref<1x128xi32, #tpu.memory_space<vmem>>
      %dma_wait3A_271 = tpu.memref_squeeze %dma_wait3A_270 : memref<1x128xi32, #tpu.memory_space<vmem>> -> memref<128xi32, #tpu.memory_space<vmem>>
      %dma_wait3A_272 = arith.constant 0 : i32
      %dma_wait3A_273 = arith.constant 0 : i32
      %dma_wait3A_274 = tpu.memref_slice %arg4[%dma_wait3A_272, %dma_wait3A_273] : memref<10112x16xf32, #tpu.memory_space<hbm>> -> memref<10112x16xf32, #tpu.memory_space<hbm>>
      tpu.wait_indirect_dma semaphore(%arg22 : memref<!tpu.dma_semaphore, #tpu.memory_space<semaphore_mem>>) src(%dma_wait3A_274 : memref<10112x16xf32, #tpu.memory_space<hbm>>) dst(%arg13 : memref<128x16xf32, #tpu.memory_space<vmem>>)
      %dma_start3A_275 = arith.constant 0 : i32
      %dma_start3A_276 = tpu.memref_slice %arg8[%add3A_268, %dma_start3A_275] : memref<104x128xi32, #tpu.memory_space<vmem>> -> memref<1x128xi32, #tpu.memory_space<vmem>>
      %dma_start3A_277 = tpu.memref_squeeze %dma_start3A_276 : memref<1x128xi32, #tpu.memory_space<vmem>> -> memref<128xi32, #tpu.memory_space<vmem>>
      %dma_start3A_278 = arith.constant 0 : i32
      %dma_start3A_279 = arith.constant 0 : i32
      %dma_start3A_280 = tpu.memref_slice %arg17[%dma_start3A_278, %dma_start3A_279] : memref<10112x16xf32, #tpu.memory_space<vmem_shared>> -> memref<10112x16xf32, #tpu.memory_space<vmem_shared>>
      tpu.enqueue_indirect_dma source(%arg13 : memref<128x16xf32, #tpu.memory_space<vmem>>) target(%dma_start3A_280 : memref<10112x16xf32, #tpu.memory_space<vmem_shared>>) offsets(%dma_start3A_277 : memref<128xi32, #tpu.memory_space<vmem>>) semaphore(%arg30 : memref<!tpu.dma_semaphore, #tpu.memory_space<semaphore_mem>>) {add = true}
      %sub3A_281 = arith.constant 4 : i32
      %sub3A_282 = arith.subi %add3A_268, %sub3A_281 : i32
      %ge3A_283 = arith.constant 0 : i32
      %ge3A_284 = arith.cmpi sge, %sub3A_282, %ge3A_283 : i32
      %add3A_285 = arith.constant 8 : i32
      %add3A_286 = arith.addi %sub3A_282, %add3A_285 : i32
      %lt3A_287 = arith.cmpi slt, %add3A_286, %select_n3A_6 : i32
      %and3A_288 = arith.andi %ge3A_284, %lt3A_287 : i1
      %convert_element_type3A_289 = arith.extui %and3A_288 : i1 to i32
      %cond3A_290 = arith.constant 0 : i32
      %cond3A_291 = arith.cmpi ne, %convert_element_type3A_289, %cond3A_290 : i32
      scf.if %cond3A_291 {
        %dma_wait3A_373 = arith.constant 0 : i32
        %dma_wait3A_374 = tpu.memref_slice %arg8[%sub3A_282, %dma_wait3A_373] : memref<104x128xi32, #tpu.memory_space<vmem>> -> memref<1x128xi32, #tpu.memory_space<vmem>>
        %dma_wait3A_375 = tpu.memref_squeeze %dma_wait3A_374 : memref<1x128xi32, #tpu.memory_space<vmem>> -> memref<128xi32, #tpu.memory_space<vmem>>
        %dma_wait3A_376 = arith.constant 0 : i32
        %dma_wait3A_377 = arith.constant 0 : i32
        %dma_wait3A_378 = tpu.memref_slice %arg17[%dma_wait3A_376, %dma_wait3A_377] : memref<10112x16xf32, #tpu.memory_space<vmem_shared>> -> memref<10112x16xf32, #tpu.memory_space<vmem_shared>>
        tpu.wait_indirect_dma semaphore(%arg26 : memref<!tpu.dma_semaphore, #tpu.memory_space<semaphore_mem>>) src(%arg9 : memref<128x16xf32, #tpu.memory_space<vmem>>) dst(%dma_wait3A_378 : memref<10112x16xf32, #tpu.memory_space<vmem_shared>>)
        %add3A_379 = arith.constant 8 : i32
        %add3A_380 = arith.addi %sub3A_282, %add3A_379 : i32
        %dma_start3A_381 = arith.constant 0 : i32
        %dma_start3A_382 = tpu.memref_slice %arg7[%add3A_380, %dma_start3A_381] : memref<104x128xi32, #tpu.memory_space<vmem>> -> memref<1x128xi32, #tpu.memory_space<vmem>>
        %dma_start3A_383 = tpu.memref_squeeze %dma_start3A_382 : memref<1x128xi32, #tpu.memory_space<vmem>> -> memref<128xi32, #tpu.memory_space<vmem>>
        %dma_start3A_384 = arith.constant 0 : i32
        %dma_start3A_385 = arith.constant 0 : i32
        %dma_start3A_386 = tpu.memref_slice %arg4[%dma_start3A_384, %dma_start3A_385] : memref<10112x16xf32, #tpu.memory_space<hbm>> -> memref<10112x16xf32, #tpu.memory_space<hbm>>
        tpu.enqueue_indirect_dma source(%dma_start3A_386 : memref<10112x16xf32, #tpu.memory_space<hbm>>) target(%arg9 : memref<128x16xf32, #tpu.memory_space<vmem>>) offsets(%dma_start3A_383 : memref<128xi32, #tpu.memory_space<vmem>>) semaphore(%arg18 : memref<!tpu.dma_semaphore, #tpu.memory_space<semaphore_mem>>)
      } else {
      }
      %mul3A_292 = arith.constant 8 : i32
      %mul3A_293 = arith.muli %while3A_161, %mul3A_292 : i32
      %add3A_294 = arith.constant 5 : i32
      %add3A_295 = arith.addi %mul3A_293, %add3A_294 : i32
      %dma_wait3A_296 = arith.constant 0 : i32
      %dma_wait3A_297 = tpu.memref_slice %arg7[%add3A_295, %dma_wait3A_296] : memref<104x128xi32, #tpu.memory_space<vmem>> -> memref<1x128xi32, #tpu.memory_space<vmem>>
      %dma_wait3A_298 = tpu.memref_squeeze %dma_wait3A_297 : memref<1x128xi32, #tpu.memory_space<vmem>> -> memref<128xi32, #tpu.memory_space<vmem>>
      %dma_wait3A_299 = arith.constant 0 : i32
      %dma_wait3A_300 = arith.constant 0 : i32
      %dma_wait3A_301 = tpu.memref_slice %arg4[%dma_wait3A_299, %dma_wait3A_300] : memref<10112x16xf32, #tpu.memory_space<hbm>> -> memref<10112x16xf32, #tpu.memory_space<hbm>>
      tpu.wait_indirect_dma semaphore(%arg23 : memref<!tpu.dma_semaphore, #tpu.memory_space<semaphore_mem>>) src(%dma_wait3A_301 : memref<10112x16xf32, #tpu.memory_space<hbm>>) dst(%arg14 : memref<128x16xf32, #tpu.memory_space<vmem>>)
      %dma_start3A_302 = arith.constant 0 : i32
      %dma_start3A_303 = tpu.memref_slice %arg8[%add3A_295, %dma_start3A_302] : memref<104x128xi32, #tpu.memory_space<vmem>> -> memref<1x128xi32, #tpu.memory_space<vmem>>
      %dma_start3A_304 = tpu.memref_squeeze %dma_start3A_303 : memref<1x128xi32, #tpu.memory_space<vmem>> -> memref<128xi32, #tpu.memory_space<vmem>>
      %dma_start3A_305 = arith.constant 0 : i32
      %dma_start3A_306 = arith.constant 0 : i32
      %dma_start3A_307 = tpu.memref_slice %arg17[%dma_start3A_305, %dma_start3A_306] : memref<10112x16xf32, #tpu.memory_space<vmem_shared>> -> memref<10112x16xf32, #tpu.memory_space<vmem_shared>>
      tpu.enqueue_indirect_dma source(%arg14 : memref<128x16xf32, #tpu.memory_space<vmem>>) target(%dma_start3A_307 : memref<10112x16xf32, #tpu.memory_space<vmem_shared>>) offsets(%dma_start3A_304 : memref<128xi32, #tpu.memory_space<vmem>>) semaphore(%arg31 : memref<!tpu.dma_semaphore, #tpu.memory_space<semaphore_mem>>) {add = true}
      %sub3A_308 = arith.constant 4 : i32
      %sub3A_309 = arith.subi %add3A_295, %sub3A_308 : i32
      %ge3A_310 = arith.constant 0 : i32
      %ge3A_311 = arith.cmpi sge, %sub3A_309, %ge3A_310 : i32
      %add3A_312 = arith.constant 8 : i32
      %add3A_313 = arith.addi %sub3A_309, %add3A_312 : i32
      %lt3A_314 = arith.cmpi slt, %add3A_313, %select_n3A_6 : i32
      %and3A_315 = arith.andi %ge3A_311, %lt3A_314 : i1
      %convert_element_type3A_316 = arith.extui %and3A_315 : i1 to i32
      %cond3A_317 = arith.constant 0 : i32
      %cond3A_318 = arith.cmpi ne, %convert_element_type3A_316, %cond3A_317 : i32
      scf.if %cond3A_318 {
        %dma_wait3A_373 = arith.constant 0 : i32
        %dma_wait3A_374 = tpu.memref_slice %arg8[%sub3A_309, %dma_wait3A_373] : memref<104x128xi32, #tpu.memory_space<vmem>> -> memref<1x128xi32, #tpu.memory_space<vmem>>
        %dma_wait3A_375 = tpu.memref_squeeze %dma_wait3A_374 : memref<1x128xi32, #tpu.memory_space<vmem>> -> memref<128xi32, #tpu.memory_space<vmem>>
        %dma_wait3A_376 = arith.constant 0 : i32
        %dma_wait3A_377 = arith.constant 0 : i32
        %dma_wait3A_378 = tpu.memref_slice %arg17[%dma_wait3A_376, %dma_wait3A_377] : memref<10112x16xf32, #tpu.memory_space<vmem_shared>> -> memref<10112x16xf32, #tpu.memory_space<vmem_shared>>
        tpu.wait_indirect_dma semaphore(%arg27 : memref<!tpu.dma_semaphore, #tpu.memory_space<semaphore_mem>>) src(%arg10 : memref<128x16xf32, #tpu.memory_space<vmem>>) dst(%dma_wait3A_378 : memref<10112x16xf32, #tpu.memory_space<vmem_shared>>)
        %add3A_379 = arith.constant 8 : i32
        %add3A_380 = arith.addi %sub3A_309, %add3A_379 : i32
        %dma_start3A_381 = arith.constant 0 : i32
        %dma_start3A_382 = tpu.memref_slice %arg7[%add3A_380, %dma_start3A_381] : memref<104x128xi32, #tpu.memory_space<vmem>> -> memref<1x128xi32, #tpu.memory_space<vmem>>
        %dma_start3A_383 = tpu.memref_squeeze %dma_start3A_382 : memref<1x128xi32, #tpu.memory_space<vmem>> -> memref<128xi32, #tpu.memory_space<vmem>>
        %dma_start3A_384 = arith.constant 0 : i32
        %dma_start3A_385 = arith.constant 0 : i32
        %dma_start3A_386 = tpu.memref_slice %arg4[%dma_start3A_384, %dma_start3A_385] : memref<10112x16xf32, #tpu.memory_space<hbm>> -> memref<10112x16xf32, #tpu.memory_space<hbm>>
        tpu.enqueue_indirect_dma source(%dma_start3A_386 : memref<10112x16xf32, #tpu.memory_space<hbm>>) target(%arg10 : memref<128x16xf32, #tpu.memory_space<vmem>>) offsets(%dma_start3A_383 : memref<128xi32, #tpu.memory_space<vmem>>) semaphore(%arg19 : memref<!tpu.dma_semaphore, #tpu.memory_space<semaphore_mem>>)
      } else {
      }
      %mul3A_319 = arith.constant 8 : i32
      %mul3A_320 = arith.muli %while3A_161, %mul3A_319 : i32
      %add3A_321 = arith.constant 6 : i32
      %add3A_322 = arith.addi %mul3A_320, %add3A_321 : i32
      %dma_wait3A_323 = arith.constant 0 : i32
      %dma_wait3A_324 = tpu.memref_slice %arg7[%add3A_322, %dma_wait3A_323] : memref<104x128xi32, #tpu.memory_space<vmem>> -> memref<1x128xi32, #tpu.memory_space<vmem>>
      %dma_wait3A_325 = tpu.memref_squeeze %dma_wait3A_324 : memref<1x128xi32, #tpu.memory_space<vmem>> -> memref<128xi32, #tpu.memory_space<vmem>>
      %dma_wait3A_326 = arith.constant 0 : i32
      %dma_wait3A_327 = arith.constant 0 : i32
      %dma_wait3A_328 = tpu.memref_slice %arg4[%dma_wait3A_326, %dma_wait3A_327] : memref<10112x16xf32, #tpu.memory_space<hbm>> -> memref<10112x16xf32, #tpu.memory_space<hbm>>
      tpu.wait_indirect_dma semaphore(%arg24 : memref<!tpu.dma_semaphore, #tpu.memory_space<semaphore_mem>>) src(%dma_wait3A_328 : memref<10112x16xf32, #tpu.memory_space<hbm>>) dst(%arg15 : memref<128x16xf32, #tpu.memory_space<vmem>>)
      %dma_start3A_329 = arith.constant 0 : i32
      %dma_start3A_330 = tpu.memref_slice %arg8[%add3A_322, %dma_start3A_329] : memref<104x128xi32, #tpu.memory_space<vmem>> -> memref<1x128xi32, #tpu.memory_space<vmem>>
      %dma_start3A_331 = tpu.memref_squeeze %dma_start3A_330 : memref<1x128xi32, #tpu.memory_space<vmem>> -> memref<128xi32, #tpu.memory_space<vmem>>
      %dma_start3A_332 = arith.constant 0 : i32
      %dma_start3A_333 = arith.constant 0 : i32
      %dma_start3A_334 = tpu.memref_slice %arg17[%dma_start3A_332, %dma_start3A_333] : memref<10112x16xf32, #tpu.memory_space<vmem_shared>> -> memref<10112x16xf32, #tpu.memory_space<vmem_shared>>
      tpu.enqueue_indirect_dma source(%arg15 : memref<128x16xf32, #tpu.memory_space<vmem>>) target(%dma_start3A_334 : memref<10112x16xf32, #tpu.memory_space<vmem_shared>>) offsets(%dma_start3A_331 : memref<128xi32, #tpu.memory_space<vmem>>) semaphore(%arg32 : memref<!tpu.dma_semaphore, #tpu.memory_space<semaphore_mem>>) {add = true}
      %sub3A_335 = arith.constant 4 : i32
      %sub3A_336 = arith.subi %add3A_322, %sub3A_335 : i32
      %ge3A_337 = arith.constant 0 : i32
      %ge3A_338 = arith.cmpi sge, %sub3A_336, %ge3A_337 : i32
      %add3A_339 = arith.constant 8 : i32
      %add3A_340 = arith.addi %sub3A_336, %add3A_339 : i32
      %lt3A_341 = arith.cmpi slt, %add3A_340, %select_n3A_6 : i32
      %and3A_342 = arith.andi %ge3A_338, %lt3A_341 : i1
      %convert_element_type3A_343 = arith.extui %and3A_342 : i1 to i32
      %cond3A_344 = arith.constant 0 : i32
      %cond3A_345 = arith.cmpi ne, %convert_element_type3A_343, %cond3A_344 : i32
      scf.if %cond3A_345 {
        %dma_wait3A_373 = arith.constant 0 : i32
        %dma_wait3A_374 = tpu.memref_slice %arg8[%sub3A_336, %dma_wait3A_373] : memref<104x128xi32, #tpu.memory_space<vmem>> -> memref<1x128xi32, #tpu.memory_space<vmem>>
        %dma_wait3A_375 = tpu.memref_squeeze %dma_wait3A_374 : memref<1x128xi32, #tpu.memory_space<vmem>> -> memref<128xi32, #tpu.memory_space<vmem>>
        %dma_wait3A_376 = arith.constant 0 : i32
        %dma_wait3A_377 = arith.constant 0 : i32
        %dma_wait3A_378 = tpu.memref_slice %arg17[%dma_wait3A_376, %dma_wait3A_377] : memref<10112x16xf32, #tpu.memory_space<vmem_shared>> -> memref<10112x16xf32, #tpu.memory_space<vmem_shared>>
        tpu.wait_indirect_dma semaphore(%arg28 : memref<!tpu.dma_semaphore, #tpu.memory_space<semaphore_mem>>) src(%arg11 : memref<128x16xf32, #tpu.memory_space<vmem>>) dst(%dma_wait3A_378 : memref<10112x16xf32, #tpu.memory_space<vmem_shared>>)
        %add3A_379 = arith.constant 8 : i32
        %add3A_380 = arith.addi %sub3A_336, %add3A_379 : i32
        %dma_start3A_381 = arith.constant 0 : i32
        %dma_start3A_382 = tpu.memref_slice %arg7[%add3A_380, %dma_start3A_381] : memref<104x128xi32, #tpu.memory_space<vmem>> -> memref<1x128xi32, #tpu.memory_space<vmem>>
        %dma_start3A_383 = tpu.memref_squeeze %dma_start3A_382 : memref<1x128xi32, #tpu.memory_space<vmem>> -> memref<128xi32, #tpu.memory_space<vmem>>
        %dma_start3A_384 = arith.constant 0 : i32
        %dma_start3A_385 = arith.constant 0 : i32
        %dma_start3A_386 = tpu.memref_slice %arg4[%dma_start3A_384, %dma_start3A_385] : memref<10112x16xf32, #tpu.memory_space<hbm>> -> memref<10112x16xf32, #tpu.memory_space<hbm>>
        tpu.enqueue_indirect_dma source(%dma_start3A_386 : memref<10112x16xf32, #tpu.memory_space<hbm>>) target(%arg11 : memref<128x16xf32, #tpu.memory_space<vmem>>) offsets(%dma_start3A_383 : memref<128xi32, #tpu.memory_space<vmem>>) semaphore(%arg20 : memref<!tpu.dma_semaphore, #tpu.memory_space<semaphore_mem>>)
      } else {
      }
      %mul3A_346 = arith.constant 8 : i32
      %mul3A_347 = arith.muli %while3A_161, %mul3A_346 : i32
      %add3A_348 = arith.constant 7 : i32
      %add3A_349 = arith.addi %mul3A_347, %add3A_348 : i32
      %dma_wait3A_350 = arith.constant 0 : i32
      %dma_wait3A_351 = tpu.memref_slice %arg7[%add3A_349, %dma_wait3A_350] : memref<104x128xi32, #tpu.memory_space<vmem>> -> memref<1x128xi32, #tpu.memory_space<vmem>>
      %dma_wait3A_352 = tpu.memref_squeeze %dma_wait3A_351 : memref<1x128xi32, #tpu.memory_space<vmem>> -> memref<128xi32, #tpu.memory_space<vmem>>
      %dma_wait3A_353 = arith.constant 0 : i32
      %dma_wait3A_354 = arith.constant 0 : i32
      %dma_wait3A_355 = tpu.memref_slice %arg4[%dma_wait3A_353, %dma_wait3A_354] : memref<10112x16xf32, #tpu.memory_space<hbm>> -> memref<10112x16xf32, #tpu.memory_space<hbm>>
      tpu.wait_indirect_dma semaphore(%arg25 : memref<!tpu.dma_semaphore, #tpu.memory_space<semaphore_mem>>) src(%dma_wait3A_355 : memref<10112x16xf32, #tpu.memory_space<hbm>>) dst(%arg16 : memref<128x16xf32, #tpu.memory_space<vmem>>)
      %dma_start3A_356 = arith.constant 0 : i32
      %dma_start3A_357 = tpu.memref_slice %arg8[%add3A_349, %dma_start3A_356] : memref<104x128xi32, #tpu.memory_space<vmem>> -> memref<1x128xi32, #tpu.memory_space<vmem>>
      %dma_start3A_358 = tpu.memref_squeeze %dma_start3A_357 : memref<1x128xi32, #tpu.memory_space<vmem>> -> memref<128xi32, #tpu.memory_space<vmem>>
      %dma_start3A_359 = arith.constant 0 : i32
      %dma_start3A_360 = arith.constant 0 : i32
      %dma_start3A_361 = tpu.memref_slice %arg17[%dma_start3A_359, %dma_start3A_360] : memref<10112x16xf32, #tpu.memory_space<vmem_shared>> -> memref<10112x16xf32, #tpu.memory_space<vmem_shared>>
      tpu.enqueue_indirect_dma source(%arg16 : memref<128x16xf32, #tpu.memory_space<vmem>>) target(%dma_start3A_361 : memref<10112x16xf32, #tpu.memory_space<vmem_shared>>) offsets(%dma_start3A_358 : memref<128xi32, #tpu.memory_space<vmem>>) semaphore(%arg33 : memref<!tpu.dma_semaphore, #tpu.memory_space<semaphore_mem>>) {add = true}
      %sub3A_362 = arith.constant 4 : i32
      %sub3A_363 = arith.subi %add3A_349, %sub3A_362 : i32
      %ge3A_364 = arith.constant 0 : i32
      %ge3A_365 = arith.cmpi sge, %sub3A_363, %ge3A_364 : i32
      %add3A_366 = arith.constant 8 : i32
      %add3A_367 = arith.addi %sub3A_363, %add3A_366 : i32
      %lt3A_368 = arith.cmpi slt, %add3A_367, %select_n3A_6 : i32
      %and3A_369 = arith.andi %ge3A_365, %lt3A_368 : i1
      %convert_element_type3A_370 = arith.extui %and3A_369 : i1 to i32
      %cond3A_371 = arith.constant 0 : i32
      %cond3A_372 = arith.cmpi ne, %convert_element_type3A_370, %cond3A_371 : i32
      scf.if %cond3A_372 {
        %dma_wait3A_373 = arith.constant 0 : i32
        %dma_wait3A_374 = tpu.memref_slice %arg8[%sub3A_363, %dma_wait3A_373] : memref<104x128xi32, #tpu.memory_space<vmem>> -> memref<1x128xi32, #tpu.memory_space<vmem>>
        %dma_wait3A_375 = tpu.memref_squeeze %dma_wait3A_374 : memref<1x128xi32, #tpu.memory_space<vmem>> -> memref<128xi32, #tpu.memory_space<vmem>>
        %dma_wait3A_376 = arith.constant 0 : i32
        %dma_wait3A_377 = arith.constant 0 : i32
        %dma_wait3A_378 = tpu.memref_slice %arg17[%dma_wait3A_376, %dma_wait3A_377] : memref<10112x16xf32, #tpu.memory_space<vmem_shared>> -> memref<10112x16xf32, #tpu.memory_space<vmem_shared>>
        tpu.wait_indirect_dma semaphore(%arg29 : memref<!tpu.dma_semaphore, #tpu.memory_space<semaphore_mem>>) src(%arg12 : memref<128x16xf32, #tpu.memory_space<vmem>>) dst(%dma_wait3A_378 : memref<10112x16xf32, #tpu.memory_space<vmem_shared>>)
        %add3A_379 = arith.constant 8 : i32
        %add3A_380 = arith.addi %sub3A_363, %add3A_379 : i32
        %dma_start3A_381 = arith.constant 0 : i32
        %dma_start3A_382 = tpu.memref_slice %arg7[%add3A_380, %dma_start3A_381] : memref<104x128xi32, #tpu.memory_space<vmem>> -> memref<1x128xi32, #tpu.memory_space<vmem>>
        %dma_start3A_383 = tpu.memref_squeeze %dma_start3A_382 : memref<1x128xi32, #tpu.memory_space<vmem>> -> memref<128xi32, #tpu.memory_space<vmem>>
        %dma_start3A_384 = arith.constant 0 : i32
        %dma_start3A_385 = arith.constant 0 : i32
        %dma_start3A_386 = tpu.memref_slice %arg4[%dma_start3A_384, %dma_start3A_385] : memref<10112x16xf32, #tpu.memory_space<hbm>> -> memref<10112x16xf32, #tpu.memory_space<hbm>>
        tpu.enqueue_indirect_dma source(%dma_start3A_386 : memref<10112x16xf32, #tpu.memory_space<hbm>>) target(%arg12 : memref<128x16xf32, #tpu.memory_space<vmem>>) offsets(%dma_start3A_383 : memref<128xi32, #tpu.memory_space<vmem>>) semaphore(%arg21 : memref<!tpu.dma_semaphore, #tpu.memory_space<semaphore_mem>>)
      } else {
      }
    }
    %sub3A = arith.constant 8 : i32
    %sub3A_78 = arith.subi %select_n3A_6, %sub3A : i32
    %add3A_79 = arith.constant 0 : i32
    %add3A_80 = arith.addi %sub3A_78, %add3A_79 : i32
    %dma_wait3A = arith.constant 0 : i32
    %dma_wait3A_81 = tpu.memref_slice %arg8[%add3A_80, %dma_wait3A] : memref<104x128xi32, #tpu.memory_space<vmem>> -> memref<1x128xi32, #tpu.memory_space<vmem>>
    %dma_wait3A_82 = tpu.memref_squeeze %dma_wait3A_81 : memref<1x128xi32, #tpu.memory_space<vmem>> -> memref<128xi32, #tpu.memory_space<vmem>>
    %dma_wait3A_83 = arith.constant 0 : i32
    %dma_wait3A_84 = arith.constant 0 : i32
    %dma_wait3A_85 = tpu.memref_slice %arg17[%dma_wait3A_83, %dma_wait3A_84] : memref<10112x16xf32, #tpu.memory_space<vmem_shared>> -> memref<10112x16xf32, #tpu.memory_space<vmem_shared>>
    tpu.wait_indirect_dma semaphore(%arg26 : memref<!tpu.dma_semaphore, #tpu.memory_space<semaphore_mem>>) src(%arg9 : memref<128x16xf32, #tpu.memory_space<vmem>>) dst(%dma_wait3A_85 : memref<10112x16xf32, #tpu.memory_space<vmem_shared>>)
    %sub3A_86 = arith.constant 8 : i32
    %sub3A_87 = arith.subi %select_n3A_6, %sub3A_86 : i32
    %add3A_88 = arith.constant 1 : i32
    %add3A_89 = arith.addi %sub3A_87, %add3A_88 : i32
    %dma_wait3A_90 = arith.constant 0 : i32
    %dma_wait3A_91 = tpu.memref_slice %arg8[%add3A_89, %dma_wait3A_90] : memref<104x128xi32, #tpu.memory_space<vmem>> -> memref<1x128xi32, #tpu.memory_space<vmem>>
    %dma_wait3A_92 = tpu.memref_squeeze %dma_wait3A_91 : memref<1x128xi32, #tpu.memory_space<vmem>> -> memref<128xi32, #tpu.memory_space<vmem>>
    %dma_wait3A_93 = arith.constant 0 : i32
    %dma_wait3A_94 = arith.constant 0 : i32
    %dma_wait3A_95 = tpu.memref_slice %arg17[%dma_wait3A_93, %dma_wait3A_94] : memref<10112x16xf32, #tpu.memory_space<vmem_shared>> -> memref<10112x16xf32, #tpu.memory_space<vmem_shared>>
    tpu.wait_indirect_dma semaphore(%arg27 : memref<!tpu.dma_semaphore, #tpu.memory_space<semaphore_mem>>) src(%arg10 : memref<128x16xf32, #tpu.memory_space<vmem>>) dst(%dma_wait3A_95 : memref<10112x16xf32, #tpu.memory_space<vmem_shared>>)
    %sub3A_96 = arith.constant 8 : i32
    %sub3A_97 = arith.subi %select_n3A_6, %sub3A_96 : i32
    %add3A_98 = arith.constant 2 : i32
    %add3A_99 = arith.addi %sub3A_97, %add3A_98 : i32
    %dma_wait3A_100 = arith.constant 0 : i32
    %dma_wait3A_101 = tpu.memref_slice %arg8[%add3A_99, %dma_wait3A_100] : memref<104x128xi32, #tpu.memory_space<vmem>> -> memref<1x128xi32, #tpu.memory_space<vmem>>
    %dma_wait3A_102 = tpu.memref_squeeze %dma_wait3A_101 : memref<1x128xi32, #tpu.memory_space<vmem>> -> memref<128xi32, #tpu.memory_space<vmem>>
    %dma_wait3A_103 = arith.constant 0 : i32
    %dma_wait3A_104 = arith.constant 0 : i32
    %dma_wait3A_105 = tpu.memref_slice %arg17[%dma_wait3A_103, %dma_wait3A_104] : memref<10112x16xf32, #tpu.memory_space<vmem_shared>> -> memref<10112x16xf32, #tpu.memory_space<vmem_shared>>
    tpu.wait_indirect_dma semaphore(%arg28 : memref<!tpu.dma_semaphore, #tpu.memory_space<semaphore_mem>>) src(%arg11 : memref<128x16xf32, #tpu.memory_space<vmem>>) dst(%dma_wait3A_105 : memref<10112x16xf32, #tpu.memory_space<vmem_shared>>)
    %sub3A_106 = arith.constant 8 : i32
    %sub3A_107 = arith.subi %select_n3A_6, %sub3A_106 : i32
    %add3A_108 = arith.constant 3 : i32
    %add3A_109 = arith.addi %sub3A_107, %add3A_108 : i32
    %dma_wait3A_110 = arith.constant 0 : i32
    %dma_wait3A_111 = tpu.memref_slice %arg8[%add3A_109, %dma_wait3A_110] : memref<104x128xi32, #tpu.memory_space<vmem>> -> memref<1x128xi32, #tpu.memory_space<vmem>>
    %dma_wait3A_112 = tpu.memref_squeeze %dma_wait3A_111 : memref<1x128xi32, #tpu.memory_space<vmem>> -> memref<128xi32, #tpu.memory_space<vmem>>
    %dma_wait3A_113 = arith.constant 0 : i32
    %dma_wait3A_114 = arith.constant 0 : i32
    %dma_wait3A_115 = tpu.memref_slice %arg17[%dma_wait3A_113, %dma_wait3A_114] : memref<10112x16xf32, #tpu.memory_space<vmem_shared>> -> memref<10112x16xf32, #tpu.memory_space<vmem_shared>>
    tpu.wait_indirect_dma semaphore(%arg29 : memref<!tpu.dma_semaphore, #tpu.memory_space<semaphore_mem>>) src(%arg12 : memref<128x16xf32, #tpu.memory_space<vmem>>) dst(%dma_wait3A_115 : memref<10112x16xf32, #tpu.memory_space<vmem_shared>>)
    %sub3A_116 = arith.constant 8 : i32
    %sub3A_117 = arith.subi %select_n3A_6, %sub3A_116 : i32
    %add3A_118 = arith.constant 4 : i32
    %add3A_119 = arith.addi %sub3A_117, %add3A_118 : i32
    %dma_wait3A_120 = arith.constant 0 : i32
    %dma_wait3A_121 = tpu.memref_slice %arg8[%add3A_119, %dma_wait3A_120] : memref<104x128xi32, #tpu.memory_space<vmem>> -> memref<1x128xi32, #tpu.memory_space<vmem>>
    %dma_wait3A_122 = tpu.memref_squeeze %dma_wait3A_121 : memref<1x128xi32, #tpu.memory_space<vmem>> -> memref<128xi32, #tpu.memory_space<vmem>>
    %dma_wait3A_123 = arith.constant 0 : i32
    %dma_wait3A_124 = arith.constant 0 : i32
    %dma_wait3A_125 = tpu.memref_slice %arg17[%dma_wait3A_123, %dma_wait3A_124] : memref<10112x16xf32, #tpu.memory_space<vmem_shared>> -> memref<10112x16xf32, #tpu.memory_space<vmem_shared>>
    tpu.wait_indirect_dma semaphore(%arg30 : memref<!tpu.dma_semaphore, #tpu.memory_space<semaphore_mem>>) src(%arg13 : memref<128x16xf32, #tpu.memory_space<vmem>>) dst(%dma_wait3A_125 : memref<10112x16xf32, #tpu.memory_space<vmem_shared>>)
    %sub3A_126 = arith.constant 8 : i32
    %sub3A_127 = arith.subi %select_n3A_6, %sub3A_126 : i32
    %add3A_128 = arith.constant 5 : i32
    %add3A_129 = arith.addi %sub3A_127, %add3A_128 : i32
    %dma_wait3A_130 = arith.constant 0 : i32
    %dma_wait3A_131 = tpu.memref_slice %arg8[%add3A_129, %dma_wait3A_130] : memref<104x128xi32, #tpu.memory_space<vmem>> -> memref<1x128xi32, #tpu.memory_space<vmem>>
    %dma_wait3A_132 = tpu.memref_squeeze %dma_wait3A_131 : memref<1x128xi32, #tpu.memory_space<vmem>> -> memref<128xi32, #tpu.memory_space<vmem>>
    %dma_wait3A_133 = arith.constant 0 : i32
    %dma_wait3A_134 = arith.constant 0 : i32
    %dma_wait3A_135 = tpu.memref_slice %arg17[%dma_wait3A_133, %dma_wait3A_134] : memref<10112x16xf32, #tpu.memory_space<vmem_shared>> -> memref<10112x16xf32, #tpu.memory_space<vmem_shared>>
    tpu.wait_indirect_dma semaphore(%arg31 : memref<!tpu.dma_semaphore, #tpu.memory_space<semaphore_mem>>) src(%arg14 : memref<128x16xf32, #tpu.memory_space<vmem>>) dst(%dma_wait3A_135 : memref<10112x16xf32, #tpu.memory_space<vmem_shared>>)
    %sub3A_136 = arith.constant 8 : i32
    %sub3A_137 = arith.subi %select_n3A_6, %sub3A_136 : i32
    %add3A_138 = arith.constant 6 : i32
    %add3A_139 = arith.addi %sub3A_137, %add3A_138 : i32
    %dma_wait3A_140 = arith.constant 0 : i32
    %dma_wait3A_141 = tpu.memref_slice %arg8[%add3A_139, %dma_wait3A_140] : memref<104x128xi32, #tpu.memory_space<vmem>> -> memref<1x128xi32, #tpu.memory_space<vmem>>
    %dma_wait3A_142 = tpu.memref_squeeze %dma_wait3A_141 : memref<1x128xi32, #tpu.memory_space<vmem>> -> memref<128xi32, #tpu.memory_space<vmem>>
    %dma_wait3A_143 = arith.constant 0 : i32
    %dma_wait3A_144 = arith.constant 0 : i32
    %dma_wait3A_145 = tpu.memref_slice %arg17[%dma_wait3A_143, %dma_wait3A_144] : memref<10112x16xf32, #tpu.memory_space<vmem_shared>> -> memref<10112x16xf32, #tpu.memory_space<vmem_shared>>
    tpu.wait_indirect_dma semaphore(%arg32 : memref<!tpu.dma_semaphore, #tpu.memory_space<semaphore_mem>>) src(%arg15 : memref<128x16xf32, #tpu.memory_space<vmem>>) dst(%dma_wait3A_145 : memref<10112x16xf32, #tpu.memory_space<vmem_shared>>)
    %sub3A_146 = arith.constant 8 : i32
    %sub3A_147 = arith.subi %select_n3A_6, %sub3A_146 : i32
    %add3A_148 = arith.constant 7 : i32
    %add3A_149 = arith.addi %sub3A_147, %add3A_148 : i32
    %dma_wait3A_150 = arith.constant 0 : i32
    %dma_wait3A_151 = tpu.memref_slice %arg8[%add3A_149, %dma_wait3A_150] : memref<104x128xi32, #tpu.memory_space<vmem>> -> memref<1x128xi32, #tpu.memory_space<vmem>>
    %dma_wait3A_152 = tpu.memref_squeeze %dma_wait3A_151 : memref<1x128xi32, #tpu.memory_space<vmem>> -> memref<128xi32, #tpu.memory_space<vmem>>
    %dma_wait3A_153 = arith.constant 0 : i32
    %dma_wait3A_154 = arith.constant 0 : i32
    %dma_wait3A_155 = tpu.memref_slice %arg17[%dma_wait3A_153, %dma_wait3A_154] : memref<10112x16xf32, #tpu.memory_space<vmem_shared>> -> memref<10112x16xf32, #tpu.memory_space<vmem_shared>>
    tpu.wait_indirect_dma semaphore(%arg33 : memref<!tpu.dma_semaphore, #tpu.memory_space<semaphore_mem>>) src(%arg16 : memref<128x16xf32, #tpu.memory_space<vmem>>) dst(%dma_wait3A_155 : memref<10112x16xf32, #tpu.memory_space<vmem_shared>>)
    %barrier3A_156 = arith.constant 0 : index
    tpu.barrier barrier_id(%barrier3A_156)
    %mul3A_157 = arith.constant 632 : i32
    %mul3A_158 = arith.muli %arg1, %mul3A_157 : i32
    %mul3A_159 = arith.constant 632 : i32
    %mul3A_160 = arith.muli %arg1, %mul3A_159 : i32
    "tpu.region"() ({
      %run_scoped3A = tpu.sem_alloc : memref<!tpu.dma_semaphore, #tpu.memory_space<semaphore_mem>>
      %dma_start3A_161 = arith.constant 0 : i32
      %dma_start3A_162 = tpu.memref_slice %arg6[%arg0, %mul3A_160, %dma_start3A_161] : memref<2x10112x16xf32, #tpu.memory_space<hbm>> -> memref<1x632x16xf32, #tpu.memory_space<hbm>>
      %dma_start3A_163 = tpu.memref_squeeze %dma_start3A_162 : memref<1x632x16xf32, #tpu.memory_space<hbm>> -> memref<632x16xf32, #tpu.memory_space<hbm>>
      %dma_start3A_164 = arith.constant 0 : i32
      %dma_start3A_165 = tpu.memref_slice %arg17[%mul3A_158, %dma_start3A_164] : memref<10112x16xf32, #tpu.memory_space<vmem_shared>> -> memref<632x16xf32, #tpu.memory_space<vmem_shared>>
      tpu.enqueue_dma source(%dma_start3A_165 : memref<632x16xf32, #tpu.memory_space<vmem_shared>>) target(%dma_start3A_163 : memref<632x16xf32, #tpu.memory_space<hbm>>) target_semaphore(%run_scoped3A : memref<!tpu.dma_semaphore, #tpu.memory_space<semaphore_mem>>)
      %dma_wait3A_166 = arith.constant 0 : i32
      %dma_wait3A_167 = tpu.memref_slice %arg6[%arg0, %mul3A_160, %dma_wait3A_166] : memref<2x10112x16xf32, #tpu.memory_space<hbm>> -> memref<1x632x16xf32, #tpu.memory_space<hbm>>
      %dma_wait3A_168 = tpu.memref_squeeze %dma_wait3A_167 : memref<1x632x16xf32, #tpu.memory_space<hbm>> -> memref<632x16xf32, #tpu.memory_space<hbm>>
      %dma_wait3A_169 = arith.constant 0 : i32
      %dma_wait3A_170 = tpu.memref_slice %arg17[%mul3A_158, %dma_wait3A_169] : memref<10112x16xf32, #tpu.memory_space<vmem_shared>> -> memref<632x16xf32, #tpu.memory_space<vmem_shared>>
      tpu.wait_dma2 semaphore(%run_scoped3A : memref<!tpu.dma_semaphore, #tpu.memory_space<semaphore_mem>>) src(%dma_wait3A_170 : memref<632x16xf32, #tpu.memory_space<vmem_shared>>) dst(%dma_wait3A_168 : memref<632x16xf32, #tpu.memory_space<hbm>>)
      tpu.yield
    }) : () -> ()
    return
  }
}

#map = affine_map<(d0, d1) -> (0, 0)>
#map1 = affine_map<(d0, d1) -> (0, 0, 0)>
module attributes {stable_mosaic.version = 14 : i64} {
  func.func @_sc_deg(%arg0: i32, %arg1: i32, %arg2: memref<2560x128xi32, #tpu.memory_space<hbm>>, %arg3: memref<128x16xf32, #tpu.memory_space<hbm>>, %arg4: memref<10112x16xf32, #tpu.memory_space<hbm>>, %arg5: memref<2x10112x16xf32, #tpu.memory_space<hbm>>, %arg6: memref<104x128xi32, #tpu.memory_space<vmem>>, %arg7: memref<128x16xf32, #tpu.memory_space<vmem>>, %arg8: memref<10112x16xf32, #tpu.memory_space<vmem_shared>>, %arg9: memref<!tpu.dma_semaphore, #tpu.memory_space<semaphore_mem>>) attributes {dimension_semantics = [#tpu.dimension_semantics<core_parallel>, #tpu.dimension_semantics<subcore_parallel>], iteration_bounds = array<i64: 2, 16>, scalar_prefetch = 0 : i64, scratch_operands = 4 : i64, tpu.core_type = #tpu.core_type<sc_vector_subcore>, window_params = [{transform_indices = #map}, {transform_indices = #map}, {transform_indices = #map}, {transform_indices = #map1}]} {
    %eq3A = arith.constant 0 : i32
    %eq3A_0 = arith.cmpi eq, %arg0, %eq3A : i32
    %mul3A = arith.constant 56 : i32
    %mul3A_1 = arith.muli %arg1, %mul3A : i32
    %mul3A_2 = arith.constant 104 : i32
    %mul3A_3 = arith.muli %arg1, %mul3A_2 : i32
    %add3A = arith.constant 896 : i32
    %add3A_4 = arith.addi %add3A, %mul3A_3 : i32
    %select_n3A = arith.select %eq3A_0, %mul3A_1, %add3A_4 : i32
    %jit3A = arith.constant 7 : i32
    %jit3A_5 = arith.constant 13 : i32
    %select_n3A_6 = arith.select %eq3A_0, %jit3A, %jit3A_5 : i32
    "tpu.region"() ({
      %run_scoped3A = tpu.sem_alloc : memref<!tpu.dma_semaphore, #tpu.memory_space<semaphore_mem>>
      %dma_start3A = arith.constant 0 : i32
      %dma_start3A_25 = tpu.memref_slice %arg2[%select_n3A, %dma_start3A] : memref<2560x128xi32, #tpu.memory_space<hbm>> -> memref<104x128xi32, #tpu.memory_space<hbm>>
      %dma_start3A_26 = arith.constant 0 : i32
      %dma_start3A_27 = tpu.memref_slice %arg2[%select_n3A, %dma_start3A_26] : memref<2560x128xi32, #tpu.memory_space<hbm>> -> memref<104x128xi32, #tpu.memory_space<hbm>>
      tpu.enqueue_dma source(%dma_start3A_27 : memref<104x128xi32, #tpu.memory_space<hbm>>) target(%arg6 : memref<104x128xi32, #tpu.memory_space<vmem>>) target_semaphore(%run_scoped3A : memref<!tpu.dma_semaphore, #tpu.memory_space<semaphore_mem>>)
      %dma_wait3A = arith.constant 0 : i32
      %dma_wait3A_28 = tpu.memref_slice %arg2[%select_n3A, %dma_wait3A] : memref<2560x128xi32, #tpu.memory_space<hbm>> -> memref<104x128xi32, #tpu.memory_space<hbm>>
      %dma_wait3A_29 = arith.constant 0 : i32
      %dma_wait3A_30 = tpu.memref_slice %arg2[%select_n3A, %dma_wait3A_29] : memref<2560x128xi32, #tpu.memory_space<hbm>> -> memref<104x128xi32, #tpu.memory_space<hbm>>
      tpu.wait_dma2 semaphore(%run_scoped3A : memref<!tpu.dma_semaphore, #tpu.memory_space<semaphore_mem>>) src(%dma_wait3A_30 : memref<104x128xi32, #tpu.memory_space<hbm>>) dst(%arg6 : memref<104x128xi32, #tpu.memory_space<vmem>>)
      tpu.yield
    }) : () -> ()
    "tpu.region"() ({
      %run_scoped3A = tpu.sem_alloc : memref<!tpu.dma_semaphore, #tpu.memory_space<semaphore_mem>>
      tpu.enqueue_dma source(%arg3 : memref<128x16xf32, #tpu.memory_space<hbm>>) target(%arg7 : memref<128x16xf32, #tpu.memory_space<vmem>>) target_semaphore(%run_scoped3A : memref<!tpu.dma_semaphore, #tpu.memory_space<semaphore_mem>>)
      tpu.wait_dma2 semaphore(%run_scoped3A : memref<!tpu.dma_semaphore, #tpu.memory_space<semaphore_mem>>) src(%arg3 : memref<128x16xf32, #tpu.memory_space<hbm>>) dst(%arg7 : memref<128x16xf32, #tpu.memory_space<vmem>>)
      tpu.yield
    }) : () -> ()
    %mul3A_7 = arith.constant 632 : i32
    %mul3A_8 = arith.muli %arg1, %mul3A_7 : i32
    %mul3A_9 = arith.constant 632 : i32
    %mul3A_10 = arith.muli %arg1, %mul3A_9 : i32
    "tpu.region"() ({
      %run_scoped3A = tpu.sem_alloc : memref<!tpu.dma_semaphore, #tpu.memory_space<semaphore_mem>>
      %dma_start3A = arith.constant 0 : i32
      %dma_start3A_25 = tpu.memref_slice %arg8[%mul3A_10, %dma_start3A] : memref<10112x16xf32, #tpu.memory_space<vmem_shared>> -> memref<632x16xf32, #tpu.memory_space<vmem_shared>>
      %dma_start3A_26 = arith.constant 0 : i32
      %dma_start3A_27 = tpu.memref_slice %arg4[%mul3A_8, %dma_start3A_26] : memref<10112x16xf32, #tpu.memory_space<hbm>> -> memref<632x16xf32, #tpu.memory_space<hbm>>
      tpu.enqueue_dma source(%dma_start3A_27 : memref<632x16xf32, #tpu.memory_space<hbm>>) target(%dma_start3A_25 : memref<632x16xf32, #tpu.memory_space<vmem_shared>>) target_semaphore(%run_scoped3A : memref<!tpu.dma_semaphore, #tpu.memory_space<semaphore_mem>>)
      %dma_wait3A = arith.constant 0 : i32
      %dma_wait3A_28 = tpu.memref_slice %arg8[%mul3A_10, %dma_wait3A] : memref<10112x16xf32, #tpu.memory_space<vmem_shared>> -> memref<632x16xf32, #tpu.memory_space<vmem_shared>>
      %dma_wait3A_29 = arith.constant 0 : i32
      %dma_wait3A_30 = tpu.memref_slice %arg4[%mul3A_8, %dma_wait3A_29] : memref<10112x16xf32, #tpu.memory_space<hbm>> -> memref<632x16xf32, #tpu.memory_space<hbm>>
      tpu.wait_dma2 semaphore(%run_scoped3A : memref<!tpu.dma_semaphore, #tpu.memory_space<semaphore_mem>>) src(%dma_wait3A_30 : memref<632x16xf32, #tpu.memory_space<hbm>>) dst(%dma_wait3A_28 : memref<632x16xf32, #tpu.memory_space<vmem_shared>>)
      tpu.yield
    }) : () -> ()
    %barrier3A = arith.constant 0 : index
    tpu.barrier barrier_id(%barrier3A)
    %while3A = arith.constant 0 : i32
    %while3A_11 = arith.constant 0 : i32
    %while3A_12 = arith.subi %select_n3A_6, %while3A_11 : i32
    %while3A_13 = arith.addi %while3A_11, %while3A_12 : i32
    %while3A_14 = arith.constant 1 : i32
    %while3A_15 = arith.divsi %while3A_12, %while3A_14 : i32
    %while3A_16 = arith.muli %while3A_15, %while3A_14 : i32
    %while3A_17 = arith.addi %while3A_11, %while3A_16 : i32
    %while3A_18 = arith.constant 1 : i32
    scf.for %while3A_25 = %while3A_11 to %while3A_17 step %while3A_18  : i32 {
      %mul3A_26 = arith.constant 8 : i32
      %mul3A_27 = arith.muli %while3A_25, %mul3A_26 : i32
      %add3A_28 = arith.constant 0 : i32
      %add3A_29 = arith.addi %mul3A_27, %add3A_28 : i32
      %dma_start3A = arith.constant 0 : i32
      %dma_start3A_30 = tpu.memref_slice %arg6[%add3A_29, %dma_start3A] : memref<104x128xi32, #tpu.memory_space<vmem>> -> memref<1x128xi32, #tpu.memory_space<vmem>>
      %dma_start3A_31 = tpu.memref_squeeze %dma_start3A_30 : memref<1x128xi32, #tpu.memory_space<vmem>> -> memref<128xi32, #tpu.memory_space<vmem>>
      %dma_start3A_32 = arith.constant 0 : i32
      %dma_start3A_33 = arith.constant 0 : i32
      %dma_start3A_34 = tpu.memref_slice %arg8[%dma_start3A_32, %dma_start3A_33] : memref<10112x16xf32, #tpu.memory_space<vmem_shared>> -> memref<10112x16xf32, #tpu.memory_space<vmem_shared>>
      tpu.enqueue_indirect_dma source(%arg7 : memref<128x16xf32, #tpu.memory_space<vmem>>) target(%dma_start3A_34 : memref<10112x16xf32, #tpu.memory_space<vmem_shared>>) offsets(%dma_start3A_31 : memref<128xi32, #tpu.memory_space<vmem>>) semaphore(%arg9 : memref<!tpu.dma_semaphore, #tpu.memory_space<semaphore_mem>>) {add = true}
      %mul3A_35 = arith.constant 8 : i32
      %mul3A_36 = arith.muli %while3A_25, %mul3A_35 : i32
      %add3A_37 = arith.constant 1 : i32
      %add3A_38 = arith.addi %mul3A_36, %add3A_37 : i32
      %dma_start3A_39 = arith.constant 0 : i32
      %dma_start3A_40 = tpu.memref_slice %arg6[%add3A_38, %dma_start3A_39] : memref<104x128xi32, #tpu.memory_space<vmem>> -> memref<1x128xi32, #tpu.memory_space<vmem>>
      %dma_start3A_41 = tpu.memref_squeeze %dma_start3A_40 : memref<1x128xi32, #tpu.memory_space<vmem>> -> memref<128xi32, #tpu.memory_space<vmem>>
      %dma_start3A_42 = arith.constant 0 : i32
      %dma_start3A_43 = arith.constant 0 : i32
      %dma_start3A_44 = tpu.memref_slice %arg8[%dma_start3A_42, %dma_start3A_43] : memref<10112x16xf32, #tpu.memory_space<vmem_shared>> -> memref<10112x16xf32, #tpu.memory_space<vmem_shared>>
      tpu.enqueue_indirect_dma source(%arg7 : memref<128x16xf32, #tpu.memory_space<vmem>>) target(%dma_start3A_44 : memref<10112x16xf32, #tpu.memory_space<vmem_shared>>) offsets(%dma_start3A_41 : memref<128xi32, #tpu.memory_space<vmem>>) semaphore(%arg9 : memref<!tpu.dma_semaphore, #tpu.memory_space<semaphore_mem>>) {add = true}
      %mul3A_45 = arith.constant 8 : i32
      %mul3A_46 = arith.muli %while3A_25, %mul3A_45 : i32
      %add3A_47 = arith.constant 2 : i32
      %add3A_48 = arith.addi %mul3A_46, %add3A_47 : i32
      %dma_start3A_49 = arith.constant 0 : i32
      %dma_start3A_50 = tpu.memref_slice %arg6[%add3A_48, %dma_start3A_49] : memref<104x128xi32, #tpu.memory_space<vmem>> -> memref<1x128xi32, #tpu.memory_space<vmem>>
      %dma_start3A_51 = tpu.memref_squeeze %dma_start3A_50 : memref<1x128xi32, #tpu.memory_space<vmem>> -> memref<128xi32, #tpu.memory_space<vmem>>
      %dma_start3A_52 = arith.constant 0 : i32
      %dma_start3A_53 = arith.constant 0 : i32
      %dma_start3A_54 = tpu.memref_slice %arg8[%dma_start3A_52, %dma_start3A_53] : memref<10112x16xf32, #tpu.memory_space<vmem_shared>> -> memref<10112x16xf32, #tpu.memory_space<vmem_shared>>
      tpu.enqueue_indirect_dma source(%arg7 : memref<128x16xf32, #tpu.memory_space<vmem>>) target(%dma_start3A_54 : memref<10112x16xf32, #tpu.memory_space<vmem_shared>>) offsets(%dma_start3A_51 : memref<128xi32, #tpu.memory_space<vmem>>) semaphore(%arg9 : memref<!tpu.dma_semaphore, #tpu.memory_space<semaphore_mem>>) {add = true}
      %mul3A_55 = arith.constant 8 : i32
      %mul3A_56 = arith.muli %while3A_25, %mul3A_55 : i32
      %add3A_57 = arith.constant 3 : i32
      %add3A_58 = arith.addi %mul3A_56, %add3A_57 : i32
      %dma_start3A_59 = arith.constant 0 : i32
      %dma_start3A_60 = tpu.memref_slice %arg6[%add3A_58, %dma_start3A_59] : memref<104x128xi32, #tpu.memory_space<vmem>> -> memref<1x128xi32, #tpu.memory_space<vmem>>
      %dma_start3A_61 = tpu.memref_squeeze %dma_start3A_60 : memref<1x128xi32, #tpu.memory_space<vmem>> -> memref<128xi32, #tpu.memory_space<vmem>>
      %dma_start3A_62 = arith.constant 0 : i32
      %dma_start3A_63 = arith.constant 0 : i32
      %dma_start3A_64 = tpu.memref_slice %arg8[%dma_start3A_62, %dma_start3A_63] : memref<10112x16xf32, #tpu.memory_space<vmem_shared>> -> memref<10112x16xf32, #tpu.memory_space<vmem_shared>>
      tpu.enqueue_indirect_dma source(%arg7 : memref<128x16xf32, #tpu.memory_space<vmem>>) target(%dma_start3A_64 : memref<10112x16xf32, #tpu.memory_space<vmem_shared>>) offsets(%dma_start3A_61 : memref<128xi32, #tpu.memory_space<vmem>>) semaphore(%arg9 : memref<!tpu.dma_semaphore, #tpu.memory_space<semaphore_mem>>) {add = true}
      %mul3A_65 = arith.constant 8 : i32
      %mul3A_66 = arith.muli %while3A_25, %mul3A_65 : i32
      %add3A_67 = arith.constant 4 : i32
      %add3A_68 = arith.addi %mul3A_66, %add3A_67 : i32
      %dma_start3A_69 = arith.constant 0 : i32
      %dma_start3A_70 = tpu.memref_slice %arg6[%add3A_68, %dma_start3A_69] : memref<104x128xi32, #tpu.memory_space<vmem>> -> memref<1x128xi32, #tpu.memory_space<vmem>>
      %dma_start3A_71 = tpu.memref_squeeze %dma_start3A_70 : memref<1x128xi32, #tpu.memory_space<vmem>> -> memref<128xi32, #tpu.memory_space<vmem>>
      %dma_start3A_72 = arith.constant 0 : i32
      %dma_start3A_73 = arith.constant 0 : i32
      %dma_start3A_74 = tpu.memref_slice %arg8[%dma_start3A_72, %dma_start3A_73] : memref<10112x16xf32, #tpu.memory_space<vmem_shared>> -> memref<10112x16xf32, #tpu.memory_space<vmem_shared>>
      tpu.enqueue_indirect_dma source(%arg7 : memref<128x16xf32, #tpu.memory_space<vmem>>) target(%dma_start3A_74 : memref<10112x16xf32, #tpu.memory_space<vmem_shared>>) offsets(%dma_start3A_71 : memref<128xi32, #tpu.memory_space<vmem>>) semaphore(%arg9 : memref<!tpu.dma_semaphore, #tpu.memory_space<semaphore_mem>>) {add = true}
      %mul3A_75 = arith.constant 8 : i32
      %mul3A_76 = arith.muli %while3A_25, %mul3A_75 : i32
      %add3A_77 = arith.constant 5 : i32
      %add3A_78 = arith.addi %mul3A_76, %add3A_77 : i32
      %dma_start3A_79 = arith.constant 0 : i32
      %dma_start3A_80 = tpu.memref_slice %arg6[%add3A_78, %dma_start3A_79] : memref<104x128xi32, #tpu.memory_space<vmem>> -> memref<1x128xi32, #tpu.memory_space<vmem>>
      %dma_start3A_81 = tpu.memref_squeeze %dma_start3A_80 : memref<1x128xi32, #tpu.memory_space<vmem>> -> memref<128xi32, #tpu.memory_space<vmem>>
      %dma_start3A_82 = arith.constant 0 : i32
      %dma_start3A_83 = arith.constant 0 : i32
      %dma_start3A_84 = tpu.memref_slice %arg8[%dma_start3A_82, %dma_start3A_83] : memref<10112x16xf32, #tpu.memory_space<vmem_shared>> -> memref<10112x16xf32, #tpu.memory_space<vmem_shared>>
      tpu.enqueue_indirect_dma source(%arg7 : memref<128x16xf32, #tpu.memory_space<vmem>>) target(%dma_start3A_84 : memref<10112x16xf32, #tpu.memory_space<vmem_shared>>) offsets(%dma_start3A_81 : memref<128xi32, #tpu.memory_space<vmem>>) semaphore(%arg9 : memref<!tpu.dma_semaphore, #tpu.memory_space<semaphore_mem>>) {add = true}
      %mul3A_85 = arith.constant 8 : i32
      %mul3A_86 = arith.muli %while3A_25, %mul3A_85 : i32
      %add3A_87 = arith.constant 6 : i32
      %add3A_88 = arith.addi %mul3A_86, %add3A_87 : i32
      %dma_start3A_89 = arith.constant 0 : i32
      %dma_start3A_90 = tpu.memref_slice %arg6[%add3A_88, %dma_start3A_89] : memref<104x128xi32, #tpu.memory_space<vmem>> -> memref<1x128xi32, #tpu.memory_space<vmem>>
      %dma_start3A_91 = tpu.memref_squeeze %dma_start3A_90 : memref<1x128xi32, #tpu.memory_space<vmem>> -> memref<128xi32, #tpu.memory_space<vmem>>
      %dma_start3A_92 = arith.constant 0 : i32
      %dma_start3A_93 = arith.constant 0 : i32
      %dma_start3A_94 = tpu.memref_slice %arg8[%dma_start3A_92, %dma_start3A_93] : memref<10112x16xf32, #tpu.memory_space<vmem_shared>> -> memref<10112x16xf32, #tpu.memory_space<vmem_shared>>
      tpu.enqueue_indirect_dma source(%arg7 : memref<128x16xf32, #tpu.memory_space<vmem>>) target(%dma_start3A_94 : memref<10112x16xf32, #tpu.memory_space<vmem_shared>>) offsets(%dma_start3A_91 : memref<128xi32, #tpu.memory_space<vmem>>) semaphore(%arg9 : memref<!tpu.dma_semaphore, #tpu.memory_space<semaphore_mem>>) {add = true}
      %mul3A_95 = arith.constant 8 : i32
      %mul3A_96 = arith.muli %while3A_25, %mul3A_95 : i32
      %add3A_97 = arith.constant 7 : i32
      %add3A_98 = arith.addi %mul3A_96, %add3A_97 : i32
      %dma_start3A_99 = arith.constant 0 : i32
      %dma_start3A_100 = tpu.memref_slice %arg6[%add3A_98, %dma_start3A_99] : memref<104x128xi32, #tpu.memory_space<vmem>> -> memref<1x128xi32, #tpu.memory_space<vmem>>
      %dma_start3A_101 = tpu.memref_squeeze %dma_start3A_100 : memref<1x128xi32, #tpu.memory_space<vmem>> -> memref<128xi32, #tpu.memory_space<vmem>>
      %dma_start3A_102 = arith.constant 0 : i32
      %dma_start3A_103 = arith.constant 0 : i32
      %dma_start3A_104 = tpu.memref_slice %arg8[%dma_start3A_102, %dma_start3A_103] : memref<10112x16xf32, #tpu.memory_space<vmem_shared>> -> memref<10112x16xf32, #tpu.memory_space<vmem_shared>>
      tpu.enqueue_indirect_dma source(%arg7 : memref<128x16xf32, #tpu.memory_space<vmem>>) target(%dma_start3A_104 : memref<10112x16xf32, #tpu.memory_space<vmem_shared>>) offsets(%dma_start3A_101 : memref<128xi32, #tpu.memory_space<vmem>>) semaphore(%arg9 : memref<!tpu.dma_semaphore, #tpu.memory_space<semaphore_mem>>) {add = true}
      %dma_wait3A = arith.constant 0 : i32
      %dma_wait3A_105 = tpu.memref_slice %arg6[%add3A_29, %dma_wait3A] : memref<104x128xi32, #tpu.memory_space<vmem>> -> memref<1x128xi32, #tpu.memory_space<vmem>>
      %dma_wait3A_106 = tpu.memref_squeeze %dma_wait3A_105 : memref<1x128xi32, #tpu.memory_space<vmem>> -> memref<128xi32, #tpu.memory_space<vmem>>
      %dma_wait3A_107 = arith.constant 0 : i32
      %dma_wait3A_108 = arith.constant 0 : i32
      %dma_wait3A_109 = tpu.memref_slice %arg8[%dma_wait3A_107, %dma_wait3A_108] : memref<10112x16xf32, #tpu.memory_space<vmem_shared>> -> memref<10112x16xf32, #tpu.memory_space<vmem_shared>>
      tpu.wait_indirect_dma semaphore(%arg9 : memref<!tpu.dma_semaphore, #tpu.memory_space<semaphore_mem>>) src(%arg7 : memref<128x16xf32, #tpu.memory_space<vmem>>) dst(%dma_wait3A_109 : memref<10112x16xf32, #tpu.memory_space<vmem_shared>>)
      %dma_wait3A_110 = arith.constant 0 : i32
      %dma_wait3A_111 = tpu.memref_slice %arg6[%add3A_38, %dma_wait3A_110] : memref<104x128xi32, #tpu.memory_space<vmem>> -> memref<1x128xi32, #tpu.memory_space<vmem>>
      %dma_wait3A_112 = tpu.memref_squeeze %dma_wait3A_111 : memref<1x128xi32, #tpu.memory_space<vmem>> -> memref<128xi32, #tpu.memory_space<vmem>>
      %dma_wait3A_113 = arith.constant 0 : i32
      %dma_wait3A_114 = arith.constant 0 : i32
      %dma_wait3A_115 = tpu.memref_slice %arg8[%dma_wait3A_113, %dma_wait3A_114] : memref<10112x16xf32, #tpu.memory_space<vmem_shared>> -> memref<10112x16xf32, #tpu.memory_space<vmem_shared>>
      tpu.wait_indirect_dma semaphore(%arg9 : memref<!tpu.dma_semaphore, #tpu.memory_space<semaphore_mem>>) src(%arg7 : memref<128x16xf32, #tpu.memory_space<vmem>>) dst(%dma_wait3A_115 : memref<10112x16xf32, #tpu.memory_space<vmem_shared>>)
      %dma_wait3A_116 = arith.constant 0 : i32
      %dma_wait3A_117 = tpu.memref_slice %arg6[%add3A_48, %dma_wait3A_116] : memref<104x128xi32, #tpu.memory_space<vmem>> -> memref<1x128xi32, #tpu.memory_space<vmem>>
      %dma_wait3A_118 = tpu.memref_squeeze %dma_wait3A_117 : memref<1x128xi32, #tpu.memory_space<vmem>> -> memref<128xi32, #tpu.memory_space<vmem>>
      %dma_wait3A_119 = arith.constant 0 : i32
      %dma_wait3A_120 = arith.constant 0 : i32
      %dma_wait3A_121 = tpu.memref_slice %arg8[%dma_wait3A_119, %dma_wait3A_120] : memref<10112x16xf32, #tpu.memory_space<vmem_shared>> -> memref<10112x16xf32, #tpu.memory_space<vmem_shared>>
      tpu.wait_indirect_dma semaphore(%arg9 : memref<!tpu.dma_semaphore, #tpu.memory_space<semaphore_mem>>) src(%arg7 : memref<128x16xf32, #tpu.memory_space<vmem>>) dst(%dma_wait3A_121 : memref<10112x16xf32, #tpu.memory_space<vmem_shared>>)
      %dma_wait3A_122 = arith.constant 0 : i32
      %dma_wait3A_123 = tpu.memref_slice %arg6[%add3A_58, %dma_wait3A_122] : memref<104x128xi32, #tpu.memory_space<vmem>> -> memref<1x128xi32, #tpu.memory_space<vmem>>
      %dma_wait3A_124 = tpu.memref_squeeze %dma_wait3A_123 : memref<1x128xi32, #tpu.memory_space<vmem>> -> memref<128xi32, #tpu.memory_space<vmem>>
      %dma_wait3A_125 = arith.constant 0 : i32
      %dma_wait3A_126 = arith.constant 0 : i32
      %dma_wait3A_127 = tpu.memref_slice %arg8[%dma_wait3A_125, %dma_wait3A_126] : memref<10112x16xf32, #tpu.memory_space<vmem_shared>> -> memref<10112x16xf32, #tpu.memory_space<vmem_shared>>
      tpu.wait_indirect_dma semaphore(%arg9 : memref<!tpu.dma_semaphore, #tpu.memory_space<semaphore_mem>>) src(%arg7 : memref<128x16xf32, #tpu.memory_space<vmem>>) dst(%dma_wait3A_127 : memref<10112x16xf32, #tpu.memory_space<vmem_shared>>)
      %dma_wait3A_128 = arith.constant 0 : i32
      %dma_wait3A_129 = tpu.memref_slice %arg6[%add3A_68, %dma_wait3A_128] : memref<104x128xi32, #tpu.memory_space<vmem>> -> memref<1x128xi32, #tpu.memory_space<vmem>>
      %dma_wait3A_130 = tpu.memref_squeeze %dma_wait3A_129 : memref<1x128xi32, #tpu.memory_space<vmem>> -> memref<128xi32, #tpu.memory_space<vmem>>
      %dma_wait3A_131 = arith.constant 0 : i32
      %dma_wait3A_132 = arith.constant 0 : i32
      %dma_wait3A_133 = tpu.memref_slice %arg8[%dma_wait3A_131, %dma_wait3A_132] : memref<10112x16xf32, #tpu.memory_space<vmem_shared>> -> memref<10112x16xf32, #tpu.memory_space<vmem_shared>>
      tpu.wait_indirect_dma semaphore(%arg9 : memref<!tpu.dma_semaphore, #tpu.memory_space<semaphore_mem>>) src(%arg7 : memref<128x16xf32, #tpu.memory_space<vmem>>) dst(%dma_wait3A_133 : memref<10112x16xf32, #tpu.memory_space<vmem_shared>>)
      %dma_wait3A_134 = arith.constant 0 : i32
      %dma_wait3A_135 = tpu.memref_slice %arg6[%add3A_78, %dma_wait3A_134] : memref<104x128xi32, #tpu.memory_space<vmem>> -> memref<1x128xi32, #tpu.memory_space<vmem>>
      %dma_wait3A_136 = tpu.memref_squeeze %dma_wait3A_135 : memref<1x128xi32, #tpu.memory_space<vmem>> -> memref<128xi32, #tpu.memory_space<vmem>>
      %dma_wait3A_137 = arith.constant 0 : i32
      %dma_wait3A_138 = arith.constant 0 : i32
      %dma_wait3A_139 = tpu.memref_slice %arg8[%dma_wait3A_137, %dma_wait3A_138] : memref<10112x16xf32, #tpu.memory_space<vmem_shared>> -> memref<10112x16xf32, #tpu.memory_space<vmem_shared>>
      tpu.wait_indirect_dma semaphore(%arg9 : memref<!tpu.dma_semaphore, #tpu.memory_space<semaphore_mem>>) src(%arg7 : memref<128x16xf32, #tpu.memory_space<vmem>>) dst(%dma_wait3A_139 : memref<10112x16xf32, #tpu.memory_space<vmem_shared>>)
      %dma_wait3A_140 = arith.constant 0 : i32
      %dma_wait3A_141 = tpu.memref_slice %arg6[%add3A_88, %dma_wait3A_140] : memref<104x128xi32, #tpu.memory_space<vmem>> -> memref<1x128xi32, #tpu.memory_space<vmem>>
      %dma_wait3A_142 = tpu.memref_squeeze %dma_wait3A_141 : memref<1x128xi32, #tpu.memory_space<vmem>> -> memref<128xi32, #tpu.memory_space<vmem>>
      %dma_wait3A_143 = arith.constant 0 : i32
      %dma_wait3A_144 = arith.constant 0 : i32
      %dma_wait3A_145 = tpu.memref_slice %arg8[%dma_wait3A_143, %dma_wait3A_144] : memref<10112x16xf32, #tpu.memory_space<vmem_shared>> -> memref<10112x16xf32, #tpu.memory_space<vmem_shared>>
      tpu.wait_indirect_dma semaphore(%arg9 : memref<!tpu.dma_semaphore, #tpu.memory_space<semaphore_mem>>) src(%arg7 : memref<128x16xf32, #tpu.memory_space<vmem>>) dst(%dma_wait3A_145 : memref<10112x16xf32, #tpu.memory_space<vmem_shared>>)
      %dma_wait3A_146 = arith.constant 0 : i32
      %dma_wait3A_147 = tpu.memref_slice %arg6[%add3A_98, %dma_wait3A_146] : memref<104x128xi32, #tpu.memory_space<vmem>> -> memref<1x128xi32, #tpu.memory_space<vmem>>
      %dma_wait3A_148 = tpu.memref_squeeze %dma_wait3A_147 : memref<1x128xi32, #tpu.memory_space<vmem>> -> memref<128xi32, #tpu.memory_space<vmem>>
      %dma_wait3A_149 = arith.constant 0 : i32
      %dma_wait3A_150 = arith.constant 0 : i32
      %dma_wait3A_151 = tpu.memref_slice %arg8[%dma_wait3A_149, %dma_wait3A_150] : memref<10112x16xf32, #tpu.memory_space<vmem_shared>> -> memref<10112x16xf32, #tpu.memory_space<vmem_shared>>
      tpu.wait_indirect_dma semaphore(%arg9 : memref<!tpu.dma_semaphore, #tpu.memory_space<semaphore_mem>>) src(%arg7 : memref<128x16xf32, #tpu.memory_space<vmem>>) dst(%dma_wait3A_151 : memref<10112x16xf32, #tpu.memory_space<vmem_shared>>)
    }
    %while3A_19 = arith.constant 1 : i32
    scf.for %while3A_25 = %while3A_17 to %while3A_13 step %while3A_19  : i32 {
      %mul3A_26 = arith.constant 8 : i32
      %mul3A_27 = arith.muli %while3A_25, %mul3A_26 : i32
      %add3A_28 = arith.constant 0 : i32
      %add3A_29 = arith.addi %mul3A_27, %add3A_28 : i32
      %dma_start3A = arith.constant 0 : i32
      %dma_start3A_30 = tpu.memref_slice %arg6[%add3A_29, %dma_start3A] : memref<104x128xi32, #tpu.memory_space<vmem>> -> memref<1x128xi32, #tpu.memory_space<vmem>>
      %dma_start3A_31 = tpu.memref_squeeze %dma_start3A_30 : memref<1x128xi32, #tpu.memory_space<vmem>> -> memref<128xi32, #tpu.memory_space<vmem>>
      %dma_start3A_32 = arith.constant 0 : i32
      %dma_start3A_33 = arith.constant 0 : i32
      %dma_start3A_34 = tpu.memref_slice %arg8[%dma_start3A_32, %dma_start3A_33] : memref<10112x16xf32, #tpu.memory_space<vmem_shared>> -> memref<10112x16xf32, #tpu.memory_space<vmem_shared>>
      tpu.enqueue_indirect_dma source(%arg7 : memref<128x16xf32, #tpu.memory_space<vmem>>) target(%dma_start3A_34 : memref<10112x16xf32, #tpu.memory_space<vmem_shared>>) offsets(%dma_start3A_31 : memref<128xi32, #tpu.memory_space<vmem>>) semaphore(%arg9 : memref<!tpu.dma_semaphore, #tpu.memory_space<semaphore_mem>>) {add = true}
      %mul3A_35 = arith.constant 8 : i32
      %mul3A_36 = arith.muli %while3A_25, %mul3A_35 : i32
      %add3A_37 = arith.constant 1 : i32
      %add3A_38 = arith.addi %mul3A_36, %add3A_37 : i32
      %dma_start3A_39 = arith.constant 0 : i32
      %dma_start3A_40 = tpu.memref_slice %arg6[%add3A_38, %dma_start3A_39] : memref<104x128xi32, #tpu.memory_space<vmem>> -> memref<1x128xi32, #tpu.memory_space<vmem>>
      %dma_start3A_41 = tpu.memref_squeeze %dma_start3A_40 : memref<1x128xi32, #tpu.memory_space<vmem>> -> memref<128xi32, #tpu.memory_space<vmem>>
      %dma_start3A_42 = arith.constant 0 : i32
      %dma_start3A_43 = arith.constant 0 : i32
      %dma_start3A_44 = tpu.memref_slice %arg8[%dma_start3A_42, %dma_start3A_43] : memref<10112x16xf32, #tpu.memory_space<vmem_shared>> -> memref<10112x16xf32, #tpu.memory_space<vmem_shared>>
      tpu.enqueue_indirect_dma source(%arg7 : memref<128x16xf32, #tpu.memory_space<vmem>>) target(%dma_start3A_44 : memref<10112x16xf32, #tpu.memory_space<vmem_shared>>) offsets(%dma_start3A_41 : memref<128xi32, #tpu.memory_space<vmem>>) semaphore(%arg9 : memref<!tpu.dma_semaphore, #tpu.memory_space<semaphore_mem>>) {add = true}
      %mul3A_45 = arith.constant 8 : i32
      %mul3A_46 = arith.muli %while3A_25, %mul3A_45 : i32
      %add3A_47 = arith.constant 2 : i32
      %add3A_48 = arith.addi %mul3A_46, %add3A_47 : i32
      %dma_start3A_49 = arith.constant 0 : i32
      %dma_start3A_50 = tpu.memref_slice %arg6[%add3A_48, %dma_start3A_49] : memref<104x128xi32, #tpu.memory_space<vmem>> -> memref<1x128xi32, #tpu.memory_space<vmem>>
      %dma_start3A_51 = tpu.memref_squeeze %dma_start3A_50 : memref<1x128xi32, #tpu.memory_space<vmem>> -> memref<128xi32, #tpu.memory_space<vmem>>
      %dma_start3A_52 = arith.constant 0 : i32
      %dma_start3A_53 = arith.constant 0 : i32
      %dma_start3A_54 = tpu.memref_slice %arg8[%dma_start3A_52, %dma_start3A_53] : memref<10112x16xf32, #tpu.memory_space<vmem_shared>> -> memref<10112x16xf32, #tpu.memory_space<vmem_shared>>
      tpu.enqueue_indirect_dma source(%arg7 : memref<128x16xf32, #tpu.memory_space<vmem>>) target(%dma_start3A_54 : memref<10112x16xf32, #tpu.memory_space<vmem_shared>>) offsets(%dma_start3A_51 : memref<128xi32, #tpu.memory_space<vmem>>) semaphore(%arg9 : memref<!tpu.dma_semaphore, #tpu.memory_space<semaphore_mem>>) {add = true}
      %mul3A_55 = arith.constant 8 : i32
      %mul3A_56 = arith.muli %while3A_25, %mul3A_55 : i32
      %add3A_57 = arith.constant 3 : i32
      %add3A_58 = arith.addi %mul3A_56, %add3A_57 : i32
      %dma_start3A_59 = arith.constant 0 : i32
      %dma_start3A_60 = tpu.memref_slice %arg6[%add3A_58, %dma_start3A_59] : memref<104x128xi32, #tpu.memory_space<vmem>> -> memref<1x128xi32, #tpu.memory_space<vmem>>
      %dma_start3A_61 = tpu.memref_squeeze %dma_start3A_60 : memref<1x128xi32, #tpu.memory_space<vmem>> -> memref<128xi32, #tpu.memory_space<vmem>>
      %dma_start3A_62 = arith.constant 0 : i32
      %dma_start3A_63 = arith.constant 0 : i32
      %dma_start3A_64 = tpu.memref_slice %arg8[%dma_start3A_62, %dma_start3A_63] : memref<10112x16xf32, #tpu.memory_space<vmem_shared>> -> memref<10112x16xf32, #tpu.memory_space<vmem_shared>>
      tpu.enqueue_indirect_dma source(%arg7 : memref<128x16xf32, #tpu.memory_space<vmem>>) target(%dma_start3A_64 : memref<10112x16xf32, #tpu.memory_space<vmem_shared>>) offsets(%dma_start3A_61 : memref<128xi32, #tpu.memory_space<vmem>>) semaphore(%arg9 : memref<!tpu.dma_semaphore, #tpu.memory_space<semaphore_mem>>) {add = true}
      %mul3A_65 = arith.constant 8 : i32
      %mul3A_66 = arith.muli %while3A_25, %mul3A_65 : i32
      %add3A_67 = arith.constant 4 : i32
      %add3A_68 = arith.addi %mul3A_66, %add3A_67 : i32
      %dma_start3A_69 = arith.constant 0 : i32
      %dma_start3A_70 = tpu.memref_slice %arg6[%add3A_68, %dma_start3A_69] : memref<104x128xi32, #tpu.memory_space<vmem>> -> memref<1x128xi32, #tpu.memory_space<vmem>>
      %dma_start3A_71 = tpu.memref_squeeze %dma_start3A_70 : memref<1x128xi32, #tpu.memory_space<vmem>> -> memref<128xi32, #tpu.memory_space<vmem>>
      %dma_start3A_72 = arith.constant 0 : i32
      %dma_start3A_73 = arith.constant 0 : i32
      %dma_start3A_74 = tpu.memref_slice %arg8[%dma_start3A_72, %dma_start3A_73] : memref<10112x16xf32, #tpu.memory_space<vmem_shared>> -> memref<10112x16xf32, #tpu.memory_space<vmem_shared>>
      tpu.enqueue_indirect_dma source(%arg7 : memref<128x16xf32, #tpu.memory_space<vmem>>) target(%dma_start3A_74 : memref<10112x16xf32, #tpu.memory_space<vmem_shared>>) offsets(%dma_start3A_71 : memref<128xi32, #tpu.memory_space<vmem>>) semaphore(%arg9 : memref<!tpu.dma_semaphore, #tpu.memory_space<semaphore_mem>>) {add = true}
      %mul3A_75 = arith.constant 8 : i32
      %mul3A_76 = arith.muli %while3A_25, %mul3A_75 : i32
      %add3A_77 = arith.constant 5 : i32
      %add3A_78 = arith.addi %mul3A_76, %add3A_77 : i32
      %dma_start3A_79 = arith.constant 0 : i32
      %dma_start3A_80 = tpu.memref_slice %arg6[%add3A_78, %dma_start3A_79] : memref<104x128xi32, #tpu.memory_space<vmem>> -> memref<1x128xi32, #tpu.memory_space<vmem>>
      %dma_start3A_81 = tpu.memref_squeeze %dma_start3A_80 : memref<1x128xi32, #tpu.memory_space<vmem>> -> memref<128xi32, #tpu.memory_space<vmem>>
      %dma_start3A_82 = arith.constant 0 : i32
      %dma_start3A_83 = arith.constant 0 : i32
      %dma_start3A_84 = tpu.memref_slice %arg8[%dma_start3A_82, %dma_start3A_83] : memref<10112x16xf32, #tpu.memory_space<vmem_shared>> -> memref<10112x16xf32, #tpu.memory_space<vmem_shared>>
      tpu.enqueue_indirect_dma source(%arg7 : memref<128x16xf32, #tpu.memory_space<vmem>>) target(%dma_start3A_84 : memref<10112x16xf32, #tpu.memory_space<vmem_shared>>) offsets(%dma_start3A_81 : memref<128xi32, #tpu.memory_space<vmem>>) semaphore(%arg9 : memref<!tpu.dma_semaphore, #tpu.memory_space<semaphore_mem>>) {add = true}
      %mul3A_85 = arith.constant 8 : i32
      %mul3A_86 = arith.muli %while3A_25, %mul3A_85 : i32
      %add3A_87 = arith.constant 6 : i32
      %add3A_88 = arith.addi %mul3A_86, %add3A_87 : i32
      %dma_start3A_89 = arith.constant 0 : i32
      %dma_start3A_90 = tpu.memref_slice %arg6[%add3A_88, %dma_start3A_89] : memref<104x128xi32, #tpu.memory_space<vmem>> -> memref<1x128xi32, #tpu.memory_space<vmem>>
      %dma_start3A_91 = tpu.memref_squeeze %dma_start3A_90 : memref<1x128xi32, #tpu.memory_space<vmem>> -> memref<128xi32, #tpu.memory_space<vmem>>
      %dma_start3A_92 = arith.constant 0 : i32
      %dma_start3A_93 = arith.constant 0 : i32
      %dma_start3A_94 = tpu.memref_slice %arg8[%dma_start3A_92, %dma_start3A_93] : memref<10112x16xf32, #tpu.memory_space<vmem_shared>> -> memref<10112x16xf32, #tpu.memory_space<vmem_shared>>
      tpu.enqueue_indirect_dma source(%arg7 : memref<128x16xf32, #tpu.memory_space<vmem>>) target(%dma_start3A_94 : memref<10112x16xf32, #tpu.memory_space<vmem_shared>>) offsets(%dma_start3A_91 : memref<128xi32, #tpu.memory_space<vmem>>) semaphore(%arg9 : memref<!tpu.dma_semaphore, #tpu.memory_space<semaphore_mem>>) {add = true}
      %mul3A_95 = arith.constant 8 : i32
      %mul3A_96 = arith.muli %while3A_25, %mul3A_95 : i32
      %add3A_97 = arith.constant 7 : i32
      %add3A_98 = arith.addi %mul3A_96, %add3A_97 : i32
      %dma_start3A_99 = arith.constant 0 : i32
      %dma_start3A_100 = tpu.memref_slice %arg6[%add3A_98, %dma_start3A_99] : memref<104x128xi32, #tpu.memory_space<vmem>> -> memref<1x128xi32, #tpu.memory_space<vmem>>
      %dma_start3A_101 = tpu.memref_squeeze %dma_start3A_100 : memref<1x128xi32, #tpu.memory_space<vmem>> -> memref<128xi32, #tpu.memory_space<vmem>>
      %dma_start3A_102 = arith.constant 0 : i32
      %dma_start3A_103 = arith.constant 0 : i32
      %dma_start3A_104 = tpu.memref_slice %arg8[%dma_start3A_102, %dma_start3A_103] : memref<10112x16xf32, #tpu.memory_space<vmem_shared>> -> memref<10112x16xf32, #tpu.memory_space<vmem_shared>>
      tpu.enqueue_indirect_dma source(%arg7 : memref<128x16xf32, #tpu.memory_space<vmem>>) target(%dma_start3A_104 : memref<10112x16xf32, #tpu.memory_space<vmem_shared>>) offsets(%dma_start3A_101 : memref<128xi32, #tpu.memory_space<vmem>>) semaphore(%arg9 : memref<!tpu.dma_semaphore, #tpu.memory_space<semaphore_mem>>) {add = true}
      %dma_wait3A = arith.constant 0 : i32
      %dma_wait3A_105 = tpu.memref_slice %arg6[%add3A_29, %dma_wait3A] : memref<104x128xi32, #tpu.memory_space<vmem>> -> memref<1x128xi32, #tpu.memory_space<vmem>>
      %dma_wait3A_106 = tpu.memref_squeeze %dma_wait3A_105 : memref<1x128xi32, #tpu.memory_space<vmem>> -> memref<128xi32, #tpu.memory_space<vmem>>
      %dma_wait3A_107 = arith.constant 0 : i32
      %dma_wait3A_108 = arith.constant 0 : i32
      %dma_wait3A_109 = tpu.memref_slice %arg8[%dma_wait3A_107, %dma_wait3A_108] : memref<10112x16xf32, #tpu.memory_space<vmem_shared>> -> memref<10112x16xf32, #tpu.memory_space<vmem_shared>>
      tpu.wait_indirect_dma semaphore(%arg9 : memref<!tpu.dma_semaphore, #tpu.memory_space<semaphore_mem>>) src(%arg7 : memref<128x16xf32, #tpu.memory_space<vmem>>) dst(%dma_wait3A_109 : memref<10112x16xf32, #tpu.memory_space<vmem_shared>>)
      %dma_wait3A_110 = arith.constant 0 : i32
      %dma_wait3A_111 = tpu.memref_slice %arg6[%add3A_38, %dma_wait3A_110] : memref<104x128xi32, #tpu.memory_space<vmem>> -> memref<1x128xi32, #tpu.memory_space<vmem>>
      %dma_wait3A_112 = tpu.memref_squeeze %dma_wait3A_111 : memref<1x128xi32, #tpu.memory_space<vmem>> -> memref<128xi32, #tpu.memory_space<vmem>>
      %dma_wait3A_113 = arith.constant 0 : i32
      %dma_wait3A_114 = arith.constant 0 : i32
      %dma_wait3A_115 = tpu.memref_slice %arg8[%dma_wait3A_113, %dma_wait3A_114] : memref<10112x16xf32, #tpu.memory_space<vmem_shared>> -> memref<10112x16xf32, #tpu.memory_space<vmem_shared>>
      tpu.wait_indirect_dma semaphore(%arg9 : memref<!tpu.dma_semaphore, #tpu.memory_space<semaphore_mem>>) src(%arg7 : memref<128x16xf32, #tpu.memory_space<vmem>>) dst(%dma_wait3A_115 : memref<10112x16xf32, #tpu.memory_space<vmem_shared>>)
      %dma_wait3A_116 = arith.constant 0 : i32
      %dma_wait3A_117 = tpu.memref_slice %arg6[%add3A_48, %dma_wait3A_116] : memref<104x128xi32, #tpu.memory_space<vmem>> -> memref<1x128xi32, #tpu.memory_space<vmem>>
      %dma_wait3A_118 = tpu.memref_squeeze %dma_wait3A_117 : memref<1x128xi32, #tpu.memory_space<vmem>> -> memref<128xi32, #tpu.memory_space<vmem>>
      %dma_wait3A_119 = arith.constant 0 : i32
      %dma_wait3A_120 = arith.constant 0 : i32
      %dma_wait3A_121 = tpu.memref_slice %arg8[%dma_wait3A_119, %dma_wait3A_120] : memref<10112x16xf32, #tpu.memory_space<vmem_shared>> -> memref<10112x16xf32, #tpu.memory_space<vmem_shared>>
      tpu.wait_indirect_dma semaphore(%arg9 : memref<!tpu.dma_semaphore, #tpu.memory_space<semaphore_mem>>) src(%arg7 : memref<128x16xf32, #tpu.memory_space<vmem>>) dst(%dma_wait3A_121 : memref<10112x16xf32, #tpu.memory_space<vmem_shared>>)
      %dma_wait3A_122 = arith.constant 0 : i32
      %dma_wait3A_123 = tpu.memref_slice %arg6[%add3A_58, %dma_wait3A_122] : memref<104x128xi32, #tpu.memory_space<vmem>> -> memref<1x128xi32, #tpu.memory_space<vmem>>
      %dma_wait3A_124 = tpu.memref_squeeze %dma_wait3A_123 : memref<1x128xi32, #tpu.memory_space<vmem>> -> memref<128xi32, #tpu.memory_space<vmem>>
      %dma_wait3A_125 = arith.constant 0 : i32
      %dma_wait3A_126 = arith.constant 0 : i32
      %dma_wait3A_127 = tpu.memref_slice %arg8[%dma_wait3A_125, %dma_wait3A_126] : memref<10112x16xf32, #tpu.memory_space<vmem_shared>> -> memref<10112x16xf32, #tpu.memory_space<vmem_shared>>
      tpu.wait_indirect_dma semaphore(%arg9 : memref<!tpu.dma_semaphore, #tpu.memory_space<semaphore_mem>>) src(%arg7 : memref<128x16xf32, #tpu.memory_space<vmem>>) dst(%dma_wait3A_127 : memref<10112x16xf32, #tpu.memory_space<vmem_shared>>)
      %dma_wait3A_128 = arith.constant 0 : i32
      %dma_wait3A_129 = tpu.memref_slice %arg6[%add3A_68, %dma_wait3A_128] : memref<104x128xi32, #tpu.memory_space<vmem>> -> memref<1x128xi32, #tpu.memory_space<vmem>>
      %dma_wait3A_130 = tpu.memref_squeeze %dma_wait3A_129 : memref<1x128xi32, #tpu.memory_space<vmem>> -> memref<128xi32, #tpu.memory_space<vmem>>
      %dma_wait3A_131 = arith.constant 0 : i32
      %dma_wait3A_132 = arith.constant 0 : i32
      %dma_wait3A_133 = tpu.memref_slice %arg8[%dma_wait3A_131, %dma_wait3A_132] : memref<10112x16xf32, #tpu.memory_space<vmem_shared>> -> memref<10112x16xf32, #tpu.memory_space<vmem_shared>>
      tpu.wait_indirect_dma semaphore(%arg9 : memref<!tpu.dma_semaphore, #tpu.memory_space<semaphore_mem>>) src(%arg7 : memref<128x16xf32, #tpu.memory_space<vmem>>) dst(%dma_wait3A_133 : memref<10112x16xf32, #tpu.memory_space<vmem_shared>>)
      %dma_wait3A_134 = arith.constant 0 : i32
      %dma_wait3A_135 = tpu.memref_slice %arg6[%add3A_78, %dma_wait3A_134] : memref<104x128xi32, #tpu.memory_space<vmem>> -> memref<1x128xi32, #tpu.memory_space<vmem>>
      %dma_wait3A_136 = tpu.memref_squeeze %dma_wait3A_135 : memref<1x128xi32, #tpu.memory_space<vmem>> -> memref<128xi32, #tpu.memory_space<vmem>>
      %dma_wait3A_137 = arith.constant 0 : i32
      %dma_wait3A_138 = arith.constant 0 : i32
      %dma_wait3A_139 = tpu.memref_slice %arg8[%dma_wait3A_137, %dma_wait3A_138] : memref<10112x16xf32, #tpu.memory_space<vmem_shared>> -> memref<10112x16xf32, #tpu.memory_space<vmem_shared>>
      tpu.wait_indirect_dma semaphore(%arg9 : memref<!tpu.dma_semaphore, #tpu.memory_space<semaphore_mem>>) src(%arg7 : memref<128x16xf32, #tpu.memory_space<vmem>>) dst(%dma_wait3A_139 : memref<10112x16xf32, #tpu.memory_space<vmem_shared>>)
      %dma_wait3A_140 = arith.constant 0 : i32
      %dma_wait3A_141 = tpu.memref_slice %arg6[%add3A_88, %dma_wait3A_140] : memref<104x128xi32, #tpu.memory_space<vmem>> -> memref<1x128xi32, #tpu.memory_space<vmem>>
      %dma_wait3A_142 = tpu.memref_squeeze %dma_wait3A_141 : memref<1x128xi32, #tpu.memory_space<vmem>> -> memref<128xi32, #tpu.memory_space<vmem>>
      %dma_wait3A_143 = arith.constant 0 : i32
      %dma_wait3A_144 = arith.constant 0 : i32
      %dma_wait3A_145 = tpu.memref_slice %arg8[%dma_wait3A_143, %dma_wait3A_144] : memref<10112x16xf32, #tpu.memory_space<vmem_shared>> -> memref<10112x16xf32, #tpu.memory_space<vmem_shared>>
      tpu.wait_indirect_dma semaphore(%arg9 : memref<!tpu.dma_semaphore, #tpu.memory_space<semaphore_mem>>) src(%arg7 : memref<128x16xf32, #tpu.memory_space<vmem>>) dst(%dma_wait3A_145 : memref<10112x16xf32, #tpu.memory_space<vmem_shared>>)
      %dma_wait3A_146 = arith.constant 0 : i32
      %dma_wait3A_147 = tpu.memref_slice %arg6[%add3A_98, %dma_wait3A_146] : memref<104x128xi32, #tpu.memory_space<vmem>> -> memref<1x128xi32, #tpu.memory_space<vmem>>
      %dma_wait3A_148 = tpu.memref_squeeze %dma_wait3A_147 : memref<1x128xi32, #tpu.memory_space<vmem>> -> memref<128xi32, #tpu.memory_space<vmem>>
      %dma_wait3A_149 = arith.constant 0 : i32
      %dma_wait3A_150 = arith.constant 0 : i32
      %dma_wait3A_151 = tpu.memref_slice %arg8[%dma_wait3A_149, %dma_wait3A_150] : memref<10112x16xf32, #tpu.memory_space<vmem_shared>> -> memref<10112x16xf32, #tpu.memory_space<vmem_shared>>
      tpu.wait_indirect_dma semaphore(%arg9 : memref<!tpu.dma_semaphore, #tpu.memory_space<semaphore_mem>>) src(%arg7 : memref<128x16xf32, #tpu.memory_space<vmem>>) dst(%dma_wait3A_151 : memref<10112x16xf32, #tpu.memory_space<vmem_shared>>)
    }
    %barrier3A_20 = arith.constant 0 : index
    tpu.barrier barrier_id(%barrier3A_20)
    %mul3A_21 = arith.constant 632 : i32
    %mul3A_22 = arith.muli %arg1, %mul3A_21 : i32
    %mul3A_23 = arith.constant 632 : i32
    %mul3A_24 = arith.muli %arg1, %mul3A_23 : i32
    "tpu.region"() ({
      %run_scoped3A = tpu.sem_alloc : memref<!tpu.dma_semaphore, #tpu.memory_space<semaphore_mem>>
      %dma_start3A = arith.constant 0 : i32
      %dma_start3A_25 = tpu.memref_slice %arg5[%arg0, %mul3A_24, %dma_start3A] : memref<2x10112x16xf32, #tpu.memory_space<hbm>> -> memref<1x632x16xf32, #tpu.memory_space<hbm>>
      %dma_start3A_26 = tpu.memref_squeeze %dma_start3A_25 : memref<1x632x16xf32, #tpu.memory_space<hbm>> -> memref<632x16xf32, #tpu.memory_space<hbm>>
      %dma_start3A_27 = arith.constant 0 : i32
      %dma_start3A_28 = tpu.memref_slice %arg8[%mul3A_22, %dma_start3A_27] : memref<10112x16xf32, #tpu.memory_space<vmem_shared>> -> memref<632x16xf32, #tpu.memory_space<vmem_shared>>
      tpu.enqueue_dma source(%dma_start3A_28 : memref<632x16xf32, #tpu.memory_space<vmem_shared>>) target(%dma_start3A_26 : memref<632x16xf32, #tpu.memory_space<hbm>>) target_semaphore(%run_scoped3A : memref<!tpu.dma_semaphore, #tpu.memory_space<semaphore_mem>>)
      %dma_wait3A = arith.constant 0 : i32
      %dma_wait3A_29 = tpu.memref_slice %arg5[%arg0, %mul3A_24, %dma_wait3A] : memref<2x10112x16xf32, #tpu.memory_space<hbm>> -> memref<1x632x16xf32, #tpu.memory_space<hbm>>
      %dma_wait3A_30 = tpu.memref_squeeze %dma_wait3A_29 : memref<1x632x16xf32, #tpu.memory_space<hbm>> -> memref<632x16xf32, #tpu.memory_space<hbm>>
      %dma_wait3A_31 = arith.constant 0 : i32
      %dma_wait3A_32 = tpu.memref_slice %arg8[%mul3A_22, %dma_wait3A_31] : memref<10112x16xf32, #tpu.memory_space<vmem_shared>> -> memref<632x16xf32, #tpu.memory_space<vmem_shared>>
      tpu.wait_dma2 semaphore(%run_scoped3A : memref<!tpu.dma_semaphore, #tpu.memory_space<semaphore_mem>>) src(%dma_wait3A_32 : memref<632x16xf32, #tpu.memory_space<vmem_shared>>) dst(%dma_wait3A_30 : memref<632x16xf32, #tpu.memory_space<hbm>>)
      tpu.yield
    }) : () -> ()
    return
  }
}

#map = affine_map<(d0, d1) -> (0, 0)>
#map1 = affine_map<(d0, d1) -> (0, 0, 0)>
module attributes {stable_mosaic.version = 14 : i64} {
  func.func @_sc_scatter(%arg0: i32, %arg1: i32, %arg2: memref<2560x128xi32, #tpu.memory_space<hbm>>, %arg3: memref<2560x128xi32, #tpu.memory_space<hbm>>, %arg4: memref<10112x16xf32, #tpu.memory_space<hbm>>, %arg5: memref<10112x16xf32, #tpu.memory_space<hbm>>, %arg6: memref<2x10112x16xf32, #tpu.memory_space<hbm>>, %arg7: memref<104x128xi32, #tpu.memory_space<vmem>>, %arg8: memref<104x128xi32, #tpu.memory_space<vmem>>, %arg9: memref<128x16xf32, #tpu.memory_space<vmem>>, %arg10: memref<128x16xf32, #tpu.memory_space<vmem>>, %arg11: memref<128x16xf32, #tpu.memory_space<vmem>>, %arg12: memref<128x16xf32, #tpu.memory_space<vmem>>, %arg13: memref<128x16xf32, #tpu.memory_space<vmem>>, %arg14: memref<128x16xf32, #tpu.memory_space<vmem>>, %arg15: memref<128x16xf32, #tpu.memory_space<vmem>>, %arg16: memref<128x16xf32, #tpu.memory_space<vmem>>, %arg17: memref<10112x16xf32, #tpu.memory_space<vmem_shared>>, %arg18: memref<!tpu.dma_semaphore, #tpu.memory_space<semaphore_mem>>, %arg19: memref<!tpu.dma_semaphore, #tpu.memory_space<semaphore_mem>>, %arg20: memref<!tpu.dma_semaphore, #tpu.memory_space<semaphore_mem>>, %arg21: memref<!tpu.dma_semaphore, #tpu.memory_space<semaphore_mem>>, %arg22: memref<!tpu.dma_semaphore, #tpu.memory_space<semaphore_mem>>, %arg23: memref<!tpu.dma_semaphore, #tpu.memory_space<semaphore_mem>>, %arg24: memref<!tpu.dma_semaphore, #tpu.memory_space<semaphore_mem>>, %arg25: memref<!tpu.dma_semaphore, #tpu.memory_space<semaphore_mem>>, %arg26: memref<!tpu.dma_semaphore, #tpu.memory_space<semaphore_mem>>, %arg27: memref<!tpu.dma_semaphore, #tpu.memory_space<semaphore_mem>>, %arg28: memref<!tpu.dma_semaphore, #tpu.memory_space<semaphore_mem>>, %arg29: memref<!tpu.dma_semaphore, #tpu.memory_space<semaphore_mem>>, %arg30: memref<!tpu.dma_semaphore, #tpu.memory_space<semaphore_mem>>, %arg31: memref<!tpu.dma_semaphore, #tpu.memory_space<semaphore_mem>>, %arg32: memref<!tpu.dma_semaphore, #tpu.memory_space<semaphore_mem>>, %arg33: memref<!tpu.dma_semaphore, #tpu.memory_space<semaphore_mem>>) attributes {dimension_semantics = [#tpu.dimension_semantics<core_parallel>, #tpu.dimension_semantics<subcore_parallel>], iteration_bounds = array<i64: 2, 16>, scalar_prefetch = 0 : i64, scratch_operands = 27 : i64, tpu.core_type = #tpu.core_type<sc_vector_subcore>, window_params = [{transform_indices = #map}, {transform_indices = #map}, {transform_indices = #map}, {transform_indices = #map}, {transform_indices = #map1}]} {
    %eq3A = arith.constant 0 : i32
    %eq3A_0 = arith.cmpi eq, %arg0, %eq3A : i32
    %mul3A = arith.constant 56 : i32
    %mul3A_1 = arith.muli %arg1, %mul3A : i32
    %mul3A_2 = arith.constant 104 : i32
    %mul3A_3 = arith.muli %arg1, %mul3A_2 : i32
    %add3A = arith.constant 896 : i32
    %add3A_4 = arith.addi %add3A, %mul3A_3 : i32
    %select_n3A = arith.select %eq3A_0, %mul3A_1, %add3A_4 : i32
    %jit3A = arith.constant 56 : i32
    %jit3A_5 = arith.constant 104 : i32
    %select_n3A_6 = arith.select %eq3A_0, %jit3A, %jit3A_5 : i32
    %jit3A_7 = arith.constant 7 : i32
    %jit3A_8 = arith.constant 13 : i32
    %select_n3A_9 = arith.select %eq3A_0, %jit3A_7, %jit3A_8 : i32
    "tpu.region"() ({
      %run_scoped3A = tpu.sem_alloc : memref<!tpu.dma_semaphore, #tpu.memory_space<semaphore_mem>>
      %dma_start3A_161 = arith.constant 0 : i32
      %dma_start3A_162 = tpu.memref_slice %arg2[%select_n3A, %dma_start3A_161] : memref<2560x128xi32, #tpu.memory_space<hbm>> -> memref<104x128xi32, #tpu.memory_space<hbm>>
      %dma_start3A_163 = arith.constant 0 : i32
      %dma_start3A_164 = tpu.memref_slice %arg2[%select_n3A, %dma_start3A_163] : memref<2560x128xi32, #tpu.memory_space<hbm>> -> memref<104x128xi32, #tpu.memory_space<hbm>>
      tpu.enqueue_dma source(%dma_start3A_164 : memref<104x128xi32, #tpu.memory_space<hbm>>) target(%arg7 : memref<104x128xi32, #tpu.memory_space<vmem>>) target_semaphore(%run_scoped3A : memref<!tpu.dma_semaphore, #tpu.memory_space<semaphore_mem>>)
      %dma_wait3A_165 = arith.constant 0 : i32
      %dma_wait3A_166 = tpu.memref_slice %arg2[%select_n3A, %dma_wait3A_165] : memref<2560x128xi32, #tpu.memory_space<hbm>> -> memref<104x128xi32, #tpu.memory_space<hbm>>
      %dma_wait3A_167 = arith.constant 0 : i32
      %dma_wait3A_168 = tpu.memref_slice %arg2[%select_n3A, %dma_wait3A_167] : memref<2560x128xi32, #tpu.memory_space<hbm>> -> memref<104x128xi32, #tpu.memory_space<hbm>>
      tpu.wait_dma2 semaphore(%run_scoped3A : memref<!tpu.dma_semaphore, #tpu.memory_space<semaphore_mem>>) src(%dma_wait3A_168 : memref<104x128xi32, #tpu.memory_space<hbm>>) dst(%arg7 : memref<104x128xi32, #tpu.memory_space<vmem>>)
      tpu.yield
    }) : () -> ()
    "tpu.region"() ({
      %run_scoped3A = tpu.sem_alloc : memref<!tpu.dma_semaphore, #tpu.memory_space<semaphore_mem>>
      %dma_start3A_161 = arith.constant 0 : i32
      %dma_start3A_162 = tpu.memref_slice %arg3[%select_n3A, %dma_start3A_161] : memref<2560x128xi32, #tpu.memory_space<hbm>> -> memref<104x128xi32, #tpu.memory_space<hbm>>
      %dma_start3A_163 = arith.constant 0 : i32
      %dma_start3A_164 = tpu.memref_slice %arg3[%select_n3A, %dma_start3A_163] : memref<2560x128xi32, #tpu.memory_space<hbm>> -> memref<104x128xi32, #tpu.memory_space<hbm>>
      tpu.enqueue_dma source(%dma_start3A_164 : memref<104x128xi32, #tpu.memory_space<hbm>>) target(%arg8 : memref<104x128xi32, #tpu.memory_space<vmem>>) target_semaphore(%run_scoped3A : memref<!tpu.dma_semaphore, #tpu.memory_space<semaphore_mem>>)
      %dma_wait3A_165 = arith.constant 0 : i32
      %dma_wait3A_166 = tpu.memref_slice %arg3[%select_n3A, %dma_wait3A_165] : memref<2560x128xi32, #tpu.memory_space<hbm>> -> memref<104x128xi32, #tpu.memory_space<hbm>>
      %dma_wait3A_167 = arith.constant 0 : i32
      %dma_wait3A_168 = tpu.memref_slice %arg3[%select_n3A, %dma_wait3A_167] : memref<2560x128xi32, #tpu.memory_space<hbm>> -> memref<104x128xi32, #tpu.memory_space<hbm>>
      tpu.wait_dma2 semaphore(%run_scoped3A : memref<!tpu.dma_semaphore, #tpu.memory_space<semaphore_mem>>) src(%dma_wait3A_168 : memref<104x128xi32, #tpu.memory_space<hbm>>) dst(%arg8 : memref<104x128xi32, #tpu.memory_space<vmem>>)
      tpu.yield
    }) : () -> ()
    %mul3A_10 = arith.constant 632 : i32
    %mul3A_11 = arith.muli %arg1, %mul3A_10 : i32
    %mul3A_12 = arith.constant 632 : i32
    %mul3A_13 = arith.muli %arg1, %mul3A_12 : i32
    "tpu.region"() ({
      %run_scoped3A = tpu.sem_alloc : memref<!tpu.dma_semaphore, #tpu.memory_space<semaphore_mem>>
      %dma_start3A_161 = arith.constant 0 : i32
      %dma_start3A_162 = tpu.memref_slice %arg17[%mul3A_13, %dma_start3A_161] : memref<10112x16xf32, #tpu.memory_space<vmem_shared>> -> memref<632x16xf32, #tpu.memory_space<vmem_shared>>
      %dma_start3A_163 = arith.constant 0 : i32
      %dma_start3A_164 = tpu.memref_slice %arg5[%mul3A_11, %dma_start3A_163] : memref<10112x16xf32, #tpu.memory_space<hbm>> -> memref<632x16xf32, #tpu.memory_space<hbm>>
      tpu.enqueue_dma source(%dma_start3A_164 : memref<632x16xf32, #tpu.memory_space<hbm>>) target(%dma_start3A_162 : memref<632x16xf32, #tpu.memory_space<vmem_shared>>) target_semaphore(%run_scoped3A : memref<!tpu.dma_semaphore, #tpu.memory_space<semaphore_mem>>)
      %dma_wait3A_165 = arith.constant 0 : i32
      %dma_wait3A_166 = tpu.memref_slice %arg17[%mul3A_13, %dma_wait3A_165] : memref<10112x16xf32, #tpu.memory_space<vmem_shared>> -> memref<632x16xf32, #tpu.memory_space<vmem_shared>>
      %dma_wait3A_167 = arith.constant 0 : i32
      %dma_wait3A_168 = tpu.memref_slice %arg5[%mul3A_11, %dma_wait3A_167] : memref<10112x16xf32, #tpu.memory_space<hbm>> -> memref<632x16xf32, #tpu.memory_space<hbm>>
      tpu.wait_dma2 semaphore(%run_scoped3A : memref<!tpu.dma_semaphore, #tpu.memory_space<semaphore_mem>>) src(%dma_wait3A_168 : memref<632x16xf32, #tpu.memory_space<hbm>>) dst(%dma_wait3A_166 : memref<632x16xf32, #tpu.memory_space<vmem_shared>>)
      tpu.yield
    }) : () -> ()
    %barrier3A = arith.constant 0 : index
    tpu.barrier barrier_id(%barrier3A)
    %dma_start3A = arith.constant 0 : i32
    %dma_start3A_14 = arith.constant 0 : i32
    %dma_start3A_15 = tpu.memref_slice %arg7[%dma_start3A, %dma_start3A_14] : memref<104x128xi32, #tpu.memory_space<vmem>> -> memref<1x128xi32, #tpu.memory_space<vmem>>
    %dma_start3A_16 = tpu.memref_squeeze %dma_start3A_15 : memref<1x128xi32, #tpu.memory_space<vmem>> -> memref<128xi32, #tpu.memory_space<vmem>>
    %dma_start3A_17 = arith.constant 0 : i32
    %dma_start3A_18 = arith.constant 0 : i32
    %dma_start3A_19 = tpu.memref_slice %arg4[%dma_start3A_17, %dma_start3A_18] : memref<10112x16xf32, #tpu.memory_space<hbm>> -> memref<10112x16xf32, #tpu.memory_space<hbm>>
    tpu.enqueue_indirect_dma source(%dma_start3A_19 : memref<10112x16xf32, #tpu.memory_space<hbm>>) target(%arg9 : memref<128x16xf32, #tpu.memory_space<vmem>>) offsets(%dma_start3A_16 : memref<128xi32, #tpu.memory_space<vmem>>) semaphore(%arg18 : memref<!tpu.dma_semaphore, #tpu.memory_space<semaphore_mem>>)
    %dma_start3A_20 = arith.constant 1 : i32
    %dma_start3A_21 = arith.constant 0 : i32
    %dma_start3A_22 = tpu.memref_slice %arg7[%dma_start3A_20, %dma_start3A_21] : memref<104x128xi32, #tpu.memory_space<vmem>> -> memref<1x128xi32, #tpu.memory_space<vmem>>
    %dma_start3A_23 = tpu.memref_squeeze %dma_start3A_22 : memref<1x128xi32, #tpu.memory_space<vmem>> -> memref<128xi32, #tpu.memory_space<vmem>>
    %dma_start3A_24 = arith.constant 0 : i32
    %dma_start3A_25 = arith.constant 0 : i32
    %dma_start3A_26 = tpu.memref_slice %arg4[%dma_start3A_24, %dma_start3A_25] : memref<10112x16xf32, #tpu.memory_space<hbm>> -> memref<10112x16xf32, #tpu.memory_space<hbm>>
    tpu.enqueue_indirect_dma source(%dma_start3A_26 : memref<10112x16xf32, #tpu.memory_space<hbm>>) target(%arg10 : memref<128x16xf32, #tpu.memory_space<vmem>>) offsets(%dma_start3A_23 : memref<128xi32, #tpu.memory_space<vmem>>) semaphore(%arg19 : memref<!tpu.dma_semaphore, #tpu.memory_space<semaphore_mem>>)
    %dma_start3A_27 = arith.constant 2 : i32
    %dma_start3A_28 = arith.constant 0 : i32
    %dma_start3A_29 = tpu.memref_slice %arg7[%dma_start3A_27, %dma_start3A_28] : memref<104x128xi32, #tpu.memory_space<vmem>> -> memref<1x128xi32, #tpu.memory_space<vmem>>
    %dma_start3A_30 = tpu.memref_squeeze %dma_start3A_29 : memref<1x128xi32, #tpu.memory_space<vmem>> -> memref<128xi32, #tpu.memory_space<vmem>>
    %dma_start3A_31 = arith.constant 0 : i32
    %dma_start3A_32 = arith.constant 0 : i32
    %dma_start3A_33 = tpu.memref_slice %arg4[%dma_start3A_31, %dma_start3A_32] : memref<10112x16xf32, #tpu.memory_space<hbm>> -> memref<10112x16xf32, #tpu.memory_space<hbm>>
    tpu.enqueue_indirect_dma source(%dma_start3A_33 : memref<10112x16xf32, #tpu.memory_space<hbm>>) target(%arg11 : memref<128x16xf32, #tpu.memory_space<vmem>>) offsets(%dma_start3A_30 : memref<128xi32, #tpu.memory_space<vmem>>) semaphore(%arg20 : memref<!tpu.dma_semaphore, #tpu.memory_space<semaphore_mem>>)
    %dma_start3A_34 = arith.constant 3 : i32
    %dma_start3A_35 = arith.constant 0 : i32
    %dma_start3A_36 = tpu.memref_slice %arg7[%dma_start3A_34, %dma_start3A_35] : memref<104x128xi32, #tpu.memory_space<vmem>> -> memref<1x128xi32, #tpu.memory_space<vmem>>
    %dma_start3A_37 = tpu.memref_squeeze %dma_start3A_36 : memref<1x128xi32, #tpu.memory_space<vmem>> -> memref<128xi32, #tpu.memory_space<vmem>>
    %dma_start3A_38 = arith.constant 0 : i32
    %dma_start3A_39 = arith.constant 0 : i32
    %dma_start3A_40 = tpu.memref_slice %arg4[%dma_start3A_38, %dma_start3A_39] : memref<10112x16xf32, #tpu.memory_space<hbm>> -> memref<10112x16xf32, #tpu.memory_space<hbm>>
    tpu.enqueue_indirect_dma source(%dma_start3A_40 : memref<10112x16xf32, #tpu.memory_space<hbm>>) target(%arg12 : memref<128x16xf32, #tpu.memory_space<vmem>>) offsets(%dma_start3A_37 : memref<128xi32, #tpu.memory_space<vmem>>) semaphore(%arg21 : memref<!tpu.dma_semaphore, #tpu.memory_space<semaphore_mem>>)
    %dma_start3A_41 = arith.constant 4 : i32
    %dma_start3A_42 = arith.constant 0 : i32
    %dma_start3A_43 = tpu.memref_slice %arg7[%dma_start3A_41, %dma_start3A_42] : memref<104x128xi32, #tpu.memory_space<vmem>> -> memref<1x128xi32, #tpu.memory_space<vmem>>
    %dma_start3A_44 = tpu.memref_squeeze %dma_start3A_43 : memref<1x128xi32, #tpu.memory_space<vmem>> -> memref<128xi32, #tpu.memory_space<vmem>>
    %dma_start3A_45 = arith.constant 0 : i32
    %dma_start3A_46 = arith.constant 0 : i32
    %dma_start3A_47 = tpu.memref_slice %arg4[%dma_start3A_45, %dma_start3A_46] : memref<10112x16xf32, #tpu.memory_space<hbm>> -> memref<10112x16xf32, #tpu.memory_space<hbm>>
    tpu.enqueue_indirect_dma source(%dma_start3A_47 : memref<10112x16xf32, #tpu.memory_space<hbm>>) target(%arg13 : memref<128x16xf32, #tpu.memory_space<vmem>>) offsets(%dma_start3A_44 : memref<128xi32, #tpu.memory_space<vmem>>) semaphore(%arg22 : memref<!tpu.dma_semaphore, #tpu.memory_space<semaphore_mem>>)
    %dma_start3A_48 = arith.constant 5 : i32
    %dma_start3A_49 = arith.constant 0 : i32
    %dma_start3A_50 = tpu.memref_slice %arg7[%dma_start3A_48, %dma_start3A_49] : memref<104x128xi32, #tpu.memory_space<vmem>> -> memref<1x128xi32, #tpu.memory_space<vmem>>
    %dma_start3A_51 = tpu.memref_squeeze %dma_start3A_50 : memref<1x128xi32, #tpu.memory_space<vmem>> -> memref<128xi32, #tpu.memory_space<vmem>>
    %dma_start3A_52 = arith.constant 0 : i32
    %dma_start3A_53 = arith.constant 0 : i32
    %dma_start3A_54 = tpu.memref_slice %arg4[%dma_start3A_52, %dma_start3A_53] : memref<10112x16xf32, #tpu.memory_space<hbm>> -> memref<10112x16xf32, #tpu.memory_space<hbm>>
    tpu.enqueue_indirect_dma source(%dma_start3A_54 : memref<10112x16xf32, #tpu.memory_space<hbm>>) target(%arg14 : memref<128x16xf32, #tpu.memory_space<vmem>>) offsets(%dma_start3A_51 : memref<128xi32, #tpu.memory_space<vmem>>) semaphore(%arg23 : memref<!tpu.dma_semaphore, #tpu.memory_space<semaphore_mem>>)
    %dma_start3A_55 = arith.constant 6 : i32
    %dma_start3A_56 = arith.constant 0 : i32
    %dma_start3A_57 = tpu.memref_slice %arg7[%dma_start3A_55, %dma_start3A_56] : memref<104x128xi32, #tpu.memory_space<vmem>> -> memref<1x128xi32, #tpu.memory_space<vmem>>
    %dma_start3A_58 = tpu.memref_squeeze %dma_start3A_57 : memref<1x128xi32, #tpu.memory_space<vmem>> -> memref<128xi32, #tpu.memory_space<vmem>>
    %dma_start3A_59 = arith.constant 0 : i32
    %dma_start3A_60 = arith.constant 0 : i32
    %dma_start3A_61 = tpu.memref_slice %arg4[%dma_start3A_59, %dma_start3A_60] : memref<10112x16xf32, #tpu.memory_space<hbm>> -> memref<10112x16xf32, #tpu.memory_space<hbm>>
    tpu.enqueue_indirect_dma source(%dma_start3A_61 : memref<10112x16xf32, #tpu.memory_space<hbm>>) target(%arg15 : memref<128x16xf32, #tpu.memory_space<vmem>>) offsets(%dma_start3A_58 : memref<128xi32, #tpu.memory_space<vmem>>) semaphore(%arg24 : memref<!tpu.dma_semaphore, #tpu.memory_space<semaphore_mem>>)
    %dma_start3A_62 = arith.constant 7 : i32
    %dma_start3A_63 = arith.constant 0 : i32
    %dma_start3A_64 = tpu.memref_slice %arg7[%dma_start3A_62, %dma_start3A_63] : memref<104x128xi32, #tpu.memory_space<vmem>> -> memref<1x128xi32, #tpu.memory_space<vmem>>
    %dma_start3A_65 = tpu.memref_squeeze %dma_start3A_64 : memref<1x128xi32, #tpu.memory_space<vmem>> -> memref<128xi32, #tpu.memory_space<vmem>>
    %dma_start3A_66 = arith.constant 0 : i32
    %dma_start3A_67 = arith.constant 0 : i32
    %dma_start3A_68 = tpu.memref_slice %arg4[%dma_start3A_66, %dma_start3A_67] : memref<10112x16xf32, #tpu.memory_space<hbm>> -> memref<10112x16xf32, #tpu.memory_space<hbm>>
    tpu.enqueue_indirect_dma source(%dma_start3A_68 : memref<10112x16xf32, #tpu.memory_space<hbm>>) target(%arg16 : memref<128x16xf32, #tpu.memory_space<vmem>>) offsets(%dma_start3A_65 : memref<128xi32, #tpu.memory_space<vmem>>) semaphore(%arg25 : memref<!tpu.dma_semaphore, #tpu.memory_space<semaphore_mem>>)
    %while3A = arith.constant 0 : i32
    %while3A_69 = arith.constant 0 : i32
    %while3A_70 = arith.subi %select_n3A_9, %while3A_69 : i32
    %while3A_71 = arith.addi %while3A_69, %while3A_70 : i32
    %while3A_72 = arith.constant 1 : i32
    %while3A_73 = arith.divsi %while3A_70, %while3A_72 : i32
    %while3A_74 = arith.muli %while3A_73, %while3A_72 : i32
    %while3A_75 = arith.addi %while3A_69, %while3A_74 : i32
    %while3A_76 = arith.constant 1 : i32
    scf.for %while3A_161 = %while3A_69 to %while3A_75 step %while3A_76  : i32 {
      %mul3A_162 = arith.constant 8 : i32
      %mul3A_163 = arith.muli %while3A_161, %mul3A_162 : i32
      %add3A_164 = arith.constant 0 : i32
      %add3A_165 = arith.addi %mul3A_163, %add3A_164 : i32
      %dma_wait3A_166 = arith.constant 0 : i32
      %dma_wait3A_167 = tpu.memref_slice %arg7[%add3A_165, %dma_wait3A_166] : memref<104x128xi32, #tpu.memory_space<vmem>> -> memref<1x128xi32, #tpu.memory_space<vmem>>
      %dma_wait3A_168 = tpu.memref_squeeze %dma_wait3A_167 : memref<1x128xi32, #tpu.memory_space<vmem>> -> memref<128xi32, #tpu.memory_space<vmem>>
      %dma_wait3A_169 = arith.constant 0 : i32
      %dma_wait3A_170 = arith.constant 0 : i32
      %dma_wait3A_171 = tpu.memref_slice %arg4[%dma_wait3A_169, %dma_wait3A_170] : memref<10112x16xf32, #tpu.memory_space<hbm>> -> memref<10112x16xf32, #tpu.memory_space<hbm>>
      tpu.wait_indirect_dma semaphore(%arg18 : memref<!tpu.dma_semaphore, #tpu.memory_space<semaphore_mem>>) src(%dma_wait3A_171 : memref<10112x16xf32, #tpu.memory_space<hbm>>) dst(%arg9 : memref<128x16xf32, #tpu.memory_space<vmem>>)
      %dma_start3A_172 = arith.constant 0 : i32
      %dma_start3A_173 = tpu.memref_slice %arg8[%add3A_165, %dma_start3A_172] : memref<104x128xi32, #tpu.memory_space<vmem>> -> memref<1x128xi32, #tpu.memory_space<vmem>>
      %dma_start3A_174 = tpu.memref_squeeze %dma_start3A_173 : memref<1x128xi32, #tpu.memory_space<vmem>> -> memref<128xi32, #tpu.memory_space<vmem>>
      %dma_start3A_175 = arith.constant 0 : i32
      %dma_start3A_176 = arith.constant 0 : i32
      %dma_start3A_177 = tpu.memref_slice %arg17[%dma_start3A_175, %dma_start3A_176] : memref<10112x16xf32, #tpu.memory_space<vmem_shared>> -> memref<10112x16xf32, #tpu.memory_space<vmem_shared>>
      tpu.enqueue_indirect_dma source(%arg9 : memref<128x16xf32, #tpu.memory_space<vmem>>) target(%dma_start3A_177 : memref<10112x16xf32, #tpu.memory_space<vmem_shared>>) offsets(%dma_start3A_174 : memref<128xi32, #tpu.memory_space<vmem>>) semaphore(%arg26 : memref<!tpu.dma_semaphore, #tpu.memory_space<semaphore_mem>>) {add = true}
      %sub3A_178 = arith.constant 4 : i32
      %sub3A_179 = arith.subi %add3A_165, %sub3A_178 : i32
      %ge3A = arith.constant 0 : i32
      %ge3A_180 = arith.cmpi sge, %sub3A_179, %ge3A : i32
      %add3A_181 = arith.constant 8 : i32
      %add3A_182 = arith.addi %sub3A_179, %add3A_181 : i32
      %lt3A = arith.cmpi slt, %add3A_182, %select_n3A_6 : i32
      %and3A = arith.andi %ge3A_180, %lt3A : i1
      %convert_element_type3A = arith.extui %and3A : i1 to i32
      %cond3A = arith.constant 0 : i32
      %cond3A_183 = arith.cmpi ne, %convert_element_type3A, %cond3A : i32
      scf.if %cond3A_183 {
        %dma_wait3A_373 = arith.constant 0 : i32
        %dma_wait3A_374 = tpu.memref_slice %arg8[%sub3A_179, %dma_wait3A_373] : memref<104x128xi32, #tpu.memory_space<vmem>> -> memref<1x128xi32, #tpu.memory_space<vmem>>
        %dma_wait3A_375 = tpu.memref_squeeze %dma_wait3A_374 : memref<1x128xi32, #tpu.memory_space<vmem>> -> memref<128xi32, #tpu.memory_space<vmem>>
        %dma_wait3A_376 = arith.constant 0 : i32
        %dma_wait3A_377 = arith.constant 0 : i32
        %dma_wait3A_378 = tpu.memref_slice %arg17[%dma_wait3A_376, %dma_wait3A_377] : memref<10112x16xf32, #tpu.memory_space<vmem_shared>> -> memref<10112x16xf32, #tpu.memory_space<vmem_shared>>
        tpu.wait_indirect_dma semaphore(%arg30 : memref<!tpu.dma_semaphore, #tpu.memory_space<semaphore_mem>>) src(%arg13 : memref<128x16xf32, #tpu.memory_space<vmem>>) dst(%dma_wait3A_378 : memref<10112x16xf32, #tpu.memory_space<vmem_shared>>)
        %add3A_379 = arith.constant 8 : i32
        %add3A_380 = arith.addi %sub3A_179, %add3A_379 : i32
        %dma_start3A_381 = arith.constant 0 : i32
        %dma_start3A_382 = tpu.memref_slice %arg7[%add3A_380, %dma_start3A_381] : memref<104x128xi32, #tpu.memory_space<vmem>> -> memref<1x128xi32, #tpu.memory_space<vmem>>
        %dma_start3A_383 = tpu.memref_squeeze %dma_start3A_382 : memref<1x128xi32, #tpu.memory_space<vmem>> -> memref<128xi32, #tpu.memory_space<vmem>>
        %dma_start3A_384 = arith.constant 0 : i32
        %dma_start3A_385 = arith.constant 0 : i32
        %dma_start3A_386 = tpu.memref_slice %arg4[%dma_start3A_384, %dma_start3A_385] : memref<10112x16xf32, #tpu.memory_space<hbm>> -> memref<10112x16xf32, #tpu.memory_space<hbm>>
        tpu.enqueue_indirect_dma source(%dma_start3A_386 : memref<10112x16xf32, #tpu.memory_space<hbm>>) target(%arg13 : memref<128x16xf32, #tpu.memory_space<vmem>>) offsets(%dma_start3A_383 : memref<128xi32, #tpu.memory_space<vmem>>) semaphore(%arg22 : memref<!tpu.dma_semaphore, #tpu.memory_space<semaphore_mem>>)
      } else {
      }
      %mul3A_184 = arith.constant 8 : i32
      %mul3A_185 = arith.muli %while3A_161, %mul3A_184 : i32
      %add3A_186 = arith.constant 1 : i32
      %add3A_187 = arith.addi %mul3A_185, %add3A_186 : i32
      %dma_wait3A_188 = arith.constant 0 : i32
      %dma_wait3A_189 = tpu.memref_slice %arg7[%add3A_187, %dma_wait3A_188] : memref<104x128xi32, #tpu.memory_space<vmem>> -> memref<1x128xi32, #tpu.memory_space<vmem>>
      %dma_wait3A_190 = tpu.memref_squeeze %dma_wait3A_189 : memref<1x128xi32, #tpu.memory_space<vmem>> -> memref<128xi32, #tpu.memory_space<vmem>>
      %dma_wait3A_191 = arith.constant 0 : i32
      %dma_wait3A_192 = arith.constant 0 : i32
      %dma_wait3A_193 = tpu.memref_slice %arg4[%dma_wait3A_191, %dma_wait3A_192] : memref<10112x16xf32, #tpu.memory_space<hbm>> -> memref<10112x16xf32, #tpu.memory_space<hbm>>
      tpu.wait_indirect_dma semaphore(%arg19 : memref<!tpu.dma_semaphore, #tpu.memory_space<semaphore_mem>>) src(%dma_wait3A_193 : memref<10112x16xf32, #tpu.memory_space<hbm>>) dst(%arg10 : memref<128x16xf32, #tpu.memory_space<vmem>>)
      %dma_start3A_194 = arith.constant 0 : i32
      %dma_start3A_195 = tpu.memref_slice %arg8[%add3A_187, %dma_start3A_194] : memref<104x128xi32, #tpu.memory_space<vmem>> -> memref<1x128xi32, #tpu.memory_space<vmem>>
      %dma_start3A_196 = tpu.memref_squeeze %dma_start3A_195 : memref<1x128xi32, #tpu.memory_space<vmem>> -> memref<128xi32, #tpu.memory_space<vmem>>
      %dma_start3A_197 = arith.constant 0 : i32
      %dma_start3A_198 = arith.constant 0 : i32
      %dma_start3A_199 = tpu.memref_slice %arg17[%dma_start3A_197, %dma_start3A_198] : memref<10112x16xf32, #tpu.memory_space<vmem_shared>> -> memref<10112x16xf32, #tpu.memory_space<vmem_shared>>
      tpu.enqueue_indirect_dma source(%arg10 : memref<128x16xf32, #tpu.memory_space<vmem>>) target(%dma_start3A_199 : memref<10112x16xf32, #tpu.memory_space<vmem_shared>>) offsets(%dma_start3A_196 : memref<128xi32, #tpu.memory_space<vmem>>) semaphore(%arg27 : memref<!tpu.dma_semaphore, #tpu.memory_space<semaphore_mem>>) {add = true}
      %sub3A_200 = arith.constant 4 : i32
      %sub3A_201 = arith.subi %add3A_187, %sub3A_200 : i32
      %ge3A_202 = arith.constant 0 : i32
      %ge3A_203 = arith.cmpi sge, %sub3A_201, %ge3A_202 : i32
      %add3A_204 = arith.constant 8 : i32
      %add3A_205 = arith.addi %sub3A_201, %add3A_204 : i32
      %lt3A_206 = arith.cmpi slt, %add3A_205, %select_n3A_6 : i32
      %and3A_207 = arith.andi %ge3A_203, %lt3A_206 : i1
      %convert_element_type3A_208 = arith.extui %and3A_207 : i1 to i32
      %cond3A_209 = arith.constant 0 : i32
      %cond3A_210 = arith.cmpi ne, %convert_element_type3A_208, %cond3A_209 : i32
      scf.if %cond3A_210 {
        %dma_wait3A_373 = arith.constant 0 : i32
        %dma_wait3A_374 = tpu.memref_slice %arg8[%sub3A_201, %dma_wait3A_373] : memref<104x128xi32, #tpu.memory_space<vmem>> -> memref<1x128xi32, #tpu.memory_space<vmem>>
        %dma_wait3A_375 = tpu.memref_squeeze %dma_wait3A_374 : memref<1x128xi32, #tpu.memory_space<vmem>> -> memref<128xi32, #tpu.memory_space<vmem>>
        %dma_wait3A_376 = arith.constant 0 : i32
        %dma_wait3A_377 = arith.constant 0 : i32
        %dma_wait3A_378 = tpu.memref_slice %arg17[%dma_wait3A_376, %dma_wait3A_377] : memref<10112x16xf32, #tpu.memory_space<vmem_shared>> -> memref<10112x16xf32, #tpu.memory_space<vmem_shared>>
        tpu.wait_indirect_dma semaphore(%arg31 : memref<!tpu.dma_semaphore, #tpu.memory_space<semaphore_mem>>) src(%arg14 : memref<128x16xf32, #tpu.memory_space<vmem>>) dst(%dma_wait3A_378 : memref<10112x16xf32, #tpu.memory_space<vmem_shared>>)
        %add3A_379 = arith.constant 8 : i32
        %add3A_380 = arith.addi %sub3A_201, %add3A_379 : i32
        %dma_start3A_381 = arith.constant 0 : i32
        %dma_start3A_382 = tpu.memref_slice %arg7[%add3A_380, %dma_start3A_381] : memref<104x128xi32, #tpu.memory_space<vmem>> -> memref<1x128xi32, #tpu.memory_space<vmem>>
        %dma_start3A_383 = tpu.memref_squeeze %dma_start3A_382 : memref<1x128xi32, #tpu.memory_space<vmem>> -> memref<128xi32, #tpu.memory_space<vmem>>
        %dma_start3A_384 = arith.constant 0 : i32
        %dma_start3A_385 = arith.constant 0 : i32
        %dma_start3A_386 = tpu.memref_slice %arg4[%dma_start3A_384, %dma_start3A_385] : memref<10112x16xf32, #tpu.memory_space<hbm>> -> memref<10112x16xf32, #tpu.memory_space<hbm>>
        tpu.enqueue_indirect_dma source(%dma_start3A_386 : memref<10112x16xf32, #tpu.memory_space<hbm>>) target(%arg14 : memref<128x16xf32, #tpu.memory_space<vmem>>) offsets(%dma_start3A_383 : memref<128xi32, #tpu.memory_space<vmem>>) semaphore(%arg23 : memref<!tpu.dma_semaphore, #tpu.memory_space<semaphore_mem>>)
      } else {
      }
      %mul3A_211 = arith.constant 8 : i32
      %mul3A_212 = arith.muli %while3A_161, %mul3A_211 : i32
      %add3A_213 = arith.constant 2 : i32
      %add3A_214 = arith.addi %mul3A_212, %add3A_213 : i32
      %dma_wait3A_215 = arith.constant 0 : i32
      %dma_wait3A_216 = tpu.memref_slice %arg7[%add3A_214, %dma_wait3A_215] : memref<104x128xi32, #tpu.memory_space<vmem>> -> memref<1x128xi32, #tpu.memory_space<vmem>>
      %dma_wait3A_217 = tpu.memref_squeeze %dma_wait3A_216 : memref<1x128xi32, #tpu.memory_space<vmem>> -> memref<128xi32, #tpu.memory_space<vmem>>
      %dma_wait3A_218 = arith.constant 0 : i32
      %dma_wait3A_219 = arith.constant 0 : i32
      %dma_wait3A_220 = tpu.memref_slice %arg4[%dma_wait3A_218, %dma_wait3A_219] : memref<10112x16xf32, #tpu.memory_space<hbm>> -> memref<10112x16xf32, #tpu.memory_space<hbm>>
      tpu.wait_indirect_dma semaphore(%arg20 : memref<!tpu.dma_semaphore, #tpu.memory_space<semaphore_mem>>) src(%dma_wait3A_220 : memref<10112x16xf32, #tpu.memory_space<hbm>>) dst(%arg11 : memref<128x16xf32, #tpu.memory_space<vmem>>)
      %dma_start3A_221 = arith.constant 0 : i32
      %dma_start3A_222 = tpu.memref_slice %arg8[%add3A_214, %dma_start3A_221] : memref<104x128xi32, #tpu.memory_space<vmem>> -> memref<1x128xi32, #tpu.memory_space<vmem>>
      %dma_start3A_223 = tpu.memref_squeeze %dma_start3A_222 : memref<1x128xi32, #tpu.memory_space<vmem>> -> memref<128xi32, #tpu.memory_space<vmem>>
      %dma_start3A_224 = arith.constant 0 : i32
      %dma_start3A_225 = arith.constant 0 : i32
      %dma_start3A_226 = tpu.memref_slice %arg17[%dma_start3A_224, %dma_start3A_225] : memref<10112x16xf32, #tpu.memory_space<vmem_shared>> -> memref<10112x16xf32, #tpu.memory_space<vmem_shared>>
      tpu.enqueue_indirect_dma source(%arg11 : memref<128x16xf32, #tpu.memory_space<vmem>>) target(%dma_start3A_226 : memref<10112x16xf32, #tpu.memory_space<vmem_shared>>) offsets(%dma_start3A_223 : memref<128xi32, #tpu.memory_space<vmem>>) semaphore(%arg28 : memref<!tpu.dma_semaphore, #tpu.memory_space<semaphore_mem>>) {add = true}
      %sub3A_227 = arith.constant 4 : i32
      %sub3A_228 = arith.subi %add3A_214, %sub3A_227 : i32
      %ge3A_229 = arith.constant 0 : i32
      %ge3A_230 = arith.cmpi sge, %sub3A_228, %ge3A_229 : i32
      %add3A_231 = arith.constant 8 : i32
      %add3A_232 = arith.addi %sub3A_228, %add3A_231 : i32
      %lt3A_233 = arith.cmpi slt, %add3A_232, %select_n3A_6 : i32
      %and3A_234 = arith.andi %ge3A_230, %lt3A_233 : i1
      %convert_element_type3A_235 = arith.extui %and3A_234 : i1 to i32
      %cond3A_236 = arith.constant 0 : i32
      %cond3A_237 = arith.cmpi ne, %convert_element_type3A_235, %cond3A_236 : i32
      scf.if %cond3A_237 {
        %dma_wait3A_373 = arith.constant 0 : i32
        %dma_wait3A_374 = tpu.memref_slice %arg8[%sub3A_228, %dma_wait3A_373] : memref<104x128xi32, #tpu.memory_space<vmem>> -> memref<1x128xi32, #tpu.memory_space<vmem>>
        %dma_wait3A_375 = tpu.memref_squeeze %dma_wait3A_374 : memref<1x128xi32, #tpu.memory_space<vmem>> -> memref<128xi32, #tpu.memory_space<vmem>>
        %dma_wait3A_376 = arith.constant 0 : i32
        %dma_wait3A_377 = arith.constant 0 : i32
        %dma_wait3A_378 = tpu.memref_slice %arg17[%dma_wait3A_376, %dma_wait3A_377] : memref<10112x16xf32, #tpu.memory_space<vmem_shared>> -> memref<10112x16xf32, #tpu.memory_space<vmem_shared>>
        tpu.wait_indirect_dma semaphore(%arg32 : memref<!tpu.dma_semaphore, #tpu.memory_space<semaphore_mem>>) src(%arg15 : memref<128x16xf32, #tpu.memory_space<vmem>>) dst(%dma_wait3A_378 : memref<10112x16xf32, #tpu.memory_space<vmem_shared>>)
        %add3A_379 = arith.constant 8 : i32
        %add3A_380 = arith.addi %sub3A_228, %add3A_379 : i32
        %dma_start3A_381 = arith.constant 0 : i32
        %dma_start3A_382 = tpu.memref_slice %arg7[%add3A_380, %dma_start3A_381] : memref<104x128xi32, #tpu.memory_space<vmem>> -> memref<1x128xi32, #tpu.memory_space<vmem>>
        %dma_start3A_383 = tpu.memref_squeeze %dma_start3A_382 : memref<1x128xi32, #tpu.memory_space<vmem>> -> memref<128xi32, #tpu.memory_space<vmem>>
        %dma_start3A_384 = arith.constant 0 : i32
        %dma_start3A_385 = arith.constant 0 : i32
        %dma_start3A_386 = tpu.memref_slice %arg4[%dma_start3A_384, %dma_start3A_385] : memref<10112x16xf32, #tpu.memory_space<hbm>> -> memref<10112x16xf32, #tpu.memory_space<hbm>>
        tpu.enqueue_indirect_dma source(%dma_start3A_386 : memref<10112x16xf32, #tpu.memory_space<hbm>>) target(%arg15 : memref<128x16xf32, #tpu.memory_space<vmem>>) offsets(%dma_start3A_383 : memref<128xi32, #tpu.memory_space<vmem>>) semaphore(%arg24 : memref<!tpu.dma_semaphore, #tpu.memory_space<semaphore_mem>>)
      } else {
      }
      %mul3A_238 = arith.constant 8 : i32
      %mul3A_239 = arith.muli %while3A_161, %mul3A_238 : i32
      %add3A_240 = arith.constant 3 : i32
      %add3A_241 = arith.addi %mul3A_239, %add3A_240 : i32
      %dma_wait3A_242 = arith.constant 0 : i32
      %dma_wait3A_243 = tpu.memref_slice %arg7[%add3A_241, %dma_wait3A_242] : memref<104x128xi32, #tpu.memory_space<vmem>> -> memref<1x128xi32, #tpu.memory_space<vmem>>
      %dma_wait3A_244 = tpu.memref_squeeze %dma_wait3A_243 : memref<1x128xi32, #tpu.memory_space<vmem>> -> memref<128xi32, #tpu.memory_space<vmem>>
      %dma_wait3A_245 = arith.constant 0 : i32
      %dma_wait3A_246 = arith.constant 0 : i32
      %dma_wait3A_247 = tpu.memref_slice %arg4[%dma_wait3A_245, %dma_wait3A_246] : memref<10112x16xf32, #tpu.memory_space<hbm>> -> memref<10112x16xf32, #tpu.memory_space<hbm>>
      tpu.wait_indirect_dma semaphore(%arg21 : memref<!tpu.dma_semaphore, #tpu.memory_space<semaphore_mem>>) src(%dma_wait3A_247 : memref<10112x16xf32, #tpu.memory_space<hbm>>) dst(%arg12 : memref<128x16xf32, #tpu.memory_space<vmem>>)
      %dma_start3A_248 = arith.constant 0 : i32
      %dma_start3A_249 = tpu.memref_slice %arg8[%add3A_241, %dma_start3A_248] : memref<104x128xi32, #tpu.memory_space<vmem>> -> memref<1x128xi32, #tpu.memory_space<vmem>>
      %dma_start3A_250 = tpu.memref_squeeze %dma_start3A_249 : memref<1x128xi32, #tpu.memory_space<vmem>> -> memref<128xi32, #tpu.memory_space<vmem>>
      %dma_start3A_251 = arith.constant 0 : i32
      %dma_start3A_252 = arith.constant 0 : i32
      %dma_start3A_253 = tpu.memref_slice %arg17[%dma_start3A_251, %dma_start3A_252] : memref<10112x16xf32, #tpu.memory_space<vmem_shared>> -> memref<10112x16xf32, #tpu.memory_space<vmem_shared>>
      tpu.enqueue_indirect_dma source(%arg12 : memref<128x16xf32, #tpu.memory_space<vmem>>) target(%dma_start3A_253 : memref<10112x16xf32, #tpu.memory_space<vmem_shared>>) offsets(%dma_start3A_250 : memref<128xi32, #tpu.memory_space<vmem>>) semaphore(%arg29 : memref<!tpu.dma_semaphore, #tpu.memory_space<semaphore_mem>>) {add = true}
      %sub3A_254 = arith.constant 4 : i32
      %sub3A_255 = arith.subi %add3A_241, %sub3A_254 : i32
      %ge3A_256 = arith.constant 0 : i32
      %ge3A_257 = arith.cmpi sge, %sub3A_255, %ge3A_256 : i32
      %add3A_258 = arith.constant 8 : i32
      %add3A_259 = arith.addi %sub3A_255, %add3A_258 : i32
      %lt3A_260 = arith.cmpi slt, %add3A_259, %select_n3A_6 : i32
      %and3A_261 = arith.andi %ge3A_257, %lt3A_260 : i1
      %convert_element_type3A_262 = arith.extui %and3A_261 : i1 to i32
      %cond3A_263 = arith.constant 0 : i32
      %cond3A_264 = arith.cmpi ne, %convert_element_type3A_262, %cond3A_263 : i32
      scf.if %cond3A_264 {
        %dma_wait3A_373 = arith.constant 0 : i32
        %dma_wait3A_374 = tpu.memref_slice %arg8[%sub3A_255, %dma_wait3A_373] : memref<104x128xi32, #tpu.memory_space<vmem>> -> memref<1x128xi32, #tpu.memory_space<vmem>>
        %dma_wait3A_375 = tpu.memref_squeeze %dma_wait3A_374 : memref<1x128xi32, #tpu.memory_space<vmem>> -> memref<128xi32, #tpu.memory_space<vmem>>
        %dma_wait3A_376 = arith.constant 0 : i32
        %dma_wait3A_377 = arith.constant 0 : i32
        %dma_wait3A_378 = tpu.memref_slice %arg17[%dma_wait3A_376, %dma_wait3A_377] : memref<10112x16xf32, #tpu.memory_space<vmem_shared>> -> memref<10112x16xf32, #tpu.memory_space<vmem_shared>>
        tpu.wait_indirect_dma semaphore(%arg33 : memref<!tpu.dma_semaphore, #tpu.memory_space<semaphore_mem>>) src(%arg16 : memref<128x16xf32, #tpu.memory_space<vmem>>) dst(%dma_wait3A_378 : memref<10112x16xf32, #tpu.memory_space<vmem_shared>>)
        %add3A_379 = arith.constant 8 : i32
        %add3A_380 = arith.addi %sub3A_255, %add3A_379 : i32
        %dma_start3A_381 = arith.constant 0 : i32
        %dma_start3A_382 = tpu.memref_slice %arg7[%add3A_380, %dma_start3A_381] : memref<104x128xi32, #tpu.memory_space<vmem>> -> memref<1x128xi32, #tpu.memory_space<vmem>>
        %dma_start3A_383 = tpu.memref_squeeze %dma_start3A_382 : memref<1x128xi32, #tpu.memory_space<vmem>> -> memref<128xi32, #tpu.memory_space<vmem>>
        %dma_start3A_384 = arith.constant 0 : i32
        %dma_start3A_385 = arith.constant 0 : i32
        %dma_start3A_386 = tpu.memref_slice %arg4[%dma_start3A_384, %dma_start3A_385] : memref<10112x16xf32, #tpu.memory_space<hbm>> -> memref<10112x16xf32, #tpu.memory_space<hbm>>
        tpu.enqueue_indirect_dma source(%dma_start3A_386 : memref<10112x16xf32, #tpu.memory_space<hbm>>) target(%arg16 : memref<128x16xf32, #tpu.memory_space<vmem>>) offsets(%dma_start3A_383 : memref<128xi32, #tpu.memory_space<vmem>>) semaphore(%arg25 : memref<!tpu.dma_semaphore, #tpu.memory_space<semaphore_mem>>)
      } else {
      }
      %mul3A_265 = arith.constant 8 : i32
      %mul3A_266 = arith.muli %while3A_161, %mul3A_265 : i32
      %add3A_267 = arith.constant 4 : i32
      %add3A_268 = arith.addi %mul3A_266, %add3A_267 : i32
      %dma_wait3A_269 = arith.constant 0 : i32
      %dma_wait3A_270 = tpu.memref_slice %arg7[%add3A_268, %dma_wait3A_269] : memref<104x128xi32, #tpu.memory_space<vmem>> -> memref<1x128xi32, #tpu.memory_space<vmem>>
      %dma_wait3A_271 = tpu.memref_squeeze %dma_wait3A_270 : memref<1x128xi32, #tpu.memory_space<vmem>> -> memref<128xi32, #tpu.memory_space<vmem>>
      %dma_wait3A_272 = arith.constant 0 : i32
      %dma_wait3A_273 = arith.constant 0 : i32
      %dma_wait3A_274 = tpu.memref_slice %arg4[%dma_wait3A_272, %dma_wait3A_273] : memref<10112x16xf32, #tpu.memory_space<hbm>> -> memref<10112x16xf32, #tpu.memory_space<hbm>>
      tpu.wait_indirect_dma semaphore(%arg22 : memref<!tpu.dma_semaphore, #tpu.memory_space<semaphore_mem>>) src(%dma_wait3A_274 : memref<10112x16xf32, #tpu.memory_space<hbm>>) dst(%arg13 : memref<128x16xf32, #tpu.memory_space<vmem>>)
      %dma_start3A_275 = arith.constant 0 : i32
      %dma_start3A_276 = tpu.memref_slice %arg8[%add3A_268, %dma_start3A_275] : memref<104x128xi32, #tpu.memory_space<vmem>> -> memref<1x128xi32, #tpu.memory_space<vmem>>
      %dma_start3A_277 = tpu.memref_squeeze %dma_start3A_276 : memref<1x128xi32, #tpu.memory_space<vmem>> -> memref<128xi32, #tpu.memory_space<vmem>>
      %dma_start3A_278 = arith.constant 0 : i32
      %dma_start3A_279 = arith.constant 0 : i32
      %dma_start3A_280 = tpu.memref_slice %arg17[%dma_start3A_278, %dma_start3A_279] : memref<10112x16xf32, #tpu.memory_space<vmem_shared>> -> memref<10112x16xf32, #tpu.memory_space<vmem_shared>>
      tpu.enqueue_indirect_dma source(%arg13 : memref<128x16xf32, #tpu.memory_space<vmem>>) target(%dma_start3A_280 : memref<10112x16xf32, #tpu.memory_space<vmem_shared>>) offsets(%dma_start3A_277 : memref<128xi32, #tpu.memory_space<vmem>>) semaphore(%arg30 : memref<!tpu.dma_semaphore, #tpu.memory_space<semaphore_mem>>) {add = true}
      %sub3A_281 = arith.constant 4 : i32
      %sub3A_282 = arith.subi %add3A_268, %sub3A_281 : i32
      %ge3A_283 = arith.constant 0 : i32
      %ge3A_284 = arith.cmpi sge, %sub3A_282, %ge3A_283 : i32
      %add3A_285 = arith.constant 8 : i32
      %add3A_286 = arith.addi %sub3A_282, %add3A_285 : i32
      %lt3A_287 = arith.cmpi slt, %add3A_286, %select_n3A_6 : i32
      %and3A_288 = arith.andi %ge3A_284, %lt3A_287 : i1
      %convert_element_type3A_289 = arith.extui %and3A_288 : i1 to i32
      %cond3A_290 = arith.constant 0 : i32
      %cond3A_291 = arith.cmpi ne, %convert_element_type3A_289, %cond3A_290 : i32
      scf.if %cond3A_291 {
        %dma_wait3A_373 = arith.constant 0 : i32
        %dma_wait3A_374 = tpu.memref_slice %arg8[%sub3A_282, %dma_wait3A_373] : memref<104x128xi32, #tpu.memory_space<vmem>> -> memref<1x128xi32, #tpu.memory_space<vmem>>
        %dma_wait3A_375 = tpu.memref_squeeze %dma_wait3A_374 : memref<1x128xi32, #tpu.memory_space<vmem>> -> memref<128xi32, #tpu.memory_space<vmem>>
        %dma_wait3A_376 = arith.constant 0 : i32
        %dma_wait3A_377 = arith.constant 0 : i32
        %dma_wait3A_378 = tpu.memref_slice %arg17[%dma_wait3A_376, %dma_wait3A_377] : memref<10112x16xf32, #tpu.memory_space<vmem_shared>> -> memref<10112x16xf32, #tpu.memory_space<vmem_shared>>
        tpu.wait_indirect_dma semaphore(%arg26 : memref<!tpu.dma_semaphore, #tpu.memory_space<semaphore_mem>>) src(%arg9 : memref<128x16xf32, #tpu.memory_space<vmem>>) dst(%dma_wait3A_378 : memref<10112x16xf32, #tpu.memory_space<vmem_shared>>)
        %add3A_379 = arith.constant 8 : i32
        %add3A_380 = arith.addi %sub3A_282, %add3A_379 : i32
        %dma_start3A_381 = arith.constant 0 : i32
        %dma_start3A_382 = tpu.memref_slice %arg7[%add3A_380, %dma_start3A_381] : memref<104x128xi32, #tpu.memory_space<vmem>> -> memref<1x128xi32, #tpu.memory_space<vmem>>
        %dma_start3A_383 = tpu.memref_squeeze %dma_start3A_382 : memref<1x128xi32, #tpu.memory_space<vmem>> -> memref<128xi32, #tpu.memory_space<vmem>>
        %dma_start3A_384 = arith.constant 0 : i32
        %dma_start3A_385 = arith.constant 0 : i32
        %dma_start3A_386 = tpu.memref_slice %arg4[%dma_start3A_384, %dma_start3A_385] : memref<10112x16xf32, #tpu.memory_space<hbm>> -> memref<10112x16xf32, #tpu.memory_space<hbm>>
        tpu.enqueue_indirect_dma source(%dma_start3A_386 : memref<10112x16xf32, #tpu.memory_space<hbm>>) target(%arg9 : memref<128x16xf32, #tpu.memory_space<vmem>>) offsets(%dma_start3A_383 : memref<128xi32, #tpu.memory_space<vmem>>) semaphore(%arg18 : memref<!tpu.dma_semaphore, #tpu.memory_space<semaphore_mem>>)
      } else {
      }
      %mul3A_292 = arith.constant 8 : i32
      %mul3A_293 = arith.muli %while3A_161, %mul3A_292 : i32
      %add3A_294 = arith.constant 5 : i32
      %add3A_295 = arith.addi %mul3A_293, %add3A_294 : i32
      %dma_wait3A_296 = arith.constant 0 : i32
      %dma_wait3A_297 = tpu.memref_slice %arg7[%add3A_295, %dma_wait3A_296] : memref<104x128xi32, #tpu.memory_space<vmem>> -> memref<1x128xi32, #tpu.memory_space<vmem>>
      %dma_wait3A_298 = tpu.memref_squeeze %dma_wait3A_297 : memref<1x128xi32, #tpu.memory_space<vmem>> -> memref<128xi32, #tpu.memory_space<vmem>>
      %dma_wait3A_299 = arith.constant 0 : i32
      %dma_wait3A_300 = arith.constant 0 : i32
      %dma_wait3A_301 = tpu.memref_slice %arg4[%dma_wait3A_299, %dma_wait3A_300] : memref<10112x16xf32, #tpu.memory_space<hbm>> -> memref<10112x16xf32, #tpu.memory_space<hbm>>
      tpu.wait_indirect_dma semaphore(%arg23 : memref<!tpu.dma_semaphore, #tpu.memory_space<semaphore_mem>>) src(%dma_wait3A_301 : memref<10112x16xf32, #tpu.memory_space<hbm>>) dst(%arg14 : memref<128x16xf32, #tpu.memory_space<vmem>>)
      %dma_start3A_302 = arith.constant 0 : i32
      %dma_start3A_303 = tpu.memref_slice %arg8[%add3A_295, %dma_start3A_302] : memref<104x128xi32, #tpu.memory_space<vmem>> -> memref<1x128xi32, #tpu.memory_space<vmem>>
      %dma_start3A_304 = tpu.memref_squeeze %dma_start3A_303 : memref<1x128xi32, #tpu.memory_space<vmem>> -> memref<128xi32, #tpu.memory_space<vmem>>
      %dma_start3A_305 = arith.constant 0 : i32
      %dma_start3A_306 = arith.constant 0 : i32
      %dma_start3A_307 = tpu.memref_slice %arg17[%dma_start3A_305, %dma_start3A_306] : memref<10112x16xf32, #tpu.memory_space<vmem_shared>> -> memref<10112x16xf32, #tpu.memory_space<vmem_shared>>
      tpu.enqueue_indirect_dma source(%arg14 : memref<128x16xf32, #tpu.memory_space<vmem>>) target(%dma_start3A_307 : memref<10112x16xf32, #tpu.memory_space<vmem_shared>>) offsets(%dma_start3A_304 : memref<128xi32, #tpu.memory_space<vmem>>) semaphore(%arg31 : memref<!tpu.dma_semaphore, #tpu.memory_space<semaphore_mem>>) {add = true}
      %sub3A_308 = arith.constant 4 : i32
      %sub3A_309 = arith.subi %add3A_295, %sub3A_308 : i32
      %ge3A_310 = arith.constant 0 : i32
      %ge3A_311 = arith.cmpi sge, %sub3A_309, %ge3A_310 : i32
      %add3A_312 = arith.constant 8 : i32
      %add3A_313 = arith.addi %sub3A_309, %add3A_312 : i32
      %lt3A_314 = arith.cmpi slt, %add3A_313, %select_n3A_6 : i32
      %and3A_315 = arith.andi %ge3A_311, %lt3A_314 : i1
      %convert_element_type3A_316 = arith.extui %and3A_315 : i1 to i32
      %cond3A_317 = arith.constant 0 : i32
      %cond3A_318 = arith.cmpi ne, %convert_element_type3A_316, %cond3A_317 : i32
      scf.if %cond3A_318 {
        %dma_wait3A_373 = arith.constant 0 : i32
        %dma_wait3A_374 = tpu.memref_slice %arg8[%sub3A_309, %dma_wait3A_373] : memref<104x128xi32, #tpu.memory_space<vmem>> -> memref<1x128xi32, #tpu.memory_space<vmem>>
        %dma_wait3A_375 = tpu.memref_squeeze %dma_wait3A_374 : memref<1x128xi32, #tpu.memory_space<vmem>> -> memref<128xi32, #tpu.memory_space<vmem>>
        %dma_wait3A_376 = arith.constant 0 : i32
        %dma_wait3A_377 = arith.constant 0 : i32
        %dma_wait3A_378 = tpu.memref_slice %arg17[%dma_wait3A_376, %dma_wait3A_377] : memref<10112x16xf32, #tpu.memory_space<vmem_shared>> -> memref<10112x16xf32, #tpu.memory_space<vmem_shared>>
        tpu.wait_indirect_dma semaphore(%arg27 : memref<!tpu.dma_semaphore, #tpu.memory_space<semaphore_mem>>) src(%arg10 : memref<128x16xf32, #tpu.memory_space<vmem>>) dst(%dma_wait3A_378 : memref<10112x16xf32, #tpu.memory_space<vmem_shared>>)
        %add3A_379 = arith.constant 8 : i32
        %add3A_380 = arith.addi %sub3A_309, %add3A_379 : i32
        %dma_start3A_381 = arith.constant 0 : i32
        %dma_start3A_382 = tpu.memref_slice %arg7[%add3A_380, %dma_start3A_381] : memref<104x128xi32, #tpu.memory_space<vmem>> -> memref<1x128xi32, #tpu.memory_space<vmem>>
        %dma_start3A_383 = tpu.memref_squeeze %dma_start3A_382 : memref<1x128xi32, #tpu.memory_space<vmem>> -> memref<128xi32, #tpu.memory_space<vmem>>
        %dma_start3A_384 = arith.constant 0 : i32
        %dma_start3A_385 = arith.constant 0 : i32
        %dma_start3A_386 = tpu.memref_slice %arg4[%dma_start3A_384, %dma_start3A_385] : memref<10112x16xf32, #tpu.memory_space<hbm>> -> memref<10112x16xf32, #tpu.memory_space<hbm>>
        tpu.enqueue_indirect_dma source(%dma_start3A_386 : memref<10112x16xf32, #tpu.memory_space<hbm>>) target(%arg10 : memref<128x16xf32, #tpu.memory_space<vmem>>) offsets(%dma_start3A_383 : memref<128xi32, #tpu.memory_space<vmem>>) semaphore(%arg19 : memref<!tpu.dma_semaphore, #tpu.memory_space<semaphore_mem>>)
      } else {
      }
      %mul3A_319 = arith.constant 8 : i32
      %mul3A_320 = arith.muli %while3A_161, %mul3A_319 : i32
      %add3A_321 = arith.constant 6 : i32
      %add3A_322 = arith.addi %mul3A_320, %add3A_321 : i32
      %dma_wait3A_323 = arith.constant 0 : i32
      %dma_wait3A_324 = tpu.memref_slice %arg7[%add3A_322, %dma_wait3A_323] : memref<104x128xi32, #tpu.memory_space<vmem>> -> memref<1x128xi32, #tpu.memory_space<vmem>>
      %dma_wait3A_325 = tpu.memref_squeeze %dma_wait3A_324 : memref<1x128xi32, #tpu.memory_space<vmem>> -> memref<128xi32, #tpu.memory_space<vmem>>
      %dma_wait3A_326 = arith.constant 0 : i32
      %dma_wait3A_327 = arith.constant 0 : i32
      %dma_wait3A_328 = tpu.memref_slice %arg4[%dma_wait3A_326, %dma_wait3A_327] : memref<10112x16xf32, #tpu.memory_space<hbm>> -> memref<10112x16xf32, #tpu.memory_space<hbm>>
      tpu.wait_indirect_dma semaphore(%arg24 : memref<!tpu.dma_semaphore, #tpu.memory_space<semaphore_mem>>) src(%dma_wait3A_328 : memref<10112x16xf32, #tpu.memory_space<hbm>>) dst(%arg15 : memref<128x16xf32, #tpu.memory_space<vmem>>)
      %dma_start3A_329 = arith.constant 0 : i32
      %dma_start3A_330 = tpu.memref_slice %arg8[%add3A_322, %dma_start3A_329] : memref<104x128xi32, #tpu.memory_space<vmem>> -> memref<1x128xi32, #tpu.memory_space<vmem>>
      %dma_start3A_331 = tpu.memref_squeeze %dma_start3A_330 : memref<1x128xi32, #tpu.memory_space<vmem>> -> memref<128xi32, #tpu.memory_space<vmem>>
      %dma_start3A_332 = arith.constant 0 : i32
      %dma_start3A_333 = arith.constant 0 : i32
      %dma_start3A_334 = tpu.memref_slice %arg17[%dma_start3A_332, %dma_start3A_333] : memref<10112x16xf32, #tpu.memory_space<vmem_shared>> -> memref<10112x16xf32, #tpu.memory_space<vmem_shared>>
      tpu.enqueue_indirect_dma source(%arg15 : memref<128x16xf32, #tpu.memory_space<vmem>>) target(%dma_start3A_334 : memref<10112x16xf32, #tpu.memory_space<vmem_shared>>) offsets(%dma_start3A_331 : memref<128xi32, #tpu.memory_space<vmem>>) semaphore(%arg32 : memref<!tpu.dma_semaphore, #tpu.memory_space<semaphore_mem>>) {add = true}
      %sub3A_335 = arith.constant 4 : i32
      %sub3A_336 = arith.subi %add3A_322, %sub3A_335 : i32
      %ge3A_337 = arith.constant 0 : i32
      %ge3A_338 = arith.cmpi sge, %sub3A_336, %ge3A_337 : i32
      %add3A_339 = arith.constant 8 : i32
      %add3A_340 = arith.addi %sub3A_336, %add3A_339 : i32
      %lt3A_341 = arith.cmpi slt, %add3A_340, %select_n3A_6 : i32
      %and3A_342 = arith.andi %ge3A_338, %lt3A_341 : i1
      %convert_element_type3A_343 = arith.extui %and3A_342 : i1 to i32
      %cond3A_344 = arith.constant 0 : i32
      %cond3A_345 = arith.cmpi ne, %convert_element_type3A_343, %cond3A_344 : i32
      scf.if %cond3A_345 {
        %dma_wait3A_373 = arith.constant 0 : i32
        %dma_wait3A_374 = tpu.memref_slice %arg8[%sub3A_336, %dma_wait3A_373] : memref<104x128xi32, #tpu.memory_space<vmem>> -> memref<1x128xi32, #tpu.memory_space<vmem>>
        %dma_wait3A_375 = tpu.memref_squeeze %dma_wait3A_374 : memref<1x128xi32, #tpu.memory_space<vmem>> -> memref<128xi32, #tpu.memory_space<vmem>>
        %dma_wait3A_376 = arith.constant 0 : i32
        %dma_wait3A_377 = arith.constant 0 : i32
        %dma_wait3A_378 = tpu.memref_slice %arg17[%dma_wait3A_376, %dma_wait3A_377] : memref<10112x16xf32, #tpu.memory_space<vmem_shared>> -> memref<10112x16xf32, #tpu.memory_space<vmem_shared>>
        tpu.wait_indirect_dma semaphore(%arg28 : memref<!tpu.dma_semaphore, #tpu.memory_space<semaphore_mem>>) src(%arg11 : memref<128x16xf32, #tpu.memory_space<vmem>>) dst(%dma_wait3A_378 : memref<10112x16xf32, #tpu.memory_space<vmem_shared>>)
        %add3A_379 = arith.constant 8 : i32
        %add3A_380 = arith.addi %sub3A_336, %add3A_379 : i32
        %dma_start3A_381 = arith.constant 0 : i32
        %dma_start3A_382 = tpu.memref_slice %arg7[%add3A_380, %dma_start3A_381] : memref<104x128xi32, #tpu.memory_space<vmem>> -> memref<1x128xi32, #tpu.memory_space<vmem>>
        %dma_start3A_383 = tpu.memref_squeeze %dma_start3A_382 : memref<1x128xi32, #tpu.memory_space<vmem>> -> memref<128xi32, #tpu.memory_space<vmem>>
        %dma_start3A_384 = arith.constant 0 : i32
        %dma_start3A_385 = arith.constant 0 : i32
        %dma_start3A_386 = tpu.memref_slice %arg4[%dma_start3A_384, %dma_start3A_385] : memref<10112x16xf32, #tpu.memory_space<hbm>> -> memref<10112x16xf32, #tpu.memory_space<hbm>>
        tpu.enqueue_indirect_dma source(%dma_start3A_386 : memref<10112x16xf32, #tpu.memory_space<hbm>>) target(%arg11 : memref<128x16xf32, #tpu.memory_space<vmem>>) offsets(%dma_start3A_383 : memref<128xi32, #tpu.memory_space<vmem>>) semaphore(%arg20 : memref<!tpu.dma_semaphore, #tpu.memory_space<semaphore_mem>>)
      } else {
      }
      %mul3A_346 = arith.constant 8 : i32
      %mul3A_347 = arith.muli %while3A_161, %mul3A_346 : i32
      %add3A_348 = arith.constant 7 : i32
      %add3A_349 = arith.addi %mul3A_347, %add3A_348 : i32
      %dma_wait3A_350 = arith.constant 0 : i32
      %dma_wait3A_351 = tpu.memref_slice %arg7[%add3A_349, %dma_wait3A_350] : memref<104x128xi32, #tpu.memory_space<vmem>> -> memref<1x128xi32, #tpu.memory_space<vmem>>
      %dma_wait3A_352 = tpu.memref_squeeze %dma_wait3A_351 : memref<1x128xi32, #tpu.memory_space<vmem>> -> memref<128xi32, #tpu.memory_space<vmem>>
      %dma_wait3A_353 = arith.constant 0 : i32
      %dma_wait3A_354 = arith.constant 0 : i32
      %dma_wait3A_355 = tpu.memref_slice %arg4[%dma_wait3A_353, %dma_wait3A_354] : memref<10112x16xf32, #tpu.memory_space<hbm>> -> memref<10112x16xf32, #tpu.memory_space<hbm>>
      tpu.wait_indirect_dma semaphore(%arg25 : memref<!tpu.dma_semaphore, #tpu.memory_space<semaphore_mem>>) src(%dma_wait3A_355 : memref<10112x16xf32, #tpu.memory_space<hbm>>) dst(%arg16 : memref<128x16xf32, #tpu.memory_space<vmem>>)
      %dma_start3A_356 = arith.constant 0 : i32
      %dma_start3A_357 = tpu.memref_slice %arg8[%add3A_349, %dma_start3A_356] : memref<104x128xi32, #tpu.memory_space<vmem>> -> memref<1x128xi32, #tpu.memory_space<vmem>>
      %dma_start3A_358 = tpu.memref_squeeze %dma_start3A_357 : memref<1x128xi32, #tpu.memory_space<vmem>> -> memref<128xi32, #tpu.memory_space<vmem>>
      %dma_start3A_359 = arith.constant 0 : i32
      %dma_start3A_360 = arith.constant 0 : i32
      %dma_start3A_361 = tpu.memref_slice %arg17[%dma_start3A_359, %dma_start3A_360] : memref<10112x16xf32, #tpu.memory_space<vmem_shared>> -> memref<10112x16xf32, #tpu.memory_space<vmem_shared>>
      tpu.enqueue_indirect_dma source(%arg16 : memref<128x16xf32, #tpu.memory_space<vmem>>) target(%dma_start3A_361 : memref<10112x16xf32, #tpu.memory_space<vmem_shared>>) offsets(%dma_start3A_358 : memref<128xi32, #tpu.memory_space<vmem>>) semaphore(%arg33 : memref<!tpu.dma_semaphore, #tpu.memory_space<semaphore_mem>>) {add = true}
      %sub3A_362 = arith.constant 4 : i32
      %sub3A_363 = arith.subi %add3A_349, %sub3A_362 : i32
      %ge3A_364 = arith.constant 0 : i32
      %ge3A_365 = arith.cmpi sge, %sub3A_363, %ge3A_364 : i32
      %add3A_366 = arith.constant 8 : i32
      %add3A_367 = arith.addi %sub3A_363, %add3A_366 : i32
      %lt3A_368 = arith.cmpi slt, %add3A_367, %select_n3A_6 : i32
      %and3A_369 = arith.andi %ge3A_365, %lt3A_368 : i1
      %convert_element_type3A_370 = arith.extui %and3A_369 : i1 to i32
      %cond3A_371 = arith.constant 0 : i32
      %cond3A_372 = arith.cmpi ne, %convert_element_type3A_370, %cond3A_371 : i32
      scf.if %cond3A_372 {
        %dma_wait3A_373 = arith.constant 0 : i32
        %dma_wait3A_374 = tpu.memref_slice %arg8[%sub3A_363, %dma_wait3A_373] : memref<104x128xi32, #tpu.memory_space<vmem>> -> memref<1x128xi32, #tpu.memory_space<vmem>>
        %dma_wait3A_375 = tpu.memref_squeeze %dma_wait3A_374 : memref<1x128xi32, #tpu.memory_space<vmem>> -> memref<128xi32, #tpu.memory_space<vmem>>
        %dma_wait3A_376 = arith.constant 0 : i32
        %dma_wait3A_377 = arith.constant 0 : i32
        %dma_wait3A_378 = tpu.memref_slice %arg17[%dma_wait3A_376, %dma_wait3A_377] : memref<10112x16xf32, #tpu.memory_space<vmem_shared>> -> memref<10112x16xf32, #tpu.memory_space<vmem_shared>>
        tpu.wait_indirect_dma semaphore(%arg29 : memref<!tpu.dma_semaphore, #tpu.memory_space<semaphore_mem>>) src(%arg12 : memref<128x16xf32, #tpu.memory_space<vmem>>) dst(%dma_wait3A_378 : memref<10112x16xf32, #tpu.memory_space<vmem_shared>>)
        %add3A_379 = arith.constant 8 : i32
        %add3A_380 = arith.addi %sub3A_363, %add3A_379 : i32
        %dma_start3A_381 = arith.constant 0 : i32
        %dma_start3A_382 = tpu.memref_slice %arg7[%add3A_380, %dma_start3A_381] : memref<104x128xi32, #tpu.memory_space<vmem>> -> memref<1x128xi32, #tpu.memory_space<vmem>>
        %dma_start3A_383 = tpu.memref_squeeze %dma_start3A_382 : memref<1x128xi32, #tpu.memory_space<vmem>> -> memref<128xi32, #tpu.memory_space<vmem>>
        %dma_start3A_384 = arith.constant 0 : i32
        %dma_start3A_385 = arith.constant 0 : i32
        %dma_start3A_386 = tpu.memref_slice %arg4[%dma_start3A_384, %dma_start3A_385] : memref<10112x16xf32, #tpu.memory_space<hbm>> -> memref<10112x16xf32, #tpu.memory_space<hbm>>
        tpu.enqueue_indirect_dma source(%dma_start3A_386 : memref<10112x16xf32, #tpu.memory_space<hbm>>) target(%arg12 : memref<128x16xf32, #tpu.memory_space<vmem>>) offsets(%dma_start3A_383 : memref<128xi32, #tpu.memory_space<vmem>>) semaphore(%arg21 : memref<!tpu.dma_semaphore, #tpu.memory_space<semaphore_mem>>)
      } else {
      }
    }
    %while3A_77 = arith.constant 1 : i32
    scf.for %while3A_161 = %while3A_75 to %while3A_71 step %while3A_77  : i32 {
      %mul3A_162 = arith.constant 8 : i32
      %mul3A_163 = arith.muli %while3A_161, %mul3A_162 : i32
      %add3A_164 = arith.constant 0 : i32
      %add3A_165 = arith.addi %mul3A_163, %add3A_164 : i32
      %dma_wait3A_166 = arith.constant 0 : i32
      %dma_wait3A_167 = tpu.memref_slice %arg7[%add3A_165, %dma_wait3A_166] : memref<104x128xi32, #tpu.memory_space<vmem>> -> memref<1x128xi32, #tpu.memory_space<vmem>>
      %dma_wait3A_168 = tpu.memref_squeeze %dma_wait3A_167 : memref<1x128xi32, #tpu.memory_space<vmem>> -> memref<128xi32, #tpu.memory_space<vmem>>
      %dma_wait3A_169 = arith.constant 0 : i32
      %dma_wait3A_170 = arith.constant 0 : i32
      %dma_wait3A_171 = tpu.memref_slice %arg4[%dma_wait3A_169, %dma_wait3A_170] : memref<10112x16xf32, #tpu.memory_space<hbm>> -> memref<10112x16xf32, #tpu.memory_space<hbm>>
      tpu.wait_indirect_dma semaphore(%arg18 : memref<!tpu.dma_semaphore, #tpu.memory_space<semaphore_mem>>) src(%dma_wait3A_171 : memref<10112x16xf32, #tpu.memory_space<hbm>>) dst(%arg9 : memref<128x16xf32, #tpu.memory_space<vmem>>)
      %dma_start3A_172 = arith.constant 0 : i32
      %dma_start3A_173 = tpu.memref_slice %arg8[%add3A_165, %dma_start3A_172] : memref<104x128xi32, #tpu.memory_space<vmem>> -> memref<1x128xi32, #tpu.memory_space<vmem>>
      %dma_start3A_174 = tpu.memref_squeeze %dma_start3A_173 : memref<1x128xi32, #tpu.memory_space<vmem>> -> memref<128xi32, #tpu.memory_space<vmem>>
      %dma_start3A_175 = arith.constant 0 : i32
      %dma_start3A_176 = arith.constant 0 : i32
      %dma_start3A_177 = tpu.memref_slice %arg17[%dma_start3A_175, %dma_start3A_176] : memref<10112x16xf32, #tpu.memory_space<vmem_shared>> -> memref<10112x16xf32, #tpu.memory_space<vmem_shared>>
      tpu.enqueue_indirect_dma source(%arg9 : memref<128x16xf32, #tpu.memory_space<vmem>>) target(%dma_start3A_177 : memref<10112x16xf32, #tpu.memory_space<vmem_shared>>) offsets(%dma_start3A_174 : memref<128xi32, #tpu.memory_space<vmem>>) semaphore(%arg26 : memref<!tpu.dma_semaphore, #tpu.memory_space<semaphore_mem>>) {add = true}
      %sub3A_178 = arith.constant 4 : i32
      %sub3A_179 = arith.subi %add3A_165, %sub3A_178 : i32
      %ge3A = arith.constant 0 : i32
      %ge3A_180 = arith.cmpi sge, %sub3A_179, %ge3A : i32
      %add3A_181 = arith.constant 8 : i32
      %add3A_182 = arith.addi %sub3A_179, %add3A_181 : i32
      %lt3A = arith.cmpi slt, %add3A_182, %select_n3A_6 : i32
      %and3A = arith.andi %ge3A_180, %lt3A : i1
      %convert_element_type3A = arith.extui %and3A : i1 to i32
      %cond3A = arith.constant 0 : i32
      %cond3A_183 = arith.cmpi ne, %convert_element_type3A, %cond3A : i32
      scf.if %cond3A_183 {
        %dma_wait3A_373 = arith.constant 0 : i32
        %dma_wait3A_374 = tpu.memref_slice %arg8[%sub3A_179, %dma_wait3A_373] : memref<104x128xi32, #tpu.memory_space<vmem>> -> memref<1x128xi32, #tpu.memory_space<vmem>>
        %dma_wait3A_375 = tpu.memref_squeeze %dma_wait3A_374 : memref<1x128xi32, #tpu.memory_space<vmem>> -> memref<128xi32, #tpu.memory_space<vmem>>
        %dma_wait3A_376 = arith.constant 0 : i32
        %dma_wait3A_377 = arith.constant 0 : i32
        %dma_wait3A_378 = tpu.memref_slice %arg17[%dma_wait3A_376, %dma_wait3A_377] : memref<10112x16xf32, #tpu.memory_space<vmem_shared>> -> memref<10112x16xf32, #tpu.memory_space<vmem_shared>>
        tpu.wait_indirect_dma semaphore(%arg30 : memref<!tpu.dma_semaphore, #tpu.memory_space<semaphore_mem>>) src(%arg13 : memref<128x16xf32, #tpu.memory_space<vmem>>) dst(%dma_wait3A_378 : memref<10112x16xf32, #tpu.memory_space<vmem_shared>>)
        %add3A_379 = arith.constant 8 : i32
        %add3A_380 = arith.addi %sub3A_179, %add3A_379 : i32
        %dma_start3A_381 = arith.constant 0 : i32
        %dma_start3A_382 = tpu.memref_slice %arg7[%add3A_380, %dma_start3A_381] : memref<104x128xi32, #tpu.memory_space<vmem>> -> memref<1x128xi32, #tpu.memory_space<vmem>>
        %dma_start3A_383 = tpu.memref_squeeze %dma_start3A_382 : memref<1x128xi32, #tpu.memory_space<vmem>> -> memref<128xi32, #tpu.memory_space<vmem>>
        %dma_start3A_384 = arith.constant 0 : i32
        %dma_start3A_385 = arith.constant 0 : i32
        %dma_start3A_386 = tpu.memref_slice %arg4[%dma_start3A_384, %dma_start3A_385] : memref<10112x16xf32, #tpu.memory_space<hbm>> -> memref<10112x16xf32, #tpu.memory_space<hbm>>
        tpu.enqueue_indirect_dma source(%dma_start3A_386 : memref<10112x16xf32, #tpu.memory_space<hbm>>) target(%arg13 : memref<128x16xf32, #tpu.memory_space<vmem>>) offsets(%dma_start3A_383 : memref<128xi32, #tpu.memory_space<vmem>>) semaphore(%arg22 : memref<!tpu.dma_semaphore, #tpu.memory_space<semaphore_mem>>)
      } else {
      }
      %mul3A_184 = arith.constant 8 : i32
      %mul3A_185 = arith.muli %while3A_161, %mul3A_184 : i32
      %add3A_186 = arith.constant 1 : i32
      %add3A_187 = arith.addi %mul3A_185, %add3A_186 : i32
      %dma_wait3A_188 = arith.constant 0 : i32
      %dma_wait3A_189 = tpu.memref_slice %arg7[%add3A_187, %dma_wait3A_188] : memref<104x128xi32, #tpu.memory_space<vmem>> -> memref<1x128xi32, #tpu.memory_space<vmem>>
      %dma_wait3A_190 = tpu.memref_squeeze %dma_wait3A_189 : memref<1x128xi32, #tpu.memory_space<vmem>> -> memref<128xi32, #tpu.memory_space<vmem>>
      %dma_wait3A_191 = arith.constant 0 : i32
      %dma_wait3A_192 = arith.constant 0 : i32
      %dma_wait3A_193 = tpu.memref_slice %arg4[%dma_wait3A_191, %dma_wait3A_192] : memref<10112x16xf32, #tpu.memory_space<hbm>> -> memref<10112x16xf32, #tpu.memory_space<hbm>>
      tpu.wait_indirect_dma semaphore(%arg19 : memref<!tpu.dma_semaphore, #tpu.memory_space<semaphore_mem>>) src(%dma_wait3A_193 : memref<10112x16xf32, #tpu.memory_space<hbm>>) dst(%arg10 : memref<128x16xf32, #tpu.memory_space<vmem>>)
      %dma_start3A_194 = arith.constant 0 : i32
      %dma_start3A_195 = tpu.memref_slice %arg8[%add3A_187, %dma_start3A_194] : memref<104x128xi32, #tpu.memory_space<vmem>> -> memref<1x128xi32, #tpu.memory_space<vmem>>
      %dma_start3A_196 = tpu.memref_squeeze %dma_start3A_195 : memref<1x128xi32, #tpu.memory_space<vmem>> -> memref<128xi32, #tpu.memory_space<vmem>>
      %dma_start3A_197 = arith.constant 0 : i32
      %dma_start3A_198 = arith.constant 0 : i32
      %dma_start3A_199 = tpu.memref_slice %arg17[%dma_start3A_197, %dma_start3A_198] : memref<10112x16xf32, #tpu.memory_space<vmem_shared>> -> memref<10112x16xf32, #tpu.memory_space<vmem_shared>>
      tpu.enqueue_indirect_dma source(%arg10 : memref<128x16xf32, #tpu.memory_space<vmem>>) target(%dma_start3A_199 : memref<10112x16xf32, #tpu.memory_space<vmem_shared>>) offsets(%dma_start3A_196 : memref<128xi32, #tpu.memory_space<vmem>>) semaphore(%arg27 : memref<!tpu.dma_semaphore, #tpu.memory_space<semaphore_mem>>) {add = true}
      %sub3A_200 = arith.constant 4 : i32
      %sub3A_201 = arith.subi %add3A_187, %sub3A_200 : i32
      %ge3A_202 = arith.constant 0 : i32
      %ge3A_203 = arith.cmpi sge, %sub3A_201, %ge3A_202 : i32
      %add3A_204 = arith.constant 8 : i32
      %add3A_205 = arith.addi %sub3A_201, %add3A_204 : i32
      %lt3A_206 = arith.cmpi slt, %add3A_205, %select_n3A_6 : i32
      %and3A_207 = arith.andi %ge3A_203, %lt3A_206 : i1
      %convert_element_type3A_208 = arith.extui %and3A_207 : i1 to i32
      %cond3A_209 = arith.constant 0 : i32
      %cond3A_210 = arith.cmpi ne, %convert_element_type3A_208, %cond3A_209 : i32
      scf.if %cond3A_210 {
        %dma_wait3A_373 = arith.constant 0 : i32
        %dma_wait3A_374 = tpu.memref_slice %arg8[%sub3A_201, %dma_wait3A_373] : memref<104x128xi32, #tpu.memory_space<vmem>> -> memref<1x128xi32, #tpu.memory_space<vmem>>
        %dma_wait3A_375 = tpu.memref_squeeze %dma_wait3A_374 : memref<1x128xi32, #tpu.memory_space<vmem>> -> memref<128xi32, #tpu.memory_space<vmem>>
        %dma_wait3A_376 = arith.constant 0 : i32
        %dma_wait3A_377 = arith.constant 0 : i32
        %dma_wait3A_378 = tpu.memref_slice %arg17[%dma_wait3A_376, %dma_wait3A_377] : memref<10112x16xf32, #tpu.memory_space<vmem_shared>> -> memref<10112x16xf32, #tpu.memory_space<vmem_shared>>
        tpu.wait_indirect_dma semaphore(%arg31 : memref<!tpu.dma_semaphore, #tpu.memory_space<semaphore_mem>>) src(%arg14 : memref<128x16xf32, #tpu.memory_space<vmem>>) dst(%dma_wait3A_378 : memref<10112x16xf32, #tpu.memory_space<vmem_shared>>)
        %add3A_379 = arith.constant 8 : i32
        %add3A_380 = arith.addi %sub3A_201, %add3A_379 : i32
        %dma_start3A_381 = arith.constant 0 : i32
        %dma_start3A_382 = tpu.memref_slice %arg7[%add3A_380, %dma_start3A_381] : memref<104x128xi32, #tpu.memory_space<vmem>> -> memref<1x128xi32, #tpu.memory_space<vmem>>
        %dma_start3A_383 = tpu.memref_squeeze %dma_start3A_382 : memref<1x128xi32, #tpu.memory_space<vmem>> -> memref<128xi32, #tpu.memory_space<vmem>>
        %dma_start3A_384 = arith.constant 0 : i32
        %dma_start3A_385 = arith.constant 0 : i32
        %dma_start3A_386 = tpu.memref_slice %arg4[%dma_start3A_384, %dma_start3A_385] : memref<10112x16xf32, #tpu.memory_space<hbm>> -> memref<10112x16xf32, #tpu.memory_space<hbm>>
        tpu.enqueue_indirect_dma source(%dma_start3A_386 : memref<10112x16xf32, #tpu.memory_space<hbm>>) target(%arg14 : memref<128x16xf32, #tpu.memory_space<vmem>>) offsets(%dma_start3A_383 : memref<128xi32, #tpu.memory_space<vmem>>) semaphore(%arg23 : memref<!tpu.dma_semaphore, #tpu.memory_space<semaphore_mem>>)
      } else {
      }
      %mul3A_211 = arith.constant 8 : i32
      %mul3A_212 = arith.muli %while3A_161, %mul3A_211 : i32
      %add3A_213 = arith.constant 2 : i32
      %add3A_214 = arith.addi %mul3A_212, %add3A_213 : i32
      %dma_wait3A_215 = arith.constant 0 : i32
      %dma_wait3A_216 = tpu.memref_slice %arg7[%add3A_214, %dma_wait3A_215] : memref<104x128xi32, #tpu.memory_space<vmem>> -> memref<1x128xi32, #tpu.memory_space<vmem>>
      %dma_wait3A_217 = tpu.memref_squeeze %dma_wait3A_216 : memref<1x128xi32, #tpu.memory_space<vmem>> -> memref<128xi32, #tpu.memory_space<vmem>>
      %dma_wait3A_218 = arith.constant 0 : i32
      %dma_wait3A_219 = arith.constant 0 : i32
      %dma_wait3A_220 = tpu.memref_slice %arg4[%dma_wait3A_218, %dma_wait3A_219] : memref<10112x16xf32, #tpu.memory_space<hbm>> -> memref<10112x16xf32, #tpu.memory_space<hbm>>
      tpu.wait_indirect_dma semaphore(%arg20 : memref<!tpu.dma_semaphore, #tpu.memory_space<semaphore_mem>>) src(%dma_wait3A_220 : memref<10112x16xf32, #tpu.memory_space<hbm>>) dst(%arg11 : memref<128x16xf32, #tpu.memory_space<vmem>>)
      %dma_start3A_221 = arith.constant 0 : i32
      %dma_start3A_222 = tpu.memref_slice %arg8[%add3A_214, %dma_start3A_221] : memref<104x128xi32, #tpu.memory_space<vmem>> -> memref<1x128xi32, #tpu.memory_space<vmem>>
      %dma_start3A_223 = tpu.memref_squeeze %dma_start3A_222 : memref<1x128xi32, #tpu.memory_space<vmem>> -> memref<128xi32, #tpu.memory_space<vmem>>
      %dma_start3A_224 = arith.constant 0 : i32
      %dma_start3A_225 = arith.constant 0 : i32
      %dma_start3A_226 = tpu.memref_slice %arg17[%dma_start3A_224, %dma_start3A_225] : memref<10112x16xf32, #tpu.memory_space<vmem_shared>> -> memref<10112x16xf32, #tpu.memory_space<vmem_shared>>
      tpu.enqueue_indirect_dma source(%arg11 : memref<128x16xf32, #tpu.memory_space<vmem>>) target(%dma_start3A_226 : memref<10112x16xf32, #tpu.memory_space<vmem_shared>>) offsets(%dma_start3A_223 : memref<128xi32, #tpu.memory_space<vmem>>) semaphore(%arg28 : memref<!tpu.dma_semaphore, #tpu.memory_space<semaphore_mem>>) {add = true}
      %sub3A_227 = arith.constant 4 : i32
      %sub3A_228 = arith.subi %add3A_214, %sub3A_227 : i32
      %ge3A_229 = arith.constant 0 : i32
      %ge3A_230 = arith.cmpi sge, %sub3A_228, %ge3A_229 : i32
      %add3A_231 = arith.constant 8 : i32
      %add3A_232 = arith.addi %sub3A_228, %add3A_231 : i32
      %lt3A_233 = arith.cmpi slt, %add3A_232, %select_n3A_6 : i32
      %and3A_234 = arith.andi %ge3A_230, %lt3A_233 : i1
      %convert_element_type3A_235 = arith.extui %and3A_234 : i1 to i32
      %cond3A_236 = arith.constant 0 : i32
      %cond3A_237 = arith.cmpi ne, %convert_element_type3A_235, %cond3A_236 : i32
      scf.if %cond3A_237 {
        %dma_wait3A_373 = arith.constant 0 : i32
        %dma_wait3A_374 = tpu.memref_slice %arg8[%sub3A_228, %dma_wait3A_373] : memref<104x128xi32, #tpu.memory_space<vmem>> -> memref<1x128xi32, #tpu.memory_space<vmem>>
        %dma_wait3A_375 = tpu.memref_squeeze %dma_wait3A_374 : memref<1x128xi32, #tpu.memory_space<vmem>> -> memref<128xi32, #tpu.memory_space<vmem>>
        %dma_wait3A_376 = arith.constant 0 : i32
        %dma_wait3A_377 = arith.constant 0 : i32
        %dma_wait3A_378 = tpu.memref_slice %arg17[%dma_wait3A_376, %dma_wait3A_377] : memref<10112x16xf32, #tpu.memory_space<vmem_shared>> -> memref<10112x16xf32, #tpu.memory_space<vmem_shared>>
        tpu.wait_indirect_dma semaphore(%arg32 : memref<!tpu.dma_semaphore, #tpu.memory_space<semaphore_mem>>) src(%arg15 : memref<128x16xf32, #tpu.memory_space<vmem>>) dst(%dma_wait3A_378 : memref<10112x16xf32, #tpu.memory_space<vmem_shared>>)
        %add3A_379 = arith.constant 8 : i32
        %add3A_380 = arith.addi %sub3A_228, %add3A_379 : i32
        %dma_start3A_381 = arith.constant 0 : i32
        %dma_start3A_382 = tpu.memref_slice %arg7[%add3A_380, %dma_start3A_381] : memref<104x128xi32, #tpu.memory_space<vmem>> -> memref<1x128xi32, #tpu.memory_space<vmem>>
        %dma_start3A_383 = tpu.memref_squeeze %dma_start3A_382 : memref<1x128xi32, #tpu.memory_space<vmem>> -> memref<128xi32, #tpu.memory_space<vmem>>
        %dma_start3A_384 = arith.constant 0 : i32
        %dma_start3A_385 = arith.constant 0 : i32
        %dma_start3A_386 = tpu.memref_slice %arg4[%dma_start3A_384, %dma_start3A_385] : memref<10112x16xf32, #tpu.memory_space<hbm>> -> memref<10112x16xf32, #tpu.memory_space<hbm>>
        tpu.enqueue_indirect_dma source(%dma_start3A_386 : memref<10112x16xf32, #tpu.memory_space<hbm>>) target(%arg15 : memref<128x16xf32, #tpu.memory_space<vmem>>) offsets(%dma_start3A_383 : memref<128xi32, #tpu.memory_space<vmem>>) semaphore(%arg24 : memref<!tpu.dma_semaphore, #tpu.memory_space<semaphore_mem>>)
      } else {
      }
      %mul3A_238 = arith.constant 8 : i32
      %mul3A_239 = arith.muli %while3A_161, %mul3A_238 : i32
      %add3A_240 = arith.constant 3 : i32
      %add3A_241 = arith.addi %mul3A_239, %add3A_240 : i32
      %dma_wait3A_242 = arith.constant 0 : i32
      %dma_wait3A_243 = tpu.memref_slice %arg7[%add3A_241, %dma_wait3A_242] : memref<104x128xi32, #tpu.memory_space<vmem>> -> memref<1x128xi32, #tpu.memory_space<vmem>>
      %dma_wait3A_244 = tpu.memref_squeeze %dma_wait3A_243 : memref<1x128xi32, #tpu.memory_space<vmem>> -> memref<128xi32, #tpu.memory_space<vmem>>
      %dma_wait3A_245 = arith.constant 0 : i32
      %dma_wait3A_246 = arith.constant 0 : i32
      %dma_wait3A_247 = tpu.memref_slice %arg4[%dma_wait3A_245, %dma_wait3A_246] : memref<10112x16xf32, #tpu.memory_space<hbm>> -> memref<10112x16xf32, #tpu.memory_space<hbm>>
      tpu.wait_indirect_dma semaphore(%arg21 : memref<!tpu.dma_semaphore, #tpu.memory_space<semaphore_mem>>) src(%dma_wait3A_247 : memref<10112x16xf32, #tpu.memory_space<hbm>>) dst(%arg12 : memref<128x16xf32, #tpu.memory_space<vmem>>)
      %dma_start3A_248 = arith.constant 0 : i32
      %dma_start3A_249 = tpu.memref_slice %arg8[%add3A_241, %dma_start3A_248] : memref<104x128xi32, #tpu.memory_space<vmem>> -> memref<1x128xi32, #tpu.memory_space<vmem>>
      %dma_start3A_250 = tpu.memref_squeeze %dma_start3A_249 : memref<1x128xi32, #tpu.memory_space<vmem>> -> memref<128xi32, #tpu.memory_space<vmem>>
      %dma_start3A_251 = arith.constant 0 : i32
      %dma_start3A_252 = arith.constant 0 : i32
      %dma_start3A_253 = tpu.memref_slice %arg17[%dma_start3A_251, %dma_start3A_252] : memref<10112x16xf32, #tpu.memory_space<vmem_shared>> -> memref<10112x16xf32, #tpu.memory_space<vmem_shared>>
      tpu.enqueue_indirect_dma source(%arg12 : memref<128x16xf32, #tpu.memory_space<vmem>>) target(%dma_start3A_253 : memref<10112x16xf32, #tpu.memory_space<vmem_shared>>) offsets(%dma_start3A_250 : memref<128xi32, #tpu.memory_space<vmem>>) semaphore(%arg29 : memref<!tpu.dma_semaphore, #tpu.memory_space<semaphore_mem>>) {add = true}
      %sub3A_254 = arith.constant 4 : i32
      %sub3A_255 = arith.subi %add3A_241, %sub3A_254 : i32
      %ge3A_256 = arith.constant 0 : i32
      %ge3A_257 = arith.cmpi sge, %sub3A_255, %ge3A_256 : i32
      %add3A_258 = arith.constant 8 : i32
      %add3A_259 = arith.addi %sub3A_255, %add3A_258 : i32
      %lt3A_260 = arith.cmpi slt, %add3A_259, %select_n3A_6 : i32
      %and3A_261 = arith.andi %ge3A_257, %lt3A_260 : i1
      %convert_element_type3A_262 = arith.extui %and3A_261 : i1 to i32
      %cond3A_263 = arith.constant 0 : i32
      %cond3A_264 = arith.cmpi ne, %convert_element_type3A_262, %cond3A_263 : i32
      scf.if %cond3A_264 {
        %dma_wait3A_373 = arith.constant 0 : i32
        %dma_wait3A_374 = tpu.memref_slice %arg8[%sub3A_255, %dma_wait3A_373] : memref<104x128xi32, #tpu.memory_space<vmem>> -> memref<1x128xi32, #tpu.memory_space<vmem>>
        %dma_wait3A_375 = tpu.memref_squeeze %dma_wait3A_374 : memref<1x128xi32, #tpu.memory_space<vmem>> -> memref<128xi32, #tpu.memory_space<vmem>>
        %dma_wait3A_376 = arith.constant 0 : i32
        %dma_wait3A_377 = arith.constant 0 : i32
        %dma_wait3A_378 = tpu.memref_slice %arg17[%dma_wait3A_376, %dma_wait3A_377] : memref<10112x16xf32, #tpu.memory_space<vmem_shared>> -> memref<10112x16xf32, #tpu.memory_space<vmem_shared>>
        tpu.wait_indirect_dma semaphore(%arg33 : memref<!tpu.dma_semaphore, #tpu.memory_space<semaphore_mem>>) src(%arg16 : memref<128x16xf32, #tpu.memory_space<vmem>>) dst(%dma_wait3A_378 : memref<10112x16xf32, #tpu.memory_space<vmem_shared>>)
        %add3A_379 = arith.constant 8 : i32
        %add3A_380 = arith.addi %sub3A_255, %add3A_379 : i32
        %dma_start3A_381 = arith.constant 0 : i32
        %dma_start3A_382 = tpu.memref_slice %arg7[%add3A_380, %dma_start3A_381] : memref<104x128xi32, #tpu.memory_space<vmem>> -> memref<1x128xi32, #tpu.memory_space<vmem>>
        %dma_start3A_383 = tpu.memref_squeeze %dma_start3A_382 : memref<1x128xi32, #tpu.memory_space<vmem>> -> memref<128xi32, #tpu.memory_space<vmem>>
        %dma_start3A_384 = arith.constant 0 : i32
        %dma_start3A_385 = arith.constant 0 : i32
        %dma_start3A_386 = tpu.memref_slice %arg4[%dma_start3A_384, %dma_start3A_385] : memref<10112x16xf32, #tpu.memory_space<hbm>> -> memref<10112x16xf32, #tpu.memory_space<hbm>>
        tpu.enqueue_indirect_dma source(%dma_start3A_386 : memref<10112x16xf32, #tpu.memory_space<hbm>>) target(%arg16 : memref<128x16xf32, #tpu.memory_space<vmem>>) offsets(%dma_start3A_383 : memref<128xi32, #tpu.memory_space<vmem>>) semaphore(%arg25 : memref<!tpu.dma_semaphore, #tpu.memory_space<semaphore_mem>>)
      } else {
      }
      %mul3A_265 = arith.constant 8 : i32
      %mul3A_266 = arith.muli %while3A_161, %mul3A_265 : i32
      %add3A_267 = arith.constant 4 : i32
      %add3A_268 = arith.addi %mul3A_266, %add3A_267 : i32
      %dma_wait3A_269 = arith.constant 0 : i32
      %dma_wait3A_270 = tpu.memref_slice %arg7[%add3A_268, %dma_wait3A_269] : memref<104x128xi32, #tpu.memory_space<vmem>> -> memref<1x128xi32, #tpu.memory_space<vmem>>
      %dma_wait3A_271 = tpu.memref_squeeze %dma_wait3A_270 : memref<1x128xi32, #tpu.memory_space<vmem>> -> memref<128xi32, #tpu.memory_space<vmem>>
      %dma_wait3A_272 = arith.constant 0 : i32
      %dma_wait3A_273 = arith.constant 0 : i32
      %dma_wait3A_274 = tpu.memref_slice %arg4[%dma_wait3A_272, %dma_wait3A_273] : memref<10112x16xf32, #tpu.memory_space<hbm>> -> memref<10112x16xf32, #tpu.memory_space<hbm>>
      tpu.wait_indirect_dma semaphore(%arg22 : memref<!tpu.dma_semaphore, #tpu.memory_space<semaphore_mem>>) src(%dma_wait3A_274 : memref<10112x16xf32, #tpu.memory_space<hbm>>) dst(%arg13 : memref<128x16xf32, #tpu.memory_space<vmem>>)
      %dma_start3A_275 = arith.constant 0 : i32
      %dma_start3A_276 = tpu.memref_slice %arg8[%add3A_268, %dma_start3A_275] : memref<104x128xi32, #tpu.memory_space<vmem>> -> memref<1x128xi32, #tpu.memory_space<vmem>>
      %dma_start3A_277 = tpu.memref_squeeze %dma_start3A_276 : memref<1x128xi32, #tpu.memory_space<vmem>> -> memref<128xi32, #tpu.memory_space<vmem>>
      %dma_start3A_278 = arith.constant 0 : i32
      %dma_start3A_279 = arith.constant 0 : i32
      %dma_start3A_280 = tpu.memref_slice %arg17[%dma_start3A_278, %dma_start3A_279] : memref<10112x16xf32, #tpu.memory_space<vmem_shared>> -> memref<10112x16xf32, #tpu.memory_space<vmem_shared>>
      tpu.enqueue_indirect_dma source(%arg13 : memref<128x16xf32, #tpu.memory_space<vmem>>) target(%dma_start3A_280 : memref<10112x16xf32, #tpu.memory_space<vmem_shared>>) offsets(%dma_start3A_277 : memref<128xi32, #tpu.memory_space<vmem>>) semaphore(%arg30 : memref<!tpu.dma_semaphore, #tpu.memory_space<semaphore_mem>>) {add = true}
      %sub3A_281 = arith.constant 4 : i32
      %sub3A_282 = arith.subi %add3A_268, %sub3A_281 : i32
      %ge3A_283 = arith.constant 0 : i32
      %ge3A_284 = arith.cmpi sge, %sub3A_282, %ge3A_283 : i32
      %add3A_285 = arith.constant 8 : i32
      %add3A_286 = arith.addi %sub3A_282, %add3A_285 : i32
      %lt3A_287 = arith.cmpi slt, %add3A_286, %select_n3A_6 : i32
      %and3A_288 = arith.andi %ge3A_284, %lt3A_287 : i1
      %convert_element_type3A_289 = arith.extui %and3A_288 : i1 to i32
      %cond3A_290 = arith.constant 0 : i32
      %cond3A_291 = arith.cmpi ne, %convert_element_type3A_289, %cond3A_290 : i32
      scf.if %cond3A_291 {
        %dma_wait3A_373 = arith.constant 0 : i32
        %dma_wait3A_374 = tpu.memref_slice %arg8[%sub3A_282, %dma_wait3A_373] : memref<104x128xi32, #tpu.memory_space<vmem>> -> memref<1x128xi32, #tpu.memory_space<vmem>>
        %dma_wait3A_375 = tpu.memref_squeeze %dma_wait3A_374 : memref<1x128xi32, #tpu.memory_space<vmem>> -> memref<128xi32, #tpu.memory_space<vmem>>
        %dma_wait3A_376 = arith.constant 0 : i32
        %dma_wait3A_377 = arith.constant 0 : i32
        %dma_wait3A_378 = tpu.memref_slice %arg17[%dma_wait3A_376, %dma_wait3A_377] : memref<10112x16xf32, #tpu.memory_space<vmem_shared>> -> memref<10112x16xf32, #tpu.memory_space<vmem_shared>>
        tpu.wait_indirect_dma semaphore(%arg26 : memref<!tpu.dma_semaphore, #tpu.memory_space<semaphore_mem>>) src(%arg9 : memref<128x16xf32, #tpu.memory_space<vmem>>) dst(%dma_wait3A_378 : memref<10112x16xf32, #tpu.memory_space<vmem_shared>>)
        %add3A_379 = arith.constant 8 : i32
        %add3A_380 = arith.addi %sub3A_282, %add3A_379 : i32
        %dma_start3A_381 = arith.constant 0 : i32
        %dma_start3A_382 = tpu.memref_slice %arg7[%add3A_380, %dma_start3A_381] : memref<104x128xi32, #tpu.memory_space<vmem>> -> memref<1x128xi32, #tpu.memory_space<vmem>>
        %dma_start3A_383 = tpu.memref_squeeze %dma_start3A_382 : memref<1x128xi32, #tpu.memory_space<vmem>> -> memref<128xi32, #tpu.memory_space<vmem>>
        %dma_start3A_384 = arith.constant 0 : i32
        %dma_start3A_385 = arith.constant 0 : i32
        %dma_start3A_386 = tpu.memref_slice %arg4[%dma_start3A_384, %dma_start3A_385] : memref<10112x16xf32, #tpu.memory_space<hbm>> -> memref<10112x16xf32, #tpu.memory_space<hbm>>
        tpu.enqueue_indirect_dma source(%dma_start3A_386 : memref<10112x16xf32, #tpu.memory_space<hbm>>) target(%arg9 : memref<128x16xf32, #tpu.memory_space<vmem>>) offsets(%dma_start3A_383 : memref<128xi32, #tpu.memory_space<vmem>>) semaphore(%arg18 : memref<!tpu.dma_semaphore, #tpu.memory_space<semaphore_mem>>)
      } else {
      }
      %mul3A_292 = arith.constant 8 : i32
      %mul3A_293 = arith.muli %while3A_161, %mul3A_292 : i32
      %add3A_294 = arith.constant 5 : i32
      %add3A_295 = arith.addi %mul3A_293, %add3A_294 : i32
      %dma_wait3A_296 = arith.constant 0 : i32
      %dma_wait3A_297 = tpu.memref_slice %arg7[%add3A_295, %dma_wait3A_296] : memref<104x128xi32, #tpu.memory_space<vmem>> -> memref<1x128xi32, #tpu.memory_space<vmem>>
      %dma_wait3A_298 = tpu.memref_squeeze %dma_wait3A_297 : memref<1x128xi32, #tpu.memory_space<vmem>> -> memref<128xi32, #tpu.memory_space<vmem>>
      %dma_wait3A_299 = arith.constant 0 : i32
      %dma_wait3A_300 = arith.constant 0 : i32
      %dma_wait3A_301 = tpu.memref_slice %arg4[%dma_wait3A_299, %dma_wait3A_300] : memref<10112x16xf32, #tpu.memory_space<hbm>> -> memref<10112x16xf32, #tpu.memory_space<hbm>>
      tpu.wait_indirect_dma semaphore(%arg23 : memref<!tpu.dma_semaphore, #tpu.memory_space<semaphore_mem>>) src(%dma_wait3A_301 : memref<10112x16xf32, #tpu.memory_space<hbm>>) dst(%arg14 : memref<128x16xf32, #tpu.memory_space<vmem>>)
      %dma_start3A_302 = arith.constant 0 : i32
      %dma_start3A_303 = tpu.memref_slice %arg8[%add3A_295, %dma_start3A_302] : memref<104x128xi32, #tpu.memory_space<vmem>> -> memref<1x128xi32, #tpu.memory_space<vmem>>
      %dma_start3A_304 = tpu.memref_squeeze %dma_start3A_303 : memref<1x128xi32, #tpu.memory_space<vmem>> -> memref<128xi32, #tpu.memory_space<vmem>>
      %dma_start3A_305 = arith.constant 0 : i32
      %dma_start3A_306 = arith.constant 0 : i32
      %dma_start3A_307 = tpu.memref_slice %arg17[%dma_start3A_305, %dma_start3A_306] : memref<10112x16xf32, #tpu.memory_space<vmem_shared>> -> memref<10112x16xf32, #tpu.memory_space<vmem_shared>>
      tpu.enqueue_indirect_dma source(%arg14 : memref<128x16xf32, #tpu.memory_space<vmem>>) target(%dma_start3A_307 : memref<10112x16xf32, #tpu.memory_space<vmem_shared>>) offsets(%dma_start3A_304 : memref<128xi32, #tpu.memory_space<vmem>>) semaphore(%arg31 : memref<!tpu.dma_semaphore, #tpu.memory_space<semaphore_mem>>) {add = true}
      %sub3A_308 = arith.constant 4 : i32
      %sub3A_309 = arith.subi %add3A_295, %sub3A_308 : i32
      %ge3A_310 = arith.constant 0 : i32
      %ge3A_311 = arith.cmpi sge, %sub3A_309, %ge3A_310 : i32
      %add3A_312 = arith.constant 8 : i32
      %add3A_313 = arith.addi %sub3A_309, %add3A_312 : i32
      %lt3A_314 = arith.cmpi slt, %add3A_313, %select_n3A_6 : i32
      %and3A_315 = arith.andi %ge3A_311, %lt3A_314 : i1
      %convert_element_type3A_316 = arith.extui %and3A_315 : i1 to i32
      %cond3A_317 = arith.constant 0 : i32
      %cond3A_318 = arith.cmpi ne, %convert_element_type3A_316, %cond3A_317 : i32
      scf.if %cond3A_318 {
        %dma_wait3A_373 = arith.constant 0 : i32
        %dma_wait3A_374 = tpu.memref_slice %arg8[%sub3A_309, %dma_wait3A_373] : memref<104x128xi32, #tpu.memory_space<vmem>> -> memref<1x128xi32, #tpu.memory_space<vmem>>
        %dma_wait3A_375 = tpu.memref_squeeze %dma_wait3A_374 : memref<1x128xi32, #tpu.memory_space<vmem>> -> memref<128xi32, #tpu.memory_space<vmem>>
        %dma_wait3A_376 = arith.constant 0 : i32
        %dma_wait3A_377 = arith.constant 0 : i32
        %dma_wait3A_378 = tpu.memref_slice %arg17[%dma_wait3A_376, %dma_wait3A_377] : memref<10112x16xf32, #tpu.memory_space<vmem_shared>> -> memref<10112x16xf32, #tpu.memory_space<vmem_shared>>
        tpu.wait_indirect_dma semaphore(%arg27 : memref<!tpu.dma_semaphore, #tpu.memory_space<semaphore_mem>>) src(%arg10 : memref<128x16xf32, #tpu.memory_space<vmem>>) dst(%dma_wait3A_378 : memref<10112x16xf32, #tpu.memory_space<vmem_shared>>)
        %add3A_379 = arith.constant 8 : i32
        %add3A_380 = arith.addi %sub3A_309, %add3A_379 : i32
        %dma_start3A_381 = arith.constant 0 : i32
        %dma_start3A_382 = tpu.memref_slice %arg7[%add3A_380, %dma_start3A_381] : memref<104x128xi32, #tpu.memory_space<vmem>> -> memref<1x128xi32, #tpu.memory_space<vmem>>
        %dma_start3A_383 = tpu.memref_squeeze %dma_start3A_382 : memref<1x128xi32, #tpu.memory_space<vmem>> -> memref<128xi32, #tpu.memory_space<vmem>>
        %dma_start3A_384 = arith.constant 0 : i32
        %dma_start3A_385 = arith.constant 0 : i32
        %dma_start3A_386 = tpu.memref_slice %arg4[%dma_start3A_384, %dma_start3A_385] : memref<10112x16xf32, #tpu.memory_space<hbm>> -> memref<10112x16xf32, #tpu.memory_space<hbm>>
        tpu.enqueue_indirect_dma source(%dma_start3A_386 : memref<10112x16xf32, #tpu.memory_space<hbm>>) target(%arg10 : memref<128x16xf32, #tpu.memory_space<vmem>>) offsets(%dma_start3A_383 : memref<128xi32, #tpu.memory_space<vmem>>) semaphore(%arg19 : memref<!tpu.dma_semaphore, #tpu.memory_space<semaphore_mem>>)
      } else {
      }
      %mul3A_319 = arith.constant 8 : i32
      %mul3A_320 = arith.muli %while3A_161, %mul3A_319 : i32
      %add3A_321 = arith.constant 6 : i32
      %add3A_322 = arith.addi %mul3A_320, %add3A_321 : i32
      %dma_wait3A_323 = arith.constant 0 : i32
      %dma_wait3A_324 = tpu.memref_slice %arg7[%add3A_322, %dma_wait3A_323] : memref<104x128xi32, #tpu.memory_space<vmem>> -> memref<1x128xi32, #tpu.memory_space<vmem>>
      %dma_wait3A_325 = tpu.memref_squeeze %dma_wait3A_324 : memref<1x128xi32, #tpu.memory_space<vmem>> -> memref<128xi32, #tpu.memory_space<vmem>>
      %dma_wait3A_326 = arith.constant 0 : i32
      %dma_wait3A_327 = arith.constant 0 : i32
      %dma_wait3A_328 = tpu.memref_slice %arg4[%dma_wait3A_326, %dma_wait3A_327] : memref<10112x16xf32, #tpu.memory_space<hbm>> -> memref<10112x16xf32, #tpu.memory_space<hbm>>
      tpu.wait_indirect_dma semaphore(%arg24 : memref<!tpu.dma_semaphore, #tpu.memory_space<semaphore_mem>>) src(%dma_wait3A_328 : memref<10112x16xf32, #tpu.memory_space<hbm>>) dst(%arg15 : memref<128x16xf32, #tpu.memory_space<vmem>>)
      %dma_start3A_329 = arith.constant 0 : i32
      %dma_start3A_330 = tpu.memref_slice %arg8[%add3A_322, %dma_start3A_329] : memref<104x128xi32, #tpu.memory_space<vmem>> -> memref<1x128xi32, #tpu.memory_space<vmem>>
      %dma_start3A_331 = tpu.memref_squeeze %dma_start3A_330 : memref<1x128xi32, #tpu.memory_space<vmem>> -> memref<128xi32, #tpu.memory_space<vmem>>
      %dma_start3A_332 = arith.constant 0 : i32
      %dma_start3A_333 = arith.constant 0 : i32
      %dma_start3A_334 = tpu.memref_slice %arg17[%dma_start3A_332, %dma_start3A_333] : memref<10112x16xf32, #tpu.memory_space<vmem_shared>> -> memref<10112x16xf32, #tpu.memory_space<vmem_shared>>
      tpu.enqueue_indirect_dma source(%arg15 : memref<128x16xf32, #tpu.memory_space<vmem>>) target(%dma_start3A_334 : memref<10112x16xf32, #tpu.memory_space<vmem_shared>>) offsets(%dma_start3A_331 : memref<128xi32, #tpu.memory_space<vmem>>) semaphore(%arg32 : memref<!tpu.dma_semaphore, #tpu.memory_space<semaphore_mem>>) {add = true}
      %sub3A_335 = arith.constant 4 : i32
      %sub3A_336 = arith.subi %add3A_322, %sub3A_335 : i32
      %ge3A_337 = arith.constant 0 : i32
      %ge3A_338 = arith.cmpi sge, %sub3A_336, %ge3A_337 : i32
      %add3A_339 = arith.constant 8 : i32
      %add3A_340 = arith.addi %sub3A_336, %add3A_339 : i32
      %lt3A_341 = arith.cmpi slt, %add3A_340, %select_n3A_6 : i32
      %and3A_342 = arith.andi %ge3A_338, %lt3A_341 : i1
      %convert_element_type3A_343 = arith.extui %and3A_342 : i1 to i32
      %cond3A_344 = arith.constant 0 : i32
      %cond3A_345 = arith.cmpi ne, %convert_element_type3A_343, %cond3A_344 : i32
      scf.if %cond3A_345 {
        %dma_wait3A_373 = arith.constant 0 : i32
        %dma_wait3A_374 = tpu.memref_slice %arg8[%sub3A_336, %dma_wait3A_373] : memref<104x128xi32, #tpu.memory_space<vmem>> -> memref<1x128xi32, #tpu.memory_space<vmem>>
        %dma_wait3A_375 = tpu.memref_squeeze %dma_wait3A_374 : memref<1x128xi32, #tpu.memory_space<vmem>> -> memref<128xi32, #tpu.memory_space<vmem>>
        %dma_wait3A_376 = arith.constant 0 : i32
        %dma_wait3A_377 = arith.constant 0 : i32
        %dma_wait3A_378 = tpu.memref_slice %arg17[%dma_wait3A_376, %dma_wait3A_377] : memref<10112x16xf32, #tpu.memory_space<vmem_shared>> -> memref<10112x16xf32, #tpu.memory_space<vmem_shared>>
        tpu.wait_indirect_dma semaphore(%arg28 : memref<!tpu.dma_semaphore, #tpu.memory_space<semaphore_mem>>) src(%arg11 : memref<128x16xf32, #tpu.memory_space<vmem>>) dst(%dma_wait3A_378 : memref<10112x16xf32, #tpu.memory_space<vmem_shared>>)
        %add3A_379 = arith.constant 8 : i32
        %add3A_380 = arith.addi %sub3A_336, %add3A_379 : i32
        %dma_start3A_381 = arith.constant 0 : i32
        %dma_start3A_382 = tpu.memref_slice %arg7[%add3A_380, %dma_start3A_381] : memref<104x128xi32, #tpu.memory_space<vmem>> -> memref<1x128xi32, #tpu.memory_space<vmem>>
        %dma_start3A_383 = tpu.memref_squeeze %dma_start3A_382 : memref<1x128xi32, #tpu.memory_space<vmem>> -> memref<128xi32, #tpu.memory_space<vmem>>
        %dma_start3A_384 = arith.constant 0 : i32
        %dma_start3A_385 = arith.constant 0 : i32
        %dma_start3A_386 = tpu.memref_slice %arg4[%dma_start3A_384, %dma_start3A_385] : memref<10112x16xf32, #tpu.memory_space<hbm>> -> memref<10112x16xf32, #tpu.memory_space<hbm>>
        tpu.enqueue_indirect_dma source(%dma_start3A_386 : memref<10112x16xf32, #tpu.memory_space<hbm>>) target(%arg11 : memref<128x16xf32, #tpu.memory_space<vmem>>) offsets(%dma_start3A_383 : memref<128xi32, #tpu.memory_space<vmem>>) semaphore(%arg20 : memref<!tpu.dma_semaphore, #tpu.memory_space<semaphore_mem>>)
      } else {
      }
      %mul3A_346 = arith.constant 8 : i32
      %mul3A_347 = arith.muli %while3A_161, %mul3A_346 : i32
      %add3A_348 = arith.constant 7 : i32
      %add3A_349 = arith.addi %mul3A_347, %add3A_348 : i32
      %dma_wait3A_350 = arith.constant 0 : i32
      %dma_wait3A_351 = tpu.memref_slice %arg7[%add3A_349, %dma_wait3A_350] : memref<104x128xi32, #tpu.memory_space<vmem>> -> memref<1x128xi32, #tpu.memory_space<vmem>>
      %dma_wait3A_352 = tpu.memref_squeeze %dma_wait3A_351 : memref<1x128xi32, #tpu.memory_space<vmem>> -> memref<128xi32, #tpu.memory_space<vmem>>
      %dma_wait3A_353 = arith.constant 0 : i32
      %dma_wait3A_354 = arith.constant 0 : i32
      %dma_wait3A_355 = tpu.memref_slice %arg4[%dma_wait3A_353, %dma_wait3A_354] : memref<10112x16xf32, #tpu.memory_space<hbm>> -> memref<10112x16xf32, #tpu.memory_space<hbm>>
      tpu.wait_indirect_dma semaphore(%arg25 : memref<!tpu.dma_semaphore, #tpu.memory_space<semaphore_mem>>) src(%dma_wait3A_355 : memref<10112x16xf32, #tpu.memory_space<hbm>>) dst(%arg16 : memref<128x16xf32, #tpu.memory_space<vmem>>)
      %dma_start3A_356 = arith.constant 0 : i32
      %dma_start3A_357 = tpu.memref_slice %arg8[%add3A_349, %dma_start3A_356] : memref<104x128xi32, #tpu.memory_space<vmem>> -> memref<1x128xi32, #tpu.memory_space<vmem>>
      %dma_start3A_358 = tpu.memref_squeeze %dma_start3A_357 : memref<1x128xi32, #tpu.memory_space<vmem>> -> memref<128xi32, #tpu.memory_space<vmem>>
      %dma_start3A_359 = arith.constant 0 : i32
      %dma_start3A_360 = arith.constant 0 : i32
      %dma_start3A_361 = tpu.memref_slice %arg17[%dma_start3A_359, %dma_start3A_360] : memref<10112x16xf32, #tpu.memory_space<vmem_shared>> -> memref<10112x16xf32, #tpu.memory_space<vmem_shared>>
      tpu.enqueue_indirect_dma source(%arg16 : memref<128x16xf32, #tpu.memory_space<vmem>>) target(%dma_start3A_361 : memref<10112x16xf32, #tpu.memory_space<vmem_shared>>) offsets(%dma_start3A_358 : memref<128xi32, #tpu.memory_space<vmem>>) semaphore(%arg33 : memref<!tpu.dma_semaphore, #tpu.memory_space<semaphore_mem>>) {add = true}
      %sub3A_362 = arith.constant 4 : i32
      %sub3A_363 = arith.subi %add3A_349, %sub3A_362 : i32
      %ge3A_364 = arith.constant 0 : i32
      %ge3A_365 = arith.cmpi sge, %sub3A_363, %ge3A_364 : i32
      %add3A_366 = arith.constant 8 : i32
      %add3A_367 = arith.addi %sub3A_363, %add3A_366 : i32
      %lt3A_368 = arith.cmpi slt, %add3A_367, %select_n3A_6 : i32
      %and3A_369 = arith.andi %ge3A_365, %lt3A_368 : i1
      %convert_element_type3A_370 = arith.extui %and3A_369 : i1 to i32
      %cond3A_371 = arith.constant 0 : i32
      %cond3A_372 = arith.cmpi ne, %convert_element_type3A_370, %cond3A_371 : i32
      scf.if %cond3A_372 {
        %dma_wait3A_373 = arith.constant 0 : i32
        %dma_wait3A_374 = tpu.memref_slice %arg8[%sub3A_363, %dma_wait3A_373] : memref<104x128xi32, #tpu.memory_space<vmem>> -> memref<1x128xi32, #tpu.memory_space<vmem>>
        %dma_wait3A_375 = tpu.memref_squeeze %dma_wait3A_374 : memref<1x128xi32, #tpu.memory_space<vmem>> -> memref<128xi32, #tpu.memory_space<vmem>>
        %dma_wait3A_376 = arith.constant 0 : i32
        %dma_wait3A_377 = arith.constant 0 : i32
        %dma_wait3A_378 = tpu.memref_slice %arg17[%dma_wait3A_376, %dma_wait3A_377] : memref<10112x16xf32, #tpu.memory_space<vmem_shared>> -> memref<10112x16xf32, #tpu.memory_space<vmem_shared>>
        tpu.wait_indirect_dma semaphore(%arg29 : memref<!tpu.dma_semaphore, #tpu.memory_space<semaphore_mem>>) src(%arg12 : memref<128x16xf32, #tpu.memory_space<vmem>>) dst(%dma_wait3A_378 : memref<10112x16xf32, #tpu.memory_space<vmem_shared>>)
        %add3A_379 = arith.constant 8 : i32
        %add3A_380 = arith.addi %sub3A_363, %add3A_379 : i32
        %dma_start3A_381 = arith.constant 0 : i32
        %dma_start3A_382 = tpu.memref_slice %arg7[%add3A_380, %dma_start3A_381] : memref<104x128xi32, #tpu.memory_space<vmem>> -> memref<1x128xi32, #tpu.memory_space<vmem>>
        %dma_start3A_383 = tpu.memref_squeeze %dma_start3A_382 : memref<1x128xi32, #tpu.memory_space<vmem>> -> memref<128xi32, #tpu.memory_space<vmem>>
        %dma_start3A_384 = arith.constant 0 : i32
        %dma_start3A_385 = arith.constant 0 : i32
        %dma_start3A_386 = tpu.memref_slice %arg4[%dma_start3A_384, %dma_start3A_385] : memref<10112x16xf32, #tpu.memory_space<hbm>> -> memref<10112x16xf32, #tpu.memory_space<hbm>>
        tpu.enqueue_indirect_dma source(%dma_start3A_386 : memref<10112x16xf32, #tpu.memory_space<hbm>>) target(%arg12 : memref<128x16xf32, #tpu.memory_space<vmem>>) offsets(%dma_start3A_383 : memref<128xi32, #tpu.memory_space<vmem>>) semaphore(%arg21 : memref<!tpu.dma_semaphore, #tpu.memory_space<semaphore_mem>>)
      } else {
      }
    }
    %sub3A = arith.constant 8 : i32
    %sub3A_78 = arith.subi %select_n3A_6, %sub3A : i32
    %add3A_79 = arith.constant 0 : i32
    %add3A_80 = arith.addi %sub3A_78, %add3A_79 : i32
    %dma_wait3A = arith.constant 0 : i32
    %dma_wait3A_81 = tpu.memref_slice %arg8[%add3A_80, %dma_wait3A] : memref<104x128xi32, #tpu.memory_space<vmem>> -> memref<1x128xi32, #tpu.memory_space<vmem>>
    %dma_wait3A_82 = tpu.memref_squeeze %dma_wait3A_81 : memref<1x128xi32, #tpu.memory_space<vmem>> -> memref<128xi32, #tpu.memory_space<vmem>>
    %dma_wait3A_83 = arith.constant 0 : i32
    %dma_wait3A_84 = arith.constant 0 : i32
    %dma_wait3A_85 = tpu.memref_slice %arg17[%dma_wait3A_83, %dma_wait3A_84] : memref<10112x16xf32, #tpu.memory_space<vmem_shared>> -> memref<10112x16xf32, #tpu.memory_space<vmem_shared>>
    tpu.wait_indirect_dma semaphore(%arg26 : memref<!tpu.dma_semaphore, #tpu.memory_space<semaphore_mem>>) src(%arg9 : memref<128x16xf32, #tpu.memory_space<vmem>>) dst(%dma_wait3A_85 : memref<10112x16xf32, #tpu.memory_space<vmem_shared>>)
    %sub3A_86 = arith.constant 8 : i32
    %sub3A_87 = arith.subi %select_n3A_6, %sub3A_86 : i32
    %add3A_88 = arith.constant 1 : i32
    %add3A_89 = arith.addi %sub3A_87, %add3A_88 : i32
    %dma_wait3A_90 = arith.constant 0 : i32
    %dma_wait3A_91 = tpu.memref_slice %arg8[%add3A_89, %dma_wait3A_90] : memref<104x128xi32, #tpu.memory_space<vmem>> -> memref<1x128xi32, #tpu.memory_space<vmem>>
    %dma_wait3A_92 = tpu.memref_squeeze %dma_wait3A_91 : memref<1x128xi32, #tpu.memory_space<vmem>> -> memref<128xi32, #tpu.memory_space<vmem>>
    %dma_wait3A_93 = arith.constant 0 : i32
    %dma_wait3A_94 = arith.constant 0 : i32
    %dma_wait3A_95 = tpu.memref_slice %arg17[%dma_wait3A_93, %dma_wait3A_94] : memref<10112x16xf32, #tpu.memory_space<vmem_shared>> -> memref<10112x16xf32, #tpu.memory_space<vmem_shared>>
    tpu.wait_indirect_dma semaphore(%arg27 : memref<!tpu.dma_semaphore, #tpu.memory_space<semaphore_mem>>) src(%arg10 : memref<128x16xf32, #tpu.memory_space<vmem>>) dst(%dma_wait3A_95 : memref<10112x16xf32, #tpu.memory_space<vmem_shared>>)
    %sub3A_96 = arith.constant 8 : i32
    %sub3A_97 = arith.subi %select_n3A_6, %sub3A_96 : i32
    %add3A_98 = arith.constant 2 : i32
    %add3A_99 = arith.addi %sub3A_97, %add3A_98 : i32
    %dma_wait3A_100 = arith.constant 0 : i32
    %dma_wait3A_101 = tpu.memref_slice %arg8[%add3A_99, %dma_wait3A_100] : memref<104x128xi32, #tpu.memory_space<vmem>> -> memref<1x128xi32, #tpu.memory_space<vmem>>
    %dma_wait3A_102 = tpu.memref_squeeze %dma_wait3A_101 : memref<1x128xi32, #tpu.memory_space<vmem>> -> memref<128xi32, #tpu.memory_space<vmem>>
    %dma_wait3A_103 = arith.constant 0 : i32
    %dma_wait3A_104 = arith.constant 0 : i32
    %dma_wait3A_105 = tpu.memref_slice %arg17[%dma_wait3A_103, %dma_wait3A_104] : memref<10112x16xf32, #tpu.memory_space<vmem_shared>> -> memref<10112x16xf32, #tpu.memory_space<vmem_shared>>
    tpu.wait_indirect_dma semaphore(%arg28 : memref<!tpu.dma_semaphore, #tpu.memory_space<semaphore_mem>>) src(%arg11 : memref<128x16xf32, #tpu.memory_space<vmem>>) dst(%dma_wait3A_105 : memref<10112x16xf32, #tpu.memory_space<vmem_shared>>)
    %sub3A_106 = arith.constant 8 : i32
    %sub3A_107 = arith.subi %select_n3A_6, %sub3A_106 : i32
    %add3A_108 = arith.constant 3 : i32
    %add3A_109 = arith.addi %sub3A_107, %add3A_108 : i32
    %dma_wait3A_110 = arith.constant 0 : i32
    %dma_wait3A_111 = tpu.memref_slice %arg8[%add3A_109, %dma_wait3A_110] : memref<104x128xi32, #tpu.memory_space<vmem>> -> memref<1x128xi32, #tpu.memory_space<vmem>>
    %dma_wait3A_112 = tpu.memref_squeeze %dma_wait3A_111 : memref<1x128xi32, #tpu.memory_space<vmem>> -> memref<128xi32, #tpu.memory_space<vmem>>
    %dma_wait3A_113 = arith.constant 0 : i32
    %dma_wait3A_114 = arith.constant 0 : i32
    %dma_wait3A_115 = tpu.memref_slice %arg17[%dma_wait3A_113, %dma_wait3A_114] : memref<10112x16xf32, #tpu.memory_space<vmem_shared>> -> memref<10112x16xf32, #tpu.memory_space<vmem_shared>>
    tpu.wait_indirect_dma semaphore(%arg29 : memref<!tpu.dma_semaphore, #tpu.memory_space<semaphore_mem>>) src(%arg12 : memref<128x16xf32, #tpu.memory_space<vmem>>) dst(%dma_wait3A_115 : memref<10112x16xf32, #tpu.memory_space<vmem_shared>>)
    %sub3A_116 = arith.constant 8 : i32
    %sub3A_117 = arith.subi %select_n3A_6, %sub3A_116 : i32
    %add3A_118 = arith.constant 4 : i32
    %add3A_119 = arith.addi %sub3A_117, %add3A_118 : i32
    %dma_wait3A_120 = arith.constant 0 : i32
    %dma_wait3A_121 = tpu.memref_slice %arg8[%add3A_119, %dma_wait3A_120] : memref<104x128xi32, #tpu.memory_space<vmem>> -> memref<1x128xi32, #tpu.memory_space<vmem>>
    %dma_wait3A_122 = tpu.memref_squeeze %dma_wait3A_121 : memref<1x128xi32, #tpu.memory_space<vmem>> -> memref<128xi32, #tpu.memory_space<vmem>>
    %dma_wait3A_123 = arith.constant 0 : i32
    %dma_wait3A_124 = arith.constant 0 : i32
    %dma_wait3A_125 = tpu.memref_slice %arg17[%dma_wait3A_123, %dma_wait3A_124] : memref<10112x16xf32, #tpu.memory_space<vmem_shared>> -> memref<10112x16xf32, #tpu.memory_space<vmem_shared>>
    tpu.wait_indirect_dma semaphore(%arg30 : memref<!tpu.dma_semaphore, #tpu.memory_space<semaphore_mem>>) src(%arg13 : memref<128x16xf32, #tpu.memory_space<vmem>>) dst(%dma_wait3A_125 : memref<10112x16xf32, #tpu.memory_space<vmem_shared>>)
    %sub3A_126 = arith.constant 8 : i32
    %sub3A_127 = arith.subi %select_n3A_6, %sub3A_126 : i32
    %add3A_128 = arith.constant 5 : i32
    %add3A_129 = arith.addi %sub3A_127, %add3A_128 : i32
    %dma_wait3A_130 = arith.constant 0 : i32
    %dma_wait3A_131 = tpu.memref_slice %arg8[%add3A_129, %dma_wait3A_130] : memref<104x128xi32, #tpu.memory_space<vmem>> -> memref<1x128xi32, #tpu.memory_space<vmem>>
    %dma_wait3A_132 = tpu.memref_squeeze %dma_wait3A_131 : memref<1x128xi32, #tpu.memory_space<vmem>> -> memref<128xi32, #tpu.memory_space<vmem>>
    %dma_wait3A_133 = arith.constant 0 : i32
    %dma_wait3A_134 = arith.constant 0 : i32
    %dma_wait3A_135 = tpu.memref_slice %arg17[%dma_wait3A_133, %dma_wait3A_134] : memref<10112x16xf32, #tpu.memory_space<vmem_shared>> -> memref<10112x16xf32, #tpu.memory_space<vmem_shared>>
    tpu.wait_indirect_dma semaphore(%arg31 : memref<!tpu.dma_semaphore, #tpu.memory_space<semaphore_mem>>) src(%arg14 : memref<128x16xf32, #tpu.memory_space<vmem>>) dst(%dma_wait3A_135 : memref<10112x16xf32, #tpu.memory_space<vmem_shared>>)
    %sub3A_136 = arith.constant 8 : i32
    %sub3A_137 = arith.subi %select_n3A_6, %sub3A_136 : i32
    %add3A_138 = arith.constant 6 : i32
    %add3A_139 = arith.addi %sub3A_137, %add3A_138 : i32
    %dma_wait3A_140 = arith.constant 0 : i32
    %dma_wait3A_141 = tpu.memref_slice %arg8[%add3A_139, %dma_wait3A_140] : memref<104x128xi32, #tpu.memory_space<vmem>> -> memref<1x128xi32, #tpu.memory_space<vmem>>
    %dma_wait3A_142 = tpu.memref_squeeze %dma_wait3A_141 : memref<1x128xi32, #tpu.memory_space<vmem>> -> memref<128xi32, #tpu.memory_space<vmem>>
    %dma_wait3A_143 = arith.constant 0 : i32
    %dma_wait3A_144 = arith.constant 0 : i32
    %dma_wait3A_145 = tpu.memref_slice %arg17[%dma_wait3A_143, %dma_wait3A_144] : memref<10112x16xf32, #tpu.memory_space<vmem_shared>> -> memref<10112x16xf32, #tpu.memory_space<vmem_shared>>
    tpu.wait_indirect_dma semaphore(%arg32 : memref<!tpu.dma_semaphore, #tpu.memory_space<semaphore_mem>>) src(%arg15 : memref<128x16xf32, #tpu.memory_space<vmem>>) dst(%dma_wait3A_145 : memref<10112x16xf32, #tpu.memory_space<vmem_shared>>)
    %sub3A_146 = arith.constant 8 : i32
    %sub3A_147 = arith.subi %select_n3A_6, %sub3A_146 : i32
    %add3A_148 = arith.constant 7 : i32
    %add3A_149 = arith.addi %sub3A_147, %add3A_148 : i32
    %dma_wait3A_150 = arith.constant 0 : i32
    %dma_wait3A_151 = tpu.memref_slice %arg8[%add3A_149, %dma_wait3A_150] : memref<104x128xi32, #tpu.memory_space<vmem>> -> memref<1x128xi32, #tpu.memory_space<vmem>>
    %dma_wait3A_152 = tpu.memref_squeeze %dma_wait3A_151 : memref<1x128xi32, #tpu.memory_space<vmem>> -> memref<128xi32, #tpu.memory_space<vmem>>
    %dma_wait3A_153 = arith.constant 0 : i32
    %dma_wait3A_154 = arith.constant 0 : i32
    %dma_wait3A_155 = tpu.memref_slice %arg17[%dma_wait3A_153, %dma_wait3A_154] : memref<10112x16xf32, #tpu.memory_space<vmem_shared>> -> memref<10112x16xf32, #tpu.memory_space<vmem_shared>>
    tpu.wait_indirect_dma semaphore(%arg33 : memref<!tpu.dma_semaphore, #tpu.memory_space<semaphore_mem>>) src(%arg16 : memref<128x16xf32, #tpu.memory_space<vmem>>) dst(%dma_wait3A_155 : memref<10112x16xf32, #tpu.memory_space<vmem_shared>>)
    %barrier3A_156 = arith.constant 0 : index
    tpu.barrier barrier_id(%barrier3A_156)
    %mul3A_157 = arith.constant 632 : i32
    %mul3A_158 = arith.muli %arg1, %mul3A_157 : i32
    %mul3A_159 = arith.constant 632 : i32
    %mul3A_160 = arith.muli %arg1, %mul3A_159 : i32
    "tpu.region"() ({
      %run_scoped3A = tpu.sem_alloc : memref<!tpu.dma_semaphore, #tpu.memory_space<semaphore_mem>>
      %dma_start3A_161 = arith.constant 0 : i32
      %dma_start3A_162 = tpu.memref_slice %arg6[%arg0, %mul3A_160, %dma_start3A_161] : memref<2x10112x16xf32, #tpu.memory_space<hbm>> -> memref<1x632x16xf32, #tpu.memory_space<hbm>>
      %dma_start3A_163 = tpu.memref_squeeze %dma_start3A_162 : memref<1x632x16xf32, #tpu.memory_space<hbm>> -> memref<632x16xf32, #tpu.memory_space<hbm>>
      %dma_start3A_164 = arith.constant 0 : i32
      %dma_start3A_165 = tpu.memref_slice %arg17[%mul3A_158, %dma_start3A_164] : memref<10112x16xf32, #tpu.memory_space<vmem_shared>> -> memref<632x16xf32, #tpu.memory_space<vmem_shared>>
      tpu.enqueue_dma source(%dma_start3A_165 : memref<632x16xf32, #tpu.memory_space<vmem_shared>>) target(%dma_start3A_163 : memref<632x16xf32, #tpu.memory_space<hbm>>) target_semaphore(%run_scoped3A : memref<!tpu.dma_semaphore, #tpu.memory_space<semaphore_mem>>)
      %dma_wait3A_166 = arith.constant 0 : i32
      %dma_wait3A_167 = tpu.memref_slice %arg6[%arg0, %mul3A_160, %dma_wait3A_166] : memref<2x10112x16xf32, #tpu.memory_space<hbm>> -> memref<1x632x16xf32, #tpu.memory_space<hbm>>
      %dma_wait3A_168 = tpu.memref_squeeze %dma_wait3A_167 : memref<1x632x16xf32, #tpu.memory_space<hbm>> -> memref<632x16xf32, #tpu.memory_space<hbm>>
      %dma_wait3A_169 = arith.constant 0 : i32
      %dma_wait3A_170 = tpu.memref_slice %arg17[%mul3A_158, %dma_wait3A_169] : memref<10112x16xf32, #tpu.memory_space<vmem_shared>> -> memref<632x16xf32, #tpu.memory_space<vmem_shared>>
      tpu.wait_dma2 semaphore(%run_scoped3A : memref<!tpu.dma_semaphore, #tpu.memory_space<semaphore_mem>>) src(%dma_wait3A_170 : memref<632x16xf32, #tpu.memory_space<vmem_shared>>) dst(%dma_wait3A_168 : memref<632x16xf32, #tpu.memory_space<hbm>>)
      tpu.yield
    }) : () -> ()
    return
  }
}

module attributes {stable_mosaic.version = 14 : i64} {
  func.func @_tc_xw1_body(%arg0: memref<10000x128xf32, #tpu.memory_space<vmem>>, %arg1: memref<128x16xf32, #tpu.memory_space<vmem>>, %arg2: memref<10112x16xf32, #tpu.memory_space<vmem>>) attributes {dimension_semantics = [], scalar_prefetch = 0 : i64, scratch_operands = 0 : i64, tpu.core_type = #tpu.core_type<tc>} {
    %get3A = arith.constant 0 : index
    %get3A_0 = arith.constant 0 : index
    %get3A_1 = vector.load %arg0[%get3A, %get3A_0] : memref<10000x128xf32, #tpu.memory_space<vmem>>, vector<10000x128xf32>
    %get3A_2 = arith.constant 0 : index
    %get3A_3 = arith.constant 0 : index
    %get3A_4 = vector.load %arg1[%get3A_2, %get3A_3] : memref<128x16xf32, #tpu.memory_space<vmem>>, vector<128x16xf32>
    %dot_general3A = arith.constant dense<0.000000e+00> : vector<10000x16xf32>
    %dot_general3A_5 = tpu.matmul %get3A_1, %get3A_4, %dot_general3A {dimension_numbers = #tpu.dot_dimension_numbers<[1], [0], [0], [1], [0, 0, 1, 1], [], []>, transpose_lhs_hint = false} : vector<10000x128xf32>, vector<128x16xf32>, vector<10000x16xf32> -> vector<10000x16xf32>
    %broadcast_in_dim3A = arith.constant 0.000000e+00 : f32
    %broadcast_in_dim3A_6 = vector.broadcast %broadcast_in_dim3A : f32 to vector<112x16xf32>
    %concatenate3A = tpu.concatenate %dot_general3A_5, %broadcast_in_dim3A_6 in 0 : vector<10000x16xf32>, vector<112x16xf32> -> vector<10112x16xf32>
    %swap3A = arith.constant 0 : index
    %swap3A_7 = arith.constant 0 : index
    %swap3A_8 = vector.load %arg2[%swap3A, %swap3A_7] : memref<10112x16xf32, #tpu.memory_space<vmem>>, vector<10112x16xf32>
    tpu.vector_store %arg2[%swap3A, %swap3A_7], %concatenate3A {strides = array<i32>} : memref<10112x16xf32, #tpu.memory_space<vmem>>, vector<10112x16xf32>,
    return
  }
}

module attributes {stable_mosaic.version = 14 : i64} {
  func.func @_tc_scale_body(%arg0: memref<10112x16xf32, #tpu.memory_space<vmem>>, %arg1: memref<2x10112x16xf32, #tpu.memory_space<vmem>>, %arg2: memref<10112x16xf32, #tpu.memory_space<vmem>>, %arg3: memref<10112x16xf32, #tpu.memory_space<vmem>>) attributes {dimension_semantics = [], scalar_prefetch = 0 : i64, scratch_operands = 0 : i64, tpu.core_type = #tpu.core_type<tc>} {
    %get3A = arith.constant 0 : index
    %get3A_0 = arith.constant 0 : index
    %get3A_1 = arith.constant 0 : index
    %get3A_2 = vector.load %arg1[%get3A, %get3A_0, %get3A_1] : memref<2x10112x16xf32, #tpu.memory_space<vmem>>, vector<1x10112x1xf32>
    %get3A_3 = vector.shape_cast %get3A_2 : vector<1x10112x1xf32> to vector<10112x1xf32>
    %get3A_4 = arith.constant 1 : index
    %get3A_5 = arith.constant 0 : index
    %get3A_6 = arith.constant 0 : index
    %get3A_7 = vector.load %arg1[%get3A_4, %get3A_5, %get3A_6] : memref<2x10112x16xf32, #tpu.memory_space<vmem>>, vector<1x10112x1xf32>
    %get3A_8 = vector.shape_cast %get3A_7 : vector<1x10112x1xf32> to vector<10112x1xf32>
    %add3A = arith.addf %get3A_3, %get3A_8 : vector<10112x1xf32>
    %add3A_9 = arith.constant 1.000000e+00 : f32
    %add3A_10 = vector.broadcast %add3A_9 : f32 to vector<10112x1xf32>
    %add3A_11 = arith.addf %add3A, %add3A_10 : vector<10112x1xf32>
    %rsqrt3A = math.rsqrt %add3A_11 : vector<10112x1xf32>
    %broadcast_in_dim3A = vector.shape_cast %rsqrt3A : vector<10112x1xf32> to vector<10112x1xf32>
    %broadcast_in_dim3A_12 = vector.broadcast %broadcast_in_dim3A : vector<10112x1xf32> to vector<10112x16xf32>
    %get3A_13 = arith.constant 0 : index
    %get3A_14 = arith.constant 0 : index
    %get3A_15 = vector.load %arg0[%get3A_13, %get3A_14] : memref<10112x16xf32, #tpu.memory_space<vmem>>, vector<10112x16xf32>
    %mul3A = arith.mulf %get3A_15, %broadcast_in_dim3A_12 : vector<10112x16xf32>
    %swap3A = arith.constant 0 : index
    %swap3A_16 = arith.constant 0 : index
    %swap3A_17 = vector.load %arg2[%swap3A, %swap3A_16] : memref<10112x16xf32, #tpu.memory_space<vmem>>, vector<10112x16xf32>
    tpu.vector_store %arg2[%swap3A, %swap3A_16], %mul3A {strides = array<i32>} : memref<10112x16xf32, #tpu.memory_space<vmem>>, vector<10112x16xf32>,
    %swap3A_18 = arith.constant 0 : index
    %swap3A_19 = arith.constant 0 : index
    %swap3A_20 = vector.load %arg3[%swap3A_18, %swap3A_19] : memref<10112x16xf32, #tpu.memory_space<vmem>>, vector<10112x16xf32>
    tpu.vector_store %arg3[%swap3A_18, %swap3A_19], %broadcast_in_dim3A_12 {strides = array<i32>} : memref<10112x16xf32, #tpu.memory_space<vmem>>, vector<10112x16xf32>,
    return
  }
}

module attributes {stable_mosaic.version = 14 : i64} {
  func.func @_tc_mid_body(%arg0: memref<2x10112x16xf32, #tpu.memory_space<vmem>>, %arg1: memref<10112x16xf32, #tpu.memory_space<vmem>>, %arg2: memref<10112x16xf32, #tpu.memory_space<vmem>>, %arg3: memref<16x16xf32, #tpu.memory_space<vmem>>, %arg4: memref<1x16xf32, #tpu.memory_space<vmem>>, %arg5: memref<10112x16xf32, #tpu.memory_space<vmem>>) attributes {dimension_semantics = [], scalar_prefetch = 0 : i64, scratch_operands = 0 : i64, tpu.core_type = #tpu.core_type<tc>} {
    %get3A = arith.constant 0 : index
    %get3A_0 = arith.constant 0 : index
    %get3A_1 = vector.load %arg2[%get3A, %get3A_0] : memref<10112x16xf32, #tpu.memory_space<vmem>>, vector<10112x16xf32>
    %get3A_2 = arith.constant 0 : index
    %get3A_3 = arith.constant 0 : index
    %get3A_4 = arith.constant 0 : index
    %get3A_5 = vector.load %arg0[%get3A_2, %get3A_3, %get3A_4] : memref<2x10112x16xf32, #tpu.memory_space<vmem>>, vector<1x10112x16xf32>
    %get3A_6 = vector.shape_cast %get3A_5 : vector<1x10112x16xf32> to vector<10112x16xf32>
    %get3A_7 = arith.constant 1 : index
    %get3A_8 = arith.constant 0 : index
    %get3A_9 = arith.constant 0 : index
    %get3A_10 = vector.load %arg0[%get3A_7, %get3A_8, %get3A_9] : memref<2x10112x16xf32, #tpu.memory_space<vmem>>, vector<1x10112x16xf32>
    %get3A_11 = vector.shape_cast %get3A_10 : vector<1x10112x16xf32> to vector<10112x16xf32>
    %add3A = arith.addf %get3A_6, %get3A_11 : vector<10112x16xf32>
    %get3A_12 = arith.constant 0 : index
    %get3A_13 = arith.constant 0 : index
    %get3A_14 = vector.load %arg1[%get3A_12, %get3A_13] : memref<10112x16xf32, #tpu.memory_space<vmem>>, vector<10112x16xf32>
    %add3A_15 = arith.addf %add3A, %get3A_14 : vector<10112x16xf32>
    %mul3A = arith.mulf %get3A_1, %add3A_15 : vector<10112x16xf32>
    %get3A_16 = arith.constant 0 : index
    %get3A_17 = arith.constant 0 : index
    %get3A_18 = vector.load %arg4[%get3A_16, %get3A_17] : memref<1x16xf32, #tpu.memory_space<vmem>>, vector<1x16xf32>
    %add3A_19 = vector.broadcast %get3A_18 : vector<1x16xf32> to vector<10112x16xf32>
    %add3A_20 = arith.addf %mul3A, %add3A_19 : vector<10112x16xf32>
    %max3A = arith.constant 0.000000e+00 : f32
    %max3A_21 = vector.broadcast %max3A : f32 to vector<10112x16xf32>
    %max3A_22 = arith.maximumf %add3A_20, %max3A_21 : vector<10112x16xf32>
    %iota3A = tpu.iota {dimensions = array<i32: 0>} : vector<10112x16xi32>
    %lt3A = arith.constant 10000 : i32
    %lt3A_23 = vector.broadcast %lt3A : i32 to vector<10112x16xi32>
    %lt3A_24 = arith.cmpi slt, %iota3A, %lt3A_23 : vector<10112x16xi32>
    %jit3A = arith.constant 0.000000e+00 : f32
    %broadcast_in_dim3A = vector.broadcast %jit3A : f32 to vector<10112x16xf32>
    %select_n3A = arith.select %lt3A_24, %max3A_22, %broadcast_in_dim3A : vector<10112x16xi1>, vector<10112x16xf32>
    %get3A_25 = arith.constant 0 : index
    %get3A_26 = arith.constant 0 : index
    %get3A_27 = vector.load %arg3[%get3A_25, %get3A_26] : memref<16x16xf32, #tpu.memory_space<vmem>>, vector<16x16xf32>
    %dot_general3A = arith.constant dense<0.000000e+00> : vector<10112x16xf32>
    %dot_general3A_28 = tpu.matmul %select_n3A, %get3A_27, %dot_general3A {dimension_numbers = #tpu.dot_dimension_numbers<[1], [0], [0], [1], [0, 0, 1, 1], [], []>, transpose_lhs_hint = false} : vector<10112x16xf32>, vector<16x16xf32>, vector<10112x16xf32> -> vector<10112x16xf32>
    %mul3A_29 = arith.mulf %dot_general3A_28, %get3A_1 : vector<10112x16xf32>
    %swap3A = arith.constant 0 : index
    %swap3A_30 = arith.constant 0 : index
    %swap3A_31 = vector.load %arg5[%swap3A, %swap3A_30] : memref<10112x16xf32, #tpu.memory_space<vmem>>, vector<10112x16xf32>
    tpu.vector_store %arg5[%swap3A, %swap3A_30], %mul3A_29 {strides = array<i32>} : memref<10112x16xf32, #tpu.memory_space<vmem>>, vector<10112x16xf32>,
    return
  }
}

module attributes {stable_mosaic.version = 14 : i64} {
  func.func @_tc_head_body(%arg0: memref<2x10112x16xf32, #tpu.memory_space<vmem>>, %arg1: memref<10112x16xf32, #tpu.memory_space<vmem>>, %arg2: memref<10112x16xf32, #tpu.memory_space<vmem>>, %arg3: memref<1x16xf32, #tpu.memory_space<vmem>>, %arg4: memref<16x16xf32, #tpu.memory_space<vmem>>, %arg5: memref<1x16xf32, #tpu.memory_space<vmem>>, %arg6: memref<16x16xf32, #tpu.memory_space<vmem>>, %arg7: memref<1x1xf32, #tpu.memory_space<vmem>>, %arg8: memref<1x1xf32, #tpu.memory_space<vmem>>) attributes {dimension_semantics = [], scalar_prefetch = 0 : i64, scratch_operands = 0 : i64, tpu.core_type = #tpu.core_type<tc>} {
    %get3A = arith.constant 0 : index
    %get3A_0 = arith.constant 0 : index
    %get3A_1 = vector.load %arg2[%get3A, %get3A_0] : memref<10112x16xf32, #tpu.memory_space<vmem>>, vector<10112x16xf32>
    %get3A_2 = arith.constant 0 : index
    %get3A_3 = arith.constant 0 : index
    %get3A_4 = arith.constant 0 : index
    %get3A_5 = vector.load %arg0[%get3A_2, %get3A_3, %get3A_4] : memref<2x10112x16xf32, #tpu.memory_space<vmem>>, vector<1x10112x16xf32>
    %get3A_6 = vector.shape_cast %get3A_5 : vector<1x10112x16xf32> to vector<10112x16xf32>
    %get3A_7 = arith.constant 1 : index
    %get3A_8 = arith.constant 0 : index
    %get3A_9 = arith.constant 0 : index
    %get3A_10 = vector.load %arg0[%get3A_7, %get3A_8, %get3A_9] : memref<2x10112x16xf32, #tpu.memory_space<vmem>>, vector<1x10112x16xf32>
    %get3A_11 = vector.shape_cast %get3A_10 : vector<1x10112x16xf32> to vector<10112x16xf32>
    %add3A = arith.addf %get3A_6, %get3A_11 : vector<10112x16xf32>
    %get3A_12 = arith.constant 0 : index
    %get3A_13 = arith.constant 0 : index
    %get3A_14 = vector.load %arg1[%get3A_12, %get3A_13] : memref<10112x16xf32, #tpu.memory_space<vmem>>, vector<10112x16xf32>
    %add3A_15 = arith.addf %add3A, %get3A_14 : vector<10112x16xf32>
    %mul3A = arith.mulf %get3A_1, %add3A_15 : vector<10112x16xf32>
    %get3A_16 = arith.constant 0 : index
    %get3A_17 = arith.constant 0 : index
    %get3A_18 = vector.load %arg3[%get3A_16, %get3A_17] : memref<1x16xf32, #tpu.memory_space<vmem>>, vector<1x16xf32>
    %add3A_19 = vector.broadcast %get3A_18 : vector<1x16xf32> to vector<10112x16xf32>
    %add3A_20 = arith.addf %mul3A, %add3A_19 : vector<10112x16xf32>
    %max3A = arith.constant 0.000000e+00 : f32
    %max3A_21 = vector.broadcast %max3A : f32 to vector<10112x16xf32>
    %max3A_22 = arith.maximumf %add3A_20, %max3A_21 : vector<10112x16xf32>
    %iota3A = tpu.iota {dimensions = array<i32: 0>} : vector<10112x16xi32>
    %lt3A = arith.constant 10000 : i32
    %lt3A_23 = vector.broadcast %lt3A : i32 to vector<10112x16xi32>
    %lt3A_24 = arith.cmpi slt, %iota3A, %lt3A_23 : vector<10112x16xi32>
    %jit3A = arith.constant 0.000000e+00 : f32
    %broadcast_in_dim3A = vector.broadcast %jit3A : f32 to vector<10112x16xf32>
    %select_n3A = arith.select %lt3A_24, %max3A_22, %broadcast_in_dim3A : vector<10112x16xi1>, vector<10112x16xf32>
    %get3A_25 = arith.constant 0 : index
    %get3A_26 = arith.constant 0 : index
    %get3A_27 = vector.load %arg4[%get3A_25, %get3A_26] : memref<16x16xf32, #tpu.memory_space<vmem>>, vector<16x16xf32>
    %dot_general3A = arith.constant dense<0.000000e+00> : vector<10112x16xf32>
    %dot_general3A_28 = tpu.matmul %select_n3A, %get3A_27, %dot_general3A {dimension_numbers = #tpu.dot_dimension_numbers<[1], [0], [0], [1], [0, 0, 1, 1], [], []>, transpose_lhs_hint = false} : vector<10112x16xf32>, vector<16x16xf32>, vector<10112x16xf32> -> vector<10112x16xf32>
    %get3A_29 = arith.constant 0 : index
    %get3A_30 = arith.constant 0 : index
    %get3A_31 = vector.load %arg5[%get3A_29, %get3A_30] : memref<1x16xf32, #tpu.memory_space<vmem>>, vector<1x16xf32>
    %add3A_32 = vector.broadcast %get3A_31 : vector<1x16xf32> to vector<10112x16xf32>
    %add3A_33 = arith.addf %dot_general3A_28, %add3A_32 : vector<10112x16xf32>
    %max3A_34 = arith.constant 0.000000e+00 : f32
    %max3A_35 = vector.broadcast %max3A_34 : f32 to vector<10112x16xf32>
    %max3A_36 = arith.maximumf %add3A_33, %max3A_35 : vector<10112x16xf32>
    %lt3A_37 = arith.constant 10000 : i32
    %lt3A_38 = vector.broadcast %lt3A_37 : i32 to vector<10112x16xi32>
    %lt3A_39 = arith.cmpi slt, %iota3A, %lt3A_38 : vector<10112x16xi32>
    %jit3A_40 = arith.constant 0.000000e+00 : f32
    %broadcast_in_dim3A_41 = vector.broadcast %jit3A_40 : f32 to vector<10112x16xf32>
    %select_n3A_42 = arith.select %lt3A_39, %max3A_36, %broadcast_in_dim3A_41 : vector<10112x16xi1>, vector<10112x16xf32>
    %get3A_43 = arith.constant 0 : index
    %get3A_44 = arith.constant 0 : index
    %get3A_45 = vector.load %arg6[%get3A_43, %get3A_44] : memref<16x16xf32, #tpu.memory_space<vmem>>, vector<16x16xf32>
    %dot_general3A_46 = arith.constant dense<0.000000e+00> : vector<10112x16xf32>
    %dot_general3A_47 = tpu.matmul %select_n3A_42, %get3A_45, %dot_general3A_46 {dimension_numbers = #tpu.dot_dimension_numbers<[1], [0], [0], [1], [0, 0, 1, 1], [], []>, transpose_lhs_hint = false} : vector<10112x16xf32>, vector<16x16xf32>, vector<10112x16xf32> -> vector<10112x16xf32>
    %slice3A = vector.extract_strided_slice %dot_general3A_47 {offsets = [0, 0], sizes = [10112, 1], strides = [1, 1]} : vector<10112x16xf32> to vector<10112x1xf32>
    %reduce_sum3A = vector.shape_cast %slice3A : vector<10112x1xf32> to vector<1x10112x1xf32>
    %reduce_sum3A_48 = arith.constant dense<0.000000e+00> : vector<1xf32>
    %reduce_sum3A_49 = vector.multi_reduction <add>, %reduce_sum3A, %reduce_sum3A_48 [1, 2] : vector<1x10112x1xf32> to vector<1xf32>
    %reduce_sum3A_50 = vector.shape_cast %reduce_sum3A_49 : vector<1xf32> to vector<1x1x1xf32>
    %reduce_sum3A_51 = vector.extract %reduce_sum3A_50[0, 0, 0] : f32 from vector<1x1x1xf32>
    %mul3A_52 = arith.constant 9.99999974E-5 : f32
    %mul3A_53 = arith.mulf %reduce_sum3A_51, %mul3A_52 : f32
    %get3A_54 = arith.constant 0 : index
    %get3A_55 = arith.constant 0 : index
    %get3A_56 = vector.load %arg7[%get3A_54, %get3A_55] : memref<1x1xf32, #tpu.memory_space<vmem>>, vector<1x1xf32>
    %get3A_57 = vector.extract %get3A_56[0, 0] : f32 from vector<1x1xf32>
    %add3A_58 = arith.addf %mul3A_53, %get3A_57 : f32
    %broadcast_in_dim3A_59 = vector.broadcast %add3A_58 : f32 to vector<1x1xf32>
    %swap3A = arith.constant 0 : index
    %swap3A_60 = arith.constant 0 : index
    %swap3A_61 = vector.load %arg8[%swap3A, %swap3A_60] : memref<1x1xf32, #tpu.memory_space<vmem>>, vector<1x1xf32>
    tpu.vector_store %arg8[%swap3A, %swap3A_60], %broadcast_in_dim3A_59 {strides = array<i32>} : memref<1x1xf32, #tpu.memory_space<vmem>>, vector<1x1xf32>,
    return
  }
}

</mosaic_0001>

<sc_bundles>
// kernel: kernel.12.cloned.1.call-start
scs
__scs_entry_jumppad:
0x0: {  	(pc) =	sbr.rel $0x88, $3  }
0x1: {  	(tag) =	ssettag $0x0;
	lr =	simm.s32 $0x1  }
0x2: {  	[smem:$0x3F97] =	sst lr;
	_ =	strace $0xD0000000  }
0x3: {  	_ = 	snop  }
0x4: {  	_ = 	snop  }
0x5: {  	_ = 	snop  }
0x6: {  	_ = 	snop  }
0x7: {  	_ = 	snop  }
__scs_overlays_trampoline_lowered:
0x8: {  	[smem:$0x3FA6] =	sst s0  }
0x9: {  	[smem:$0x3FA7] =	sst s1  }
0xa: {  	[smem:$0x3FA8] =	sst s2  }
0xb: {  	[smem:$0x3FA9] =	sst s3  }
0xc: {  	[smem:$0x3FAA] =	sst s4  }
0xd: {  	[smem:$0x3FAB] =	sst s5  }
0xe: {  	[smem:$0x3FAC] =	sst s6  }
0xf: {  	[smem:$0x3FAD] =	sst s7  }
0x10: {  	[smem:$0x3FAE] =	sst s8  }
0x11: {  	[smem:$0x3FAF] =	sst s9;
	s0 =	simm.s32 @!p0 $0x0  }
0x12: {  	s1 =	sld [smem:$0x3F95];
	s0 =	simm.s32 @p0 $0x1  }
0x13: {  	[smem:$0x3FB0] =	sst s0;
	s0 =	simm.s32 @!p1 $0x0  }
0x14: {  	s2 =	sld [smem:$0x3F94];
	s0 =	simm.s32 @p1 $0x1  }
0x15: {  	[smem:$0x3FB1] =	sst s0;
	s0 =	simm.s32 @!p2 $0x0  }
0x16: {  	s3 =	sld [smem:$0x3FDB];
	s0 =	simm.s32 @p2 $0x1  }
0x17: {  	s4 =	simm.s32 $0x1BF5;
	[smem:$0x3FB3] =	sst s0  }
0x18: {  	s0 =	sld [smem:$0x3F96];
	_ =	swait.ge [sflag:s4], $0x0  }
0x19: {  	s7 =	sld [smem:$0x3F97]  }
0x1a: {  	s8 =	sadd.s32 $0xFFFFE003, lr  }
0x1b: {  	s9 =	sadd.s32 $0xFFFFFEF7, lr;
	s5 =	simm.s32 $0xFFFFFFFF;
	p2 =	slt.u32 s8, $0xFFFFF086  }
0x1c: {  	p1 =	slt.u32 s9, $0xF7A;
	s5 =	simm.s32 @!p2 $0x0  }
0x1d: {  	s5 =	simm.s32 @p1 $0x1;
	p0 =	seq.s32 s7, s2  }
0x1e: {  	s7 =	smul.u32 @!p0 $0xF7A, s2;
	p2 =	seq.s32 @!p0 s5, $0x0  }
0x1f: {  	s9 =	smul.u32 $0xF7A, s1;
	s8 =	simm.s32 @!p0 $0x1BF5;
	p2 =	por !p2, p0  }
0x20: {  	[sflag:s8] =	ssyncset.s32 @!p0 $0xFFFFF086;
	s6 =	sadd.s32 @!p0 s3, s7;
	s7 =	simm.s32 @!p0 $0x108  }
0x21: {  	s3 =	sadd.s32 s3, s9;
	s6 =	sadd.s32 @!p0 $0x88, s6;
	s7 =	simm.s32 @p2 $0x1082  }
0x22: {  	[simem:s7], [sflag:s8] =	dma.local @!p0 [hbm:s6], $0xF7A  }
0x23: {  	s9 =	sor.u32 $0xD0000000, s2;
	s6 =	simm.s32 $0x108;
	_ =	swait.ge @!p0 [sflag:s8], $0x0  }
0x24: {  	s3 =	sadd.s32 $0x88, s3;
	s6 =	simm.s32 @!p1 $0x1082;
	[sflag:s4] =	ssyncset.s32 $0xFFFFF086  }
0x25: {  	[simem:s6], [sflag:s4] =	dma.local [hbm:s3], $0xF7A  }
0x26: {  	[smem:$0x3F97] =	sst s1;
	(tag) =	ssettag s2;
	_ =	strace s9  }
0x27: {  	s1 =	sld [smem:$0x3FA7]  }
0x28: {  	s2 =	sld [smem:$0x3FA8]  }
0x29: {  	s4 =	sld [smem:$0x3FAA]  }
0x2a: {  	p0 =	seq.s32 s5, $0x0;
	s5 =	sld [smem:$0x3FAB]  }
0x2b: {  	s6 =	sld [smem:$0x3FAC]  }
0x2c: {  	s7 =	sld [smem:$0x3FAD]  }
0x2d: {  	s3 =	simm.s32 $0x108;
	s8 =	sld [smem:$0x3FAE]  }
0x2e: {  	s3 =	simm.s32 @!p0 $0x1082;
	s9 =	sld [smem:$0x3FAF]  }
0x2f: {  	lr =	sadd.s32 s0, s3;
	s0 =	sld [smem:$0x3FA6]  }
0x30: {  	s3 =	sld [smem:$0x3FA9]  }
0x31: {  	[smem:$0x3FB2] =	sst s10  }
0x32: {  	s10 =	sld [smem:$0x3FB0];
	_ =	sdelay $0x3  }
0x33: {  	p0 =	seq.s32 s10, $0x1;
	s10 =	sld [smem:$0x3FB2];
	_ =	sdelay $0x3  }
0x34: {  	[smem:$0x3FB2] =	sst s10  }
0x35: {  	s10 =	sld [smem:$0x3FB1];
	_ =	sdelay $0x3  }
0x36: {  	p1 =	seq.s32 s10, $0x1;
	s10 =	sld [smem:$0x3FB2];
	_ =	sdelay $0x3  }
0x37: {  	[smem:$0x3FB2] =	sst s10  }
0x38: {  	s10 =	sld [smem:$0x3FB3]  }
0x39: {  	_ = 	snop;
	(pc) =	sbr.ind lr, $3  }
0x3a: {  	_ = 	snop  }
0x3b: {  	_ = 	snop  }
0x3c: {  	p2 =	seq.s32 s10, $0x1;
	s10 =	sld [smem:$0x3FB2]  }
0x3d: {  	_ =	shalt  }
0x3e: {  	_ =	shalt  }
0x3f: {  	_ =	shalt  }
0x40: {  	_ =	shalt  }
0x41: {  	_ =	shalt  }
0x42: {  	_ =	shalt  }
0x43: {  	_ =	shalt  }
0x44: {  	_ =	shalt  }
0x45: {  	_ =	shalt  }
0x46: {  	_ =	shalt  }
0x47: {  	_ =	shalt  }
0x48: {  	_ =	shalt  }
0x49: {  	_ =	shalt  }
0x4a: {  	_ =	shalt  }
0x4b: {  	_ =	shalt  }
0x4c: {  	_ =	shalt  }
0x4d: {  	_ =	shalt  }
0x4e: {  	_ =	shalt  }
0x4f: {  	_ =	shalt  }
0x50: {  	_ =	shalt  }
0x51: {  	_ =	shalt  }
0x52: {  	_ =	shalt  }
0x53: {  	_ =	shalt  }
0x54: {  	_ =	shalt  }
0x55: {  	_ =	shalt  }
0x56: {  	_ =	shalt  }
0x57: {  	_ =	shalt  }
0x58: {  	_ =	shalt  }
0x59: {  	_ =	shalt  }
0x5a: {  	_ =	shalt  }
0x5b: {  	_ =	shalt  }
0x5c: {  	_ =	shalt  }
0x5d: {  	_ =	shalt  }
0x5e: {  	_ =	shalt  }
0x5f: {  	_ =	shalt  }
0x60: {  	_ =	shalt  }
0x61: {  	_ =	shalt  }
0x62: {  	_ =	shalt  }
0x63: {  	_ =	shalt  }
0x64: {  	_ =	shalt  }
0x65: {  	_ =	shalt  }
0x66: {  	_ =	shalt  }
0x67: {  	_ =	shalt  }
0x68: {  	_ =	shalt  }
0x69: {  	_ =	shalt  }
0x6a: {  	_ =	shalt  }
0x6b: {  	_ =	shalt  }
0x6c: {  	_ =	shalt  }
0x6d: {  	_ =	shalt  }
0x6e: {  	_ =	shalt  }
0x6f: {  	_ =	shalt  }
0x70: {  	_ =	shalt  }
0x71: {  	_ =	shalt  }
0x72: {  	_ =	shalt  }
0x73: {  	_ =	shalt  }
0x74: {  	_ =	shalt  }
0x75: {  	_ =	shalt  }
0x76: {  	_ =	shalt  }
0x77: {  	_ =	shalt  }
0x78: {  	_ =	shalt  }
0x79: {  	_ =	shalt  }
0x7a: {  	_ =	shalt  }
0x7b: {  	_ =	shalt  }
0x7c: {  	_ =	shalt  }
0x7d: {  	_ =	shalt  }
0x7e: {  	_ =	shalt  }
0x7f: {  	_ =	shalt  }
0x80: {  	_ =	shalt  }
0x81: {  	_ =	shalt  }
0x82: {  	_ =	shalt  }
0x83: {  	_ =	shalt  }
0x84: {  	_ =	shalt  }
0x85: {  	_ =	shalt  }
0x86: {  	_ =	shalt  }
0x87: {  	_ =	shalt  }
.Lfunc_end0:
.L_simem_size_0:
called_computation.1_lowered:
.L_overlay_start_0:
0x88: {  	s2 =	sld [smem:$0x3FD9]  }
0x89: {  	s3 =	sld [smem:$0x3FFE];
	_ =	sdelay $0x1  }
0x8a: {  	s1 =	srdreg.scid  }
0x8b: {  	s0 =	sand.u32 $0x1, s1  }
0x8c: {  	s16 =	sshll.u32 s0, $0xA;
	s2 =	sadd.s32 s3, s2  }
0x8d: {  	s2 =	sadd.s32 s2, s16  }
0x8e: {  	[smem:$0x3FBE] =	sst s2  }
0x8f: {  	_ = 	snop  }
0x90: {  	(tm) =	ssettm $0x1  }
0x91: {  	s17 =	sld [smem:$0x3FFB];
	_ =	sdelay $0x3  }
0x92: {  	_ =	strace s17  }
0x93: {  	s2 =	sld [smem:$0x3FFC];
	_ =	sdelay $0x3  }
0x94: {  	_ =	strace s2  }
0x95: {  	s2 =	sld [smem:$0x3FFD];
	_ =	sdelay $0x3  }
0x96: {  	_ =	strace s2  }
0x97: {  	_ =	strace $0x8FFFFFFF  }
0x98: {  	s18 =	sld [smem:$0x3FDB];
	_ =	sdelay $0x1  }
0x99: {  	s19 =	simm.s32 $_scs_section_size  }
0x9a: {  	s4 =	simm.s32 $_size__tile_overlayer_lowered;
	s5 =	simm.s32 $_tile_overlayer_lowered  }
0x9b: {  	s22 =	simm.s32 $0x1BFF;
	s21 =	sshll.u32 s5, $0x1;
	s2 =	sadd.s32 s19, s18  }
0x9c: {  	s6 =	simm.s32 $0x0;
	s20 =	sshll.u32 s4, $0x1;
	s4 =	sadd.s32 s21, s2  }
0x9d: {  	[timem:s6], [sflag:s22] =	dma.local [hbm:s4], s20  }
0x9e: {  	_ =	swait.ge [sflag:s22], s20  }
0x9f: {  	s3 =	ssub.s32 $0x0, s20;
	[sflag:s22] =	ssyncset.done $0x0  }
0xa0: {  	[sflag:s22] =	ssyncadd.s32 s3;
	_ =	sdelay $0x1  }
0xa1: {  	s23 =	simm.s32 $0x1B8B  }
0xa2: {  	_ =	swait.ge [sflag:s23], $0x1  }
0xa3: {  	[sflag:s23] =	ssyncset.done $0x0  }
0xa4: {  	s25 =	simm.s32 $0x1B8E;
	s24 =	sld [smem:$0x3FFE];
	[sflag:s23] =	ssyncadd.s32 $0xFFFFFFFF  }
0xa5: {  	s26 =	simm.s32 $execute0_lowered;
	[smem:$0x3FD2] =	sst s25  }
0xa6: {  	s4 =	sshll.u32 s26, $0x1;
	_ =	strace $0x80000049;
	[dreg:$0x1] =	wrdreg $0xFFFFFFFF  }
0xa7: {  	s28 =	simm.s32 $_size_execute0_lowered;
	s2 =	sadd.s32 s2, s4;
	[dreg:$0x0] =	wrdreg $0x0  }
0xa8: {  	s4 =	sshll.u32 s28, $0x1;
	[dreg:$0x2] =	wrdreg s2  }
0xa9: {  	[dreg:$0x3] =	wrdreg s4  }
0xaa: {  	[dreg:$0x4] =	wrdreg $0xC0  }
0xab: {  	_ =	task [dreg:s6], $0x5FFFF  }
0xac: {  	[dreg:$0x1] =	wrdreg $0xFFFFFFFF  }
0xad: {  	[dreg:$0x0] =	wrdreg $0x60  }
0xae: {  	[dreg:$0x2] =	wrdreg s24  }
0xaf: {  	[dreg:$0x3] =	wrdreg $0xA8000  }
0xb0: {  	[dreg:$0x4] =	wrdreg $0x9  }
0xb1: {  	_ =	task.clear_ibuf [dreg:s6], $0x5FFFF;
	_ =	strace $0x90000049  }
0xb2: {  	s29 =	simm.s32 $0x9;
	_ =	strace $0x8000004B  }
0xb3: {  	_ =	swait.ge [sflag:s29], $0x1  }
0xb4: {  	[sflag:s29] =	ssyncadd.s32 $0xFFFFFFFF  }
0xb5: {  	_ =	strace $0x9000004B  }
0xb6: {  	_ =	sfence  }
0xb7: {  	s30 =	sld [smem:$0x0];
	_ =	sdelay $0x2  }
0xb8: {  	s31 =	sshll.u32 s1, $0xD;
	s1 =	sshrl.u32 s1, $0x2  }
0xb9: {  	s3 =	sand.u32 $0x4000, s31;
	s1 =	sadd.s32 s1, s30  }
0xba: {  	s0 =	sor.u32 s3, s0;
	s1 =	sshll.u32 s1, $0x11  }
0xbb: {  	s0 =	sor.u32 s1, s0  }
0xbc: {  	s0 =	sadd.s32 $0x8F2B, s0  }
0xbd: {  	[sflag:s0] =	ssyncadd.remote.s32 $0x1  }
0xbe: {  	_ =	sfence.sel $0xFFFF  }
0xbf: {  	[dreg:$0x0] =	wrdreg $0xFFFFFFFF;
	(pc) =	sbr.abs _section_cstart, $3  }
0xc0: {  	[dreg:$0x1] =	wrdreg $0xFFFFFFFF  }
0xc1: {  	_ =	task.clear_ibuf [dreg:s6], $0x2FFFF;
	_ =	strace $0x9FFFFFFF  }
0xc2: {  	(tm) =	ssettm $0x7FFFFFFF  }
0xc3: {  	_ =	shalt  }
tec
execute0_lowered:
.L_overlay_start_1:
0x0: {  	(tag) =	ssettag $0x1  }
0x1: {  	s0 =	rddreg [dreg:$0x0];
	s10 =	stileid.u32  }
0x2: {  	s1 =	srdreg.scid;
	s2 =	rddreg [dreg:$0x1]  }
0x3: {  	s5 =	simm.s32 $0x0;
	s9 =	simm.s32 $0x7000;
	s12 =	simm.s32 $0x11  }
0x4: {  	s16 =	simm.s32 $0x80;
	s17 =	simm.s32 $0x6800;
	s19 =	simm.s32 $0x7800  }
0x5: {  	s28 =	simm.s32 $0x9800;
	s30 =	simm.s32 $0xA000;
	s31 =	simm.s32 $0x1  }
0x6: {  	s13 =	simm.s32 $0x4;
	s18 =	simm.s32 $0x5;
	s3 =	smul.u32 $0x68, s10  }
0x7: {  	s20 =	simm.s32 $0x6;
	s1 =	sand.u32 $0x1, s1;
	s4 =	smul.u32 $0x38, s10  }
0x8: {  	s7 =	smul.u32 $0x2780, s10;
	[smem:$0x7FF] =	sst s5;
	s29 =	sshll.u32 s10, $0x6  }
0x9: {  	p0 =	seq.s32 s1, $0x0;
	s21 =	smul.u32 $0x27800, s1;
	_ =	strace $0x8000004A  }
0xa: {  	s1 =	ssub.s32 $0x2, s1;
	s14 =	sor.u32 $0x1C11, s29;
	s3 =	sadd.s32 $0x380, s3  }
0xb: {  	s6 =	sshrl.u32 s7, $0x3;
	s22 =	sshrl.u32 s1, $0x1;
	s9 =	simm.s32 @!p0 $0xD000  }
0xc: {  	s24 =	sadd.s32 s7, s2;
	s3 =	smov.u32 @p0 s4;
	s4 =	sadd.s32 $0x10E00, s0  }
0xd: {  	s5 =	sadd.s32 s7, s21;
	s8 =	sadd.s32 s6, s0;
	s1 =	ssub.s32 s1, s22  }
0xe: {  	s6 =	simm.s32 $0x7000;
	[dreg:$0x3] =	wrdreg s9;
	s15 =	sshrl.u32 s24, $0x3  }
0xf: {  	s21 =	simm.s32 $0x8000;
	s22 =	simm.s32 $0x7;
	s24 =	simm.s32 $0x8  }
0x10: {  	s3 =	sshll.u32 s3, $0x4;
	s5 =	sshrl.u32 s5, $0x3;
	s25 =	sadd.s32 $0xBE00, s8  }
0x11: {  	s26 =	smax.u32 s1, $0x1;
	s1 =	simm.s32 $0x2;
	s3 =	sadd.s32 s3, s0  }
0x12: {  	s0 =	sadd.s32 s5, s0;
	s5 =	simm.s32 $0x38;
	[dreg:$0x6] =	wrdreg s25  }
0x13: {  	[dreg:$0x8] =	wrdreg s26;
	s25 =	simm.s32 $0x9000;
	s23 =	sadd.s32 $0x1AE00, s3  }
0x14: {  	s26 =	simm.s32 $0x0;
	s3 =	sadd.s32 $0x1E00, s3;
	[dreg:$0x4] =	wrdreg s23  }
0x15: {  	s5 =	simm.s32 @!p0 $0x68;
	s0 =	sadd.s32 $0x24E00, s0;
	[dreg:$0x5] =	wrdreg s3  }
0x16: {  	[dreg:$0x7] =	wrdreg s0;
	s23 =	simm.s32 $0x8800;
	s0 =	simm.s32 $0x3  }
.LBB2_1:
0x17: {  	s3 =	simm.s32 $0x0;
	s7 =	rddreg [dreg:$0x4]  }
0x18: {  	[tilespmem:s3], [sflag:$0x11] =	stream.linear.gather [hbm4b:s7+s3], $0x3400, $0x38;
	[tilespmem:$0xCF80] =	vst v63  }
0x19: {  	_ =	swait.ge [sflag:s12], $0x3400  }
0x1a: {  	[sflag:s12] =	ssyncset.done $0x0  }
0x1b: {  	s8 =	simm.s32 $0x3400;
	s9 =	rddreg [dreg:$0x5];
	[sflag:s12] =	ssyncadd.s32 $0xFFFFCC00  }
0x1c: {  	[tilespmem:s8], [sflag:$0x11] =	stream.linear.gather [hbm4b:s9+s3], $0x3400, $0x38;
	[tilespmem:$0xCF80] =	vst v63  }
0x1d: {  	_ =	swait.ge [sflag:s12], $0x3400  }
0x1e: {  	[sflag:s12] =	ssyncset.done $0x0  }
0x1f: {  	s10 =	rddreg [dreg:$0x6];
	[sflag:s12] =	ssyncadd.s32 $0xFFFFCC00  }
0x20: {  	[spmem:s15], [sflag:s14] =	dma.local [hbm:s10], $0x4F0  }
0x21: {  	_ =	swait.ge [sflag:s12], $0x4F0  }
0x22: {  	[sflag:s12] =	ssyncset.done $0x0  }
0x23: {  	[sflag:s12] =	ssyncadd.s32 $0xFFFFFB10  }
0x24: {  	[bflag:$0x0] =	sbarrier.arrive $0xFFFF  }
0x25: {  	[tilespmem:s17], [sflag:$0x1] =	stream.indirect.gather [hbm4b:s4+s16], $0x10, s3, s16, $0xb8;
	[tilespmem:$0xCF80] =	vst v63  }
0x26: {  	_ = 	snop  }
0x27: {  	[tilespmem:s6], [sflag:$0x2] =	stream.indirect.gather [hbm4b:s4+s16], $0x10, s16, s16, $0xb8;
	[tilespmem:$0xCF80] =	vst v63  }
0x28: {  	s11 =	simm.s32 $0x100  }
0x29: {  	[tilespmem:s19], [sflag:$0x3] =	stream.indirect.gather [hbm4b:s4+s16], $0x10, s11, s16, $0xb8;
	[tilespmem:$0xCF80] =	vst v63  }
0x2a: {  	s7 =	simm.s32 $0x180  }
0x2b: {  	[tilespmem:s21], [sflag:$0x4] =	stream.indirect.gather [hbm4b:s4+s16], $0x10, s7, s16, $0xb8;
	[tilespmem:$0xCF80] =	vst v63  }
0x2c: {  	s8 =	simm.s32 $0x200  }
0x2d: {  	[tilespmem:s23], [sflag:$0x5] =	stream.indirect.gather [hbm4b:s4+s16], $0x10, s8, s16, $0xb8;
	[tilespmem:$0xCF80] =	vst v63  }
0x2e: {  	s9 =	simm.s32 $0x280  }
0x2f: {  	[tilespmem:s25], [sflag:$0x6] =	stream.indirect.gather [hbm4b:s4+s16], $0x10, s9, s16, $0xb8;
	[tilespmem:$0xCF80] =	vst v63  }
0x30: {  	s10 =	simm.s32 $0x300  }
0x31: {  	[tilespmem:s28], [sflag:$0x7] =	stream.indirect.gather [hbm4b:s4+s16], $0x10, s10, s16, $0xb8;
	[tilespmem:$0xCF80] =	vst v63  }
0x32: {  	s29 =	simm.s32 $0x0;
	s11 =	simm.s32 $0x380;
	s7 =	simm.s32 $0x0  }
0x33: {  	[tilespmem:s30], [sflag:$0x8] =	stream.indirect.gather [hbm4b:s4+s16], $0x10, s11, s16, $0xb8;
	[tilespmem:$0xCF80] =	vst v63  }
.LBB2_2:
0x34: {  	_ =	swait.ge [sflag:s31], $0x800  }
0x35: {  	s8 =	sshra.s32 s29, $0x2;
	[sflag:s31] =	ssyncset.done $0x0  }
0x36: {  	s9 =	sadd.s32 $0x3400, s8;
	[sflag:s31] =	ssyncadd.s32 $0xFFFFF800  }
0x37: {  	[spmem:s2] =	stream.indirect.scatter.add.f32 [tilespmem:s17], [sflag:$0x9], $0x10, s9, s16, $0xb8;
	[tilespmem:$0xCF80] =	vst v63  }
0x38: {  	p0 =	slt.s32 s7, $0x8;
	s9 =	sadd.s32 $0x4, s7  }
0x39: {  	p1 =	sge.u32 @!p0 s9, s5  }
0x3a: {  	p1 =	por p1, p0  }
0x3b: {  	s9 =	simm.s32 @!p1 $0xD  }
0x3c: {  	_ =	swait.ge @!p1 [sflag:s9], $0x800  }
0x3d: {  	[sflag:s9] =	ssyncset.done @!p1 $0x0  }
0x3e: {  	[sflag:s9] =	ssyncadd.s32 @!p1 $0xFFFFF800;
	s9 =	sshra.s32 @!p1 s29, $0x2  }
0x3f: {  	s10 =	simm.s32 @!p1 $0x80;
	s11 =	simm.s32 @!p1 $0x8800;
	s9 =	sadd.s32 @!p1 $0x200, s9  }
0x40: {  	[tilespmem:s11], [sflag:$0x5] =	stream.indirect.gather @!p1 [hbm4b:s4+s10], $0x10, s9, s10, $0xb8;
	[tilespmem:$0xCF80] =	vst v63  }
0x41: {  	s9 =	sadd.s32 $0x5, s7  }
0x42: {  	_ =	swait.ge [sflag:s1], $0x800;
	p1 =	sge.u32 @!p0 s9, s5  }
0x43: {  	[sflag:s1] =	ssyncset.done $0x0;
	p1 =	por p1, p0  }
0x44: {  	s3 =	sadd.s32 $0x3480, s8;
	[sflag:s1] =	ssyncadd.s32 $0xFFFFF800;
	s9 =	simm.s32 @!p1 $0xE  }
0x45: {  	[spmem:s2] =	stream.indirect.scatter.add.f32 [tilespmem:s6], [sflag:$0xA], $0x10, s3, s16, $0xb8;
	[tilespmem:$0xCF80] =	vst v63  }
0x46: {  	_ =	swait.ge @!p1 [sflag:s9], $0x800  }
0x47: {  	[sflag:s9] =	ssyncset.done @!p1 $0x0  }
0x48: {  	[sflag:s9] =	ssyncadd.s32 @!p1 $0xFFFFF800;
	s9 =	sshra.s32 @!p1 s29, $0x2  }
0x49: {  	s10 =	simm.s32 @!p1 $0x80;
	s11 =	simm.s32 @!p1 $0x9000;
	s9 =	sadd.s32 @!p1 $0x280, s9  }
0x4a: {  	[tilespmem:s11], [sflag:$0x6] =	stream.indirect.gather @!p1 [hbm4b:s4+s10], $0x10, s9, s10, $0xb8;
	[tilespmem:$0xCF80] =	vst v63  }
0x4b: {  	s9 =	sadd.s32 $0x6, s7  }
0x4c: {  	_ =	swait.ge [sflag:s0], $0x800;
	p1 =	sge.u32 @!p0 s9, s5  }
0x4d: {  	[sflag:s0] =	ssyncset.done $0x0;
	p1 =	por p1, p0  }
0x4e: {  	s10 =	sadd.s32 $0x3500, s8;
	[sflag:s0] =	ssyncadd.s32 $0xFFFFF800;
	s9 =	simm.s32 @!p1 $0xF  }
0x4f: {  	[spmem:s2] =	stream.indirect.scatter.add.f32 [tilespmem:s19], [sflag:$0xB], $0x10, s10, s16, $0xb8;
	[tilespmem:$0xCF80] =	vst v63  }
0x50: {  	_ =	swait.ge @!p1 [sflag:s9], $0x800  }
0x51: {  	[sflag:s9] =	ssyncset.done @!p1 $0x0  }
0x52: {  	[sflag:s9] =	ssyncadd.s32 @!p1 $0xFFFFF800;
	s9 =	sshra.s32 @!p1 s29, $0x2  }
0x53: {  	s11 =	simm.s32 @!p1 $0x9800;
	s10 =	simm.s32 @!p1 $0x80;
	s9 =	sadd.s32 @!p1 $0x300, s9  }
0x54: {  	[tilespmem:s11], [sflag:$0x7] =	stream.indirect.gather @!p1 [hbm4b:s4+s10], $0x10, s9, s10, $0xb8;
	[tilespmem:$0xCF80] =	vst v63  }
0x55: {  	s9 =	sadd.s32 $0x7, s7  }
0x56: {  	_ =	swait.ge [sflag:s13], $0x800;
	p1 =	sge.u32 @!p0 s9, s5  }
0x57: {  	[sflag:s13] =	ssyncset.done $0x0;
	p0 =	por p1, p0  }
0x58: {  	s11 =	sadd.s32 $0x3580, s8;
	[sflag:s13] =	ssyncadd.s32 $0xFFFFF800;
	s9 =	simm.s32 @!p0 $0x10  }
0x59: {  	[spmem:s2] =	stream.indirect.scatter.add.f32 [tilespmem:s21], [sflag:$0xC], $0x10, s11, s16, $0xb8;
	[tilespmem:$0xCF80] =	vst v63  }
0x5a: {  	_ =	swait.ge @!p0 [sflag:s9], $0x800  }
0x5b: {  	[sflag:s9] =	ssyncset.done @!p0 $0x0  }
0x5c: {  	[sflag:s9] =	ssyncadd.s32 @!p0 $0xFFFFF800;
	s9 =	sshra.s32 @!p0 s29, $0x2  }
0x5d: {  	s10 =	simm.s32 @!p0 $0x80;
	s11 =	simm.s32 @!p0 $0xA000;
	s9 =	sadd.s32 @!p0 $0x380, s9  }
0x5e: {  	[tilespmem:s11], [sflag:$0x8] =	stream.indirect.gather @!p0 [hbm4b:s4+s10], $0x10, s9, s10, $0xb8;
	[tilespmem:$0xCF80] =	vst v63  }
0x5f: {  	s9 =	sadd.s32 $0x8, s7;
	_ =	swait.ge [sflag:s18], $0x800  }
0x60: {  	p0 =	sge.u32 s9, s5;
	[sflag:s18] =	ssyncset.done $0x0  }
0x61: {  	s3 =	sadd.s32 $0x3600, s8;
	s10 =	simm.s32 @!p0 $0x9;
	[sflag:s18] =	ssyncadd.s32 $0xFFFFF800  }
0x62: {  	[spmem:s2] =	stream.indirect.scatter.add.f32 [tilespmem:s23], [sflag:$0xD], $0x10, s3, s16, $0xb8;
	[tilespmem:$0xCF80] =	vst v63  }
0x63: {  	_ =	swait.ge @!p0 [sflag:s10], $0x800  }
0x64: {  	[sflag:s10] =	ssyncset.done @!p0 $0x0  }
0x65: {  	[sflag:s10] =	ssyncadd.s32 @!p0 $0xFFFFF800;
	s10 =	sshra.s32 @!p0 s29, $0x2  }
0x66: {  	s11 =	simm.s32 @!p0 $0x80;
	s3 =	simm.s32 @!p0 $0x6800;
	s10 =	sadd.s32 @!p0 $0x400, s10  }
0x67: {  	[tilespmem:s3], [sflag:$0x1] =	stream.indirect.gather @!p0 [hbm4b:s4+s11], $0x10, s10, s11, $0xb8;
	[tilespmem:$0xCF80] =	vst v63  }
0x68: {  	s11 =	sadd.s32 $0x9, s7;
	_ =	swait.ge [sflag:s20], $0x800  }
0x69: {  	p0 =	sge.u32 s11, s5;
	[sflag:s20] =	ssyncset.done $0x0  }
0x6a: {  	s10 =	sadd.s32 $0x3680, s8;
	s3 =	simm.s32 @!p0 $0xA;
	[sflag:s20] =	ssyncadd.s32 $0xFFFFF800  }
0x6b: {  	[spmem:s2] =	stream.indirect.scatter.add.f32 [tilespmem:s25], [sflag:$0xE], $0x10, s10, s16, $0xb8;
	[tilespmem:$0xCF80] =	vst v63  }
0x6c: {  	_ =	swait.ge @!p0 [sflag:s3], $0x800  }
0x6d: {  	[sflag:s3] =	ssyncset.done @!p0 $0x0  }
0x6e: {  	[sflag:s3] =	ssyncadd.s32 @!p0 $0xFFFFF800;
	s3 =	sshra.s32 @!p0 s29, $0x2  }
0x6f: {  	s11 =	simm.s32 @!p0 $0x7000;
	s10 =	simm.s32 @!p0 $0x80;
	s3 =	sadd.s32 @!p0 $0x480, s3  }
0x70: {  	[tilespmem:s11], [sflag:$0x2] =	stream.indirect.gather @!p0 [hbm4b:s4+s10], $0x10, s3, s10, $0xb8;
	[tilespmem:$0xCF80] =	vst v63  }
0x71: {  	s11 =	sadd.s32 $0xA, s7;
	_ =	swait.ge [sflag:s22], $0x800  }
0x72: {  	p0 =	sge.u32 s11, s5;
	[sflag:s22] =	ssyncset.done $0x0  }
0x73: {  	s10 =	sadd.s32 $0x3700, s8;
	s3 =	simm.s32 @!p0 $0xB;
	[sflag:s22] =	ssyncadd.s32 $0xFFFFF800  }
0x74: {  	[spmem:s2] =	stream.indirect.scatter.add.f32 [tilespmem:s28], [sflag:$0xF], $0x10, s10, s16, $0xb8;
	[tilespmem:$0xCF80] =	vst v63  }
0x75: {  	_ =	swait.ge @!p0 [sflag:s3], $0x800  }
0x76: {  	[sflag:s3] =	ssyncset.done @!p0 $0x0  }
0x77: {  	[sflag:s3] =	ssyncadd.s32 @!p0 $0xFFFFF800;
	s3 =	sshra.s32 @!p0 s29, $0x2  }
0x78: {  	s11 =	simm.s32 @!p0 $0x7800;
	s10 =	simm.s32 @!p0 $0x80;
	s3 =	sadd.s32 @!p0 $0x500, s3  }
0x79: {  	[tilespmem:s11], [sflag:$0x3] =	stream.indirect.gather @!p0 [hbm4b:s4+s10], $0x10, s3, s10, $0xb8;
	[tilespmem:$0xCF80] =	vst v63  }
0x7a: {  	s10 =	sadd.s32 $0xB, s7;
	_ =	swait.ge [sflag:s24], $0x800  }
0x7b: {  	p0 =	sge.u32 s10, s5;
	[sflag:s24] =	ssyncset.done $0x0  }
0x7c: {  	s8 =	sadd.s32 $0x3780, s8;
	s3 =	simm.s32 @!p0 $0xC;
	[sflag:s24] =	ssyncadd.s32 $0xFFFFF800  }
0x7d: {  	[spmem:s2] =	stream.indirect.scatter.add.f32 [tilespmem:s30], [sflag:$0x10], $0x10, s8, s16, $0xb8;
	[tilespmem:$0xCF80] =	vst v63  }
0x7e: {  	s7 =	sshra.s32 @!p0 s29, $0x2;
	s29 =	sadd.s32 $0x1000, s29;
	_ =	swait.ge @!p0 [sflag:s3], $0x800  }
0x7f: {  	s8 =	simm.s32 @!p0 $0x8000;
	[sflag:s3] =	ssyncset.done @!p0 $0x0;
	s11 =	rddreg [dreg:$0x3]  }
0x80: {  	[sflag:s3] =	ssyncadd.s32 @!p0 $0xFFFFF800;
	s3 =	sadd.s32 @!p0 $0x580, s7;
	s7 =	simm.s32 @!p0 $0x80  }
0x81: {  	[tilespmem:s8], [sflag:$0x4] =	stream.indirect.gather @!p0 [hbm4b:s4+s7], $0x10, s3, s7, $0xb8;
	[tilespmem:$0xCF80] =	vst v63  }
0x82: {  	p0 =	sne.s32 s11, s29  }
.Ltmp0:
0x83: {  	_ = 	snop;
	(pc) =	sbr.rel @p0 .LBB2_2-.Ltmp0, $2  }
0x84: {  	_ =	sdelay $0x2  }
0x85: {  	s7 =	smov.u32 s9  }
0x86: {  	s3 =	simm.s32 $0x9  }
0x87: {  	_ =	swait.ge [sflag:s3], $0x800  }
0x88: {  	[sflag:s3] =	ssyncset.done $0x0  }
0x89: {  	s10 =	simm.s32 $0xA;
	[sflag:s3] =	ssyncadd.s32 $0xFFFFF800  }
0x8a: {  	_ =	swait.ge [sflag:s10], $0x800  }
0x8b: {  	[sflag:s10] =	ssyncset.done $0x0  }
0x8c: {  	s11 =	simm.s32 $0xB;
	[sflag:s10] =	ssyncadd.s32 $0xFFFFF800  }
0x8d: {  	_ =	swait.ge [sflag:s11], $0x800  }
0x8e: {  	[sflag:s11] =	ssyncset.done $0x0  }
0x8f: {  	s29 =	simm.s32 $0xC;
	[sflag:s11] =	ssyncadd.s32 $0xFFFFF800  }
0x90: {  	_ =	swait.ge [sflag:s29], $0x800  }
0x91: {  	[sflag:s29] =	ssyncset.done $0x0  }
0x92: {  	s7 =	simm.s32 $0xD;
	[sflag:s29] =	ssyncadd.s32 $0xFFFFF800  }
0x93: {  	_ =	swait.ge [sflag:s7], $0x800  }
0x94: {  	[sflag:s7] =	ssyncset.done $0x0  }
0x95: {  	s8 =	simm.s32 $0xE;
	[sflag:s7] =	ssyncadd.s32 $0xFFFFF800  }
0x96: {  	_ =	swait.ge [sflag:s8], $0x800  }
0x97: {  	[sflag:s8] =	ssyncset.done $0x0  }
0x98: {  	s9 =	simm.s32 $0xF;
	[sflag:s8] =	ssyncadd.s32 $0xFFFFF800  }
0x99: {  	_ =	swait.ge [sflag:s9], $0x800  }
0x9a: {  	[sflag:s9] =	ssyncset.done $0x0  }
0x9b: {  	s10 =	simm.s32 $0x10;
	[sflag:s9] =	ssyncadd.s32 $0xFFFFF800  }
0x9c: {  	_ =	swait.ge [sflag:s10], $0x800  }
0x9d: {  	[sflag:s10] =	ssyncset.done $0x0  }
0x9e: {  	[sflag:s10] =	ssyncadd.s32 $0xFFFFF800  }
0x9f: {  	[bflag:$0x0] =	sbarrier.arrive $0xFFFF  }
0xa0: {  	s11 =	rddreg [dreg:$0x7]  }
0xa1: {  	[hbm:s11], [sflag:s14] =	dma.local [spmem:s15], $0x4F0  }
0xa2: {  	_ =	swait.ge [sflag:s12], $0x4F0  }
0xa3: {  	s26 =	sadd.s32 $0x1, s26;
	s29 =	rddreg [dreg:$0x8]  }
0xa4: {  	p0 =	sne.s32 s26, s29  }
.Ltmp1:
0xa5: {  	_ = 	snop;
	(pc) =	sbr.rel @p0 .LBB2_1-.Ltmp1, $3  }
0xa6: {  	_ =	sdelay $0x1  }
0xa7: {  	[sflag:s12] =	ssyncset.done $0x0  }
0xa8: {  	[sflag:s12] =	ssyncadd.s32 $0xFFFFFB10  }
0xa9: {  	_ =	sfence.sel $0x180000  }
0xaa: {  	[bflag:$0x0] =	sbarrier.arrive $0xFFFF  }
0xab: {  	_ =	strace $0x9000004A  }
0xac: {  	s0 =	stileid.u32;
	[bflag:$0x2] =	sbarrier.arrive $0xFFFF  }
0xad: {  	p0 =	sne.s32 s0, $0x0;
	s0 =	rddreg [dreg:$0x2]  }
0xae: {  	s0 =	sadd.s32 @!p0 $0x100000, s0  }
0xaf: {  	[sflag:s0] =	ssyncadd.tile.s32 @!p0 $0x1;
	_ =	shalt  }
.Lfunc_end2:
_tile_overlayer_lowered:
.L_overlay_start_2:
0xb0: {  	(tag) =	ssettag $0x2  }
0xb1: {  	s0 =	rddreg [dreg:$0x0];
	s2 =	stileid.u32  }
0xb2: {  	s1 =	rddreg [dreg:$0x1];
	p0 =	sne.s32 s2, $0x0  }
0xb3: {  	s3 =	rddreg [dreg:$0x2];
	[bflag:$0x3] =	sbarrier.arrive $0xFFFF;
	s2 =	simm.s32 @!p0 $0x1C11  }
0xb4: {  	[timem:s3], [sflag:s2] =	dma.local @!p0 [hbm:s0], s1  }
0xb5: {  	s0 =	simm.s32 @!p0 $0x11  }
0xb6: {  	_ =	swait.ge @!p0 [sflag:s0], s1  }
0xb7: {  	s1 =	ssub.s32 @!p0 $0x0, s1;
	[sflag:s0] =	ssyncset.done @!p0 $0x0  }
0xb8: {  	[sflag:s0] =	ssyncadd.s32 @!p0 s1  }
0xb9: {  	[bflag:$0x3] =	sbarrier.arrive $0xFFFF  }
0xba: {  	_ =	shalt  }

// kernel: kernel.15.cloned.1.call-start
scs
__scs_entry_jumppad:
0x0: {  	(pc) =	sbr.rel $0x88, $3  }
0x1: {  	(tag) =	ssettag $0x0;
	lr =	simm.s32 $0x1  }
0x2: {  	[smem:$0x3F97] =	sst lr;
	_ =	strace $0xD0000000  }
0x3: {  	_ = 	snop  }
0x4: {  	_ = 	snop  }
0x5: {  	_ = 	snop  }
0x6: {  	_ = 	snop  }
0x7: {  	_ = 	snop  }
__scs_overlays_trampoline_lowered:
0x8: {  	[smem:$0x3FA6] =	sst s0  }
0x9: {  	[smem:$0x3FA7] =	sst s1  }
0xa: {  	[smem:$0x3FA8] =	sst s2  }
0xb: {  	[smem:$0x3FA9] =	sst s3  }
0xc: {  	[smem:$0x3FAA] =	sst s4  }
0xd: {  	[smem:$0x3FAB] =	sst s5  }
0xe: {  	[smem:$0x3FAC] =	sst s6  }
0xf: {  	[smem:$0x3FAD] =	sst s7  }
0x10: {  	[smem:$0x3FAE] =	sst s8  }
0x11: {  	[smem:$0x3FAF] =	sst s9;
	s0 =	simm.s32 @!p0 $0x0  }
0x12: {  	s1 =	sld [smem:$0x3F95];
	s0 =	simm.s32 @p0 $0x1  }
0x13: {  	[smem:$0x3FB0] =	sst s0;
	s0 =	simm.s32 @!p1 $0x0  }
0x14: {  	s2 =	sld [smem:$0x3F94];
	s0 =	simm.s32 @p1 $0x1  }
0x15: {  	[smem:$0x3FB1] =	sst s0;
	s0 =	simm.s32 @!p2 $0x0  }
0x16: {  	s3 =	sld [smem:$0x3FDB];
	s0 =	simm.s32 @p2 $0x1  }
0x17: {  	s4 =	simm.s32 $0x1BF5;
	[smem:$0x3FB3] =	sst s0  }
0x18: {  	s0 =	sld [smem:$0x3F96];
	_ =	swait.ge [sflag:s4], $0x0  }
0x19: {  	s7 =	sld [smem:$0x3F97]  }
0x1a: {  	s8 =	sadd.s32 $0xFFFFE003, lr  }
0x1b: {  	s9 =	sadd.s32 $0xFFFFFEF7, lr;
	s5 =	simm.s32 $0xFFFFFFFF;
	p2 =	slt.u32 s8, $0xFFFFF086  }
0x1c: {  	p1 =	slt.u32 s9, $0xF7A;
	s5 =	simm.s32 @!p2 $0x0  }
0x1d: {  	s5 =	simm.s32 @p1 $0x1;
	p0 =	seq.s32 s7, s2  }
0x1e: {  	s7 =	smul.u32 @!p0 $0xF7A, s2;
	p2 =	seq.s32 @!p0 s5, $0x0  }
0x1f: {  	s9 =	smul.u32 $0xF7A, s1;
	s8 =	simm.s32 @!p0 $0x1BF5;
	p2 =	por !p2, p0  }
0x20: {  	[sflag:s8] =	ssyncset.s32 @!p0 $0xFFFFF086;
	s6 =	sadd.s32 @!p0 s3, s7;
	s7 =	simm.s32 @!p0 $0x108  }
0x21: {  	s3 =	sadd.s32 s3, s9;
	s6 =	sadd.s32 @!p0 $0x88, s6;
	s7 =	simm.s32 @p2 $0x1082  }
0x22: {  	[simem:s7], [sflag:s8] =	dma.local @!p0 [hbm:s6], $0xF7A  }
0x23: {  	s9 =	sor.u32 $0xD0000000, s2;
	s6 =	simm.s32 $0x108;
	_ =	swait.ge @!p0 [sflag:s8], $0x0  }
0x24: {  	s3 =	sadd.s32 $0x88, s3;
	s6 =	simm.s32 @!p1 $0x1082;
	[sflag:s4] =	ssyncset.s32 $0xFFFFF086  }
0x25: {  	[simem:s6], [sflag:s4] =	dma.local [hbm:s3], $0xF7A  }
0x26: {  	[smem:$0x3F97] =	sst s1;
	(tag) =	ssettag s2;
	_ =	strace s9  }
0x27: {  	s1 =	sld [smem:$0x3FA7]  }
0x28: {  	s2 =	sld [smem:$0x3FA8]  }
0x29: {  	s4 =	sld [smem:$0x3FAA]  }
0x2a: {  	p0 =	seq.s32 s5, $0x0;
	s5 =	sld [smem:$0x3FAB]  }
0x2b: {  	s6 =	sld [smem:$0x3FAC]  }
0x2c: {  	s7 =	sld [smem:$0x3FAD]  }
0x2d: {  	s3 =	simm.s32 $0x108;
	s8 =	sld [smem:$0x3FAE]  }
0x2e: {  	s3 =	simm.s32 @!p0 $0x1082;
	s9 =	sld [smem:$0x3FAF]  }
0x2f: {  	lr =	sadd.s32 s0, s3;
	s0 =	sld [smem:$0x3FA6]  }
0x30: {  	s3 =	sld [smem:$0x3FA9]  }
0x31: {  	[smem:$0x3FB2] =	sst s10  }
0x32: {  	s10 =	sld [smem:$0x3FB0];
	_ =	sdelay $0x3  }
0x33: {  	p0 =	seq.s32 s10, $0x1;
	s10 =	sld [smem:$0x3FB2];
	_ =	sdelay $0x3  }
0x34: {  	[smem:$0x3FB2] =	sst s10  }
0x35: {  	s10 =	sld [smem:$0x3FB1];
	_ =	sdelay $0x3  }
0x36: {  	p1 =	seq.s32 s10, $0x1;
	s10 =	sld [smem:$0x3FB2];
	_ =	sdelay $0x3  }
0x37: {  	[smem:$0x3FB2] =	sst s10  }
0x38: {  	s10 =	sld [smem:$0x3FB3]  }
0x39: {  	_ = 	snop;
	(pc) =	sbr.ind lr, $3  }
0x3a: {  	_ = 	snop  }
0x3b: {  	_ = 	snop  }
0x3c: {  	p2 =	seq.s32 s10, $0x1;
	s10 =	sld [smem:$0x3FB2]  }
0x3d: {  	_ =	shalt  }
0x3e: {  	_ =	shalt  }
0x3f: {  	_ =	shalt  }
0x40: {  	_ =	shalt  }
0x41: {  	_ =	shalt  }
0x42: {  	_ =	shalt  }
0x43: {  	_ =	shalt  }
0x44: {  	_ =	shalt  }
0x45: {  	_ =	shalt  }
0x46: {  	_ =	shalt  }
0x47: {  	_ =	shalt  }
0x48: {  	_ =	shalt  }
0x49: {  	_ =	shalt  }
0x4a: {  	_ =	shalt  }
0x4b: {  	_ =	shalt  }
0x4c: {  	_ =	shalt  }
0x4d: {  	_ =	shalt  }
0x4e: {  	_ =	shalt  }
0x4f: {  	_ =	shalt  }
0x50: {  	_ =	shalt  }
0x51: {  	_ =	shalt  }
0x52: {  	_ =	shalt  }
0x53: {  	_ =	shalt  }
0x54: {  	_ =	shalt  }
0x55: {  	_ =	shalt  }
0x56: {  	_ =	shalt  }
0x57: {  	_ =	shalt  }
0x58: {  	_ =	shalt  }
0x59: {  	_ =	shalt  }
0x5a: {  	_ =	shalt  }
0x5b: {  	_ =	shalt  }
0x5c: {  	_ =	shalt  }
0x5d: {  	_ =	shalt  }
0x5e: {  	_ =	shalt  }
0x5f: {  	_ =	shalt  }
0x60: {  	_ =	shalt  }
0x61: {  	_ =	shalt  }
0x62: {  	_ =	shalt  }
0x63: {  	_ =	shalt  }
0x64: {  	_ =	shalt  }
0x65: {  	_ =	shalt  }
0x66: {  	_ =	shalt  }
0x67: {  	_ =	shalt  }
0x68: {  	_ =	shalt  }
0x69: {  	_ =	shalt  }
0x6a: {  	_ =	shalt  }
0x6b: {  	_ =	shalt  }
0x6c: {  	_ =	shalt  }
0x6d: {  	_ =	shalt  }
0x6e: {  	_ =	shalt  }
0x6f: {  	_ =	shalt  }
0x70: {  	_ =	shalt  }
0x71: {  	_ =	shalt  }
0x72: {  	_ =	shalt  }
0x73: {  	_ =	shalt  }
0x74: {  	_ =	shalt  }
0x75: {  	_ =	shalt  }
0x76: {  	_ =	shalt  }
0x77: {  	_ =	shalt  }
0x78: {  	_ =	shalt  }
0x79: {  	_ =	shalt  }
0x7a: {  	_ =	shalt  }
0x7b: {  	_ =	shalt  }
0x7c: {  	_ =	shalt  }
0x7d: {  	_ =	shalt  }
0x7e: {  	_ =	shalt  }
0x7f: {  	_ =	shalt  }
0x80: {  	_ =	shalt  }
0x81: {  	_ =	shalt  }
0x82: {  	_ =	shalt  }
0x83: {  	_ =	shalt  }
0x84: {  	_ =	shalt  }
0x85: {  	_ =	shalt  }
0x86: {  	_ =	shalt  }
0x87: {  	_ =	shalt  }
.Lfunc_end0:
.L_simem_size_0:
called_computation.2_lowered:
.L_overlay_start_0:
0x88: {  	s2 =	sld [smem:$0x3FD9]  }
0x89: {  	s3 =	sld [smem:$0x3FFE];
	_ =	sdelay $0x1  }
0x8a: {  	s1 =	srdreg.scid  }
0x8b: {  	s0 =	sand.u32 $0x1, s1  }
0x8c: {  	s16 =	sshll.u32 s0, $0xA;
	s2 =	sadd.s32 s3, s2  }
0x8d: {  	s2 =	sadd.s32 s2, s16  }
0x8e: {  	[smem:$0x3FBE] =	sst s2  }
0x8f: {  	_ = 	snop  }
0x90: {  	(tm) =	ssettm $0x1  }
0x91: {  	s17 =	sld [smem:$0x3FFB];
	_ =	sdelay $0x3  }
0x92: {  	_ =	strace s17  }
0x93: {  	s2 =	sld [smem:$0x3FFC];
	_ =	sdelay $0x3  }
0x94: {  	_ =	strace s2  }
0x95: {  	s2 =	sld [smem:$0x3FFD];
	_ =	sdelay $0x3  }
0x96: {  	_ =	strace s2  }
0x97: {  	_ =	strace $0x8FFFFFFF  }
0x98: {  	s18 =	sld [smem:$0x3FDB];
	_ =	sdelay $0x1  }
0x99: {  	s19 =	simm.s32 $_scs_section_size  }
0x9a: {  	s4 =	simm.s32 $_size__tile_overlayer_lowered;
	s5 =	simm.s32 $_tile_overlayer_lowered  }
0x9b: {  	s22 =	simm.s32 $0x1BFF;
	s21 =	sshll.u32 s5, $0x1;
	s2 =	sadd.s32 s19, s18  }
0x9c: {  	s6 =	simm.s32 $0x0;
	s20 =	sshll.u32 s4, $0x1;
	s4 =	sadd.s32 s21, s2  }
0x9d: {  	[timem:s6], [sflag:s22] =	dma.local [hbm:s4], s20  }
0x9e: {  	_ =	swait.ge [sflag:s22], s20  }
0x9f: {  	s3 =	ssub.s32 $0x0, s20;
	[sflag:s22] =	ssyncset.done $0x0  }
0xa0: {  	[sflag:s22] =	ssyncadd.s32 s3;
	_ =	sdelay $0x1  }
0xa1: {  	s23 =	simm.s32 $0x1B8B  }
0xa2: {  	_ =	swait.ge [sflag:s23], $0x1  }
0xa3: {  	[sflag:s23] =	ssyncset.done $0x0  }
0xa4: {  	s25 =	simm.s32 $0x1B8E;
	s24 =	sld [smem:$0x3FFE];
	[sflag:s23] =	ssyncadd.s32 $0xFFFFFFFF  }
0xa5: {  	s26 =	simm.s32 $execute0_lowered;
	[smem:$0x3FD2] =	sst s25  }
0xa6: {  	s4 =	sshll.u32 s26, $0x1;
	_ =	strace $0x8000004C;
	[dreg:$0x1] =	wrdreg $0xFFFFFFFF  }
0xa7: {  	s28 =	simm.s32 $_size_execute0_lowered;
	s2 =	sadd.s32 s2, s4;
	[dreg:$0x0] =	wrdreg $0x0  }
0xa8: {  	s4 =	sshll.u32 s28, $0x1;
	[dreg:$0x2] =	wrdreg s2  }
0xa9: {  	[dreg:$0x3] =	wrdreg s4  }
0xaa: {  	[dreg:$0x4] =	wrdreg $0xC0  }
0xab: {  	_ =	task [dreg:s6], $0x5FFFF  }
0xac: {  	[dreg:$0x1] =	wrdreg $0xFFFFFFFF  }
0xad: {  	[dreg:$0x0] =	wrdreg $0x60  }
0xae: {  	[dreg:$0x2] =	wrdreg s24  }
0xaf: {  	[dreg:$0x3] =	wrdreg $0xA8000  }
0xb0: {  	[dreg:$0x4] =	wrdreg $0x9  }
0xb1: {  	_ =	task.clear_ibuf [dreg:s6], $0x5FFFF;
	_ =	strace $0x9000004C  }
0xb2: {  	s29 =	simm.s32 $0x9;
	_ =	strace $0x8000004E  }
0xb3: {  	_ =	swait.ge [sflag:s29], $0x1  }
0xb4: {  	[sflag:s29] =	ssyncadd.s32 $0xFFFFFFFF  }
0xb5: {  	_ =	strace $0x9000004E  }
0xb6: {  	_ =	sfence  }
0xb7: {  	s30 =	sld [smem:$0x0];
	_ =	sdelay $0x2  }
0xb8: {  	s31 =	sshll.u32 s1, $0xD;
	s1 =	sshrl.u32 s1, $0x2  }
0xb9: {  	s3 =	sand.u32 $0x4000, s31;
	s1 =	sadd.s32 s1, s30  }
0xba: {  	s0 =	sor.u32 s3, s0;
	s1 =	sshll.u32 s1, $0x11  }
0xbb: {  	s0 =	sor.u32 s1, s0  }
0xbc: {  	s0 =	sadd.s32 $0x8F2B, s0  }
0xbd: {  	[sflag:s0] =	ssyncadd.remote.s32 $0x1  }
0xbe: {  	_ =	sfence.sel $0xFFFF  }
0xbf: {  	[dreg:$0x0] =	wrdreg $0xFFFFFFFF;
	(pc) =	sbr.abs _section_cstart, $3  }
0xc0: {  	[dreg:$0x1] =	wrdreg $0xFFFFFFFF  }
0xc1: {  	_ =	task.clear_ibuf [dreg:s6], $0x2FFFF;
	_ =	strace $0x9FFFFFFF  }
0xc2: {  	(tm) =	ssettm $0x7FFFFFFF  }
0xc3: {  	_ =	shalt  }
tec
execute0_lowered:
.L_overlay_start_1:
0x0: {  	(tag) =	ssettag $0x1  }
0x1: {  	s0 =	rddreg [dreg:$0x0];
	s10 =	stileid.u32  }
0x2: {  	s1 =	srdreg.scid;
	s2 =	rddreg [dreg:$0x1]  }
0x3: {  	s5 =	simm.s32 $0x0;
	s9 =	simm.s32 $0x7000;
	s12 =	simm.s32 $0x11  }
0x4: {  	s16 =	simm.s32 $0x80;
	s17 =	simm.s32 $0x6800;
	s19 =	simm.s32 $0x7800  }
0x5: {  	s28 =	simm.s32 $0x9800;
	s30 =	simm.s32 $0xA000;
	s31 =	simm.s32 $0x1  }
0x6: {  	s13 =	simm.s32 $0x4;
	s18 =	simm.s32 $0x5;
	s3 =	smul.u32 $0x68, s10  }
0x7: {  	s20 =	simm.s32 $0x6;
	s1 =	sand.u32 $0x1, s1;
	s4 =	smul.u32 $0x38, s10  }
0x8: {  	s7 =	smul.u32 $0x2780, s10;
	[smem:$0x7FF] =	sst s5;
	s29 =	sshll.u32 s10, $0x6  }
0x9: {  	p0 =	seq.s32 s1, $0x0;
	s21 =	smul.u32 $0x27800, s1;
	_ =	strace $0x8000004D  }
0xa: {  	s1 =	ssub.s32 $0x2, s1;
	s14 =	sor.u32 $0x1C11, s29;
	s3 =	sadd.s32 $0x380, s3  }
0xb: {  	s6 =	sshrl.u32 s7, $0x3;
	s22 =	sshrl.u32 s1, $0x1;
	s9 =	simm.s32 @!p0 $0xD000  }
0xc: {  	s24 =	sadd.s32 s7, s2;
	s3 =	smov.u32 @p0 s4;
	s4 =	sadd.s32 $0x10E00, s0  }
0xd: {  	s5 =	sadd.s32 s7, s21;
	s8 =	sadd.s32 s6, s0;
	s1 =	ssub.s32 s1, s22  }
0xe: {  	s6 =	simm.s32 $0x7000;
	[dreg:$0x3] =	wrdreg s9;
	s15 =	sshrl.u32 s24, $0x3  }
0xf: {  	s21 =	simm.s32 $0x8000;
	s22 =	simm.s32 $0x7;
	s24 =	simm.s32 $0x8  }
0x10: {  	s3 =	sshll.u32 s3, $0x4;
	s5 =	sshrl.u32 s5, $0x3;
	s25 =	sadd.s32 $0xBE00, s8  }
0x11: {  	s26 =	smax.u32 s1, $0x1;
	s1 =	simm.s32 $0x2;
	s3 =	sadd.s32 s3, s0  }
0x12: {  	s0 =	sadd.s32 s5, s0;
	s5 =	simm.s32 $0x38;
	[dreg:$0x6] =	wrdreg s25  }
0x13: {  	[dreg:$0x8] =	wrdreg s26;
	s25 =	simm.s32 $0x9000;
	s23 =	sadd.s32 $0x1AE00, s3  }
0x14: {  	s26 =	simm.s32 $0x0;
	s3 =	sadd.s32 $0x1E00, s3;
	[dreg:$0x4] =	wrdreg s23  }
0x15: {  	s5 =	simm.s32 @!p0 $0x68;
	s0 =	sadd.s32 $0x24E00, s0;
	[dreg:$0x5] =	wrdreg s3  }
0x16: {  	[dreg:$0x7] =	wrdreg s0;
	s23 =	simm.s32 $0x8800;
	s0 =	simm.s32 $0x3  }
.LBB2_1:
0x17: {  	s3 =	simm.s32 $0x0;
	s7 =	rddreg [dreg:$0x4]  }
0x18: {  	[tilespmem:s3], [sflag:$0x11] =	stream.linear.gather [hbm4b:s7+s3], $0x3400, $0x38;
	[tilespmem:$0xCF80] =	vst v63  }
0x19: {  	_ =	swait.ge [sflag:s12], $0x3400  }
0x1a: {  	[sflag:s12] =	ssyncset.done $0x0  }
0x1b: {  	s8 =	simm.s32 $0x3400;
	s9 =	rddreg [dreg:$0x5];
	[sflag:s12] =	ssyncadd.s32 $0xFFFFCC00  }
0x1c: {  	[tilespmem:s8], [sflag:$0x11] =	stream.linear.gather [hbm4b:s9+s3], $0x3400, $0x38;
	[tilespmem:$0xCF80] =	vst v63  }
0x1d: {  	_ =	swait.ge [sflag:s12], $0x3400  }
0x1e: {  	[sflag:s12] =	ssyncset.done $0x0  }
0x1f: {  	s10 =	rddreg [dreg:$0x6];
	[sflag:s12] =	ssyncadd.s32 $0xFFFFCC00  }
0x20: {  	[spmem:s15], [sflag:s14] =	dma.local [hbm:s10], $0x4F0  }
0x21: {  	_ =	swait.ge [sflag:s12], $0x4F0  }
0x22: {  	[sflag:s12] =	ssyncset.done $0x0  }
0x23: {  	[sflag:s12] =	ssyncadd.s32 $0xFFFFFB10  }
0x24: {  	[bflag:$0x0] =	sbarrier.arrive $0xFFFF  }
0x25: {  	[tilespmem:s17], [sflag:$0x1] =	stream.indirect.gather [hbm4b:s4+s16], $0x10, s3, s16, $0xb8;
	[tilespmem:$0xCF80] =	vst v63  }
0x26: {  	_ = 	snop  }
0x27: {  	[tilespmem:s6], [sflag:$0x2] =	stream.indirect.gather [hbm4b:s4+s16], $0x10, s16, s16, $0xb8;
	[tilespmem:$0xCF80] =	vst v63  }
0x28: {  	s11 =	simm.s32 $0x100  }
0x29: {  	[tilespmem:s19], [sflag:$0x3] =	stream.indirect.gather [hbm4b:s4+s16], $0x10, s11, s16, $0xb8;
	[tilespmem:$0xCF80] =	vst v63  }
0x2a: {  	s7 =	simm.s32 $0x180  }
0x2b: {  	[tilespmem:s21], [sflag:$0x4] =	stream.indirect.gather [hbm4b:s4+s16], $0x10, s7, s16, $0xb8;
	[tilespmem:$0xCF80] =	vst v63  }
0x2c: {  	s8 =	simm.s32 $0x200  }
0x2d: {  	[tilespmem:s23], [sflag:$0x5] =	stream.indirect.gather [hbm4b:s4+s16], $0x10, s8, s16, $0xb8;
	[tilespmem:$0xCF80] =	vst v63  }
0x2e: {  	s9 =	simm.s32 $0x280  }
0x2f: {  	[tilespmem:s25], [sflag:$0x6] =	stream.indirect.gather [hbm4b:s4+s16], $0x10, s9, s16, $0xb8;
	[tilespmem:$0xCF80] =	vst v63  }
0x30: {  	s10 =	simm.s32 $0x300  }
0x31: {  	[tilespmem:s28], [sflag:$0x7] =	stream.indirect.gather [hbm4b:s4+s16], $0x10, s10, s16, $0xb8;
	[tilespmem:$0xCF80] =	vst v63  }
0x32: {  	s29 =	simm.s32 $0x0;
	s11 =	simm.s32 $0x380;
	s7 =	simm.s32 $0x0  }
0x33: {  	[tilespmem:s30], [sflag:$0x8] =	stream.indirect.gather [hbm4b:s4+s16], $0x10, s11, s16, $0xb8;
	[tilespmem:$0xCF80] =	vst v63  }
.LBB2_2:
0x34: {  	_ =	swait.ge [sflag:s31], $0x800  }
0x35: {  	s8 =	sshra.s32 s29, $0x2;
	[sflag:s31] =	ssyncset.done $0x0  }
0x36: {  	s9 =	sadd.s32 $0x3400, s8;
	[sflag:s31] =	ssyncadd.s32 $0xFFFFF800  }
0x37: {  	[spmem:s2] =	stream.indirect.scatter.add.f32 [tilespmem:s17], [sflag:$0x9], $0x10, s9, s16, $0xb8;
	[tilespmem:$0xCF80] =	vst v63  }
0x38: {  	p0 =	slt.s32 s7, $0x8;
	s9 =	sadd.s32 $0x4, s7  }
0x39: {  	p1 =	sge.u32 @!p0 s9, s5  }
0x3a: {  	p1 =	por p1, p0  }
0x3b: {  	s9 =	simm.s32 @!p1 $0xD  }
0x3c: {  	_ =	swait.ge @!p1 [sflag:s9], $0x800  }
0x3d: {  	[sflag:s9] =	ssyncset.done @!p1 $0x0  }
0x3e: {  	[sflag:s9] =	ssyncadd.s32 @!p1 $0xFFFFF800;
	s9 =	sshra.s32 @!p1 s29, $0x2  }
0x3f: {  	s10 =	simm.s32 @!p1 $0x80;
	s11 =	simm.s32 @!p1 $0x8800;
	s9 =	sadd.s32 @!p1 $0x200, s9  }
0x40: {  	[tilespmem:s11], [sflag:$0x5] =	stream.indirect.gather @!p1 [hbm4b:s4+s10], $0x10, s9, s10, $0xb8;
	[tilespmem:$0xCF80] =	vst v63  }
0x41: {  	s9 =	sadd.s32 $0x5, s7  }
0x42: {  	_ =	swait.ge [sflag:s1], $0x800;
	p1 =	sge.u32 @!p0 s9, s5  }
0x43: {  	[sflag:s1] =	ssyncset.done $0x0;
	p1 =	por p1, p0  }
0x44: {  	s3 =	sadd.s32 $0x3480, s8;
	[sflag:s1] =	ssyncadd.s32 $0xFFFFF800;
	s9 =	simm.s32 @!p1 $0xE  }
0x45: {  	[spmem:s2] =	stream.indirect.scatter.add.f32 [tilespmem:s6], [sflag:$0xA], $0x10, s3, s16, $0xb8;
	[tilespmem:$0xCF80] =	vst v63  }
0x46: {  	_ =	swait.ge @!p1 [sflag:s9], $0x800  }
0x47: {  	[sflag:s9] =	ssyncset.done @!p1 $0x0  }
0x48: {  	[sflag:s9] =	ssyncadd.s32 @!p1 $0xFFFFF800;
	s9 =	sshra.s32 @!p1 s29, $0x2  }
0x49: {  	s10 =	simm.s32 @!p1 $0x80;
	s11 =	simm.s32 @!p1 $0x9000;
	s9 =	sadd.s32 @!p1 $0x280, s9  }
0x4a: {  	[tilespmem:s11], [sflag:$0x6] =	stream.indirect.gather @!p1 [hbm4b:s4+s10], $0x10, s9, s10, $0xb8;
	[tilespmem:$0xCF80] =	vst v63  }
0x4b: {  	s9 =	sadd.s32 $0x6, s7  }
0x4c: {  	_ =	swait.ge [sflag:s0], $0x800;
	p1 =	sge.u32 @!p0 s9, s5  }
0x4d: {  	[sflag:s0] =	ssyncset.done $0x0;
	p1 =	por p1, p0  }
0x4e: {  	s10 =	sadd.s32 $0x3500, s8;
	[sflag:s0] =	ssyncadd.s32 $0xFFFFF800;
	s9 =	simm.s32 @!p1 $0xF  }
0x4f: {  	[spmem:s2] =	stream.indirect.scatter.add.f32 [tilespmem:s19], [sflag:$0xB], $0x10, s10, s16, $0xb8;
	[tilespmem:$0xCF80] =	vst v63  }
0x50: {  	_ =	swait.ge @!p1 [sflag:s9], $0x800  }
0x51: {  	[sflag:s9] =	ssyncset.done @!p1 $0x0  }
0x52: {  	[sflag:s9] =	ssyncadd.s32 @!p1 $0xFFFFF800;
	s9 =	sshra.s32 @!p1 s29, $0x2  }
0x53: {  	s11 =	simm.s32 @!p1 $0x9800;
	s10 =	simm.s32 @!p1 $0x80;
	s9 =	sadd.s32 @!p1 $0x300, s9  }
0x54: {  	[tilespmem:s11], [sflag:$0x7] =	stream.indirect.gather @!p1 [hbm4b:s4+s10], $0x10, s9, s10, $0xb8;
	[tilespmem:$0xCF80] =	vst v63  }
0x55: {  	s9 =	sadd.s32 $0x7, s7  }
0x56: {  	_ =	swait.ge [sflag:s13], $0x800;
	p1 =	sge.u32 @!p0 s9, s5  }
0x57: {  	[sflag:s13] =	ssyncset.done $0x0;
	p0 =	por p1, p0  }
0x58: {  	s11 =	sadd.s32 $0x3580, s8;
	[sflag:s13] =	ssyncadd.s32 $0xFFFFF800;
	s9 =	simm.s32 @!p0 $0x10  }
0x59: {  	[spmem:s2] =	stream.indirect.scatter.add.f32 [tilespmem:s21], [sflag:$0xC], $0x10, s11, s16, $0xb8;
	[tilespmem:$0xCF80] =	vst v63  }
0x5a: {  	_ =	swait.ge @!p0 [sflag:s9], $0x800  }
0x5b: {  	[sflag:s9] =	ssyncset.done @!p0 $0x0  }
0x5c: {  	[sflag:s9] =	ssyncadd.s32 @!p0 $0xFFFFF800;
	s9 =	sshra.s32 @!p0 s29, $0x2  }
0x5d: {  	s10 =	simm.s32 @!p0 $0x80;
	s11 =	simm.s32 @!p0 $0xA000;
	s9 =	sadd.s32 @!p0 $0x380, s9  }
0x5e: {  	[tilespmem:s11], [sflag:$0x8] =	stream.indirect.gather @!p0 [hbm4b:s4+s10], $0x10, s9, s10, $0xb8;
	[tilespmem:$0xCF80] =	vst v63  }
0x5f: {  	s9 =	sadd.s32 $0x8, s7;
	_ =	swait.ge [sflag:s18], $0x800  }
0x60: {  	p0 =	sge.u32 s9, s5;
	[sflag:s18] =	ssyncset.done $0x0  }
0x61: {  	s3 =	sadd.s32 $0x3600, s8;
	s10 =	simm.s32 @!p0 $0x9;
	[sflag:s18] =	ssyncadd.s32 $0xFFFFF800  }
0x62: {  	[spmem:s2] =	stream.indirect.scatter.add.f32 [tilespmem:s23], [sflag:$0xD], $0x10, s3, s16, $0xb8;
	[tilespmem:$0xCF80] =	vst v63  }
0x63: {  	_ =	swait.ge @!p0 [sflag:s10], $0x800  }
0x64: {  	[sflag:s10] =	ssyncset.done @!p0 $0x0  }
0x65: {  	[sflag:s10] =	ssyncadd.s32 @!p0 $0xFFFFF800;
	s10 =	sshra.s32 @!p0 s29, $0x2  }
0x66: {  	s11 =	simm.s32 @!p0 $0x80;
	s3 =	simm.s32 @!p0 $0x6800;
	s10 =	sadd.s32 @!p0 $0x400, s10  }
0x67: {  	[tilespmem:s3], [sflag:$0x1] =	stream.indirect.gather @!p0 [hbm4b:s4+s11], $0x10, s10, s11, $0xb8;
	[tilespmem:$0xCF80] =	vst v63  }
0x68: {  	s11 =	sadd.s32 $0x9, s7;
	_ =	swait.ge [sflag:s20], $0x800  }
0x69: {  	p0 =	sge.u32 s11, s5;
	[sflag:s20] =	ssyncset.done $0x0  }
0x6a: {  	s10 =	sadd.s32 $0x3680, s8;
	s3 =	simm.s32 @!p0 $0xA;
	[sflag:s20] =	ssyncadd.s32 $0xFFFFF800  }
0x6b: {  	[spmem:s2] =	stream.indirect.scatter.add.f32 [tilespmem:s25], [sflag:$0xE], $0x10, s10, s16, $0xb8;
	[tilespmem:$0xCF80] =	vst v63  }
0x6c: {  	_ =	swait.ge @!p0 [sflag:s3], $0x800  }
0x6d: {  	[sflag:s3] =	ssyncset.done @!p0 $0x0  }
0x6e: {  	[sflag:s3] =	ssyncadd.s32 @!p0 $0xFFFFF800;
	s3 =	sshra.s32 @!p0 s29, $0x2  }
0x6f: {  	s11 =	simm.s32 @!p0 $0x7000;
	s10 =	simm.s32 @!p0 $0x80;
	s3 =	sadd.s32 @!p0 $0x480, s3  }
0x70: {  	[tilespmem:s11], [sflag:$0x2] =	stream.indirect.gather @!p0 [hbm4b:s4+s10], $0x10, s3, s10, $0xb8;
	[tilespmem:$0xCF80] =	vst v63  }
0x71: {  	s11 =	sadd.s32 $0xA, s7;
	_ =	swait.ge [sflag:s22], $0x800  }
0x72: {  	p0 =	sge.u32 s11, s5;
	[sflag:s22] =	ssyncset.done $0x0  }
0x73: {  	s10 =	sadd.s32 $0x3700, s8;
	s3 =	simm.s32 @!p0 $0xB;
	[sflag:s22] =	ssyncadd.s32 $0xFFFFF800  }
0x74: {  	[spmem:s2] =	stream.indirect.scatter.add.f32 [tilespmem:s28], [sflag:$0xF], $0x10, s10, s16, $0xb8;
	[tilespmem:$0xCF80] =	vst v63  }
0x75: {  	_ =	swait.ge @!p0 [sflag:s3], $0x800  }
0x76: {  	[sflag:s3] =	ssyncset.done @!p0 $0x0  }
0x77: {  	[sflag:s3] =	ssyncadd.s32 @!p0 $0xFFFFF800;
	s3 =	sshra.s32 @!p0 s29, $0x2  }
0x78: {  	s11 =	simm.s32 @!p0 $0x7800;
	s10 =	simm.s32 @!p0 $0x80;
	s3 =	sadd.s32 @!p0 $0x500, s3  }
0x79: {  	[tilespmem:s11], [sflag:$0x3] =	stream.indirect.gather @!p0 [hbm4b:s4+s10], $0x10, s3, s10, $0xb8;
	[tilespmem:$0xCF80] =	vst v63  }
0x7a: {  	s10 =	sadd.s32 $0xB, s7;
	_ =	swait.ge [sflag:s24], $0x800  }
0x7b: {  	p0 =	sge.u32 s10, s5;
	[sflag:s24] =	ssyncset.done $0x0  }
0x7c: {  	s8 =	sadd.s32 $0x3780, s8;
	s3 =	simm.s32 @!p0 $0xC;
	[sflag:s24] =	ssyncadd.s32 $0xFFFFF800  }
0x7d: {  	[spmem:s2] =	stream.indirect.scatter.add.f32 [tilespmem:s30], [sflag:$0x10], $0x10, s8, s16, $0xb8;
	[tilespmem:$0xCF80] =	vst v63  }
0x7e: {  	s7 =	sshra.s32 @!p0 s29, $0x2;
	s29 =	sadd.s32 $0x1000, s29;
	_ =	swait.ge @!p0 [sflag:s3], $0x800  }
0x7f: {  	s8 =	simm.s32 @!p0 $0x8000;
	[sflag:s3] =	ssyncset.done @!p0 $0x0;
	s11 =	rddreg [dreg:$0x3]  }
0x80: {  	[sflag:s3] =	ssyncadd.s32 @!p0 $0xFFFFF800;
	s3 =	sadd.s32 @!p0 $0x580, s7;
	s7 =	simm.s32 @!p0 $0x80  }
0x81: {  	[tilespmem:s8], [sflag:$0x4] =	stream.indirect.gather @!p0 [hbm4b:s4+s7], $0x10, s3, s7, $0xb8;
	[tilespmem:$0xCF80] =	vst v63  }
0x82: {  	p0 =	sne.s32 s11, s29  }
.Ltmp0:
0x83: {  	_ = 	snop;
	(pc) =	sbr.rel @p0 .LBB2_2-.Ltmp0, $2  }
0x84: {  	_ =	sdelay $0x2  }
0x85: {  	s7 =	smov.u32 s9  }
0x86: {  	s3 =	simm.s32 $0x9  }
0x87: {  	_ =	swait.ge [sflag:s3], $0x800  }
0x88: {  	[sflag:s3] =	ssyncset.done $0x0  }
0x89: {  	s10 =	simm.s32 $0xA;
	[sflag:s3] =	ssyncadd.s32 $0xFFFFF800  }
0x8a: {  	_ =	swait.ge [sflag:s10], $0x800  }
0x8b: {  	[sflag:s10] =	ssyncset.done $0x0  }
0x8c: {  	s11 =	simm.s32 $0xB;
	[sflag:s10] =	ssyncadd.s32 $0xFFFFF800  }
0x8d: {  	_ =	swait.ge [sflag:s11], $0x800  }
0x8e: {  	[sflag:s11] =	ssyncset.done $0x0  }
0x8f: {  	s29 =	simm.s32 $0xC;
	[sflag:s11] =	ssyncadd.s32 $0xFFFFF800  }
0x90: {  	_ =	swait.ge [sflag:s29], $0x800  }
0x91: {  	[sflag:s29] =	ssyncset.done $0x0  }
0x92: {  	s7 =	simm.s32 $0xD;
	[sflag:s29] =	ssyncadd.s32 $0xFFFFF800  }
0x93: {  	_ =	swait.ge [sflag:s7], $0x800  }
0x94: {  	[sflag:s7] =	ssyncset.done $0x0  }
0x95: {  	s8 =	simm.s32 $0xE;
	[sflag:s7] =	ssyncadd.s32 $0xFFFFF800  }
0x96: {  	_ =	swait.ge [sflag:s8], $0x800  }
0x97: {  	[sflag:s8] =	ssyncset.done $0x0  }
0x98: {  	s9 =	simm.s32 $0xF;
	[sflag:s8] =	ssyncadd.s32 $0xFFFFF800  }
0x99: {  	_ =	swait.ge [sflag:s9], $0x800  }
0x9a: {  	[sflag:s9] =	ssyncset.done $0x0  }
0x9b: {  	s10 =	simm.s32 $0x10;
	[sflag:s9] =	ssyncadd.s32 $0xFFFFF800  }
0x9c: {  	_ =	swait.ge [sflag:s10], $0x800  }
0x9d: {  	[sflag:s10] =	ssyncset.done $0x0  }
0x9e: {  	[sflag:s10] =	ssyncadd.s32 $0xFFFFF800  }
0x9f: {  	[bflag:$0x0] =	sbarrier.arrive $0xFFFF  }
0xa0: {  	s11 =	rddreg [dreg:$0x7]  }
0xa1: {  	[hbm:s11], [sflag:s14] =	dma.local [spmem:s15], $0x4F0  }
0xa2: {  	_ =	swait.ge [sflag:s12], $0x4F0  }
0xa3: {  	s26 =	sadd.s32 $0x1, s26;
	s29 =	rddreg [dreg:$0x8]  }
0xa4: {  	p0 =	sne.s32 s26, s29  }
.Ltmp1:
0xa5: {  	_ = 	snop;
	(pc) =	sbr.rel @p0 .LBB2_1-.Ltmp1, $3  }
0xa6: {  	_ =	sdelay $0x1  }
0xa7: {  	[sflag:s12] =	ssyncset.done $0x0  }
0xa8: {  	[sflag:s12] =	ssyncadd.s32 $0xFFFFFB10  }
0xa9: {  	_ =	sfence.sel $0x180000  }
0xaa: {  	[bflag:$0x0] =	sbarrier.arrive $0xFFFF  }
0xab: {  	_ =	strace $0x9000004D  }
0xac: {  	s0 =	stileid.u32;
	[bflag:$0x2] =	sbarrier.arrive $0xFFFF  }
0xad: {  	p0 =	sne.s32 s0, $0x0;
	s0 =	rddreg [dreg:$0x2]  }
0xae: {  	s0 =	sadd.s32 @!p0 $0x100000, s0  }
0xaf: {  	[sflag:s0] =	ssyncadd.tile.s32 @!p0 $0x1;
	_ =	shalt  }
.Lfunc_end2:
_tile_overlayer_lowered:
.L_overlay_start_2:
0xb0: {  	(tag) =	ssettag $0x2  }
0xb1: {  	s0 =	rddreg [dreg:$0x0];
	s2 =	stileid.u32  }
0xb2: {  	s1 =	rddreg [dreg:$0x1];
	p0 =	sne.s32 s2, $0x0  }
0xb3: {  	s3 =	rddreg [dreg:$0x2];
	[bflag:$0x3] =	sbarrier.arrive $0xFFFF;
	s2 =	simm.s32 @!p0 $0x1C11  }
0xb4: {  	[timem:s3], [sflag:s2] =	dma.local @!p0 [hbm:s0], s1  }
0xb5: {  	s0 =	simm.s32 @!p0 $0x11  }
0xb6: {  	_ =	swait.ge @!p0 [sflag:s0], s1  }
0xb7: {  	s1 =	ssub.s32 @!p0 $0x0, s1;
	[sflag:s0] =	ssyncset.done @!p0 $0x0  }
0xb8: {  	[sflag:s0] =	ssyncadd.s32 @!p0 s1  }
0xb9: {  	[bflag:$0x3] =	sbarrier.arrive $0xFFFF  }
0xba: {  	_ =	shalt  }

// kernel: kernel.9.cloned.1.call-start
scs
__scs_entry_jumppad:
0x0: {  	(pc) =	sbr.rel $0x88, $3  }
0x1: {  	(tag) =	ssettag $0x0;
	lr =	simm.s32 $0x1  }
0x2: {  	[smem:$0x3F97] =	sst lr;
	_ =	strace $0xD0000000  }
0x3: {  	_ = 	snop  }
0x4: {  	_ = 	snop  }
0x5: {  	_ = 	snop  }
0x6: {  	_ = 	snop  }
0x7: {  	_ = 	snop  }
__scs_overlays_trampoline_lowered:
0x8: {  	[smem:$0x3FA6] =	sst s0  }
0x9: {  	[smem:$0x3FA7] =	sst s1  }
0xa: {  	[smem:$0x3FA8] =	sst s2  }
0xb: {  	[smem:$0x3FA9] =	sst s3  }
0xc: {  	[smem:$0x3FAA] =	sst s4  }
0xd: {  	[smem:$0x3FAB] =	sst s5  }
0xe: {  	[smem:$0x3FAC] =	sst s6  }
0xf: {  	[smem:$0x3FAD] =	sst s7  }
0x10: {  	[smem:$0x3FAE] =	sst s8  }
0x11: {  	[smem:$0x3FAF] =	sst s9;
	s0 =	simm.s32 @!p0 $0x0  }
0x12: {  	s1 =	sld [smem:$0x3F95];
	s0 =	simm.s32 @p0 $0x1  }
0x13: {  	[smem:$0x3FB0] =	sst s0;
	s0 =	simm.s32 @!p1 $0x0  }
0x14: {  	s2 =	sld [smem:$0x3F94];
	s0 =	simm.s32 @p1 $0x1  }
0x15: {  	[smem:$0x3FB1] =	sst s0;
	s0 =	simm.s32 @!p2 $0x0  }
0x16: {  	s3 =	sld [smem:$0x3FDB];
	s0 =	simm.s32 @p2 $0x1  }
0x17: {  	s4 =	simm.s32 $0x1BF5;
	[smem:$0x3FB3] =	sst s0  }
0x18: {  	s0 =	sld [smem:$0x3F96];
	_ =	swait.ge [sflag:s4], $0x0  }
0x19: {  	s7 =	sld [smem:$0x3F97]  }
0x1a: {  	s8 =	sadd.s32 $0xFFFFE003, lr  }
0x1b: {  	s9 =	sadd.s32 $0xFFFFFEF7, lr;
	s5 =	simm.s32 $0xFFFFFFFF;
	p2 =	slt.u32 s8, $0xFFFFF086  }
0x1c: {  	p1 =	slt.u32 s9, $0xF7A;
	s5 =	simm.s32 @!p2 $0x0  }
0x1d: {  	s5 =	simm.s32 @p1 $0x1;
	p0 =	seq.s32 s7, s2  }
0x1e: {  	s7 =	smul.u32 @!p0 $0xF7A, s2;
	p2 =	seq.s32 @!p0 s5, $0x0  }
0x1f: {  	s9 =	smul.u32 $0xF7A, s1;
	s8 =	simm.s32 @!p0 $0x1BF5;
	p2 =	por !p2, p0  }
0x20: {  	[sflag:s8] =	ssyncset.s32 @!p0 $0xFFFFF086;
	s6 =	sadd.s32 @!p0 s3, s7;
	s7 =	simm.s32 @!p0 $0x108  }
0x21: {  	s3 =	sadd.s32 s3, s9;
	s6 =	sadd.s32 @!p0 $0x88, s6;
	s7 =	simm.s32 @p2 $0x1082  }
0x22: {  	[simem:s7], [sflag:s8] =	dma.local @!p0 [hbm:s6], $0xF7A  }
0x23: {  	s9 =	sor.u32 $0xD0000000, s2;
	s6 =	simm.s32 $0x108;
	_ =	swait.ge @!p0 [sflag:s8], $0x0  }
0x24: {  	s3 =	sadd.s32 $0x88, s3;
	s6 =	simm.s32 @!p1 $0x1082;
	[sflag:s4] =	ssyncset.s32 $0xFFFFF086  }
0x25: {  	[simem:s6], [sflag:s4] =	dma.local [hbm:s3], $0xF7A  }
0x26: {  	[smem:$0x3F97] =	sst s1;
	(tag) =	ssettag s2;
	_ =	strace s9  }
0x27: {  	s1 =	sld [smem:$0x3FA7]  }
0x28: {  	s2 =	sld [smem:$0x3FA8]  }
0x29: {  	s4 =	sld [smem:$0x3FAA]  }
0x2a: {  	p0 =	seq.s32 s5, $0x0;
	s5 =	sld [smem:$0x3FAB]  }
0x2b: {  	s6 =	sld [smem:$0x3FAC]  }
0x2c: {  	s7 =	sld [smem:$0x3FAD]  }
0x2d: {  	s3 =	simm.s32 $0x108;
	s8 =	sld [smem:$0x3FAE]  }
0x2e: {  	s3 =	simm.s32 @!p0 $0x1082;
	s9 =	sld [smem:$0x3FAF]  }
0x2f: {  	lr =	sadd.s32 s0, s3;
	s0 =	sld [smem:$0x3FA6]  }
0x30: {  	s3 =	sld [smem:$0x3FA9]  }
0x31: {  	[smem:$0x3FB2] =	sst s10  }
0x32: {  	s10 =	sld [smem:$0x3FB0];
	_ =	sdelay $0x3  }
0x33: {  	p0 =	seq.s32 s10, $0x1;
	s10 =	sld [smem:$0x3FB2];
	_ =	sdelay $0x3  }
0x34: {  	[smem:$0x3FB2] =	sst s10  }
0x35: {  	s10 =	sld [smem:$0x3FB1];
	_ =	sdelay $0x3  }
0x36: {  	p1 =	seq.s32 s10, $0x1;
	s10 =	sld [smem:$0x3FB2];
	_ =	sdelay $0x3  }
0x37: {  	[smem:$0x3FB2] =	sst s10  }
0x38: {  	s10 =	sld [smem:$0x3FB3]  }
0x39: {  	_ = 	snop;
	(pc) =	sbr.ind lr, $3  }
0x3a: {  	_ = 	snop  }
0x3b: {  	_ = 	snop  }
0x3c: {  	p2 =	seq.s32 s10, $0x1;
	s10 =	sld [smem:$0x3FB2]  }
0x3d: {  	_ =	shalt  }
0x3e: {  	_ =	shalt  }
0x3f: {  	_ =	shalt  }
0x40: {  	_ =	shalt  }
0x41: {  	_ =	shalt  }
0x42: {  	_ =	shalt  }
0x43: {  	_ =	shalt  }
0x44: {  	_ =	shalt  }
0x45: {  	_ =	shalt  }
0x46: {  	_ =	shalt  }
0x47: {  	_ =	shalt  }
0x48: {  	_ =	shalt  }
0x49: {  	_ =	shalt  }
0x4a: {  	_ =	shalt  }
0x4b: {  	_ =	shalt  }
0x4c: {  	_ =	shalt  }
0x4d: {  	_ =	shalt  }
0x4e: {  	_ =	shalt  }
0x4f: {  	_ =	shalt  }
0x50: {  	_ =	shalt  }
0x51: {  	_ =	shalt  }
0x52: {  	_ =	shalt  }
0x53: {  	_ =	shalt  }
0x54: {  	_ =	shalt  }
0x55: {  	_ =	shalt  }
0x56: {  	_ =	shalt  }
0x57: {  	_ =	shalt  }
0x58: {  	_ =	shalt  }
0x59: {  	_ =	shalt  }
0x5a: {  	_ =	shalt  }
0x5b: {  	_ =	shalt  }
0x5c: {  	_ =	shalt  }
0x5d: {  	_ =	shalt  }
0x5e: {  	_ =	shalt  }
0x5f: {  	_ =	shalt  }
0x60: {  	_ =	shalt  }
0x61: {  	_ =	shalt  }
0x62: {  	_ =	shalt  }
0x63: {  	_ =	shalt  }
0x64: {  	_ =	shalt  }
0x65: {  	_ =	shalt  }
0x66: {  	_ =	shalt  }
0x67: {  	_ =	shalt  }
0x68: {  	_ =	shalt  }
0x69: {  	_ =	shalt  }
0x6a: {  	_ =	shalt  }
0x6b: {  	_ =	shalt  }
0x6c: {  	_ =	shalt  }
0x6d: {  	_ =	shalt  }
0x6e: {  	_ =	shalt  }
0x6f: {  	_ =	shalt  }
0x70: {  	_ =	shalt  }
0x71: {  	_ =	shalt  }
0x72: {  	_ =	shalt  }
0x73: {  	_ =	shalt  }
0x74: {  	_ =	shalt  }
0x75: {  	_ =	shalt  }
0x76: {  	_ =	shalt  }
0x77: {  	_ =	shalt  }
0x78: {  	_ =	shalt  }
0x79: {  	_ =	shalt  }
0x7a: {  	_ =	shalt  }
0x7b: {  	_ =	shalt  }
0x7c: {  	_ =	shalt  }
0x7d: {  	_ =	shalt  }
0x7e: {  	_ =	shalt  }
0x7f: {  	_ =	shalt  }
0x80: {  	_ =	shalt  }
0x81: {  	_ =	shalt  }
0x82: {  	_ =	shalt  }
0x83: {  	_ =	shalt  }
0x84: {  	_ =	shalt  }
0x85: {  	_ =	shalt  }
0x86: {  	_ =	shalt  }
0x87: {  	_ =	shalt  }
.Lfunc_end0:
.L_simem_size_0:
called_computation_lowered:
.L_overlay_start_0:
0x88: {  	s2 =	sld [smem:$0x3FD9]  }
0x89: {  	s3 =	sld [smem:$0x3FFE];
	_ =	sdelay $0x1  }
0x8a: {  	s1 =	srdreg.scid  }
0x8b: {  	s0 =	sand.u32 $0x1, s1  }
0x8c: {  	s16 =	sshll.u32 s0, $0xA;
	s2 =	sadd.s32 s3, s2  }
0x8d: {  	s2 =	sadd.s32 s2, s16  }
0x8e: {  	[smem:$0x3FBE] =	sst s2  }
0x8f: {  	_ = 	snop  }
0x90: {  	(tm) =	ssettm $0x1  }
0x91: {  	s17 =	sld [smem:$0x3FFB];
	_ =	sdelay $0x3  }
0x92: {  	_ =	strace s17  }
0x93: {  	s2 =	sld [smem:$0x3FFC];
	_ =	sdelay $0x3  }
0x94: {  	_ =	strace s2  }
0x95: {  	s2 =	sld [smem:$0x3FFD];
	_ =	sdelay $0x3  }
0x96: {  	_ =	strace s2  }
0x97: {  	_ =	strace $0x8FFFFFFF  }
0x98: {  	s18 =	sld [smem:$0x3FDB];
	_ =	sdelay $0x1  }
0x99: {  	s19 =	simm.s32 $_scs_section_size  }
0x9a: {  	s4 =	simm.s32 $_size__tile_overlayer_lowered;
	s5 =	simm.s32 $_tile_overlayer_lowered  }
0x9b: {  	s22 =	simm.s32 $0x1BFF;
	s21 =	sshll.u32 s5, $0x1;
	s2 =	sadd.s32 s19, s18  }
0x9c: {  	s6 =	simm.s32 $0x0;
	s20 =	sshll.u32 s4, $0x1;
	s4 =	sadd.s32 s21, s2  }
0x9d: {  	[timem:s6], [sflag:s22] =	dma.local [hbm:s4], s20  }
0x9e: {  	_ =	swait.ge [sflag:s22], s20  }
0x9f: {  	s3 =	ssub.s32 $0x0, s20;
	[sflag:s22] =	ssyncset.done $0x0  }
0xa0: {  	[sflag:s22] =	ssyncadd.s32 s3;
	_ =	sdelay $0x1  }
0xa1: {  	s23 =	simm.s32 $0x1B8B  }
0xa2: {  	_ =	swait.ge [sflag:s23], $0x1  }
0xa3: {  	[sflag:s23] =	ssyncset.done $0x0  }
0xa4: {  	s25 =	simm.s32 $0x1B8E;
	s24 =	sld [smem:$0x3FFE];
	[sflag:s23] =	ssyncadd.s32 $0xFFFFFFFF  }
0xa5: {  	s26 =	simm.s32 $execute0_lowered;
	[smem:$0x3FD2] =	sst s25  }
0xa6: {  	s4 =	sshll.u32 s26, $0x1;
	_ =	strace $0x80000046;
	[dreg:$0x1] =	wrdreg $0xFFFFFFFF  }
0xa7: {  	s28 =	simm.s32 $_size_execute0_lowered;
	s2 =	sadd.s32 s2, s4;
	[dreg:$0x0] =	wrdreg $0x0  }
0xa8: {  	s4 =	sshll.u32 s28, $0x1;
	[dreg:$0x2] =	wrdreg s2  }
0xa9: {  	[dreg:$0x3] =	wrdreg s4  }
0xaa: {  	[dreg:$0x4] =	wrdreg $0xC0  }
0xab: {  	_ =	task [dreg:s6], $0x5FFFF  }
0xac: {  	[dreg:$0x1] =	wrdreg $0xFFFFFFFF  }
0xad: {  	[dreg:$0x0] =	wrdreg $0x60  }
0xae: {  	[dreg:$0x2] =	wrdreg s24  }
0xaf: {  	[dreg:$0x3] =	wrdreg $0x3C000  }
0xb0: {  	[dreg:$0x4] =	wrdreg $0x9  }
0xb1: {  	_ =	task.clear_ibuf [dreg:s6], $0x5FFFF;
	_ =	strace $0x90000046  }
0xb2: {  	s29 =	simm.s32 $0x9;
	_ =	strace $0x80000048  }
0xb3: {  	_ =	swait.ge [sflag:s29], $0x1  }
0xb4: {  	[sflag:s29] =	ssyncadd.s32 $0xFFFFFFFF  }
0xb5: {  	_ =	strace $0x90000048  }
0xb6: {  	_ =	sfence  }
0xb7: {  	s30 =	sld [smem:$0x0];
	_ =	sdelay $0x2  }
0xb8: {  	s31 =	sshll.u32 s1, $0xD;
	s1 =	sshrl.u32 s1, $0x2  }
0xb9: {  	s3 =	sand.u32 $0x4000, s31;
	s1 =	sadd.s32 s1, s30  }
0xba: {  	s0 =	sor.u32 s3, s0;
	s1 =	sshll.u32 s1, $0x11  }
0xbb: {  	s0 =	sor.u32 s1, s0  }
0xbc: {  	s0 =	sadd.s32 $0x8F2B, s0  }
0xbd: {  	[sflag:s0] =	ssyncadd.remote.s32 $0x1  }
0xbe: {  	_ =	sfence.sel $0xFFFF  }
0xbf: {  	[dreg:$0x0] =	wrdreg $0xFFFFFFFF;
	(pc) =	sbr.abs _section_cstart, $3  }
0xc0: {  	[dreg:$0x1] =	wrdreg $0xFFFFFFFF  }
0xc1: {  	_ =	task.clear_ibuf [dreg:s6], $0x2FFFF;
	_ =	strace $0x9FFFFFFF  }
0xc2: {  	(tm) =	ssettm $0x7FFFFFFF  }
0xc3: {  	_ =	shalt  }
tec
execute0_lowered:
.L_overlay_start_1:
0x0: {  	(tag) =	ssettag $0x1  }
0x1: {  	s5 =	rddreg [dreg:$0x0]  }
0x2: {  	s0 =	stileid.u32;
	s1 =	srdreg.scid  }
0x3: {  	s2 =	rddreg [dreg:$0x1];
	s14 =	simm.s32 $0x80;
	s3 =	smul.u32 $0x68, s0  }
0x4: {  	s15 =	simm.s32 $0x1;
	s16 =	simm.s32 $0x0;
	s4 =	smul.u32 $0x38, s0  }
0x5: {  	s6 =	sand.u32 $0x1, s1;
	s1 =	rddreg [dreg:$0x2];
	s8 =	smul.u32 $0x2780, s0  }
0x6: {  	s31 =	sshll.u32 s0, $0x6;
	p0 =	seq.s32 s6, $0x0;
	s29 =	smul.u32 $0x27800, s6  }
0x7: {  	s6 =	ssub.s32 $0x2, s6;
	s7 =	sadd.s32 $0x380, s3;
	s3 =	simm.s32 $0x0  }
0x8: {  	s10 =	sshrl.u32 s8, $0x3;
	s30 =	sshrl.u32 s6, $0x1;
	s13 =	sadd.s32 s8, s2  }
0x9: {  	s7 =	smov.u32 @p0 s4;
	[smem:$0x7FF] =	sst s3;
	s10 =	sadd.s32 s10, s5  }
0xa: {  	s12 =	ssub.s32 s6, s30;
	s4 =	sshll.u32 s7, $0x4;
	s7 =	sadd.s32 s8, s29  }
0xb: {  	s13 =	sshrl.u32 s13, $0x3;
	_ =	strace $0x80000047;
	s7 =	sshrl.u32 s7, $0x3  }
0xc: {  	s9 =	sadd.s32 s4, s5;
	s4 =	sadd.s32 $0x10E00, s5;
	s11 =	sadd.s32 s7, s5  }
0xd: {  	s5 =	simm.s32 $0x7000;
	s6 =	sadd.s32 $0x1E00, s9;
	s7 =	sadd.s32 $0xBE00, s10  }
0xe: {  	s9 =	smax.u32 s12, $0x1;
	s10 =	simm.s32 $0x2;
	s12 =	sor.u32 $0x1C02, s31  }
0xf: {  	s5 =	simm.s32 @!p0 $0xD000;
	s8 =	sadd.s32 $0x11000, s11;
	s11 =	simm.s32 $0x3400  }
.LBB2_1:
0x10: {  	[tilespmem:s3], [sflag:$0x2] =	stream.linear.gather [hbm4b:s6+s3], $0x3400, $0x38;
	[tilespmem:$0x6380] =	vst v63  }
0x11: {  	_ =	swait.ge [sflag:s10], $0x3400  }
0x12: {  	[sflag:s10] =	ssyncset.done $0x0  }
0x13: {  	[sflag:s10] =	ssyncadd.s32 $0xFFFFCC00  }
0x14: {  	[tilespmem:s11], [sflag:$0x2] =	stream.linear.gather [hbm4b:s4+s3], $0x800, $0x38;
	[tilespmem:$0x6380] =	vst v63  }
0x15: {  	_ =	swait.ge [sflag:s10], $0x800  }
0x16: {  	[sflag:s10] =	ssyncset.done $0x0  }
0x17: {  	p1 =	sne.s32 s5, $0x1000;
	[sflag:s10] =	ssyncadd.s32 $0xFFFFF800  }
0x18: {  	[spmem:s13], [sflag:s12] =	dma.local [hbm:s7], $0x4F0  }
.Ltmp0:
0x19: {  	_ =	swait.ge [sflag:s10], $0x4F0;
	(pc) =	sbr.rel @!p1 .LBB2_6-.Ltmp0, $4  }
0x1a: {  	[sflag:s10] =	ssyncset.done $0x0  }
0x1b: {  	[sflag:s10] =	ssyncadd.s32 $0xFFFFFB10  }
0x1c: {  	[bflag:$0x0] =	sbarrier.arrive $0xFFFF  }
0x1d: {  	s17 =	simm.s32 $0x1000;
	p0 =	por $0x0, $0x0;
	s18 =	simm.s32 $0x0  }
0x1e: {  	s18 =	simm.s32 $0x0  }
0x1f: {  	[spmem:s2] =	stream.indirect.scatter.add.f32 [tilespmem:s11], [sflag:$0x1], $0x10, s18, s14, $0xb8;
	[tilespmem:$0x6380] =	vst v63  }
0x20: {  	s24 =	simm.s32 $0x80  }
0x21: {  	[spmem:s2] =	stream.indirect.scatter.add.f32 [tilespmem:s11], [sflag:$0x1], $0x10, s24, s14, $0xb8;
	[tilespmem:$0x6380] =	vst v63  }
0x22: {  	s25 =	simm.s32 $0x100  }
0x23: {  	[spmem:s2] =	stream.indirect.scatter.add.f32 [tilespmem:s11], [sflag:$0x1], $0x10, s25, s14, $0xb8;
	[tilespmem:$0x6380] =	vst v63  }
0x24: {  	s26 =	simm.s32 $0x180  }
0x25: {  	[spmem:s2] =	stream.indirect.scatter.add.f32 [tilespmem:s11], [sflag:$0x1], $0x10, s26, s14, $0xb8;
	[tilespmem:$0x6380] =	vst v63  }
0x26: {  	s28 =	simm.s32 $0x200  }
0x27: {  	[spmem:s2] =	stream.indirect.scatter.add.f32 [tilespmem:s11], [sflag:$0x1], $0x10, s28, s14, $0xb8;
	[tilespmem:$0x6380] =	vst v63  }
0x28: {  	s29 =	simm.s32 $0x280  }
0x29: {  	[spmem:s2] =	stream.indirect.scatter.add.f32 [tilespmem:s11], [sflag:$0x1], $0x10, s29, s14, $0xb8;
	[tilespmem:$0x6380] =	vst v63  }
0x2a: {  	s30 =	simm.s32 $0x300  }
0x2b: {  	[spmem:s2] =	stream.indirect.scatter.add.f32 [tilespmem:s11], [sflag:$0x1], $0x10, s30, s14, $0xb8;
	[tilespmem:$0x6380] =	vst v63  }
0x2c: {  	s31 =	simm.s32 $0x380  }
0x2d: {  	[spmem:s2] =	stream.indirect.scatter.add.f32 [tilespmem:s11], [sflag:$0x1], $0x10, s31, s14, $0xb8;
	[tilespmem:$0x6380] =	vst v63  }
0x2e: {  	_ =	swait.ge [sflag:s15], $0x800  }
0x2f: {  	[sflag:s15] =	ssyncset.done $0x0  }
0x30: {  	[sflag:s15] =	ssyncadd.s32 $0xFFFFF800  }
0x31: {  	_ =	swait.ge [sflag:s15], $0x800  }
0x32: {  	[sflag:s15] =	ssyncset.done $0x0  }
0x33: {  	[sflag:s15] =	ssyncadd.s32 $0xFFFFF800  }
0x34: {  	_ =	swait.ge [sflag:s15], $0x800  }
0x35: {  	[sflag:s15] =	ssyncset.done $0x0  }
0x36: {  	[sflag:s15] =	ssyncadd.s32 $0xFFFFF800  }
0x37: {  	_ =	swait.ge [sflag:s15], $0x800  }
0x38: {  	[sflag:s15] =	ssyncset.done $0x0  }
0x39: {  	[sflag:s15] =	ssyncadd.s32 $0xFFFFF800  }
0x3a: {  	_ =	swait.ge [sflag:s15], $0x800  }
0x3b: {  	[sflag:s15] =	ssyncset.done $0x0  }
0x3c: {  	[sflag:s15] =	ssyncadd.s32 $0xFFFFF800  }
0x3d: {  	_ =	swait.ge [sflag:s15], $0x800  }
0x3e: {  	[sflag:s15] =	ssyncset.done $0x0  }
0x3f: {  	p1 =	sne.s32 s5, $0x2000;
	[sflag:s15] =	ssyncadd.s32 $0xFFFFF800  }
.Ltmp1:
0x40: {  	_ =	swait.ge [sflag:s15], $0x800;
	(pc) =	sbr.rel @!p1 .LBB2_3-.Ltmp1, $4  }
0x41: {  	[sflag:s15] =	ssyncset.done $0x0  }
0x42: {  	[sflag:s15] =	ssyncadd.s32 $0xFFFFF800  }
0x43: {  	_ =	swait.ge [sflag:s15], $0x800  }
0x44: {  	p0 =	por $0x1, $0x1;
	s18 =	simm.s32 $0x2000;
	[sflag:s15] =	ssyncset.done $0x0  }
.LBB2_4:
0x45: {  	s19 =	sshra.s32 s17, $0x2  }
0x46: {  	[sflag:s15] =	ssyncadd.s32 $0xFFFFF800;
	s17 =	smov.u32 s18;
	s18 =	sadd.s32 $0x1000, s18  }
0x47: {  	[spmem:s2] =	stream.indirect.scatter.add.f32 [tilespmem:s11], [sflag:$0x1], $0x10, s19, s14, $0xb8;
	[tilespmem:$0x6380] =	vst v63  }
0x48: {  	p1 =	sne.s32 s5, s18;
	s20 =	sadd.s32 $0x80, s19  }
0x49: {  	[spmem:s2] =	stream.indirect.scatter.add.f32 [tilespmem:s11], [sflag:$0x1], $0x10, s20, s14, $0xb8;
	[tilespmem:$0x6380] =	vst v63  }
0x4a: {  	s20 =	sadd.s32 $0x100, s19  }
0x4b: {  	[spmem:s2] =	stream.indirect.scatter.add.f32 [tilespmem:s11], [sflag:$0x1], $0x10, s20, s14, $0xb8;
	[tilespmem:$0x6380] =	vst v63  }
0x4c: {  	s20 =	sadd.s32 $0x180, s19  }
0x4d: {  	[spmem:s2] =	stream.indirect.scatter.add.f32 [tilespmem:s11], [sflag:$0x1], $0x10, s20, s14, $0xb8;
	[tilespmem:$0x6380] =	vst v63  }
0x4e: {  	s20 =	sadd.s32 $0x200, s19  }
0x4f: {  	[spmem:s2] =	stream.indirect.scatter.add.f32 [tilespmem:s11], [sflag:$0x1], $0x10, s20, s14, $0xb8;
	[tilespmem:$0x6380] =	vst v63  }
0x50: {  	s20 =	sadd.s32 $0x280, s19  }
0x51: {  	[spmem:s2] =	stream.indirect.scatter.add.f32 [tilespmem:s11], [sflag:$0x1], $0x10, s20, s14, $0xb8;
	[tilespmem:$0x6380] =	vst v63  }
0x52: {  	s20 =	sadd.s32 $0x300, s19  }
0x53: {  	[spmem:s2] =	stream.indirect.scatter.add.f32 [tilespmem:s11], [sflag:$0x1], $0x10, s20, s14, $0xb8;
	[tilespmem:$0x6380] =	vst v63  }
0x54: {  	s19 =	sadd.s32 $0x380, s19  }
0x55: {  	[spmem:s2] =	stream.indirect.scatter.add.f32 [tilespmem:s11], [sflag:$0x1], $0x10, s19, s14, $0xb8;
	[tilespmem:$0x6380] =	vst v63  }
0x56: {  	_ =	swait.ge [sflag:s15], $0x800  }
0x57: {  	[sflag:s15] =	ssyncset.done $0x0  }
0x58: {  	[sflag:s15] =	ssyncadd.s32 $0xFFFFF800  }
0x59: {  	_ =	swait.ge [sflag:s15], $0x800  }
0x5a: {  	[sflag:s15] =	ssyncset.done $0x0  }
0x5b: {  	[sflag:s15] =	ssyncadd.s32 $0xFFFFF800  }
0x5c: {  	_ =	swait.ge [sflag:s15], $0x800  }
0x5d: {  	[sflag:s15] =	ssyncset.done $0x0  }
0x5e: {  	[sflag:s15] =	ssyncadd.s32 $0xFFFFF800  }
0x5f: {  	_ =	swait.ge [sflag:s15], $0x800  }
0x60: {  	[sflag:s15] =	ssyncset.done $0x0  }
0x61: {  	[sflag:s15] =	ssyncadd.s32 $0xFFFFF800  }
0x62: {  	_ =	swait.ge [sflag:s15], $0x800  }
0x63: {  	[sflag:s15] =	ssyncset.done $0x0  }
0x64: {  	[sflag:s15] =	ssyncadd.s32 $0xFFFFF800  }
0x65: {  	_ =	swait.ge [sflag:s15], $0x800  }
0x66: {  	[sflag:s15] =	ssyncset.done $0x0  }
0x67: {  	[sflag:s15] =	ssyncadd.s32 $0xFFFFF800  }
.Ltmp2:
0x68: {  	_ =	swait.ge [sflag:s15], $0x800;
	(pc) =	sbr.rel @p1 .LBB2_4-.Ltmp2, $4  }
0x69: {  	[sflag:s15] =	ssyncset.done $0x0  }
0x6a: {  	[sflag:s15] =	ssyncadd.s32 $0xFFFFF800  }
0x6b: {  	_ =	swait.ge [sflag:s15], $0x800  }
0x6c: {  	[sflag:s15] =	ssyncset.done $0x0  }
0x6d: {  	s18 =	smov.u32 s17  }
.LBB2_6:
0x6e: {  	s17 =	sshra.s32 s18, $0x2;
	[sflag:s15] =	ssyncadd.s32 @p0 $0xFFFFF800  }
0x6f: {  	[spmem:s2] =	stream.indirect.scatter.add.f32 [tilespmem:s11], [sflag:$0x1], $0x10, s17, s14, $0xb8;
	[tilespmem:$0x6380] =	vst v63  }
0x70: {  	s18 =	sadd.s32 $0x80, s17  }
0x71: {  	[spmem:s2] =	stream.indirect.scatter.add.f32 [tilespmem:s11], [sflag:$0x1], $0x10, s18, s14, $0xb8;
	[tilespmem:$0x6380] =	vst v63  }
0x72: {  	s26 =	sadd.s32 $0x100, s17  }
0x73: {  	[spmem:s2] =	stream.indirect.scatter.add.f32 [tilespmem:s11], [sflag:$0x1], $0x10, s26, s14, $0xb8;
	[tilespmem:$0x6380] =	vst v63  }
0x74: {  	s28 =	sadd.s32 $0x180, s17  }
0x75: {  	[spmem:s2] =	stream.indirect.scatter.add.f32 [tilespmem:s11], [sflag:$0x1], $0x10, s28, s14, $0xb8;
	[tilespmem:$0x6380] =	vst v63  }
0x76: {  	s29 =	sadd.s32 $0x200, s17  }
0x77: {  	[spmem:s2] =	stream.indirect.scatter.add.f32 [tilespmem:s11], [sflag:$0x1], $0x10, s29, s14, $0xb8;
	[tilespmem:$0x6380] =	vst v63  }
0x78: {  	s30 =	sadd.s32 $0x280, s17  }
0x79: {  	[spmem:s2] =	stream.indirect.scatter.add.f32 [tilespmem:s11], [sflag:$0x1], $0x10, s30, s14, $0xb8;
	[tilespmem:$0x6380] =	vst v63  }
0x7a: {  	s31 =	sadd.s32 $0x300, s17  }
0x7b: {  	[spmem:s2] =	stream.indirect.scatter.add.f32 [tilespmem:s11], [sflag:$0x1], $0x10, s31, s14, $0xb8;
	[tilespmem:$0x6380] =	vst v63  }
0x7c: {  	s17 =	sadd.s32 $0x380, s17  }
0x7d: {  	[spmem:s2] =	stream.indirect.scatter.add.f32 [tilespmem:s11], [sflag:$0x1], $0x10, s17, s14, $0xb8;
	[tilespmem:$0x6380] =	vst v63  }
0x7e: {  	_ =	swait.ge [sflag:s15], $0x800  }
0x7f: {  	[sflag:s15] =	ssyncset.done $0x0  }
0x80: {  	[sflag:s15] =	ssyncadd.s32 $0xFFFFF800  }
0x81: {  	_ =	swait.ge [sflag:s15], $0x800  }
0x82: {  	[sflag:s15] =	ssyncset.done $0x0  }
0x83: {  	[sflag:s15] =	ssyncadd.s32 $0xFFFFF800  }
0x84: {  	_ =	swait.ge [sflag:s15], $0x800  }
0x85: {  	[sflag:s15] =	ssyncset.done $0x0  }
0x86: {  	[sflag:s15] =	ssyncadd.s32 $0xFFFFF800  }
0x87: {  	_ =	swait.ge [sflag:s15], $0x800  }
0x88: {  	[sflag:s15] =	ssyncset.done $0x0  }
0x89: {  	[sflag:s15] =	ssyncadd.s32 $0xFFFFF800  }
0x8a: {  	_ =	swait.ge [sflag:s15], $0x800  }
0x8b: {  	[sflag:s15] =	ssyncset.done $0x0  }
0x8c: {  	[sflag:s15] =	ssyncadd.s32 $0xFFFFF800  }
0x8d: {  	_ =	swait.ge [sflag:s15], $0x800  }
0x8e: {  	[sflag:s15] =	ssyncset.done $0x0  }
0x8f: {  	[sflag:s15] =	ssyncadd.s32 $0xFFFFF800  }
0x90: {  	_ =	swait.ge [sflag:s15], $0x800  }
0x91: {  	[sflag:s15] =	ssyncset.done $0x0  }
0x92: {  	[sflag:s15] =	ssyncadd.s32 $0xFFFFF800  }
0x93: {  	_ =	swait.ge [sflag:s15], $0x800  }
0x94: {  	[sflag:s15] =	ssyncset.done $0x0  }
0x95: {  	s16 =	sadd.s32 $0x1, s16;
	[sflag:s15] =	ssyncadd.s32 $0xFFFFF800  }
0x96: {  	p0 =	sne.s32 s16, s9;
	[bflag:$0x0] =	sbarrier.arrive $0xFFFF  }
0x97: {  	[hbm:s8], [sflag:s12] =	dma.local [spmem:s13], $0x4F0  }
.Ltmp3:
0x98: {  	_ = 	snop;
	(pc) =	sbr.rel @p0 .LBB2_1-.Ltmp3, $4  }
.Ltmp4:
0x99: {  	_ = 	snop;
	(pc) =	sbr.rel @!p0 .LBB2_7-.Ltmp4, $4  }
0x9a: {  	_ =	swait.ge [sflag:s10], $0x4F0  }
0x9b: {  	[sflag:s10] =	ssyncset.done $0x0  }
0x9c: {  	[sflag:s10] =	ssyncadd.s32 $0xFFFFFB10  }
0x9d: {  	_ = 	snop  }
.LBB2_3:
.Ltmp5:
0x9e: {  	(pc) =	sbr.rel .LBB2_6-.Ltmp5, $2  }
0x9f: {  	_ =	sdelay $0x2  }
0xa0: {  	s18 =	simm.s32 $0x1000  }
.LBB2_7:
0xa1: {  	_ =	sfence.sel $0x180000  }
0xa2: {  	[bflag:$0x0] =	sbarrier.arrive $0xFFFF  }
0xa3: {  	p0 =	sne.s32 s0, $0x0;
	_ =	strace $0x90000047  }
0xa4: {  	s0 =	sadd.s32 @!p0 $0x100000, s1;
	[bflag:$0x2] =	sbarrier.arrive $0xFFFF  }
0xa5: {  	[sflag:s0] =	ssyncadd.tile.s32 @!p0 $0x1;
	_ =	shalt  }
.Lfunc_end2:
_tile_overlayer_lowered:
.L_overlay_start_2:
0xa6: {  	(tag) =	ssettag $0x2  }
0xa7: {  	s0 =	rddreg [dreg:$0x0];
	s2 =	stileid.u32  }
0xa8: {  	s1 =	rddreg [dreg:$0x1];
	p0 =	sne.s32 s2, $0x0  }
0xa9: {  	s3 =	rddreg [dreg:$0x2];
	[bflag:$0x3] =	sbarrier.arrive $0xFFFF;
	s2 =	simm.s32 @!p0 $0x1C02  }
0xaa: {  	[timem:s3], [sflag:s2] =	dma.local @!p0 [hbm:s0], s1  }
0xab: {  	s0 =	simm.s32 @!p0 $0x2  }
0xac: {  	_ =	swait.ge @!p0 [sflag:s0], s1  }
0xad: {  	s1 =	ssub.s32 @!p0 $0x0, s1;
	[sflag:s0] =	ssyncset.done @!p0 $0x0  }
0xae: {  	[sflag:s0] =	ssyncadd.s32 @!p0 s1  }
0xaf: {  	[bflag:$0x3] =	sbarrier.arrive $0xFFFF  }
0xb0: {  	_ =	shalt  }

</sc_bundles>
